<compile_context>
chip_gen: v7x
topology: tpu7x:2x2x1
jax: 0.10.2.dev20260603
libtpu: 0.0.44.dev20260713+nightly
codegen_flags: <defaults>
</compile_context>

<pallas_src>
import functools

import jax
import jax.numpy as jnp
from jax import lax
from jax.experimental import pallas as pl
from jax.experimental.pallas import tpu as pltpu
from jax.experimental.pallas import tpu_sc as plsc

DIM = 128
HM = 2
TAU = 0.1
MAX_DEGREE = 4
N_NODES = 10000
N_EDGES = 320000

NW = 32
EPT = N_EDGES // NW
CHUNK = 80
NCHUNK = EPT // CHUNK
ACC_ROWS = 10240
RPT = ACC_ROWS // 16
DACC_ROWS = 10240
DRPT = DACC_ROWS // 16
DCH = 80
DNCH = EPT // DCH
DEG_W = 16

BLK = 1000
GRID = N_NODES // BLK



def _deg_partials(src_grp):
    mesh = plsc.VectorSubcoreMesh(core_axis_name="c", subcore_axis_name="s")

    @functools.partial(
        pl.kernel,
        out_type=jax.ShapeDtypeStruct((2, DACC_ROWS, DEG_W), jnp.float32),
        mesh=mesh,
        scratch_types=[
            pltpu.VMEM((DNCH, DCH), jnp.int32),
            pltpu.VMEM((DCH, DEG_W), jnp.float32),
            pltpu.VMEM((DCH, DEG_W), jnp.float32),
            pltpu.VMEM_SHARED((DACC_ROWS, DEG_W), jnp.float32),
        ],
    )
    def k(src_hbm, out_hbm, idx_v, ones_v, zero_v, acc):
        c = lax.axis_index("c")
        s = lax.axis_index("s")
        wid = s * 2 + c

        def fill(i, _):
            ones_v[i, :] = jnp.ones((DEG_W,), jnp.float32)
            zero_v[i, :] = jnp.zeros((DEG_W,), jnp.float32)
            return 0

        lax.fori_loop(0, DCH, fill, 0)

        def zacc(j, _):
            pltpu.sync_copy(zero_v, acc.at[pl.ds(s * DRPT + j * DCH, DCH)])
            return 0

        lax.fori_loop(0, DRPT // DCH, zacc, 0)
        plsc.subcore_barrier()

        pltpu.sync_copy(src_hbm.at[wid], idx_v)

        def step(j, _):
            pltpu.sync_copy(ones_v, acc.at[idx_v.at[j]], add=True)
            return 0

        lax.fori_loop(0, DNCH, step, 0)
        plsc.subcore_barrier()
        pltpu.sync_copy(acc.at[pl.ds(s * DRPT, DRPT)],
                        out_hbm.at[c, pl.ds(s * DRPT, DRPT)])

    return k(src_grp)


def _edge_partials(y, idx_pk):
    mesh = plsc.VectorSubcoreMesh(core_axis_name="c", subcore_axis_name="s")

    @functools.partial(
        pl.kernel,
        out_type=jax.ShapeDtypeStruct((2, ACC_ROWS, DIM), jnp.float32),
        mesh=mesh,
        scratch_types=[
            pltpu.VMEM((2, CHUNK), jnp.int32),
            pltpu.VMEM((2, CHUNK), jnp.int32),
            pltpu.VMEM((2, CHUNK), jnp.int32),
            pltpu.VMEM((CHUNK, DIM), jnp.float32),
            pltpu.VMEM((CHUNK, DIM), jnp.float32),
            pltpu.VMEM_SHARED((ACC_ROWS, DIM), jnp.float32),
            pltpu.SemaphoreType.DMA,
            pltpu.SemaphoreType.DMA,
            pltpu.SemaphoreType.DMA,
            pltpu.SemaphoreType.DMA,
            pltpu.SemaphoreType.DMA,
            pltpu.SemaphoreType.DMA,
            pltpu.SemaphoreType.DMA,
        ],
    )
    def k(y_hbm, pk_hbm, out_hbm, ib0, ib1, ib2, rows_a, rows_b, acc,
          sem_ga, sem_gb, sem_sa, sem_sb, sem_i0, sem_i1, sem_i2):
        c = lax.axis_index("c")
        s = lax.axis_index("s")
        wid = s * 2 + c

        def fill(i, _):
            def fill_lane(m, _):
                rows_a[i, pl.ds(m * 16, 16)] = jnp.zeros((16,), jnp.float32)
                return 0
            lax.fori_loop(0, DIM // 16, fill_lane, 0)
            return 0

        lax.fori_loop(0, CHUNK, fill, 0)

        def zacc(j, _):
            pltpu.sync_copy(rows_a, acc.at[pl.ds(s * RPT + j * CHUNK, CHUNK)])
            return 0

        lax.fori_loop(0, RPT // CHUNK, zacc, 0)
        plsc.subcore_barrier()

        ibufs = (ib0, ib1, ib2)
        isems = (sem_i0, sem_i1, sem_i2)
        rbufs = (rows_a, rows_b)
        gsems = (sem_ga, sem_gb)
        ssems = (sem_sa, sem_sb)
        pltpu.async_copy(pk_hbm.at[wid, 0], ib0, sem_i0)
        pltpu.async_copy(pk_hbm.at[wid, 1], ib1, sem_i1)
        pltpu.async_copy(pk_hbm.at[wid, 2], ib2, sem_i2)
        pltpu.make_async_copy(pk_hbm.at[wid, 0], ib0, sem_i0).wait()
        pltpu.async_copy(y_hbm.at[ib0.at[0]], rows_a, sem_ga)

        def half(i, p, b):
            ib_x = ibufs[b]
            ib_y = ibufs[(b + 1) % 3]
            ib_r = ibufs[(b + 2) % 3]
            pltpu.make_async_copy(y_hbm.at[ib_x.at[0]], rbufs[p],
                                  gsems[p]).wait()

            @pl.when(i >= 1)
            def _():
                pltpu.make_async_copy(rbufs[1 - p], acc.at[ib_r.at[1]],
                                      ssems[1 - p]).wait()

            @pl.when((i >= 1) & (i + 2 < NCHUNK))
            def _():
                pltpu.async_copy(pk_hbm.at[wid, i + 2], ib_r,
                                 isems[(b + 2) % 3])

            @pl.when(i + 1 < NCHUNK)
            def _():
                pltpu.make_async_copy(pk_hbm.at[wid, 0], ib_y,
                                      isems[(b + 1) % 3]).wait()
                pltpu.async_copy(y_hbm.at[ib_y.at[0]], rbufs[1 - p],
                                 gsems[1 - p])

            pltpu.async_copy(rbufs[p], acc.at[ib_x.at[1]], ssems[p],
                             add=True)

        def step(i, _):
            for v in range(6):
                @pl.when(i % 6 == v)
                def _(v=v):
                    half(i, v % 2, v % 3)
            return 0

        lax.fori_loop(0, NCHUNK, step, 0)
        pltpu.make_async_copy(rbufs[(NCHUNK - 1) % 2],
                              acc.at[ibufs[(NCHUNK - 1) % 3].at[1]],
                              ssems[(NCHUNK - 1) % 2]).wait()
        plsc.subcore_barrier()
        pltpu.sync_copy(acc.at[pl.ds(s * RPT, RPT)],
                        out_hbm.at[c, pl.ds(s * RPT, RPT)])

    return k(y, idx_pk)



def _node_spec():
    return pl.BlockSpec((BLK, DIM), lambda i: (i, 0))


def _deg_spec():
    return pl.BlockSpec((BLK, DEG_W), lambda i: (i, 0))


def _dis_block(d0_r, d1_r):
    return lax.rsqrt(d0_r[:, 0:1] + d1_r[:, 0:1])


def _prep(x, d0, d1):

    def body(x_r, d0_r, d1_r, y_r):
        y_r[...] = x_r[...] * _dis_block(d0_r, d1_r)

    return pl.pallas_call(
        body,
        grid=(GRID,),
        in_specs=[_node_spec(), _deg_spec(), _deg_spec()],
        out_specs=_node_spec(),
        out_shape=jax.ShapeDtypeStruct((N_NODES, DIM), jnp.float32),
    )(x, d0, d1)


def _update(k_step, curr, h, p0, p1, d0, d1):
    coef = -TAU / k_step

    def body(c_r, h_r, p0_r, p1_r, d0_r, d1_r, co_r, ho_r, yo_r):
        dis = _dis_block(d0_r, d1_r)
        agg = (p0_r[...] + p1_r[...]) * dis
        cn = coef * (c_r[...] - agg)
        co_r[...] = cn
        ho_r[...] = h_r[...] + cn
        yo_r[...] = cn * dis

    o = jax.ShapeDtypeStruct((N_NODES, DIM), jnp.float32)
    return pl.pallas_call(
        body,
        grid=(GRID,),
        in_specs=[_node_spec(), _node_spec(), _node_spec(), _node_spec(),
                  _deg_spec(), _deg_spec()],
        out_specs=[_node_spec(), _node_spec(), _node_spec()],
        out_shape=[o, o, o],
    )(curr, h, p0, p1, d0, d1)


def _final(x, curr, h, p0, p1, d0, d1, W1, b1r, W2, b2r):
    coef = -TAU / MAX_DEGREE

    def body(x_r, c_r, h_r, p0_r, p1_r, d0_r, d1_r, w1_r, b1_r, w2_r, b2_r,
             o_r):
        dis = _dis_block(d0_r, d1_r)
        agg = (p0_r[...] + p1_r[...]) * dis
        cn = coef * (c_r[...] - agg)
        hn = h_r[...] + cn
        a = (jnp.dot(x_r[...], w1_r[0:DIM, :], precision=lax.Precision.HIGHEST,
                     preferred_element_type=jnp.float32)
             + jnp.dot(hn, w1_r[DIM:2 * DIM, :],
                       precision=lax.Precision.HIGHEST,
                       preferred_element_type=jnp.float32)
             + b1_r[...])
        g = jax.nn.gelu(a)
        o_r[...] = (jnp.dot(g, w2_r[...], precision=lax.Precision.HIGHEST,
                            preferred_element_type=jnp.float32)
                    + b2_r[...])

    hid = DIM * HM
    return pl.pallas_call(
        body,
        grid=(GRID,),
        in_specs=[_node_spec(), _node_spec(), _node_spec(), _node_spec(),
                  _node_spec(), _deg_spec(), _deg_spec(),
                  pl.BlockSpec((2 * DIM, hid), lambda i: (0, 0)),
                  pl.BlockSpec((1, hid), lambda i: (0, 0)),
                  pl.BlockSpec((hid, DIM), lambda i: (0, 0)),
                  pl.BlockSpec((1, DIM), lambda i: (0, 0))],
        out_specs=_node_spec(),
        out_shape=jax.ShapeDtypeStruct((N_NODES, DIM), jnp.float32),
    )(x, curr, h, p0, p1, d0, d1, W1, b1r, W2, b2r)



def kernel(x, node_rep, edge_index, W1, b1, W2, b2):
    del node_rep
    src_flat = edge_index[0].astype(jnp.int32)
    dst_flat = edge_index[1].astype(jnp.int32)
    src_p = src_flat.reshape(NW, NCHUNK, CHUNK)
    dst_p = dst_flat.reshape(NW, NCHUNK, CHUNK)
    idx_pk = jnp.stack([src_p, dst_p], axis=2)
    b1r = b1.reshape(1, -1)
    b2r = b2.reshape(1, -1)

    degp = _deg_partials(src_flat.reshape(NW, DNCH, DCH))
    d0, d1 = degp[0], degp[1]

    y = _prep(x, d0, d1)
    curr = x
    h = x
    out = None
    for k_step in range(1, MAX_DEGREE + 1):
        p = _edge_partials(y, idx_pk)
        p0, p1 = p[0], p[1]
        if k_step < MAX_DEGREE:
            curr, h, y = _update(k_step, curr, h, p0, p1, d0, d1)
        else:
            out = _final(x, curr, h, p0, p1, d0, d1, W1, b1r, W2, b2r)
    return out

# --- scband reference (transcript-rebuilt; emitter-appended) ---
"""Pipeline reference for scband-gcnbu-nnmodule-5875515261215 (READ-ONLY COPY).

The authoritative reference and input builder live on the scoring server;
editing this copy changes nothing except your own understanding.
"""

import jax, jax.numpy as jnp
import numpy as np

DIM = 128
HM = 2
TAU = 0.1
MAX_DEGREE = 4
N_NODES = 10000
N_EDGES = 320000


def setup_inputs(seed: int = 0) -> dict:
    key = jax.random.key(seed)
    k1, k2, k3, k4, k5, k6, k7 = jax.random.split(key, 7)
    x = jax.random.normal(k1, (N_NODES, DIM), dtype=jnp.float32)
    node_rep = jax.random.normal(k2, (N_NODES, DIM), dtype=jnp.float32)
    edge_index = jax.random.randint(k3, (2, N_EDGES), 0, N_NODES, dtype=jnp.int64)
    hidden = DIM * HM
    W1 = jax.random.normal(k4, (2 * DIM, hidden), dtype=jnp.float32) * 0.02
    b1 = jnp.zeros((hidden,), dtype=jnp.float32)
    W2 = jax.random.normal(k5, (hidden, DIM), dtype=jnp.float32) * 0.02
    b2 = jnp.zeros((DIM,), dtype=jnp.float32)
    return {"x": x, "node_rep": node_rep, "edge_index": edge_index,
            "W1": W1, "b1": b1, "W2": W2, "b2": b2}


def reference(x, node_rep, edge_index, W1, b1, W2, b2):
    num_nodes = x.shape[0]
    src = edge_index[0]
    dst = edge_index[1]
    # out-degrees of each node (dgl graph.out_degrees())
    degrees = jnp.bincount(src, length=num_nodes).astype(jnp.float32)
    # ops.u_mul_v(graph, degrees, degrees): per-edge product of src and dst degree
    degree_edge_products = degrees[src] * degrees[dst]
    norm_coefs = 1.0 / degree_edge_products ** 0.5
    h = x
    curr_pow = h
    for k in range(1, MAX_DEGREE + 1):
        # ops.u_mul_e_sum: message = curr_pow[src] * norm_coefs, summed at dst
        agg = jax.ops.segment_sum(curr_pow[src] * norm_coefs[:, None], dst,
                                  num_segments=num_nodes)
        curr_pow = -TAU * (1.0 / k) * (curr_pow - agg)
        h = h + curr_pow
    h = jnp.concatenate([x, h], axis=1)
    # FeedForwardModule (dropout inactive at inference)
    h = jax.nn.gelu(h @ W1 + b1)
    h = h @ W2 + b2
    return h

if __name__ == "__main__":
    import jax
    _d = setup_inputs()
    print(jax.jit(kernel)(*tuple(_d.values())))

</pallas_src>

<mosaic_0001>
#map = affine_map<(d0, d1) -> (0, 0)>
#map1 = affine_map<(d0, d1) -> (0, 0, 0, 0)>
#map2 = affine_map<(d0, d1) -> (0, 0, 0)>
module attributes {stable_mosaic.version = 14 : i64} {
  func.func @k(%arg0: i32, %arg1: i32, %arg2: memref<10000x128xf32, #tpu.memory_space<hbm>>, %arg3: memref<32x125x2x80xi32, #tpu.memory_space<hbm>>, %arg4: memref<2x10240x128xf32, #tpu.memory_space<hbm>>, %arg5: memref<2x80xi32, #tpu.memory_space<vmem>>, %arg6: memref<2x80xi32, #tpu.memory_space<vmem>>, %arg7: memref<2x80xi32, #tpu.memory_space<vmem>>, %arg8: memref<80x128xf32, #tpu.memory_space<vmem>>, %arg9: memref<80x128xf32, #tpu.memory_space<vmem>>, %arg10: memref<10240x128xf32, #tpu.memory_space<vmem_shared>>, %arg11: memref<!tpu.dma_semaphore, #tpu.memory_space<semaphore_mem>>, %arg12: memref<!tpu.dma_semaphore, #tpu.memory_space<semaphore_mem>>, %arg13: memref<!tpu.dma_semaphore, #tpu.memory_space<semaphore_mem>>, %arg14: memref<!tpu.dma_semaphore, #tpu.memory_space<semaphore_mem>>, %arg15: memref<!tpu.dma_semaphore, #tpu.memory_space<semaphore_mem>>, %arg16: memref<!tpu.dma_semaphore, #tpu.memory_space<semaphore_mem>>, %arg17: memref<!tpu.dma_semaphore, #tpu.memory_space<semaphore_mem>>) attributes {dimension_semantics = [#tpu.dimension_semantics<core_parallel>, #tpu.dimension_semantics<subcore_parallel>], iteration_bounds = array<i64: 2, 16>, scalar_prefetch = 0 : i64, scratch_operands = 13 : i64, tpu.core_type = #tpu.core_type<sc_vector_subcore>, window_params = [{transform_indices = #map}, {transform_indices = #map1}, {transform_indices = #map2}]} {
    %mul3A = arith.constant 2 : i32
    %mul3A_0 = arith.muli %arg1, %mul3A : i32
    %add3A = arith.addi %mul3A_0, %arg0 : i32
    %scan3A = arith.constant 0 : i32
    %scan3A_1 = arith.constant 0 : i32
    %scan3A_2 = arith.constant 80 : i32
    %scan3A_3 = arith.addi %scan3A_1, %scan3A_2 : i32
    %scan3A_4 = arith.constant 1 : i32
    %scan3A_5 = scf.for %scan3A_74 = %scan3A_1 to %scan3A_3 step %scan3A_4 iter_args(%scan3A_75 = %scan3A) -> (i32)  : i32 {
      %scan3A_76 = arith.constant 0 : i32
      %scan3A_77 = arith.constant 0 : i32
      %scan3A_78 = arith.constant 8 : i32
      %scan3A_79 = arith.addi %scan3A_77, %scan3A_78 : i32
      %scan3A_80 = arith.constant 1 : i32
      %scan3A_81 = scf.for %scan3A_84 = %scan3A_77 to %scan3A_79 step %scan3A_80 iter_args(%scan3A_85 = %scan3A_76) -> (i32)  : i32 {
        %broadcast_in_dim3A = arith.constant 0.000000e+00 : f32
        %broadcast_in_dim3A_86 = vector.broadcast %broadcast_in_dim3A : f32 to vector<16xf32>
        %mul3A_87 = arith.constant 16 : i32
        %mul3A_88 = arith.muli %scan3A_84, %mul3A_87 : i32
        %swap3A = arith.index_cast %scan3A_74 : i32 to index
        %swap3A_89 = arith.index_cast %mul3A_88 : i32 to index
        %swap3A_90 = tpu.vector_load %arg8[%swap3A, %swap3A_89] {strides = array<i32>} : memref<80x128xf32, #tpu.memory_space<vmem>>, vector<1x16xf32>,
        %swap3A_91 = vector.shape_cast %swap3A_90 : vector<1x16xf32> to vector<16xf32>
        %swap3A_92 = vector.shape_cast %broadcast_in_dim3A_86 : vector<16xf32> to vector<1x16xf32>
        tpu.vector_store %arg8[%swap3A, %swap3A_89], %swap3A_92 {strides = array<i32>} : memref<80x128xf32, #tpu.memory_space<vmem>>, vector<1x16xf32>,
        %scan3A_93 = arith.constant 0 : i32
        scf.yield %scan3A_93 : i32
      }
      %scan3A_82 = arith.constant 8 : i32
      %scan3A_83 = arith.constant 0 : i32
      scf.yield %scan3A_83 : i32
    }
    %scan3A_6 = arith.constant 80 : i32
    %scan3A_7 = arith.constant 0 : i32
    %scan3A_8 = arith.constant 0 : i32
    %scan3A_9 = arith.constant 8 : i32
    %scan3A_10 = arith.addi %scan3A_8, %scan3A_9 : i32
    %scan3A_11 = arith.constant 1 : i32
    %scan3A_12 = scf.for %scan3A_74 = %scan3A_8 to %scan3A_10 step %scan3A_11 iter_args(%scan3A_75 = %scan3A_7) -> (i32)  : i32 {
      %mul3A_76 = arith.constant 640 : i32
      %mul3A_77 = arith.muli %arg1, %mul3A_76 : i32
      %mul3A_78 = arith.constant 80 : i32
      %mul3A_79 = arith.muli %scan3A_74, %mul3A_78 : i32
      %add3A_80 = arith.addi %mul3A_77, %mul3A_79 : i32
      "tpu.region"() ({
        %run_scoped3A = tpu.sem_alloc : memref<!tpu.dma_semaphore, #tpu.memory_space<semaphore_mem>>
        %dma_start3A_82 = arith.constant 0 : i32
        %dma_start3A_83 = tpu.memref_slice %arg10[%add3A_80, %dma_start3A_82] : memref<10240x128xf32, #tpu.memory_space<vmem_shared>> -> memref<80x128xf32, #tpu.memory_space<vmem_shared>>
        %dma_start3A_84 = arith.constant 0 : i32
        %dma_start3A_85 = tpu.memref_slice %arg10[%add3A_80, %dma_start3A_84] : memref<10240x128xf32, #tpu.memory_space<vmem_shared>> -> memref<80x128xf32, #tpu.memory_space<vmem_shared>>
        tpu.enqueue_dma source(%arg8 : memref<80x128xf32, #tpu.memory_space<vmem>>) target(%dma_start3A_85 : memref<80x128xf32, #tpu.memory_space<vmem_shared>>) target_semaphore(%run_scoped3A : memref<!tpu.dma_semaphore, #tpu.memory_space<semaphore_mem>>)
        %dma_wait3A_86 = arith.constant 0 : i32
        %dma_wait3A_87 = tpu.memref_slice %arg10[%add3A_80, %dma_wait3A_86] : memref<10240x128xf32, #tpu.memory_space<vmem_shared>> -> memref<80x128xf32, #tpu.memory_space<vmem_shared>>
        %dma_wait3A_88 = arith.constant 0 : i32
        %dma_wait3A_89 = tpu.memref_slice %arg10[%add3A_80, %dma_wait3A_88] : memref<10240x128xf32, #tpu.memory_space<vmem_shared>> -> memref<80x128xf32, #tpu.memory_space<vmem_shared>>
        tpu.wait_dma2 semaphore(%run_scoped3A : memref<!tpu.dma_semaphore, #tpu.memory_space<semaphore_mem>>) src(%arg8 : memref<80x128xf32, #tpu.memory_space<vmem>>) dst(%dma_wait3A_89 : memref<80x128xf32, #tpu.memory_space<vmem_shared>>)
        tpu.yield
      }) : () -> ()
      %scan3A_81 = arith.constant 0 : i32
      scf.yield %scan3A_81 : i32
    }
    %scan3A_13 = arith.constant 8 : i32
    %barrier3A = arith.constant 0 : index
    tpu.barrier barrier_id(%barrier3A)
    %dma_start3A = arith.constant 0 : i32
    %dma_start3A_14 = arith.constant 0 : i32
    %dma_start3A_15 = arith.constant 0 : i32
    %dma_start3A_16 = tpu.memref_slice %arg3[%add3A, %dma_start3A, %dma_start3A_14, %dma_start3A_15] : memref<32x125x2x80xi32, #tpu.memory_space<hbm>> -> memref<1x1x2x80xi32, #tpu.memory_space<hbm>>
    %dma_start3A_17 = tpu.memref_squeeze %dma_start3A_16 : memref<1x1x2x80xi32, #tpu.memory_space<hbm>> -> memref<2x80xi32, #tpu.memory_space<hbm>>
    %dma_start3A_18 = arith.constant 0 : i32
    %dma_start3A_19 = arith.constant 0 : i32
    %dma_start3A_20 = tpu.memref_slice %arg3[%add3A, %dma_start3A, %dma_start3A_18, %dma_start3A_19] : memref<32x125x2x80xi32, #tpu.memory_space<hbm>> -> memref<1x1x2x80xi32, #tpu.memory_space<hbm>>
    %dma_start3A_21 = tpu.memref_squeeze %dma_start3A_20 : memref<1x1x2x80xi32, #tpu.memory_space<hbm>> -> memref<2x80xi32, #tpu.memory_space<hbm>>
    tpu.enqueue_dma source(%dma_start3A_21 : memref<2x80xi32, #tpu.memory_space<hbm>>) target(%arg5 : memref<2x80xi32, #tpu.memory_space<vmem>>) target_semaphore(%arg15 : memref<!tpu.dma_semaphore, #tpu.memory_space<semaphore_mem>>)
    %dma_start3A_22 = arith.constant 1 : i32
    %dma_start3A_23 = arith.constant 0 : i32
    %dma_start3A_24 = arith.constant 0 : i32
    %dma_start3A_25 = tpu.memref_slice %arg3[%add3A, %dma_start3A_22, %dma_start3A_23, %dma_start3A_24] : memref<32x125x2x80xi32, #tpu.memory_space<hbm>> -> memref<1x1x2x80xi32, #tpu.memory_space<hbm>>
    %dma_start3A_26 = tpu.memref_squeeze %dma_start3A_25 : memref<1x1x2x80xi32, #tpu.memory_space<hbm>> -> memref<2x80xi32, #tpu.memory_space<hbm>>
    %dma_start3A_27 = arith.constant 0 : i32
    %dma_start3A_28 = arith.constant 0 : i32
    %dma_start3A_29 = tpu.memref_slice %arg3[%add3A, %dma_start3A_22, %dma_start3A_27, %dma_start3A_28] : memref<32x125x2x80xi32, #tpu.memory_space<hbm>> -> memref<1x1x2x80xi32, #tpu.memory_space<hbm>>
    %dma_start3A_30 = tpu.memref_squeeze %dma_start3A_29 : memref<1x1x2x80xi32, #tpu.memory_space<hbm>> -> memref<2x80xi32, #tpu.memory_space<hbm>>
    tpu.enqueue_dma source(%dma_start3A_30 : memref<2x80xi32, #tpu.memory_space<hbm>>) target(%arg6 : memref<2x80xi32, #tpu.memory_space<vmem>>) target_semaphore(%arg16 : memref<!tpu.dma_semaphore, #tpu.memory_space<semaphore_mem>>)
    %dma_start3A_31 = arith.constant 2 : i32
    %dma_start3A_32 = arith.constant 0 : i32
    %dma_start3A_33 = arith.constant 0 : i32
    %dma_start3A_34 = tpu.memref_slice %arg3[%add3A, %dma_start3A_31, %dma_start3A_32, %dma_start3A_33] : memref<32x125x2x80xi32, #tpu.memory_space<hbm>> -> memref<1x1x2x80xi32, #tpu.memory_space<hbm>>
    %dma_start3A_35 = tpu.memref_squeeze %dma_start3A_34 : memref<1x1x2x80xi32, #tpu.memory_space<hbm>> -> memref<2x80xi32, #tpu.memory_space<hbm>>
    %dma_start3A_36 = arith.constant 0 : i32
    %dma_start3A_37 = arith.constant 0 : i32
    %dma_start3A_38 = tpu.memref_slice %arg3[%add3A, %dma_start3A_31, %dma_start3A_36, %dma_start3A_37] : memref<32x125x2x80xi32, #tpu.memory_space<hbm>> -> memref<1x1x2x80xi32, #tpu.memory_space<hbm>>
    %dma_start3A_39 = tpu.memref_squeeze %dma_start3A_38 : memref<1x1x2x80xi32, #tpu.memory_space<hbm>> -> memref<2x80xi32, #tpu.memory_space<hbm>>
    tpu.enqueue_dma source(%dma_start3A_39 : memref<2x80xi32, #tpu.memory_space<hbm>>) target(%arg7 : memref<2x80xi32, #tpu.memory_space<vmem>>) target_semaphore(%arg17 : memref<!tpu.dma_semaphore, #tpu.memory_space<semaphore_mem>>)
    %dma_wait3A = arith.constant 0 : i32
    %dma_wait3A_40 = arith.constant 0 : i32
    %dma_wait3A_41 = arith.constant 0 : i32
    %dma_wait3A_42 = tpu.memref_slice %arg3[%add3A, %dma_wait3A, %dma_wait3A_40, %dma_wait3A_41] : memref<32x125x2x80xi32, #tpu.memory_space<hbm>> -> memref<1x1x2x80xi32, #tpu.memory_space<hbm>>
    %dma_wait3A_43 = tpu.memref_squeeze %dma_wait3A_42 : memref<1x1x2x80xi32, #tpu.memory_space<hbm>> -> memref<2x80xi32, #tpu.memory_space<hbm>>
    %dma_wait3A_44 = arith.constant 0 : i32
    %dma_wait3A_45 = arith.constant 0 : i32
    %dma_wait3A_46 = tpu.memref_slice %arg3[%add3A, %dma_wait3A, %dma_wait3A_44, %dma_wait3A_45] : memref<32x125x2x80xi32, #tpu.memory_space<hbm>> -> memref<1x1x2x80xi32, #tpu.memory_space<hbm>>
    %dma_wait3A_47 = tpu.memref_squeeze %dma_wait3A_46 : memref<1x1x2x80xi32, #tpu.memory_space<hbm>> -> memref<2x80xi32, #tpu.memory_space<hbm>>
    tpu.wait_dma2 semaphore(%arg15 : memref<!tpu.dma_semaphore, #tpu.memory_space<semaphore_mem>>) src(%dma_wait3A_47 : memref<2x80xi32, #tpu.memory_space<hbm>>) dst(%arg5 : memref<2x80xi32, #tpu.memory_space<vmem>>)
    %dma_start3A_48 = arith.constant 0 : i32
    %dma_start3A_49 = arith.constant 0 : i32
    %dma_start3A_50 = tpu.memref_slice %arg5[%dma_start3A_48, %dma_start3A_49] : memref<2x80xi32, #tpu.memory_space<vmem>> -> memref<1x80xi32, #tpu.memory_space<vmem>>
    %dma_start3A_51 = tpu.memref_squeeze %dma_start3A_50 : memref<1x80xi32, #tpu.memory_space<vmem>> -> memref<80xi32, #tpu.memory_space<vmem>>
    %dma_start3A_52 = arith.constant 0 : i32
    %dma_start3A_53 = arith.constant 0 : i32
    %dma_start3A_54 = tpu.memref_slice %arg2[%dma_start3A_52, %dma_start3A_53] : memref<10000x128xf32, #tpu.memory_space<hbm>> -> memref<10000x128xf32, #tpu.memory_space<hbm>>
    tpu.enqueue_indirect_dma source(%dma_start3A_54 : memref<10000x128xf32, #tpu.memory_space<hbm>>) target(%arg8 : memref<80x128xf32, #tpu.memory_space<vmem>>) offsets(%dma_start3A_51 : memref<80xi32, #tpu.memory_space<vmem>>) semaphore(%arg11 : memref<!tpu.dma_semaphore, #tpu.memory_space<semaphore_mem>>)
    %scan3A_55 = arith.constant 0 : i32
    %scan3A_56 = arith.constant 0 : i32
    %scan3A_57 = arith.constant 125 : i32
    %scan3A_58 = arith.addi %scan3A_56, %scan3A_57 : i32
    %scan3A_59 = arith.constant 1 : i32
    %scan3A_60 = scf.for %scan3A_74 = %scan3A_56 to %scan3A_58 step %scan3A_59 iter_args(%scan3A_75 = %scan3A_55) -> (i32)  : i32 {
      %jit3A = arith.constant 6 : i32
      %eq3A = arith.constant 0 : i32
      %eq3A_76 = arith.cmpi eq, %jit3A, %eq3A : i32
      %jit3A_77 = arith.constant 1 : i32
      %select_n3A = arith.select %eq3A_76, %jit3A_77, %jit3A : i32
      %rem3A = arith.remsi %scan3A_74, %select_n3A : i32
      %ne3A = arith.constant 0 : i32
      %ne3A_78 = arith.cmpi ne, %rem3A, %ne3A : i32
      %lt3A = arith.constant 0 : i32
      %lt3A_79 = arith.cmpi slt, %rem3A, %lt3A : i32
      %lt3A_80 = arith.constant 0 : i32
      %lt3A_81 = arith.cmpi slt, %select_n3A, %lt3A_80 : i32
      %ne3A_82 = arith.xori %lt3A_79, %lt3A_81 : i1
      %and3A = arith.andi %ne3A_82, %ne3A_78 : i1
      %add3A_83 = arith.addi %rem3A, %select_n3A : i32
      %select_n3A_84 = arith.select %and3A, %add3A_83, %rem3A : i32
      %eq3A_85 = arith.constant 0 : i32
      %eq3A_86 = arith.cmpi eq, %select_n3A_84, %eq3A_85 : i32
      %convert_element_type3A = arith.extui %eq3A_86 : i1 to i32
      %cond3A = arith.constant 0 : i32
      %cond3A_87 = arith.cmpi ne, %convert_element_type3A, %cond3A : i32
      scf.if %cond3A_87 {
        %dma_wait3A_194 = arith.constant 0 : i32
        %dma_wait3A_195 = arith.constant 0 : i32
        %dma_wait3A_196 = tpu.memref_slice %arg5[%dma_wait3A_194, %dma_wait3A_195] : memref<2x80xi32, #tpu.memory_space<vmem>> -> memref<1x80xi32, #tpu.memory_space<vmem>>
        %dma_wait3A_197 = tpu.memref_squeeze %dma_wait3A_196 : memref<1x80xi32, #tpu.memory_space<vmem>> -> memref<80xi32, #tpu.memory_space<vmem>>
        %dma_wait3A_198 = arith.constant 0 : i32
        %dma_wait3A_199 = arith.constant 0 : i32
        %dma_wait3A_200 = tpu.memref_slice %arg2[%dma_wait3A_198, %dma_wait3A_199] : memref<10000x128xf32, #tpu.memory_space<hbm>> -> memref<10000x128xf32, #tpu.memory_space<hbm>>
        tpu.wait_indirect_dma semaphore(%arg11 : memref<!tpu.dma_semaphore, #tpu.memory_space<semaphore_mem>>) src(%dma_wait3A_200 : memref<10000x128xf32, #tpu.memory_space<hbm>>) dst(%arg8 : memref<80x128xf32, #tpu.memory_space<vmem>>)
        %ge3A = arith.constant 1 : i32
        %ge3A_201 = arith.cmpi sge, %scan3A_74, %ge3A : i32
        %convert_element_type3A_202 = arith.extui %ge3A_201 : i1 to i32
        %cond3A_203 = arith.constant 0 : i32
        %cond3A_204 = arith.cmpi ne, %convert_element_type3A_202, %cond3A_203 : i32
        scf.if %cond3A_204 {
          %dma_wait3A_229 = arith.constant 1 : i32
          %dma_wait3A_230 = arith.constant 0 : i32
          %dma_wait3A_231 = tpu.memref_slice %arg7[%dma_wait3A_229, %dma_wait3A_230] : memref<2x80xi32, #tpu.memory_space<vmem>> -> memref<1x80xi32, #tpu.memory_space<vmem>>
          %dma_wait3A_232 = tpu.memref_squeeze %dma_wait3A_231 : memref<1x80xi32, #tpu.memory_space<vmem>> -> memref<80xi32, #tpu.memory_space<vmem>>
          %dma_wait3A_233 = arith.constant 0 : i32
          %dma_wait3A_234 = arith.constant 0 : i32
          %dma_wait3A_235 = tpu.memref_slice %arg10[%dma_wait3A_233, %dma_wait3A_234] : memref<10240x128xf32, #tpu.memory_space<vmem_shared>> -> memref<10240x128xf32, #tpu.memory_space<vmem_shared>>
          tpu.wait_indirect_dma semaphore(%arg14 : memref<!tpu.dma_semaphore, #tpu.memory_space<semaphore_mem>>) src(%arg9 : memref<80x128xf32, #tpu.memory_space<vmem>>) dst(%dma_wait3A_235 : memref<10240x128xf32, #tpu.memory_space<vmem_shared>>)
        } else {
        }
        %ge3A_205 = arith.constant 1 : i32
        %ge3A_206 = arith.cmpi sge, %scan3A_74, %ge3A_205 : i32
        %add3A_207 = arith.constant 2 : i32
        %add3A_208 = arith.addi %scan3A_74, %add3A_207 : i32
        %lt3A_209 = arith.constant 125 : i32
        %lt3A_210 = arith.cmpi slt, %add3A_208, %lt3A_209 : i32
        %and3A_211 = arith.andi %ge3A_206, %lt3A_210 : i1
        %convert_element_type3A_212 = arith.extui %and3A_211 : i1 to i32
        %cond3A_213 = arith.constant 0 : i32
        %cond3A_214 = arith.cmpi ne, %convert_element_type3A_212, %cond3A_213 : i32
        scf.if %cond3A_214 {
          %add3A_229 = arith.constant 2 : i32
          %add3A_230 = arith.addi %scan3A_74, %add3A_229 : i32
          %dma_start3A_231 = arith.constant 0 : i32
          %dma_start3A_232 = arith.constant 0 : i32
          %dma_start3A_233 = tpu.memref_slice %arg3[%add3A, %add3A_230, %dma_start3A_231, %dma_start3A_232] : memref<32x125x2x80xi32, #tpu.memory_space<hbm>> -> memref<1x1x2x80xi32, #tpu.memory_space<hbm>>
          %dma_start3A_234 = tpu.memref_squeeze %dma_start3A_233 : memref<1x1x2x80xi32, #tpu.memory_space<hbm>> -> memref<2x80xi32, #tpu.memory_space<hbm>>
          %dma_start3A_235 = arith.constant 0 : i32
          %dma_start3A_236 = arith.constant 0 : i32
          %dma_start3A_237 = tpu.memref_slice %arg3[%add3A, %add3A_230, %dma_start3A_235, %dma_start3A_236] : memref<32x125x2x80xi32, #tpu.memory_space<hbm>> -> memref<1x1x2x80xi32, #tpu.memory_space<hbm>>
          %dma_start3A_238 = tpu.memref_squeeze %dma_start3A_237 : memref<1x1x2x80xi32, #tpu.memory_space<hbm>> -> memref<2x80xi32, #tpu.memory_space<hbm>>
          tpu.enqueue_dma source(%dma_start3A_238 : memref<2x80xi32, #tpu.memory_space<hbm>>) target(%arg7 : memref<2x80xi32, #tpu.memory_space<vmem>>) target_semaphore(%arg17 : memref<!tpu.dma_semaphore, #tpu.memory_space<semaphore_mem>>)
        } else {
        }
        %add3A_215 = arith.constant 1 : i32
        %add3A_216 = arith.addi %scan3A_74, %add3A_215 : i32
        %lt3A_217 = arith.constant 125 : i32
        %lt3A_218 = arith.cmpi slt, %add3A_216, %lt3A_217 : i32
        %convert_element_type3A_219 = arith.extui %lt3A_218 : i1 to i32
        %cond3A_220 = arith.constant 0 : i32
        %cond3A_221 = arith.cmpi ne, %convert_element_type3A_219, %cond3A_220 : i32
        scf.if %cond3A_221 {
          %dma_wait3A_229 = arith.constant 0 : i32
          %dma_wait3A_230 = arith.constant 0 : i32
          %dma_wait3A_231 = arith.constant 0 : i32
          %dma_wait3A_232 = tpu.memref_slice %arg3[%add3A, %dma_wait3A_229, %dma_wait3A_230, %dma_wait3A_231] : memref<32x125x2x80xi32, #tpu.memory_space<hbm>> -> memref<1x1x2x80xi32, #tpu.memory_space<hbm>>
          %dma_wait3A_233 = tpu.memref_squeeze %dma_wait3A_232 : memref<1x1x2x80xi32, #tpu.memory_space<hbm>> -> memref<2x80xi32, #tpu.memory_space<hbm>>
          %dma_wait3A_234 = arith.constant 0 : i32
          %dma_wait3A_235 = arith.constant 0 : i32
          %dma_wait3A_236 = tpu.memref_slice %arg3[%add3A, %dma_wait3A_229, %dma_wait3A_234, %dma_wait3A_235] : memref<32x125x2x80xi32, #tpu.memory_space<hbm>> -> memref<1x1x2x80xi32, #tpu.memory_space<hbm>>
          %dma_wait3A_237 = tpu.memref_squeeze %dma_wait3A_236 : memref<1x1x2x80xi32, #tpu.memory_space<hbm>> -> memref<2x80xi32, #tpu.memory_space<hbm>>
          tpu.wait_dma2 semaphore(%arg16 : memref<!tpu.dma_semaphore, #tpu.memory_space<semaphore_mem>>) src(%dma_wait3A_237 : memref<2x80xi32, #tpu.memory_space<hbm>>) dst(%arg6 : memref<2x80xi32, #tpu.memory_space<vmem>>)
          %dma_start3A_238 = arith.constant 0 : i32
          %dma_start3A_239 = arith.constant 0 : i32
          %dma_start3A_240 = tpu.memref_slice %arg6[%dma_start3A_238, %dma_start3A_239] : memref<2x80xi32, #tpu.memory_space<vmem>> -> memref<1x80xi32, #tpu.memory_space<vmem>>
          %dma_start3A_241 = tpu.memref_squeeze %dma_start3A_240 : memref<1x80xi32, #tpu.memory_space<vmem>> -> memref<80xi32, #tpu.memory_space<vmem>>
          %dma_start3A_242 = arith.constant 0 : i32
          %dma_start3A_243 = arith.constant 0 : i32
          %dma_start3A_244 = tpu.memref_slice %arg2[%dma_start3A_242, %dma_start3A_243] : memref<10000x128xf32, #tpu.memory_space<hbm>> -> memref<10000x128xf32, #tpu.memory_space<hbm>>
          tpu.enqueue_indirect_dma source(%dma_start3A_244 : memref<10000x128xf32, #tpu.memory_space<hbm>>) target(%arg9 : memref<80x128xf32, #tpu.memory_space<vmem>>) offsets(%dma_start3A_241 : memref<80xi32, #tpu.memory_space<vmem>>) semaphore(%arg12 : memref<!tpu.dma_semaphore, #tpu.memory_space<semaphore_mem>>)
        } else {
        }
        %dma_start3A_222 = arith.constant 1 : i32
        %dma_start3A_223 = arith.constant 0 : i32
        %dma_start3A_224 = tpu.memref_slice %arg5[%dma_start3A_222, %dma_start3A_223] : memref<2x80xi32, #tpu.memory_space<vmem>> -> memref<1x80xi32, #tpu.memory_space<vmem>>
        %dma_start3A_225 = tpu.memref_squeeze %dma_start3A_224 : memref<1x80xi32, #tpu.memory_space<vmem>> -> memref<80xi32, #tpu.memory_space<vmem>>
        %dma_start3A_226 = arith.constant 0 : i32
        %dma_start3A_227 = arith.constant 0 : i32
        %dma_start3A_228 = tpu.memref_slice %arg10[%dma_start3A_226, %dma_start3A_227] : memref<10240x128xf32, #tpu.memory_space<vmem_shared>> -> memref<10240x128xf32, #tpu.memory_space<vmem_shared>>
        tpu.enqueue_indirect_dma source(%arg8 : memref<80x128xf32, #tpu.memory_space<vmem>>) target(%dma_start3A_228 : memref<10240x128xf32, #tpu.memory_space<vmem_shared>>) offsets(%dma_start3A_225 : memref<80xi32, #tpu.memory_space<vmem>>) semaphore(%arg13 : memref<!tpu.dma_semaphore, #tpu.memory_space<semaphore_mem>>) {add = true}
      } else {
      }
      %jit3A_88 = arith.constant 6 : i32
      %eq3A_89 = arith.constant 0 : i32
      %eq3A_90 = arith.cmpi eq, %jit3A_88, %eq3A_89 : i32
      %jit3A_91 = arith.constant 1 : i32
      %select_n3A_92 = arith.select %eq3A_90, %jit3A_91, %jit3A_88 : i32
      %rem3A_93 = arith.remsi %scan3A_74, %select_n3A_92 : i32
      %ne3A_94 = arith.constant 0 : i32
      %ne3A_95 = arith.cmpi ne, %rem3A_93, %ne3A_94 : i32
      %lt3A_96 = arith.constant 0 : i32
      %lt3A_97 = arith.cmpi slt, %rem3A_93, %lt3A_96 : i32
      %lt3A_98 = arith.constant 0 : i32
      %lt3A_99 = arith.cmpi slt, %select_n3A_92, %lt3A_98 : i32
      %ne3A_100 = arith.xori %lt3A_97, %lt3A_99 : i1
      %and3A_101 = arith.andi %ne3A_100, %ne3A_95 : i1
      %add3A_102 = arith.addi %rem3A_93, %select_n3A_92 : i32
      %select_n3A_103 = arith.select %and3A_101, %add3A_102, %rem3A_93 : i32
      %eq3A_104 = arith.constant 1 : i32
      %eq3A_105 = arith.cmpi eq, %select_n3A_103, %eq3A_104 : i32
      %convert_element_type3A_106 = arith.extui %eq3A_105 : i1 to i32
      %cond3A_107 = arith.constant 0 : i32
      %cond3A_108 = arith.cmpi ne, %convert_element_type3A_106, %cond3A_107 : i32
      scf.if %cond3A_108 {
        %dma_wait3A_194 = arith.constant 0 : i32
        %dma_wait3A_195 = arith.constant 0 : i32
        %dma_wait3A_196 = tpu.memref_slice %arg6[%dma_wait3A_194, %dma_wait3A_195] : memref<2x80xi32, #tpu.memory_space<vmem>> -> memref<1x80xi32, #tpu.memory_space<vmem>>
        %dma_wait3A_197 = tpu.memref_squeeze %dma_wait3A_196 : memref<1x80xi32, #tpu.memory_space<vmem>> -> memref<80xi32, #tpu.memory_space<vmem>>
        %dma_wait3A_198 = arith.constant 0 : i32
        %dma_wait3A_199 = arith.constant 0 : i32
        %dma_wait3A_200 = tpu.memref_slice %arg2[%dma_wait3A_198, %dma_wait3A_199] : memref<10000x128xf32, #tpu.memory_space<hbm>> -> memref<10000x128xf32, #tpu.memory_space<hbm>>
        tpu.wait_indirect_dma semaphore(%arg12 : memref<!tpu.dma_semaphore, #tpu.memory_space<semaphore_mem>>) src(%dma_wait3A_200 : memref<10000x128xf32, #tpu.memory_space<hbm>>) dst(%arg9 : memref<80x128xf32, #tpu.memory_space<vmem>>)
        %ge3A = arith.constant 1 : i32
        %ge3A_201 = arith.cmpi sge, %scan3A_74, %ge3A : i32
        %convert_element_type3A_202 = arith.extui %ge3A_201 : i1 to i32
        %cond3A_203 = arith.constant 0 : i32
        %cond3A_204 = arith.cmpi ne, %convert_element_type3A_202, %cond3A_203 : i32
        scf.if %cond3A_204 {
          %dma_wait3A_229 = arith.constant 1 : i32
          %dma_wait3A_230 = arith.constant 0 : i32
          %dma_wait3A_231 = tpu.memref_slice %arg5[%dma_wait3A_229, %dma_wait3A_230] : memref<2x80xi32, #tpu.memory_space<vmem>> -> memref<1x80xi32, #tpu.memory_space<vmem>>
          %dma_wait3A_232 = tpu.memref_squeeze %dma_wait3A_231 : memref<1x80xi32, #tpu.memory_space<vmem>> -> memref<80xi32, #tpu.memory_space<vmem>>
          %dma_wait3A_233 = arith.constant 0 : i32
          %dma_wait3A_234 = arith.constant 0 : i32
          %dma_wait3A_235 = tpu.memref_slice %arg10[%dma_wait3A_233, %dma_wait3A_234] : memref<10240x128xf32, #tpu.memory_space<vmem_shared>> -> memref<10240x128xf32, #tpu.memory_space<vmem_shared>>
          tpu.wait_indirect_dma semaphore(%arg13 : memref<!tpu.dma_semaphore, #tpu.memory_space<semaphore_mem>>) src(%arg8 : memref<80x128xf32, #tpu.memory_space<vmem>>) dst(%dma_wait3A_235 : memref<10240x128xf32, #tpu.memory_space<vmem_shared>>)
        } else {
        }
        %ge3A_205 = arith.constant 1 : i32
        %ge3A_206 = arith.cmpi sge, %scan3A_74, %ge3A_205 : i32
        %add3A_207 = arith.constant 2 : i32
        %add3A_208 = arith.addi %scan3A_74, %add3A_207 : i32
        %lt3A_209 = arith.constant 125 : i32
        %lt3A_210 = arith.cmpi slt, %add3A_208, %lt3A_209 : i32
        %and3A_211 = arith.andi %ge3A_206, %lt3A_210 : i1
        %convert_element_type3A_212 = arith.extui %and3A_211 : i1 to i32
        %cond3A_213 = arith.constant 0 : i32
        %cond3A_214 = arith.cmpi ne, %convert_element_type3A_212, %cond3A_213 : i32
        scf.if %cond3A_214 {
          %add3A_229 = arith.constant 2 : i32
          %add3A_230 = arith.addi %scan3A_74, %add3A_229 : i32
          %dma_start3A_231 = arith.constant 0 : i32
          %dma_start3A_232 = arith.constant 0 : i32
          %dma_start3A_233 = tpu.memref_slice %arg3[%add3A, %add3A_230, %dma_start3A_231, %dma_start3A_232] : memref<32x125x2x80xi32, #tpu.memory_space<hbm>> -> memref<1x1x2x80xi32, #tpu.memory_space<hbm>>
          %dma_start3A_234 = tpu.memref_squeeze %dma_start3A_233 : memref<1x1x2x80xi32, #tpu.memory_space<hbm>> -> memref<2x80xi32, #tpu.memory_space<hbm>>
          %dma_start3A_235 = arith.constant 0 : i32
          %dma_start3A_236 = arith.constant 0 : i32
          %dma_start3A_237 = tpu.memref_slice %arg3[%add3A, %add3A_230, %dma_start3A_235, %dma_start3A_236] : memref<32x125x2x80xi32, #tpu.memory_space<hbm>> -> memref<1x1x2x80xi32, #tpu.memory_space<hbm>>
          %dma_start3A_238 = tpu.memref_squeeze %dma_start3A_237 : memref<1x1x2x80xi32, #tpu.memory_space<hbm>> -> memref<2x80xi32, #tpu.memory_space<hbm>>
          tpu.enqueue_dma source(%dma_start3A_238 : memref<2x80xi32, #tpu.memory_space<hbm>>) target(%arg5 : memref<2x80xi32, #tpu.memory_space<vmem>>) target_semaphore(%arg15 : memref<!tpu.dma_semaphore, #tpu.memory_space<semaphore_mem>>)
        } else {
        }
        %add3A_215 = arith.constant 1 : i32
        %add3A_216 = arith.addi %scan3A_74, %add3A_215 : i32
        %lt3A_217 = arith.constant 125 : i32
        %lt3A_218 = arith.cmpi slt, %add3A_216, %lt3A_217 : i32
        %convert_element_type3A_219 = arith.extui %lt3A_218 : i1 to i32
        %cond3A_220 = arith.constant 0 : i32
        %cond3A_221 = arith.cmpi ne, %convert_element_type3A_219, %cond3A_220 : i32
        scf.if %cond3A_221 {
          %dma_wait3A_229 = arith.constant 0 : i32
          %dma_wait3A_230 = arith.constant 0 : i32
          %dma_wait3A_231 = arith.constant 0 : i32
          %dma_wait3A_232 = tpu.memref_slice %arg3[%add3A, %dma_wait3A_229, %dma_wait3A_230, %dma_wait3A_231] : memref<32x125x2x80xi32, #tpu.memory_space<hbm>> -> memref<1x1x2x80xi32, #tpu.memory_space<hbm>>
          %dma_wait3A_233 = tpu.memref_squeeze %dma_wait3A_232 : memref<1x1x2x80xi32, #tpu.memory_space<hbm>> -> memref<2x80xi32, #tpu.memory_space<hbm>>
          %dma_wait3A_234 = arith.constant 0 : i32
          %dma_wait3A_235 = arith.constant 0 : i32
          %dma_wait3A_236 = tpu.memref_slice %arg3[%add3A, %dma_wait3A_229, %dma_wait3A_234, %dma_wait3A_235] : memref<32x125x2x80xi32, #tpu.memory_space<hbm>> -> memref<1x1x2x80xi32, #tpu.memory_space<hbm>>
          %dma_wait3A_237 = tpu.memref_squeeze %dma_wait3A_236 : memref<1x1x2x80xi32, #tpu.memory_space<hbm>> -> memref<2x80xi32, #tpu.memory_space<hbm>>
          tpu.wait_dma2 semaphore(%arg17 : memref<!tpu.dma_semaphore, #tpu.memory_space<semaphore_mem>>) src(%dma_wait3A_237 : memref<2x80xi32, #tpu.memory_space<hbm>>) dst(%arg7 : memref<2x80xi32, #tpu.memory_space<vmem>>)
          %dma_start3A_238 = arith.constant 0 : i32
          %dma_start3A_239 = arith.constant 0 : i32
          %dma_start3A_240 = tpu.memref_slice %arg7[%dma_start3A_238, %dma_start3A_239] : memref<2x80xi32, #tpu.memory_space<vmem>> -> memref<1x80xi32, #tpu.memory_space<vmem>>
          %dma_start3A_241 = tpu.memref_squeeze %dma_start3A_240 : memref<1x80xi32, #tpu.memory_space<vmem>> -> memref<80xi32, #tpu.memory_space<vmem>>
          %dma_start3A_242 = arith.constant 0 : i32
          %dma_start3A_243 = arith.constant 0 : i32
          %dma_start3A_244 = tpu.memref_slice %arg2[%dma_start3A_242, %dma_start3A_243] : memref<10000x128xf32, #tpu.memory_space<hbm>> -> memref<10000x128xf32, #tpu.memory_space<hbm>>
          tpu.enqueue_indirect_dma source(%dma_start3A_244 : memref<10000x128xf32, #tpu.memory_space<hbm>>) target(%arg8 : memref<80x128xf32, #tpu.memory_space<vmem>>) offsets(%dma_start3A_241 : memref<80xi32, #tpu.memory_space<vmem>>) semaphore(%arg11 : memref<!tpu.dma_semaphore, #tpu.memory_space<semaphore_mem>>)
        } else {
        }
        %dma_start3A_222 = arith.constant 1 : i32
        %dma_start3A_223 = arith.constant 0 : i32
        %dma_start3A_224 = tpu.memref_slice %arg6[%dma_start3A_222, %dma_start3A_223] : memref<2x80xi32, #tpu.memory_space<vmem>> -> memref<1x80xi32, #tpu.memory_space<vmem>>
        %dma_start3A_225 = tpu.memref_squeeze %dma_start3A_224 : memref<1x80xi32, #tpu.memory_space<vmem>> -> memref<80xi32, #tpu.memory_space<vmem>>
        %dma_start3A_226 = arith.constant 0 : i32
        %dma_start3A_227 = arith.constant 0 : i32
        %dma_start3A_228 = tpu.memref_slice %arg10[%dma_start3A_226, %dma_start3A_227] : memref<10240x128xf32, #tpu.memory_space<vmem_shared>> -> memref<10240x128xf32, #tpu.memory_space<vmem_shared>>
        tpu.enqueue_indirect_dma source(%arg9 : memref<80x128xf32, #tpu.memory_space<vmem>>) target(%dma_start3A_228 : memref<10240x128xf32, #tpu.memory_space<vmem_shared>>) offsets(%dma_start3A_225 : memref<80xi32, #tpu.memory_space<vmem>>) semaphore(%arg14 : memref<!tpu.dma_semaphore, #tpu.memory_space<semaphore_mem>>) {add = true}
      } else {
      }
      %jit3A_109 = arith.constant 6 : i32
      %eq3A_110 = arith.constant 0 : i32
      %eq3A_111 = arith.cmpi eq, %jit3A_109, %eq3A_110 : i32
      %jit3A_112 = arith.constant 1 : i32
      %select_n3A_113 = arith.select %eq3A_111, %jit3A_112, %jit3A_109 : i32
      %rem3A_114 = arith.remsi %scan3A_74, %select_n3A_113 : i32
      %ne3A_115 = arith.constant 0 : i32
      %ne3A_116 = arith.cmpi ne, %rem3A_114, %ne3A_115 : i32
      %lt3A_117 = arith.constant 0 : i32
      %lt3A_118 = arith.cmpi slt, %rem3A_114, %lt3A_117 : i32
      %lt3A_119 = arith.constant 0 : i32
      %lt3A_120 = arith.cmpi slt, %select_n3A_113, %lt3A_119 : i32
      %ne3A_121 = arith.xori %lt3A_118, %lt3A_120 : i1
      %and3A_122 = arith.andi %ne3A_121, %ne3A_116 : i1
      %add3A_123 = arith.addi %rem3A_114, %select_n3A_113 : i32
      %select_n3A_124 = arith.select %and3A_122, %add3A_123, %rem3A_114 : i32
      %eq3A_125 = arith.constant 2 : i32
      %eq3A_126 = arith.cmpi eq, %select_n3A_124, %eq3A_125 : i32
      %convert_element_type3A_127 = arith.extui %eq3A_126 : i1 to i32
      %cond3A_128 = arith.constant 0 : i32
      %cond3A_129 = arith.cmpi ne, %convert_element_type3A_127, %cond3A_128 : i32
      scf.if %cond3A_129 {
        %dma_wait3A_194 = arith.constant 0 : i32
        %dma_wait3A_195 = arith.constant 0 : i32
        %dma_wait3A_196 = tpu.memref_slice %arg7[%dma_wait3A_194, %dma_wait3A_195] : memref<2x80xi32, #tpu.memory_space<vmem>> -> memref<1x80xi32, #tpu.memory_space<vmem>>
        %dma_wait3A_197 = tpu.memref_squeeze %dma_wait3A_196 : memref<1x80xi32, #tpu.memory_space<vmem>> -> memref<80xi32, #tpu.memory_space<vmem>>
        %dma_wait3A_198 = arith.constant 0 : i32
        %dma_wait3A_199 = arith.constant 0 : i32
        %dma_wait3A_200 = tpu.memref_slice %arg2[%dma_wait3A_198, %dma_wait3A_199] : memref<10000x128xf32, #tpu.memory_space<hbm>> -> memref<10000x128xf32, #tpu.memory_space<hbm>>
        tpu.wait_indirect_dma semaphore(%arg11 : memref<!tpu.dma_semaphore, #tpu.memory_space<semaphore_mem>>) src(%dma_wait3A_200 : memref<10000x128xf32, #tpu.memory_space<hbm>>) dst(%arg8 : memref<80x128xf32, #tpu.memory_space<vmem>>)
        %ge3A = arith.constant 1 : i32
        %ge3A_201 = arith.cmpi sge, %scan3A_74, %ge3A : i32
        %convert_element_type3A_202 = arith.extui %ge3A_201 : i1 to i32
        %cond3A_203 = arith.constant 0 : i32
        %cond3A_204 = arith.cmpi ne, %convert_element_type3A_202, %cond3A_203 : i32
        scf.if %cond3A_204 {
          %dma_wait3A_229 = arith.constant 1 : i32
          %dma_wait3A_230 = arith.constant 0 : i32
          %dma_wait3A_231 = tpu.memref_slice %arg6[%dma_wait3A_229, %dma_wait3A_230] : memref<2x80xi32, #tpu.memory_space<vmem>> -> memref<1x80xi32, #tpu.memory_space<vmem>>
          %dma_wait3A_232 = tpu.memref_squeeze %dma_wait3A_231 : memref<1x80xi32, #tpu.memory_space<vmem>> -> memref<80xi32, #tpu.memory_space<vmem>>
          %dma_wait3A_233 = arith.constant 0 : i32
          %dma_wait3A_234 = arith.constant 0 : i32
          %dma_wait3A_235 = tpu.memref_slice %arg10[%dma_wait3A_233, %dma_wait3A_234] : memref<10240x128xf32, #tpu.memory_space<vmem_shared>> -> memref<10240x128xf32, #tpu.memory_space<vmem_shared>>
          tpu.wait_indirect_dma semaphore(%arg14 : memref<!tpu.dma_semaphore, #tpu.memory_space<semaphore_mem>>) src(%arg9 : memref<80x128xf32, #tpu.memory_space<vmem>>) dst(%dma_wait3A_235 : memref<10240x128xf32, #tpu.memory_space<vmem_shared>>)
        } else {
        }
        %ge3A_205 = arith.constant 1 : i32
        %ge3A_206 = arith.cmpi sge, %scan3A_74, %ge3A_205 : i32
        %add3A_207 = arith.constant 2 : i32
        %add3A_208 = arith.addi %scan3A_74, %add3A_207 : i32
        %lt3A_209 = arith.constant 125 : i32
        %lt3A_210 = arith.cmpi slt, %add3A_208, %lt3A_209 : i32
        %and3A_211 = arith.andi %ge3A_206, %lt3A_210 : i1
        %convert_element_type3A_212 = arith.extui %and3A_211 : i1 to i32
        %cond3A_213 = arith.constant 0 : i32
        %cond3A_214 = arith.cmpi ne, %convert_element_type3A_212, %cond3A_213 : i32
        scf.if %cond3A_214 {
          %add3A_229 = arith.constant 2 : i32
          %add3A_230 = arith.addi %scan3A_74, %add3A_229 : i32
          %dma_start3A_231 = arith.constant 0 : i32
          %dma_start3A_232 = arith.constant 0 : i32
          %dma_start3A_233 = tpu.memref_slice %arg3[%add3A, %add3A_230, %dma_start3A_231, %dma_start3A_232] : memref<32x125x2x80xi32, #tpu.memory_space<hbm>> -> memref<1x1x2x80xi32, #tpu.memory_space<hbm>>
          %dma_start3A_234 = tpu.memref_squeeze %dma_start3A_233 : memref<1x1x2x80xi32, #tpu.memory_space<hbm>> -> memref<2x80xi32, #tpu.memory_space<hbm>>
          %dma_start3A_235 = arith.constant 0 : i32
          %dma_start3A_236 = arith.constant 0 : i32
          %dma_start3A_237 = tpu.memref_slice %arg3[%add3A, %add3A_230, %dma_start3A_235, %dma_start3A_236] : memref<32x125x2x80xi32, #tpu.memory_space<hbm>> -> memref<1x1x2x80xi32, #tpu.memory_space<hbm>>
          %dma_start3A_238 = tpu.memref_squeeze %dma_start3A_237 : memref<1x1x2x80xi32, #tpu.memory_space<hbm>> -> memref<2x80xi32, #tpu.memory_space<hbm>>
          tpu.enqueue_dma source(%dma_start3A_238 : memref<2x80xi32, #tpu.memory_space<hbm>>) target(%arg6 : memref<2x80xi32, #tpu.memory_space<vmem>>) target_semaphore(%arg16 : memref<!tpu.dma_semaphore, #tpu.memory_space<semaphore_mem>>)
        } else {
        }
        %add3A_215 = arith.constant 1 : i32
        %add3A_216 = arith.addi %scan3A_74, %add3A_215 : i32
        %lt3A_217 = arith.constant 125 : i32
        %lt3A_218 = arith.cmpi slt, %add3A_216, %lt3A_217 : i32
        %convert_element_type3A_219 = arith.extui %lt3A_218 : i1 to i32
        %cond3A_220 = arith.constant 0 : i32
        %cond3A_221 = arith.cmpi ne, %convert_element_type3A_219, %cond3A_220 : i32
        scf.if %cond3A_221 {
          %dma_wait3A_229 = arith.constant 0 : i32
          %dma_wait3A_230 = arith.constant 0 : i32
          %dma_wait3A_231 = arith.constant 0 : i32
          %dma_wait3A_232 = tpu.memref_slice %arg3[%add3A, %dma_wait3A_229, %dma_wait3A_230, %dma_wait3A_231] : memref<32x125x2x80xi32, #tpu.memory_space<hbm>> -> memref<1x1x2x80xi32, #tpu.memory_space<hbm>>
          %dma_wait3A_233 = tpu.memref_squeeze %dma_wait3A_232 : memref<1x1x2x80xi32, #tpu.memory_space<hbm>> -> memref<2x80xi32, #tpu.memory_space<hbm>>
          %dma_wait3A_234 = arith.constant 0 : i32
          %dma_wait3A_235 = arith.constant 0 : i32
          %dma_wait3A_236 = tpu.memref_slice %arg3[%add3A, %dma_wait3A_229, %dma_wait3A_234, %dma_wait3A_235] : memref<32x125x2x80xi32, #tpu.memory_space<hbm>> -> memref<1x1x2x80xi32, #tpu.memory_space<hbm>>
          %dma_wait3A_237 = tpu.memref_squeeze %dma_wait3A_236 : memref<1x1x2x80xi32, #tpu.memory_space<hbm>> -> memref<2x80xi32, #tpu.memory_space<hbm>>
          tpu.wait_dma2 semaphore(%arg15 : memref<!tpu.dma_semaphore, #tpu.memory_space<semaphore_mem>>) src(%dma_wait3A_237 : memref<2x80xi32, #tpu.memory_space<hbm>>) dst(%arg5 : memref<2x80xi32, #tpu.memory_space<vmem>>)
          %dma_start3A_238 = arith.constant 0 : i32
          %dma_start3A_239 = arith.constant 0 : i32
          %dma_start3A_240 = tpu.memref_slice %arg5[%dma_start3A_238, %dma_start3A_239] : memref<2x80xi32, #tpu.memory_space<vmem>> -> memref<1x80xi32, #tpu.memory_space<vmem>>
          %dma_start3A_241 = tpu.memref_squeeze %dma_start3A_240 : memref<1x80xi32, #tpu.memory_space<vmem>> -> memref<80xi32, #tpu.memory_space<vmem>>
          %dma_start3A_242 = arith.constant 0 : i32
          %dma_start3A_243 = arith.constant 0 : i32
          %dma_start3A_244 = tpu.memref_slice %arg2[%dma_start3A_242, %dma_start3A_243] : memref<10000x128xf32, #tpu.memory_space<hbm>> -> memref<10000x128xf32, #tpu.memory_space<hbm>>
          tpu.enqueue_indirect_dma source(%dma_start3A_244 : memref<10000x128xf32, #tpu.memory_space<hbm>>) target(%arg9 : memref<80x128xf32, #tpu.memory_space<vmem>>) offsets(%dma_start3A_241 : memref<80xi32, #tpu.memory_space<vmem>>) semaphore(%arg12 : memref<!tpu.dma_semaphore, #tpu.memory_space<semaphore_mem>>)
        } else {
        }
        %dma_start3A_222 = arith.constant 1 : i32
        %dma_start3A_223 = arith.constant 0 : i32
        %dma_start3A_224 = tpu.memref_slice %arg7[%dma_start3A_222, %dma_start3A_223] : memref<2x80xi32, #tpu.memory_space<vmem>> -> memref<1x80xi32, #tpu.memory_space<vmem>>
        %dma_start3A_225 = tpu.memref_squeeze %dma_start3A_224 : memref<1x80xi32, #tpu.memory_space<vmem>> -> memref<80xi32, #tpu.memory_space<vmem>>
        %dma_start3A_226 = arith.constant 0 : i32
        %dma_start3A_227 = arith.constant 0 : i32
        %dma_start3A_228 = tpu.memref_slice %arg10[%dma_start3A_226, %dma_start3A_227] : memref<10240x128xf32, #tpu.memory_space<vmem_shared>> -> memref<10240x128xf32, #tpu.memory_space<vmem_shared>>
        tpu.enqueue_indirect_dma source(%arg8 : memref<80x128xf32, #tpu.memory_space<vmem>>) target(%dma_start3A_228 : memref<10240x128xf32, #tpu.memory_space<vmem_shared>>) offsets(%dma_start3A_225 : memref<80xi32, #tpu.memory_space<vmem>>) semaphore(%arg13 : memref<!tpu.dma_semaphore, #tpu.memory_space<semaphore_mem>>) {add = true}
      } else {
      }
      %jit3A_130 = arith.constant 6 : i32
      %eq3A_131 = arith.constant 0 : i32
      %eq3A_132 = arith.cmpi eq, %jit3A_130, %eq3A_131 : i32
      %jit3A_133 = arith.constant 1 : i32
      %select_n3A_134 = arith.select %eq3A_132, %jit3A_133, %jit3A_130 : i32
      %rem3A_135 = arith.remsi %scan3A_74, %select_n3A_134 : i32
      %ne3A_136 = arith.constant 0 : i32
      %ne3A_137 = arith.cmpi ne, %rem3A_135, %ne3A_136 : i32
      %lt3A_138 = arith.constant 0 : i32
      %lt3A_139 = arith.cmpi slt, %rem3A_135, %lt3A_138 : i32
      %lt3A_140 = arith.constant 0 : i32
      %lt3A_141 = arith.cmpi slt, %select_n3A_134, %lt3A_140 : i32
      %ne3A_142 = arith.xori %lt3A_139, %lt3A_141 : i1
      %and3A_143 = arith.andi %ne3A_142, %ne3A_137 : i1
      %add3A_144 = arith.addi %rem3A_135, %select_n3A_134 : i32
      %select_n3A_145 = arith.select %and3A_143, %add3A_144, %rem3A_135 : i32
      %eq3A_146 = arith.constant 3 : i32
      %eq3A_147 = arith.cmpi eq, %select_n3A_145, %eq3A_146 : i32
      %convert_element_type3A_148 = arith.extui %eq3A_147 : i1 to i32
      %cond3A_149 = arith.constant 0 : i32
      %cond3A_150 = arith.cmpi ne, %convert_element_type3A_148, %cond3A_149 : i32
      scf.if %cond3A_150 {
        %dma_wait3A_194 = arith.constant 0 : i32
        %dma_wait3A_195 = arith.constant 0 : i32
        %dma_wait3A_196 = tpu.memref_slice %arg5[%dma_wait3A_194, %dma_wait3A_195] : memref<2x80xi32, #tpu.memory_space<vmem>> -> memref<1x80xi32, #tpu.memory_space<vmem>>
        %dma_wait3A_197 = tpu.memref_squeeze %dma_wait3A_196 : memref<1x80xi32, #tpu.memory_space<vmem>> -> memref<80xi32, #tpu.memory_space<vmem>>
        %dma_wait3A_198 = arith.constant 0 : i32
        %dma_wait3A_199 = arith.constant 0 : i32
        %dma_wait3A_200 = tpu.memref_slice %arg2[%dma_wait3A_198, %dma_wait3A_199] : memref<10000x128xf32, #tpu.memory_space<hbm>> -> memref<10000x128xf32, #tpu.memory_space<hbm>>
        tpu.wait_indirect_dma semaphore(%arg12 : memref<!tpu.dma_semaphore, #tpu.memory_space<semaphore_mem>>) src(%dma_wait3A_200 : memref<10000x128xf32, #tpu.memory_space<hbm>>) dst(%arg9 : memref<80x128xf32, #tpu.memory_space<vmem>>)
        %ge3A = arith.constant 1 : i32
        %ge3A_201 = arith.cmpi sge, %scan3A_74, %ge3A : i32
        %convert_element_type3A_202 = arith.extui %ge3A_201 : i1 to i32
        %cond3A_203 = arith.constant 0 : i32
        %cond3A_204 = arith.cmpi ne, %convert_element_type3A_202, %cond3A_203 : i32
        scf.if %cond3A_204 {
          %dma_wait3A_229 = arith.constant 1 : i32
          %dma_wait3A_230 = arith.constant 0 : i32
          %dma_wait3A_231 = tpu.memref_slice %arg7[%dma_wait3A_229, %dma_wait3A_230] : memref<2x80xi32, #tpu.memory_space<vmem>> -> memref<1x80xi32, #tpu.memory_space<vmem>>
          %dma_wait3A_232 = tpu.memref_squeeze %dma_wait3A_231 : memref<1x80xi32, #tpu.memory_space<vmem>> -> memref<80xi32, #tpu.memory_space<vmem>>
          %dma_wait3A_233 = arith.constant 0 : i32
          %dma_wait3A_234 = arith.constant 0 : i32
          %dma_wait3A_235 = tpu.memref_slice %arg10[%dma_wait3A_233, %dma_wait3A_234] : memref<10240x128xf32, #tpu.memory_space<vmem_shared>> -> memref<10240x128xf32, #tpu.memory_space<vmem_shared>>
          tpu.wait_indirect_dma semaphore(%arg13 : memref<!tpu.dma_semaphore, #tpu.memory_space<semaphore_mem>>) src(%arg8 : memref<80x128xf32, #tpu.memory_space<vmem>>) dst(%dma_wait3A_235 : memref<10240x128xf32, #tpu.memory_space<vmem_shared>>)
        } else {
        }
        %ge3A_205 = arith.constant 1 : i32
        %ge3A_206 = arith.cmpi sge, %scan3A_74, %ge3A_205 : i32
        %add3A_207 = arith.constant 2 : i32
        %add3A_208 = arith.addi %scan3A_74, %add3A_207 : i32
        %lt3A_209 = arith.constant 125 : i32
        %lt3A_210 = arith.cmpi slt, %add3A_208, %lt3A_209 : i32
        %and3A_211 = arith.andi %ge3A_206, %lt3A_210 : i1
        %convert_element_type3A_212 = arith.extui %and3A_211 : i1 to i32
        %cond3A_213 = arith.constant 0 : i32
        %cond3A_214 = arith.cmpi ne, %convert_element_type3A_212, %cond3A_213 : i32
        scf.if %cond3A_214 {
          %add3A_229 = arith.constant 2 : i32
          %add3A_230 = arith.addi %scan3A_74, %add3A_229 : i32
          %dma_start3A_231 = arith.constant 0 : i32
          %dma_start3A_232 = arith.constant 0 : i32
          %dma_start3A_233 = tpu.memref_slice %arg3[%add3A, %add3A_230, %dma_start3A_231, %dma_start3A_232] : memref<32x125x2x80xi32, #tpu.memory_space<hbm>> -> memref<1x1x2x80xi32, #tpu.memory_space<hbm>>
          %dma_start3A_234 = tpu.memref_squeeze %dma_start3A_233 : memref<1x1x2x80xi32, #tpu.memory_space<hbm>> -> memref<2x80xi32, #tpu.memory_space<hbm>>
          %dma_start3A_235 = arith.constant 0 : i32
          %dma_start3A_236 = arith.constant 0 : i32
          %dma_start3A_237 = tpu.memref_slice %arg3[%add3A, %add3A_230, %dma_start3A_235, %dma_start3A_236] : memref<32x125x2x80xi32, #tpu.memory_space<hbm>> -> memref<1x1x2x80xi32, #tpu.memory_space<hbm>>
          %dma_start3A_238 = tpu.memref_squeeze %dma_start3A_237 : memref<1x1x2x80xi32, #tpu.memory_space<hbm>> -> memref<2x80xi32, #tpu.memory_space<hbm>>
          tpu.enqueue_dma source(%dma_start3A_238 : memref<2x80xi32, #tpu.memory_space<hbm>>) target(%arg7 : memref<2x80xi32, #tpu.memory_space<vmem>>) target_semaphore(%arg17 : memref<!tpu.dma_semaphore, #tpu.memory_space<semaphore_mem>>)
        } else {
        }
        %add3A_215 = arith.constant 1 : i32
        %add3A_216 = arith.addi %scan3A_74, %add3A_215 : i32
        %lt3A_217 = arith.constant 125 : i32
        %lt3A_218 = arith.cmpi slt, %add3A_216, %lt3A_217 : i32
        %convert_element_type3A_219 = arith.extui %lt3A_218 : i1 to i32
        %cond3A_220 = arith.constant 0 : i32
        %cond3A_221 = arith.cmpi ne, %convert_element_type3A_219, %cond3A_220 : i32
        scf.if %cond3A_221 {
          %dma_wait3A_229 = arith.constant 0 : i32
          %dma_wait3A_230 = arith.constant 0 : i32
          %dma_wait3A_231 = arith.constant 0 : i32
          %dma_wait3A_232 = tpu.memref_slice %arg3[%add3A, %dma_wait3A_229, %dma_wait3A_230, %dma_wait3A_231] : memref<32x125x2x80xi32, #tpu.memory_space<hbm>> -> memref<1x1x2x80xi32, #tpu.memory_space<hbm>>
          %dma_wait3A_233 = tpu.memref_squeeze %dma_wait3A_232 : memref<1x1x2x80xi32, #tpu.memory_space<hbm>> -> memref<2x80xi32, #tpu.memory_space<hbm>>
          %dma_wait3A_234 = arith.constant 0 : i32
          %dma_wait3A_235 = arith.constant 0 : i32
          %dma_wait3A_236 = tpu.memref_slice %arg3[%add3A, %dma_wait3A_229, %dma_wait3A_234, %dma_wait3A_235] : memref<32x125x2x80xi32, #tpu.memory_space<hbm>> -> memref<1x1x2x80xi32, #tpu.memory_space<hbm>>
          %dma_wait3A_237 = tpu.memref_squeeze %dma_wait3A_236 : memref<1x1x2x80xi32, #tpu.memory_space<hbm>> -> memref<2x80xi32, #tpu.memory_space<hbm>>
          tpu.wait_dma2 semaphore(%arg16 : memref<!tpu.dma_semaphore, #tpu.memory_space<semaphore_mem>>) src(%dma_wait3A_237 : memref<2x80xi32, #tpu.memory_space<hbm>>) dst(%arg6 : memref<2x80xi32, #tpu.memory_space<vmem>>)
          %dma_start3A_238 = arith.constant 0 : i32
          %dma_start3A_239 = arith.constant 0 : i32
          %dma_start3A_240 = tpu.memref_slice %arg6[%dma_start3A_238, %dma_start3A_239] : memref<2x80xi32, #tpu.memory_space<vmem>> -> memref<1x80xi32, #tpu.memory_space<vmem>>
          %dma_start3A_241 = tpu.memref_squeeze %dma_start3A_240 : memref<1x80xi32, #tpu.memory_space<vmem>> -> memref<80xi32, #tpu.memory_space<vmem>>
          %dma_start3A_242 = arith.constant 0 : i32
          %dma_start3A_243 = arith.constant 0 : i32
          %dma_start3A_244 = tpu.memref_slice %arg2[%dma_start3A_242, %dma_start3A_243] : memref<10000x128xf32, #tpu.memory_space<hbm>> -> memref<10000x128xf32, #tpu.memory_space<hbm>>
          tpu.enqueue_indirect_dma source(%dma_start3A_244 : memref<10000x128xf32, #tpu.memory_space<hbm>>) target(%arg8 : memref<80x128xf32, #tpu.memory_space<vmem>>) offsets(%dma_start3A_241 : memref<80xi32, #tpu.memory_space<vmem>>) semaphore(%arg11 : memref<!tpu.dma_semaphore, #tpu.memory_space<semaphore_mem>>)
        } else {
        }
        %dma_start3A_222 = arith.constant 1 : i32
        %dma_start3A_223 = arith.constant 0 : i32
        %dma_start3A_224 = tpu.memref_slice %arg5[%dma_start3A_222, %dma_start3A_223] : memref<2x80xi32, #tpu.memory_space<vmem>> -> memref<1x80xi32, #tpu.memory_space<vmem>>
        %dma_start3A_225 = tpu.memref_squeeze %dma_start3A_224 : memref<1x80xi32, #tpu.memory_space<vmem>> -> memref<80xi32, #tpu.memory_space<vmem>>
        %dma_start3A_226 = arith.constant 0 : i32
        %dma_start3A_227 = arith.constant 0 : i32
        %dma_start3A_228 = tpu.memref_slice %arg10[%dma_start3A_226, %dma_start3A_227] : memref<10240x128xf32, #tpu.memory_space<vmem_shared>> -> memref<10240x128xf32, #tpu.memory_space<vmem_shared>>
        tpu.enqueue_indirect_dma source(%arg9 : memref<80x128xf32, #tpu.memory_space<vmem>>) target(%dma_start3A_228 : memref<10240x128xf32, #tpu.memory_space<vmem_shared>>) offsets(%dma_start3A_225 : memref<80xi32, #tpu.memory_space<vmem>>) semaphore(%arg14 : memref<!tpu.dma_semaphore, #tpu.memory_space<semaphore_mem>>) {add = true}
      } else {
      }
      %jit3A_151 = arith.constant 6 : i32
      %eq3A_152 = arith.constant 0 : i32
      %eq3A_153 = arith.cmpi eq, %jit3A_151, %eq3A_152 : i32
      %jit3A_154 = arith.constant 1 : i32
      %select_n3A_155 = arith.select %eq3A_153, %jit3A_154, %jit3A_151 : i32
      %rem3A_156 = arith.remsi %scan3A_74, %select_n3A_155 : i32
      %ne3A_157 = arith.constant 0 : i32
      %ne3A_158 = arith.cmpi ne, %rem3A_156, %ne3A_157 : i32
      %lt3A_159 = arith.constant 0 : i32
      %lt3A_160 = arith.cmpi slt, %rem3A_156, %lt3A_159 : i32
      %lt3A_161 = arith.constant 0 : i32
      %lt3A_162 = arith.cmpi slt, %select_n3A_155, %lt3A_161 : i32
      %ne3A_163 = arith.xori %lt3A_160, %lt3A_162 : i1
      %and3A_164 = arith.andi %ne3A_163, %ne3A_158 : i1
      %add3A_165 = arith.addi %rem3A_156, %select_n3A_155 : i32
      %select_n3A_166 = arith.select %and3A_164, %add3A_165, %rem3A_156 : i32
      %eq3A_167 = arith.constant 4 : i32
      %eq3A_168 = arith.cmpi eq, %select_n3A_166, %eq3A_167 : i32
      %convert_element_type3A_169 = arith.extui %eq3A_168 : i1 to i32
      %cond3A_170 = arith.constant 0 : i32
      %cond3A_171 = arith.cmpi ne, %convert_element_type3A_169, %cond3A_170 : i32
      scf.if %cond3A_171 {
        %dma_wait3A_194 = arith.constant 0 : i32
        %dma_wait3A_195 = arith.constant 0 : i32
        %dma_wait3A_196 = tpu.memref_slice %arg6[%dma_wait3A_194, %dma_wait3A_195] : memref<2x80xi32, #tpu.memory_space<vmem>> -> memref<1x80xi32, #tpu.memory_space<vmem>>
        %dma_wait3A_197 = tpu.memref_squeeze %dma_wait3A_196 : memref<1x80xi32, #tpu.memory_space<vmem>> -> memref<80xi32, #tpu.memory_space<vmem>>
        %dma_wait3A_198 = arith.constant 0 : i32
        %dma_wait3A_199 = arith.constant 0 : i32
        %dma_wait3A_200 = tpu.memref_slice %arg2[%dma_wait3A_198, %dma_wait3A_199] : memref<10000x128xf32, #tpu.memory_space<hbm>> -> memref<10000x128xf32, #tpu.memory_space<hbm>>
        tpu.wait_indirect_dma semaphore(%arg11 : memref<!tpu.dma_semaphore, #tpu.memory_space<semaphore_mem>>) src(%dma_wait3A_200 : memref<10000x128xf32, #tpu.memory_space<hbm>>) dst(%arg8 : memref<80x128xf32, #tpu.memory_space<vmem>>)
        %ge3A = arith.constant 1 : i32
        %ge3A_201 = arith.cmpi sge, %scan3A_74, %ge3A : i32
        %convert_element_type3A_202 = arith.extui %ge3A_201 : i1 to i32
        %cond3A_203 = arith.constant 0 : i32
        %cond3A_204 = arith.cmpi ne, %convert_element_type3A_202, %cond3A_203 : i32
        scf.if %cond3A_204 {
          %dma_wait3A_229 = arith.constant 1 : i32
          %dma_wait3A_230 = arith.constant 0 : i32
          %dma_wait3A_231 = tpu.memref_slice %arg5[%dma_wait3A_229, %dma_wait3A_230] : memref<2x80xi32, #tpu.memory_space<vmem>> -> memref<1x80xi32, #tpu.memory_space<vmem>>
          %dma_wait3A_232 = tpu.memref_squeeze %dma_wait3A_231 : memref<1x80xi32, #tpu.memory_space<vmem>> -> memref<80xi32, #tpu.memory_space<vmem>>
          %dma_wait3A_233 = arith.constant 0 : i32
          %dma_wait3A_234 = arith.constant 0 : i32
          %dma_wait3A_235 = tpu.memref_slice %arg10[%dma_wait3A_233, %dma_wait3A_234] : memref<10240x128xf32, #tpu.memory_space<vmem_shared>> -> memref<10240x128xf32, #tpu.memory_space<vmem_shared>>
          tpu.wait_indirect_dma semaphore(%arg14 : memref<!tpu.dma_semaphore, #tpu.memory_space<semaphore_mem>>) src(%arg9 : memref<80x128xf32, #tpu.memory_space<vmem>>) dst(%dma_wait3A_235 : memref<10240x128xf32, #tpu.memory_space<vmem_shared>>)
        } else {
        }
        %ge3A_205 = arith.constant 1 : i32
        %ge3A_206 = arith.cmpi sge, %scan3A_74, %ge3A_205 : i32
        %add3A_207 = arith.constant 2 : i32
        %add3A_208 = arith.addi %scan3A_74, %add3A_207 : i32
        %lt3A_209 = arith.constant 125 : i32
        %lt3A_210 = arith.cmpi slt, %add3A_208, %lt3A_209 : i32
        %and3A_211 = arith.andi %ge3A_206, %lt3A_210 : i1
        %convert_element_type3A_212 = arith.extui %and3A_211 : i1 to i32
        %cond3A_213 = arith.constant 0 : i32
        %cond3A_214 = arith.cmpi ne, %convert_element_type3A_212, %cond3A_213 : i32
        scf.if %cond3A_214 {
          %add3A_229 = arith.constant 2 : i32
          %add3A_230 = arith.addi %scan3A_74, %add3A_229 : i32
          %dma_start3A_231 = arith.constant 0 : i32
          %dma_start3A_232 = arith.constant 0 : i32
          %dma_start3A_233 = tpu.memref_slice %arg3[%add3A, %add3A_230, %dma_start3A_231, %dma_start3A_232] : memref<32x125x2x80xi32, #tpu.memory_space<hbm>> -> memref<1x1x2x80xi32, #tpu.memory_space<hbm>>
          %dma_start3A_234 = tpu.memref_squeeze %dma_start3A_233 : memref<1x1x2x80xi32, #tpu.memory_space<hbm>> -> memref<2x80xi32, #tpu.memory_space<hbm>>
          %dma_start3A_235 = arith.constant 0 : i32
          %dma_start3A_236 = arith.constant 0 : i32
          %dma_start3A_237 = tpu.memref_slice %arg3[%add3A, %add3A_230, %dma_start3A_235, %dma_start3A_236] : memref<32x125x2x80xi32, #tpu.memory_space<hbm>> -> memref<1x1x2x80xi32, #tpu.memory_space<hbm>>
          %dma_start3A_238 = tpu.memref_squeeze %dma_start3A_237 : memref<1x1x2x80xi32, #tpu.memory_space<hbm>> -> memref<2x80xi32, #tpu.memory_space<hbm>>
          tpu.enqueue_dma source(%dma_start3A_238 : memref<2x80xi32, #tpu.memory_space<hbm>>) target(%arg5 : memref<2x80xi32, #tpu.memory_space<vmem>>) target_semaphore(%arg15 : memref<!tpu.dma_semaphore, #tpu.memory_space<semaphore_mem>>)
        } else {
        }
        %add3A_215 = arith.constant 1 : i32
        %add3A_216 = arith.addi %scan3A_74, %add3A_215 : i32
        %lt3A_217 = arith.constant 125 : i32
        %lt3A_218 = arith.cmpi slt, %add3A_216, %lt3A_217 : i32
        %convert_element_type3A_219 = arith.extui %lt3A_218 : i1 to i32
        %cond3A_220 = arith.constant 0 : i32
        %cond3A_221 = arith.cmpi ne, %convert_element_type3A_219, %cond3A_220 : i32
        scf.if %cond3A_221 {
          %dma_wait3A_229 = arith.constant 0 : i32
          %dma_wait3A_230 = arith.constant 0 : i32
          %dma_wait3A_231 = arith.constant 0 : i32
          %dma_wait3A_232 = tpu.memref_slice %arg3[%add3A, %dma_wait3A_229, %dma_wait3A_230, %dma_wait3A_231] : memref<32x125x2x80xi32, #tpu.memory_space<hbm>> -> memref<1x1x2x80xi32, #tpu.memory_space<hbm>>
          %dma_wait3A_233 = tpu.memref_squeeze %dma_wait3A_232 : memref<1x1x2x80xi32, #tpu.memory_space<hbm>> -> memref<2x80xi32, #tpu.memory_space<hbm>>
          %dma_wait3A_234 = arith.constant 0 : i32
          %dma_wait3A_235 = arith.constant 0 : i32
          %dma_wait3A_236 = tpu.memref_slice %arg3[%add3A, %dma_wait3A_229, %dma_wait3A_234, %dma_wait3A_235] : memref<32x125x2x80xi32, #tpu.memory_space<hbm>> -> memref<1x1x2x80xi32, #tpu.memory_space<hbm>>
          %dma_wait3A_237 = tpu.memref_squeeze %dma_wait3A_236 : memref<1x1x2x80xi32, #tpu.memory_space<hbm>> -> memref<2x80xi32, #tpu.memory_space<hbm>>
          tpu.wait_dma2 semaphore(%arg17 : memref<!tpu.dma_semaphore, #tpu.memory_space<semaphore_mem>>) src(%dma_wait3A_237 : memref<2x80xi32, #tpu.memory_space<hbm>>) dst(%arg7 : memref<2x80xi32, #tpu.memory_space<vmem>>)
          %dma_start3A_238 = arith.constant 0 : i32
          %dma_start3A_239 = arith.constant 0 : i32
          %dma_start3A_240 = tpu.memref_slice %arg7[%dma_start3A_238, %dma_start3A_239] : memref<2x80xi32, #tpu.memory_space<vmem>> -> memref<1x80xi32, #tpu.memory_space<vmem>>
          %dma_start3A_241 = tpu.memref_squeeze %dma_start3A_240 : memref<1x80xi32, #tpu.memory_space<vmem>> -> memref<80xi32, #tpu.memory_space<vmem>>
          %dma_start3A_242 = arith.constant 0 : i32
          %dma_start3A_243 = arith.constant 0 : i32
          %dma_start3A_244 = tpu.memref_slice %arg2[%dma_start3A_242, %dma_start3A_243] : memref<10000x128xf32, #tpu.memory_space<hbm>> -> memref<10000x128xf32, #tpu.memory_space<hbm>>
          tpu.enqueue_indirect_dma source(%dma_start3A_244 : memref<10000x128xf32, #tpu.memory_space<hbm>>) target(%arg9 : memref<80x128xf32, #tpu.memory_space<vmem>>) offsets(%dma_start3A_241 : memref<80xi32, #tpu.memory_space<vmem>>) semaphore(%arg12 : memref<!tpu.dma_semaphore, #tpu.memory_space<semaphore_mem>>)
        } else {
        }
        %dma_start3A_222 = arith.constant 1 : i32
        %dma_start3A_223 = arith.constant 0 : i32
        %dma_start3A_224 = tpu.memref_slice %arg6[%dma_start3A_222, %dma_start3A_223] : memref<2x80xi32, #tpu.memory_space<vmem>> -> memref<1x80xi32, #tpu.memory_space<vmem>>
        %dma_start3A_225 = tpu.memref_squeeze %dma_start3A_224 : memref<1x80xi32, #tpu.memory_space<vmem>> -> memref<80xi32, #tpu.memory_space<vmem>>
        %dma_start3A_226 = arith.constant 0 : i32
        %dma_start3A_227 = arith.constant 0 : i32
        %dma_start3A_228 = tpu.memref_slice %arg10[%dma_start3A_226, %dma_start3A_227] : memref<10240x128xf32, #tpu.memory_space<vmem_shared>> -> memref<10240x128xf32, #tpu.memory_space<vmem_shared>>
        tpu.enqueue_indirect_dma source(%arg8 : memref<80x128xf32, #tpu.memory_space<vmem>>) target(%dma_start3A_228 : memref<10240x128xf32, #tpu.memory_space<vmem_shared>>) offsets(%dma_start3A_225 : memref<80xi32, #tpu.memory_space<vmem>>) semaphore(%arg13 : memref<!tpu.dma_semaphore, #tpu.memory_space<semaphore_mem>>) {add = true}
      } else {
      }
      %jit3A_172 = arith.constant 6 : i32
      %eq3A_173 = arith.constant 0 : i32
      %eq3A_174 = arith.cmpi eq, %jit3A_172, %eq3A_173 : i32
      %jit3A_175 = arith.constant 1 : i32
      %select_n3A_176 = arith.select %eq3A_174, %jit3A_175, %jit3A_172 : i32
      %rem3A_177 = arith.remsi %scan3A_74, %select_n3A_176 : i32
      %ne3A_178 = arith.constant 0 : i32
      %ne3A_179 = arith.cmpi ne, %rem3A_177, %ne3A_178 : i32
      %lt3A_180 = arith.constant 0 : i32
      %lt3A_181 = arith.cmpi slt, %rem3A_177, %lt3A_180 : i32
      %lt3A_182 = arith.constant 0 : i32
      %lt3A_183 = arith.cmpi slt, %select_n3A_176, %lt3A_182 : i32
      %ne3A_184 = arith.xori %lt3A_181, %lt3A_183 : i1
      %and3A_185 = arith.andi %ne3A_184, %ne3A_179 : i1
      %add3A_186 = arith.addi %rem3A_177, %select_n3A_176 : i32
      %select_n3A_187 = arith.select %and3A_185, %add3A_186, %rem3A_177 : i32
      %eq3A_188 = arith.constant 5 : i32
      %eq3A_189 = arith.cmpi eq, %select_n3A_187, %eq3A_188 : i32
      %convert_element_type3A_190 = arith.extui %eq3A_189 : i1 to i32
      %cond3A_191 = arith.constant 0 : i32
      %cond3A_192 = arith.cmpi ne, %convert_element_type3A_190, %cond3A_191 : i32
      scf.if %cond3A_192 {
        %dma_wait3A_194 = arith.constant 0 : i32
        %dma_wait3A_195 = arith.constant 0 : i32
        %dma_wait3A_196 = tpu.memref_slice %arg7[%dma_wait3A_194, %dma_wait3A_195] : memref<2x80xi32, #tpu.memory_space<vmem>> -> memref<1x80xi32, #tpu.memory_space<vmem>>
        %dma_wait3A_197 = tpu.memref_squeeze %dma_wait3A_196 : memref<1x80xi32, #tpu.memory_space<vmem>> -> memref<80xi32, #tpu.memory_space<vmem>>
        %dma_wait3A_198 = arith.constant 0 : i32
        %dma_wait3A_199 = arith.constant 0 : i32
        %dma_wait3A_200 = tpu.memref_slice %arg2[%dma_wait3A_198, %dma_wait3A_199] : memref<10000x128xf32, #tpu.memory_space<hbm>> -> memref<10000x128xf32, #tpu.memory_space<hbm>>
        tpu.wait_indirect_dma semaphore(%arg12 : memref<!tpu.dma_semaphore, #tpu.memory_space<semaphore_mem>>) src(%dma_wait3A_200 : memref<10000x128xf32, #tpu.memory_space<hbm>>) dst(%arg9 : memref<80x128xf32, #tpu.memory_space<vmem>>)
        %ge3A = arith.constant 1 : i32
        %ge3A_201 = arith.cmpi sge, %scan3A_74, %ge3A : i32
        %convert_element_type3A_202 = arith.extui %ge3A_201 : i1 to i32
        %cond3A_203 = arith.constant 0 : i32
        %cond3A_204 = arith.cmpi ne, %convert_element_type3A_202, %cond3A_203 : i32
        scf.if %cond3A_204 {
          %dma_wait3A_229 = arith.constant 1 : i32
          %dma_wait3A_230 = arith.constant 0 : i32
          %dma_wait3A_231 = tpu.memref_slice %arg6[%dma_wait3A_229, %dma_wait3A_230] : memref<2x80xi32, #tpu.memory_space<vmem>> -> memref<1x80xi32, #tpu.memory_space<vmem>>
          %dma_wait3A_232 = tpu.memref_squeeze %dma_wait3A_231 : memref<1x80xi32, #tpu.memory_space<vmem>> -> memref<80xi32, #tpu.memory_space<vmem>>
          %dma_wait3A_233 = arith.constant 0 : i32
          %dma_wait3A_234 = arith.constant 0 : i32
          %dma_wait3A_235 = tpu.memref_slice %arg10[%dma_wait3A_233, %dma_wait3A_234] : memref<10240x128xf32, #tpu.memory_space<vmem_shared>> -> memref<10240x128xf32, #tpu.memory_space<vmem_shared>>
          tpu.wait_indirect_dma semaphore(%arg13 : memref<!tpu.dma_semaphore, #tpu.memory_space<semaphore_mem>>) src(%arg8 : memref<80x128xf32, #tpu.memory_space<vmem>>) dst(%dma_wait3A_235 : memref<10240x128xf32, #tpu.memory_space<vmem_shared>>)
        } else {
        }
        %ge3A_205 = arith.constant 1 : i32
        %ge3A_206 = arith.cmpi sge, %scan3A_74, %ge3A_205 : i32
        %add3A_207 = arith.constant 2 : i32
        %add3A_208 = arith.addi %scan3A_74, %add3A_207 : i32
        %lt3A_209 = arith.constant 125 : i32
        %lt3A_210 = arith.cmpi slt, %add3A_208, %lt3A_209 : i32
        %and3A_211 = arith.andi %ge3A_206, %lt3A_210 : i1
        %convert_element_type3A_212 = arith.extui %and3A_211 : i1 to i32
        %cond3A_213 = arith.constant 0 : i32
        %cond3A_214 = arith.cmpi ne, %convert_element_type3A_212, %cond3A_213 : i32
        scf.if %cond3A_214 {
          %add3A_229 = arith.constant 2 : i32
          %add3A_230 = arith.addi %scan3A_74, %add3A_229 : i32
          %dma_start3A_231 = arith.constant 0 : i32
          %dma_start3A_232 = arith.constant 0 : i32
          %dma_start3A_233 = tpu.memref_slice %arg3[%add3A, %add3A_230, %dma_start3A_231, %dma_start3A_232] : memref<32x125x2x80xi32, #tpu.memory_space<hbm>> -> memref<1x1x2x80xi32, #tpu.memory_space<hbm>>
          %dma_start3A_234 = tpu.memref_squeeze %dma_start3A_233 : memref<1x1x2x80xi32, #tpu.memory_space<hbm>> -> memref<2x80xi32, #tpu.memory_space<hbm>>
          %dma_start3A_235 = arith.constant 0 : i32
          %dma_start3A_236 = arith.constant 0 : i32
          %dma_start3A_237 = tpu.memref_slice %arg3[%add3A, %add3A_230, %dma_start3A_235, %dma_start3A_236] : memref<32x125x2x80xi32, #tpu.memory_space<hbm>> -> memref<1x1x2x80xi32, #tpu.memory_space<hbm>>
          %dma_start3A_238 = tpu.memref_squeeze %dma_start3A_237 : memref<1x1x2x80xi32, #tpu.memory_space<hbm>> -> memref<2x80xi32, #tpu.memory_space<hbm>>
          tpu.enqueue_dma source(%dma_start3A_238 : memref<2x80xi32, #tpu.memory_space<hbm>>) target(%arg6 : memref<2x80xi32, #tpu.memory_space<vmem>>) target_semaphore(%arg16 : memref<!tpu.dma_semaphore, #tpu.memory_space<semaphore_mem>>)
        } else {
        }
        %add3A_215 = arith.constant 1 : i32
        %add3A_216 = arith.addi %scan3A_74, %add3A_215 : i32
        %lt3A_217 = arith.constant 125 : i32
        %lt3A_218 = arith.cmpi slt, %add3A_216, %lt3A_217 : i32
        %convert_element_type3A_219 = arith.extui %lt3A_218 : i1 to i32
        %cond3A_220 = arith.constant 0 : i32
        %cond3A_221 = arith.cmpi ne, %convert_element_type3A_219, %cond3A_220 : i32
        scf.if %cond3A_221 {
          %dma_wait3A_229 = arith.constant 0 : i32
          %dma_wait3A_230 = arith.constant 0 : i32
          %dma_wait3A_231 = arith.constant 0 : i32
          %dma_wait3A_232 = tpu.memref_slice %arg3[%add3A, %dma_wait3A_229, %dma_wait3A_230, %dma_wait3A_231] : memref<32x125x2x80xi32, #tpu.memory_space<hbm>> -> memref<1x1x2x80xi32, #tpu.memory_space<hbm>>
          %dma_wait3A_233 = tpu.memref_squeeze %dma_wait3A_232 : memref<1x1x2x80xi32, #tpu.memory_space<hbm>> -> memref<2x80xi32, #tpu.memory_space<hbm>>
          %dma_wait3A_234 = arith.constant 0 : i32
          %dma_wait3A_235 = arith.constant 0 : i32
          %dma_wait3A_236 = tpu.memref_slice %arg3[%add3A, %dma_wait3A_229, %dma_wait3A_234, %dma_wait3A_235] : memref<32x125x2x80xi32, #tpu.memory_space<hbm>> -> memref<1x1x2x80xi32, #tpu.memory_space<hbm>>
          %dma_wait3A_237 = tpu.memref_squeeze %dma_wait3A_236 : memref<1x1x2x80xi32, #tpu.memory_space<hbm>> -> memref<2x80xi32, #tpu.memory_space<hbm>>
          tpu.wait_dma2 semaphore(%arg15 : memref<!tpu.dma_semaphore, #tpu.memory_space<semaphore_mem>>) src(%dma_wait3A_237 : memref<2x80xi32, #tpu.memory_space<hbm>>) dst(%arg5 : memref<2x80xi32, #tpu.memory_space<vmem>>)
          %dma_start3A_238 = arith.constant 0 : i32
          %dma_start3A_239 = arith.constant 0 : i32
          %dma_start3A_240 = tpu.memref_slice %arg5[%dma_start3A_238, %dma_start3A_239] : memref<2x80xi32, #tpu.memory_space<vmem>> -> memref<1x80xi32, #tpu.memory_space<vmem>>
          %dma_start3A_241 = tpu.memref_squeeze %dma_start3A_240 : memref<1x80xi32, #tpu.memory_space<vmem>> -> memref<80xi32, #tpu.memory_space<vmem>>
          %dma_start3A_242 = arith.constant 0 : i32
          %dma_start3A_243 = arith.constant 0 : i32
          %dma_start3A_244 = tpu.memref_slice %arg2[%dma_start3A_242, %dma_start3A_243] : memref<10000x128xf32, #tpu.memory_space<hbm>> -> memref<10000x128xf32, #tpu.memory_space<hbm>>
          tpu.enqueue_indirect_dma source(%dma_start3A_244 : memref<10000x128xf32, #tpu.memory_space<hbm>>) target(%arg8 : memref<80x128xf32, #tpu.memory_space<vmem>>) offsets(%dma_start3A_241 : memref<80xi32, #tpu.memory_space<vmem>>) semaphore(%arg11 : memref<!tpu.dma_semaphore, #tpu.memory_space<semaphore_mem>>)
        } else {
        }
        %dma_start3A_222 = arith.constant 1 : i32
        %dma_start3A_223 = arith.constant 0 : i32
        %dma_start3A_224 = tpu.memref_slice %arg7[%dma_start3A_222, %dma_start3A_223] : memref<2x80xi32, #tpu.memory_space<vmem>> -> memref<1x80xi32, #tpu.memory_space<vmem>>
        %dma_start3A_225 = tpu.memref_squeeze %dma_start3A_224 : memref<1x80xi32, #tpu.memory_space<vmem>> -> memref<80xi32, #tpu.memory_space<vmem>>
        %dma_start3A_226 = arith.constant 0 : i32
        %dma_start3A_227 = arith.constant 0 : i32
        %dma_start3A_228 = tpu.memref_slice %arg10[%dma_start3A_226, %dma_start3A_227] : memref<10240x128xf32, #tpu.memory_space<vmem_shared>> -> memref<10240x128xf32, #tpu.memory_space<vmem_shared>>
        tpu.enqueue_indirect_dma source(%arg9 : memref<80x128xf32, #tpu.memory_space<vmem>>) target(%dma_start3A_228 : memref<10240x128xf32, #tpu.memory_space<vmem_shared>>) offsets(%dma_start3A_225 : memref<80xi32, #tpu.memory_space<vmem>>) semaphore(%arg14 : memref<!tpu.dma_semaphore, #tpu.memory_space<semaphore_mem>>) {add = true}
      } else {
      }
      %scan3A_193 = arith.constant 0 : i32
      scf.yield %scan3A_193 : i32
    }
    %scan3A_61 = arith.constant 125 : i32
    %dma_wait3A_62 = arith.constant 1 : i32
    %dma_wait3A_63 = arith.constant 0 : i32
    %dma_wait3A_64 = tpu.memref_slice %arg6[%dma_wait3A_62, %dma_wait3A_63] : memref<2x80xi32, #tpu.memory_space<vmem>> -> memref<1x80xi32, #tpu.memory_space<vmem>>
    %dma_wait3A_65 = tpu.memref_squeeze %dma_wait3A_64 : memref<1x80xi32, #tpu.memory_space<vmem>> -> memref<80xi32, #tpu.memory_space<vmem>>
    %dma_wait3A_66 = arith.constant 0 : i32
    %dma_wait3A_67 = arith.constant 0 : i32
    %dma_wait3A_68 = tpu.memref_slice %arg10[%dma_wait3A_66, %dma_wait3A_67] : memref<10240x128xf32, #tpu.memory_space<vmem_shared>> -> memref<10240x128xf32, #tpu.memory_space<vmem_shared>>
    tpu.wait_indirect_dma semaphore(%arg13 : memref<!tpu.dma_semaphore, #tpu.memory_space<semaphore_mem>>) src(%arg8 : memref<80x128xf32, #tpu.memory_space<vmem>>) dst(%dma_wait3A_68 : memref<10240x128xf32, #tpu.memory_space<vmem_shared>>)
    %barrier3A_69 = arith.constant 0 : index
    tpu.barrier barrier_id(%barrier3A_69)
    %mul3A_70 = arith.constant 640 : i32
    %mul3A_71 = arith.muli %arg1, %mul3A_70 : i32
    %mul3A_72 = arith.constant 640 : i32
    %mul3A_73 = arith.muli %arg1, %mul3A_72 : i32
    "tpu.region"() ({
      %run_scoped3A = tpu.sem_alloc : memref<!tpu.dma_semaphore, #tpu.memory_space<semaphore_mem>>
      %dma_start3A_74 = arith.constant 0 : i32
      %dma_start3A_75 = tpu.memref_slice %arg4[%arg0, %mul3A_73, %dma_start3A_74] : memref<2x10240x128xf32, #tpu.memory_space<hbm>> -> memref<1x640x128xf32, #tpu.memory_space<hbm>>
      %dma_start3A_76 = tpu.memref_squeeze %dma_start3A_75 : memref<1x640x128xf32, #tpu.memory_space<hbm>> -> memref<640x128xf32, #tpu.memory_space<hbm>>
      %dma_start3A_77 = arith.constant 0 : i32
      %dma_start3A_78 = tpu.memref_slice %arg10[%mul3A_71, %dma_start3A_77] : memref<10240x128xf32, #tpu.memory_space<vmem_shared>> -> memref<640x128xf32, #tpu.memory_space<vmem_shared>>
      tpu.enqueue_dma source(%dma_start3A_78 : memref<640x128xf32, #tpu.memory_space<vmem_shared>>) target(%dma_start3A_76 : memref<640x128xf32, #tpu.memory_space<hbm>>) target_semaphore(%run_scoped3A : memref<!tpu.dma_semaphore, #tpu.memory_space<semaphore_mem>>)
      %dma_wait3A_79 = arith.constant 0 : i32
      %dma_wait3A_80 = tpu.memref_slice %arg4[%arg0, %mul3A_73, %dma_wait3A_79] : memref<2x10240x128xf32, #tpu.memory_space<hbm>> -> memref<1x640x128xf32, #tpu.memory_space<hbm>>
      %dma_wait3A_81 = tpu.memref_squeeze %dma_wait3A_80 : memref<1x640x128xf32, #tpu.memory_space<hbm>> -> memref<640x128xf32, #tpu.memory_space<hbm>>
      %dma_wait3A_82 = arith.constant 0 : i32
      %dma_wait3A_83 = tpu.memref_slice %arg10[%mul3A_71, %dma_wait3A_82] : memref<10240x128xf32, #tpu.memory_space<vmem_shared>> -> memref<640x128xf32, #tpu.memory_space<vmem_shared>>
      tpu.wait_dma2 semaphore(%run_scoped3A : memref<!tpu.dma_semaphore, #tpu.memory_space<semaphore_mem>>) src(%dma_wait3A_83 : memref<640x128xf32, #tpu.memory_space<vmem_shared>>) dst(%dma_wait3A_81 : memref<640x128xf32, #tpu.memory_space<hbm>>)
      tpu.yield
    }) : () -> ()
    return
  }
}

#map = affine_map<(d0, d1) -> (0, 0)>
#map1 = affine_map<(d0, d1) -> (0, 0, 0, 0)>
#map2 = affine_map<(d0, d1) -> (0, 0, 0)>
module attributes {stable_mosaic.version = 14 : i64} {
  func.func @k(%arg0: i32, %arg1: i32, %arg2: memref<10000x128xf32, #tpu.memory_space<hbm>>, %arg3: memref<32x125x2x80xi32, #tpu.memory_space<hbm>>, %arg4: memref<2x10240x128xf32, #tpu.memory_space<hbm>>, %arg5: memref<2x80xi32, #tpu.memory_space<vmem>>, %arg6: memref<2x80xi32, #tpu.memory_space<vmem>>, %arg7: memref<2x80xi32, #tpu.memory_space<vmem>>, %arg8: memref<80x128xf32, #tpu.memory_space<vmem>>, %arg9: memref<80x128xf32, #tpu.memory_space<vmem>>, %arg10: memref<10240x128xf32, #tpu.memory_space<vmem_shared>>, %arg11: memref<!tpu.dma_semaphore, #tpu.memory_space<semaphore_mem>>, %arg12: memref<!tpu.dma_semaphore, #tpu.memory_space<semaphore_mem>>, %arg13: memref<!tpu.dma_semaphore, #tpu.memory_space<semaphore_mem>>, %arg14: memref<!tpu.dma_semaphore, #tpu.memory_space<semaphore_mem>>, %arg15: memref<!tpu.dma_semaphore, #tpu.memory_space<semaphore_mem>>, %arg16: memref<!tpu.dma_semaphore, #tpu.memory_space<semaphore_mem>>, %arg17: memref<!tpu.dma_semaphore, #tpu.memory_space<semaphore_mem>>) attributes {dimension_semantics = [#tpu.dimension_semantics<core_parallel>, #tpu.dimension_semantics<subcore_parallel>], iteration_bounds = array<i64: 2, 16>, scalar_prefetch = 0 : i64, scratch_operands = 13 : i64, tpu.core_type = #tpu.core_type<sc_vector_subcore>, window_params = [{transform_indices = #map}, {transform_indices = #map1}, {transform_indices = #map2}]} {
    %mul3A = arith.constant 2 : i32
    %mul3A_0 = arith.muli %arg1, %mul3A : i32
    %add3A = arith.addi %mul3A_0, %arg0 : i32
    %scan3A = arith.constant 0 : i32
    %scan3A_1 = arith.constant 0 : i32
    %scan3A_2 = arith.constant 80 : i32
    %scan3A_3 = arith.addi %scan3A_1, %scan3A_2 : i32
    %scan3A_4 = arith.constant 1 : i32
    %scan3A_5 = scf.for %scan3A_74 = %scan3A_1 to %scan3A_3 step %scan3A_4 iter_args(%scan3A_75 = %scan3A) -> (i32)  : i32 {
      %scan3A_76 = arith.constant 0 : i32
      %scan3A_77 = arith.constant 0 : i32
      %scan3A_78 = arith.constant 8 : i32
      %scan3A_79 = arith.addi %scan3A_77, %scan3A_78 : i32
      %scan3A_80 = arith.constant 1 : i32
      %scan3A_81 = scf.for %scan3A_84 = %scan3A_77 to %scan3A_79 step %scan3A_80 iter_args(%scan3A_85 = %scan3A_76) -> (i32)  : i32 {
        %broadcast_in_dim3A = arith.constant 0.000000e+00 : f32
        %broadcast_in_dim3A_86 = vector.broadcast %broadcast_in_dim3A : f32 to vector<16xf32>
        %mul3A_87 = arith.constant 16 : i32
        %mul3A_88 = arith.muli %scan3A_84, %mul3A_87 : i32
        %swap3A = arith.index_cast %scan3A_74 : i32 to index
        %swap3A_89 = arith.index_cast %mul3A_88 : i32 to index
        %swap3A_90 = tpu.vector_load %arg8[%swap3A, %swap3A_89] {strides = array<i32>} : memref<80x128xf32, #tpu.memory_space<vmem>>, vector<1x16xf32>,
        %swap3A_91 = vector.shape_cast %swap3A_90 : vector<1x16xf32> to vector<16xf32>
        %swap3A_92 = vector.shape_cast %broadcast_in_dim3A_86 : vector<16xf32> to vector<1x16xf32>
        tpu.vector_store %arg8[%swap3A, %swap3A_89], %swap3A_92 {strides = array<i32>} : memref<80x128xf32, #tpu.memory_space<vmem>>, vector<1x16xf32>,
        %scan3A_93 = arith.constant 0 : i32
        scf.yield %scan3A_93 : i32
      }
      %scan3A_82 = arith.constant 8 : i32
      %scan3A_83 = arith.constant 0 : i32
      scf.yield %scan3A_83 : i32
    }
    %scan3A_6 = arith.constant 80 : i32
    %scan3A_7 = arith.constant 0 : i32
    %scan3A_8 = arith.constant 0 : i32
    %scan3A_9 = arith.constant 8 : i32
    %scan3A_10 = arith.addi %scan3A_8, %scan3A_9 : i32
    %scan3A_11 = arith.constant 1 : i32
    %scan3A_12 = scf.for %scan3A_74 = %scan3A_8 to %scan3A_10 step %scan3A_11 iter_args(%scan3A_75 = %scan3A_7) -> (i32)  : i32 {
      %mul3A_76 = arith.constant 640 : i32
      %mul3A_77 = arith.muli %arg1, %mul3A_76 : i32
      %mul3A_78 = arith.constant 80 : i32
      %mul3A_79 = arith.muli %scan3A_74, %mul3A_78 : i32
      %add3A_80 = arith.addi %mul3A_77, %mul3A_79 : i32
      "tpu.region"() ({
        %run_scoped3A = tpu.sem_alloc : memref<!tpu.dma_semaphore, #tpu.memory_space<semaphore_mem>>
        %dma_start3A_82 = arith.constant 0 : i32
        %dma_start3A_83 = tpu.memref_slice %arg10[%add3A_80, %dma_start3A_82] : memref<10240x128xf32, #tpu.memory_space<vmem_shared>> -> memref<80x128xf32, #tpu.memory_space<vmem_shared>>
        %dma_start3A_84 = arith.constant 0 : i32
        %dma_start3A_85 = tpu.memref_slice %arg10[%add3A_80, %dma_start3A_84] : memref<10240x128xf32, #tpu.memory_space<vmem_shared>> -> memref<80x128xf32, #tpu.memory_space<vmem_shared>>
        tpu.enqueue_dma source(%arg8 : memref<80x128xf32, #tpu.memory_space<vmem>>) target(%dma_start3A_85 : memref<80x128xf32, #tpu.memory_space<vmem_shared>>) target_semaphore(%run_scoped3A : memref<!tpu.dma_semaphore, #tpu.memory_space<semaphore_mem>>)
        %dma_wait3A_86 = arith.constant 0 : i32
        %dma_wait3A_87 = tpu.memref_slice %arg10[%add3A_80, %dma_wait3A_86] : memref<10240x128xf32, #tpu.memory_space<vmem_shared>> -> memref<80x128xf32, #tpu.memory_space<vmem_shared>>
        %dma_wait3A_88 = arith.constant 0 : i32
        %dma_wait3A_89 = tpu.memref_slice %arg10[%add3A_80, %dma_wait3A_88] : memref<10240x128xf32, #tpu.memory_space<vmem_shared>> -> memref<80x128xf32, #tpu.memory_space<vmem_shared>>
        tpu.wait_dma2 semaphore(%run_scoped3A : memref<!tpu.dma_semaphore, #tpu.memory_space<semaphore_mem>>) src(%arg8 : memref<80x128xf32, #tpu.memory_space<vmem>>) dst(%dma_wait3A_89 : memref<80x128xf32, #tpu.memory_space<vmem_shared>>)
        tpu.yield
      }) : () -> ()
      %scan3A_81 = arith.constant 0 : i32
      scf.yield %scan3A_81 : i32
    }
    %scan3A_13 = arith.constant 8 : i32
    %barrier3A = arith.constant 0 : index
    tpu.barrier barrier_id(%barrier3A)
    %dma_start3A = arith.constant 0 : i32
    %dma_start3A_14 = arith.constant 0 : i32
    %dma_start3A_15 = arith.constant 0 : i32
    %dma_start3A_16 = tpu.memref_slice %arg3[%add3A, %dma_start3A, %dma_start3A_14, %dma_start3A_15] : memref<32x125x2x80xi32, #tpu.memory_space<hbm>> -> memref<1x1x2x80xi32, #tpu.memory_space<hbm>>
    %dma_start3A_17 = tpu.memref_squeeze %dma_start3A_16 : memref<1x1x2x80xi32, #tpu.memory_space<hbm>> -> memref<2x80xi32, #tpu.memory_space<hbm>>
    %dma_start3A_18 = arith.constant 0 : i32
    %dma_start3A_19 = arith.constant 0 : i32
    %dma_start3A_20 = tpu.memref_slice %arg3[%add3A, %dma_start3A, %dma_start3A_18, %dma_start3A_19] : memref<32x125x2x80xi32, #tpu.memory_space<hbm>> -> memref<1x1x2x80xi32, #tpu.memory_space<hbm>>
    %dma_start3A_21 = tpu.memref_squeeze %dma_start3A_20 : memref<1x1x2x80xi32, #tpu.memory_space<hbm>> -> memref<2x80xi32, #tpu.memory_space<hbm>>
    tpu.enqueue_dma source(%dma_start3A_21 : memref<2x80xi32, #tpu.memory_space<hbm>>) target(%arg5 : memref<2x80xi32, #tpu.memory_space<vmem>>) target_semaphore(%arg15 : memref<!tpu.dma_semaphore, #tpu.memory_space<semaphore_mem>>)
    %dma_start3A_22 = arith.constant 1 : i32
    %dma_start3A_23 = arith.constant 0 : i32
    %dma_start3A_24 = arith.constant 0 : i32
    %dma_start3A_25 = tpu.memref_slice %arg3[%add3A, %dma_start3A_22, %dma_start3A_23, %dma_start3A_24] : memref<32x125x2x80xi32, #tpu.memory_space<hbm>> -> memref<1x1x2x80xi32, #tpu.memory_space<hbm>>
    %dma_start3A_26 = tpu.memref_squeeze %dma_start3A_25 : memref<1x1x2x80xi32, #tpu.memory_space<hbm>> -> memref<2x80xi32, #tpu.memory_space<hbm>>
    %dma_start3A_27 = arith.constant 0 : i32
    %dma_start3A_28 = arith.constant 0 : i32
    %dma_start3A_29 = tpu.memref_slice %arg3[%add3A, %dma_start3A_22, %dma_start3A_27, %dma_start3A_28] : memref<32x125x2x80xi32, #tpu.memory_space<hbm>> -> memref<1x1x2x80xi32, #tpu.memory_space<hbm>>
    %dma_start3A_30 = tpu.memref_squeeze %dma_start3A_29 : memref<1x1x2x80xi32, #tpu.memory_space<hbm>> -> memref<2x80xi32, #tpu.memory_space<hbm>>
    tpu.enqueue_dma source(%dma_start3A_30 : memref<2x80xi32, #tpu.memory_space<hbm>>) target(%arg6 : memref<2x80xi32, #tpu.memory_space<vmem>>) target_semaphore(%arg16 : memref<!tpu.dma_semaphore, #tpu.memory_space<semaphore_mem>>)
    %dma_start3A_31 = arith.constant 2 : i32
    %dma_start3A_32 = arith.constant 0 : i32
    %dma_start3A_33 = arith.constant 0 : i32
    %dma_start3A_34 = tpu.memref_slice %arg3[%add3A, %dma_start3A_31, %dma_start3A_32, %dma_start3A_33] : memref<32x125x2x80xi32, #tpu.memory_space<hbm>> -> memref<1x1x2x80xi32, #tpu.memory_space<hbm>>
    %dma_start3A_35 = tpu.memref_squeeze %dma_start3A_34 : memref<1x1x2x80xi32, #tpu.memory_space<hbm>> -> memref<2x80xi32, #tpu.memory_space<hbm>>
    %dma_start3A_36 = arith.constant 0 : i32
    %dma_start3A_37 = arith.constant 0 : i32
    %dma_start3A_38 = tpu.memref_slice %arg3[%add3A, %dma_start3A_31, %dma_start3A_36, %dma_start3A_37] : memref<32x125x2x80xi32, #tpu.memory_space<hbm>> -> memref<1x1x2x80xi32, #tpu.memory_space<hbm>>
    %dma_start3A_39 = tpu.memref_squeeze %dma_start3A_38 : memref<1x1x2x80xi32, #tpu.memory_space<hbm>> -> memref<2x80xi32, #tpu.memory_space<hbm>>
    tpu.enqueue_dma source(%dma_start3A_39 : memref<2x80xi32, #tpu.memory_space<hbm>>) target(%arg7 : memref<2x80xi32, #tpu.memory_space<vmem>>) target_semaphore(%arg17 : memref<!tpu.dma_semaphore, #tpu.memory_space<semaphore_mem>>)
    %dma_wait3A = arith.constant 0 : i32
    %dma_wait3A_40 = arith.constant 0 : i32
    %dma_wait3A_41 = arith.constant 0 : i32
    %dma_wait3A_42 = tpu.memref_slice %arg3[%add3A, %dma_wait3A, %dma_wait3A_40, %dma_wait3A_41] : memref<32x125x2x80xi32, #tpu.memory_space<hbm>> -> memref<1x1x2x80xi32, #tpu.memory_space<hbm>>
    %dma_wait3A_43 = tpu.memref_squeeze %dma_wait3A_42 : memref<1x1x2x80xi32, #tpu.memory_space<hbm>> -> memref<2x80xi32, #tpu.memory_space<hbm>>
    %dma_wait3A_44 = arith.constant 0 : i32
    %dma_wait3A_45 = arith.constant 0 : i32
    %dma_wait3A_46 = tpu.memref_slice %arg3[%add3A, %dma_wait3A, %dma_wait3A_44, %dma_wait3A_45] : memref<32x125x2x80xi32, #tpu.memory_space<hbm>> -> memref<1x1x2x80xi32, #tpu.memory_space<hbm>>
    %dma_wait3A_47 = tpu.memref_squeeze %dma_wait3A_46 : memref<1x1x2x80xi32, #tpu.memory_space<hbm>> -> memref<2x80xi32, #tpu.memory_space<hbm>>
    tpu.wait_dma2 semaphore(%arg15 : memref<!tpu.dma_semaphore, #tpu.memory_space<semaphore_mem>>) src(%dma_wait3A_47 : memref<2x80xi32, #tpu.memory_space<hbm>>) dst(%arg5 : memref<2x80xi32, #tpu.memory_space<vmem>>)
    %dma_start3A_48 = arith.constant 0 : i32
    %dma_start3A_49 = arith.constant 0 : i32
    %dma_start3A_50 = tpu.memref_slice %arg5[%dma_start3A_48, %dma_start3A_49] : memref<2x80xi32, #tpu.memory_space<vmem>> -> memref<1x80xi32, #tpu.memory_space<vmem>>
    %dma_start3A_51 = tpu.memref_squeeze %dma_start3A_50 : memref<1x80xi32, #tpu.memory_space<vmem>> -> memref<80xi32, #tpu.memory_space<vmem>>
    %dma_start3A_52 = arith.constant 0 : i32
    %dma_start3A_53 = arith.constant 0 : i32
    %dma_start3A_54 = tpu.memref_slice %arg2[%dma_start3A_52, %dma_start3A_53] : memref<10000x128xf32, #tpu.memory_space<hbm>> -> memref<10000x128xf32, #tpu.memory_space<hbm>>
    tpu.enqueue_indirect_dma source(%dma_start3A_54 : memref<10000x128xf32, #tpu.memory_space<hbm>>) target(%arg8 : memref<80x128xf32, #tpu.memory_space<vmem>>) offsets(%dma_start3A_51 : memref<80xi32, #tpu.memory_space<vmem>>) semaphore(%arg11 : memref<!tpu.dma_semaphore, #tpu.memory_space<semaphore_mem>>)
    %scan3A_55 = arith.constant 0 : i32
    %scan3A_56 = arith.constant 0 : i32
    %scan3A_57 = arith.constant 125 : i32
    %scan3A_58 = arith.addi %scan3A_56, %scan3A_57 : i32
    %scan3A_59 = arith.constant 1 : i32
    %scan3A_60 = scf.for %scan3A_74 = %scan3A_56 to %scan3A_58 step %scan3A_59 iter_args(%scan3A_75 = %scan3A_55) -> (i32)  : i32 {
      %jit3A = arith.constant 6 : i32
      %eq3A = arith.constant 0 : i32
      %eq3A_76 = arith.cmpi eq, %jit3A, %eq3A : i32
      %jit3A_77 = arith.constant 1 : i32
      %select_n3A = arith.select %eq3A_76, %jit3A_77, %jit3A : i32
      %rem3A = arith.remsi %scan3A_74, %select_n3A : i32
      %ne3A = arith.constant 0 : i32
      %ne3A_78 = arith.cmpi ne, %rem3A, %ne3A : i32
      %lt3A = arith.constant 0 : i32
      %lt3A_79 = arith.cmpi slt, %rem3A, %lt3A : i32
      %lt3A_80 = arith.constant 0 : i32
      %lt3A_81 = arith.cmpi slt, %select_n3A, %lt3A_80 : i32
      %ne3A_82 = arith.xori %lt3A_79, %lt3A_81 : i1
      %and3A = arith.andi %ne3A_82, %ne3A_78 : i1
      %add3A_83 = arith.addi %rem3A, %select_n3A : i32
      %select_n3A_84 = arith.select %and3A, %add3A_83, %rem3A : i32
      %eq3A_85 = arith.constant 0 : i32
      %eq3A_86 = arith.cmpi eq, %select_n3A_84, %eq3A_85 : i32
      %convert_element_type3A = arith.extui %eq3A_86 : i1 to i32
      %cond3A = arith.constant 0 : i32
      %cond3A_87 = arith.cmpi ne, %convert_element_type3A, %cond3A : i32
      scf.if %cond3A_87 {
        %dma_wait3A_194 = arith.constant 0 : i32
        %dma_wait3A_195 = arith.constant 0 : i32
        %dma_wait3A_196 = tpu.memref_slice %arg5[%dma_wait3A_194, %dma_wait3A_195] : memref<2x80xi32, #tpu.memory_space<vmem>> -> memref<1x80xi32, #tpu.memory_space<vmem>>
        %dma_wait3A_197 = tpu.memref_squeeze %dma_wait3A_196 : memref<1x80xi32, #tpu.memory_space<vmem>> -> memref<80xi32, #tpu.memory_space<vmem>>
        %dma_wait3A_198 = arith.constant 0 : i32
        %dma_wait3A_199 = arith.constant 0 : i32
        %dma_wait3A_200 = tpu.memref_slice %arg2[%dma_wait3A_198, %dma_wait3A_199] : memref<10000x128xf32, #tpu.memory_space<hbm>> -> memref<10000x128xf32, #tpu.memory_space<hbm>>
        tpu.wait_indirect_dma semaphore(%arg11 : memref<!tpu.dma_semaphore, #tpu.memory_space<semaphore_mem>>) src(%dma_wait3A_200 : memref<10000x128xf32, #tpu.memory_space<hbm>>) dst(%arg8 : memref<80x128xf32, #tpu.memory_space<vmem>>)
        %ge3A = arith.constant 1 : i32
        %ge3A_201 = arith.cmpi sge, %scan3A_74, %ge3A : i32
        %convert_element_type3A_202 = arith.extui %ge3A_201 : i1 to i32
        %cond3A_203 = arith.constant 0 : i32
        %cond3A_204 = arith.cmpi ne, %convert_element_type3A_202, %cond3A_203 : i32
        scf.if %cond3A_204 {
          %dma_wait3A_229 = arith.constant 1 : i32
          %dma_wait3A_230 = arith.constant 0 : i32
          %dma_wait3A_231 = tpu.memref_slice %arg7[%dma_wait3A_229, %dma_wait3A_230] : memref<2x80xi32, #tpu.memory_space<vmem>> -> memref<1x80xi32, #tpu.memory_space<vmem>>
          %dma_wait3A_232 = tpu.memref_squeeze %dma_wait3A_231 : memref<1x80xi32, #tpu.memory_space<vmem>> -> memref<80xi32, #tpu.memory_space<vmem>>
          %dma_wait3A_233 = arith.constant 0 : i32
          %dma_wait3A_234 = arith.constant 0 : i32
          %dma_wait3A_235 = tpu.memref_slice %arg10[%dma_wait3A_233, %dma_wait3A_234] : memref<10240x128xf32, #tpu.memory_space<vmem_shared>> -> memref<10240x128xf32, #tpu.memory_space<vmem_shared>>
          tpu.wait_indirect_dma semaphore(%arg14 : memref<!tpu.dma_semaphore, #tpu.memory_space<semaphore_mem>>) src(%arg9 : memref<80x128xf32, #tpu.memory_space<vmem>>) dst(%dma_wait3A_235 : memref<10240x128xf32, #tpu.memory_space<vmem_shared>>)
        } else {
        }
        %ge3A_205 = arith.constant 1 : i32
        %ge3A_206 = arith.cmpi sge, %scan3A_74, %ge3A_205 : i32
        %add3A_207 = arith.constant 2 : i32
        %add3A_208 = arith.addi %scan3A_74, %add3A_207 : i32
        %lt3A_209 = arith.constant 125 : i32
        %lt3A_210 = arith.cmpi slt, %add3A_208, %lt3A_209 : i32
        %and3A_211 = arith.andi %ge3A_206, %lt3A_210 : i1
        %convert_element_type3A_212 = arith.extui %and3A_211 : i1 to i32
        %cond3A_213 = arith.constant 0 : i32
        %cond3A_214 = arith.cmpi ne, %convert_element_type3A_212, %cond3A_213 : i32
        scf.if %cond3A_214 {
          %add3A_229 = arith.constant 2 : i32
          %add3A_230 = arith.addi %scan3A_74, %add3A_229 : i32
          %dma_start3A_231 = arith.constant 0 : i32
          %dma_start3A_232 = arith.constant 0 : i32
          %dma_start3A_233 = tpu.memref_slice %arg3[%add3A, %add3A_230, %dma_start3A_231, %dma_start3A_232] : memref<32x125x2x80xi32, #tpu.memory_space<hbm>> -> memref<1x1x2x80xi32, #tpu.memory_space<hbm>>
          %dma_start3A_234 = tpu.memref_squeeze %dma_start3A_233 : memref<1x1x2x80xi32, #tpu.memory_space<hbm>> -> memref<2x80xi32, #tpu.memory_space<hbm>>
          %dma_start3A_235 = arith.constant 0 : i32
          %dma_start3A_236 = arith.constant 0 : i32
          %dma_start3A_237 = tpu.memref_slice %arg3[%add3A, %add3A_230, %dma_start3A_235, %dma_start3A_236] : memref<32x125x2x80xi32, #tpu.memory_space<hbm>> -> memref<1x1x2x80xi32, #tpu.memory_space<hbm>>
          %dma_start3A_238 = tpu.memref_squeeze %dma_start3A_237 : memref<1x1x2x80xi32, #tpu.memory_space<hbm>> -> memref<2x80xi32, #tpu.memory_space<hbm>>
          tpu.enqueue_dma source(%dma_start3A_238 : memref<2x80xi32, #tpu.memory_space<hbm>>) target(%arg7 : memref<2x80xi32, #tpu.memory_space<vmem>>) target_semaphore(%arg17 : memref<!tpu.dma_semaphore, #tpu.memory_space<semaphore_mem>>)
        } else {
        }
        %add3A_215 = arith.constant 1 : i32
        %add3A_216 = arith.addi %scan3A_74, %add3A_215 : i32
        %lt3A_217 = arith.constant 125 : i32
        %lt3A_218 = arith.cmpi slt, %add3A_216, %lt3A_217 : i32
        %convert_element_type3A_219 = arith.extui %lt3A_218 : i1 to i32
        %cond3A_220 = arith.constant 0 : i32
        %cond3A_221 = arith.cmpi ne, %convert_element_type3A_219, %cond3A_220 : i32
        scf.if %cond3A_221 {
          %dma_wait3A_229 = arith.constant 0 : i32
          %dma_wait3A_230 = arith.constant 0 : i32
          %dma_wait3A_231 = arith.constant 0 : i32
          %dma_wait3A_232 = tpu.memref_slice %arg3[%add3A, %dma_wait3A_229, %dma_wait3A_230, %dma_wait3A_231] : memref<32x125x2x80xi32, #tpu.memory_space<hbm>> -> memref<1x1x2x80xi32, #tpu.memory_space<hbm>>
          %dma_wait3A_233 = tpu.memref_squeeze %dma_wait3A_232 : memref<1x1x2x80xi32, #tpu.memory_space<hbm>> -> memref<2x80xi32, #tpu.memory_space<hbm>>
          %dma_wait3A_234 = arith.constant 0 : i32
          %dma_wait3A_235 = arith.constant 0 : i32
          %dma_wait3A_236 = tpu.memref_slice %arg3[%add3A, %dma_wait3A_229, %dma_wait3A_234, %dma_wait3A_235] : memref<32x125x2x80xi32, #tpu.memory_space<hbm>> -> memref<1x1x2x80xi32, #tpu.memory_space<hbm>>
          %dma_wait3A_237 = tpu.memref_squeeze %dma_wait3A_236 : memref<1x1x2x80xi32, #tpu.memory_space<hbm>> -> memref<2x80xi32, #tpu.memory_space<hbm>>
          tpu.wait_dma2 semaphore(%arg16 : memref<!tpu.dma_semaphore, #tpu.memory_space<semaphore_mem>>) src(%dma_wait3A_237 : memref<2x80xi32, #tpu.memory_space<hbm>>) dst(%arg6 : memref<2x80xi32, #tpu.memory_space<vmem>>)
          %dma_start3A_238 = arith.constant 0 : i32
          %dma_start3A_239 = arith.constant 0 : i32
          %dma_start3A_240 = tpu.memref_slice %arg6[%dma_start3A_238, %dma_start3A_239] : memref<2x80xi32, #tpu.memory_space<vmem>> -> memref<1x80xi32, #tpu.memory_space<vmem>>
          %dma_start3A_241 = tpu.memref_squeeze %dma_start3A_240 : memref<1x80xi32, #tpu.memory_space<vmem>> -> memref<80xi32, #tpu.memory_space<vmem>>
          %dma_start3A_242 = arith.constant 0 : i32
          %dma_start3A_243 = arith.constant 0 : i32
          %dma_start3A_244 = tpu.memref_slice %arg2[%dma_start3A_242, %dma_start3A_243] : memref<10000x128xf32, #tpu.memory_space<hbm>> -> memref<10000x128xf32, #tpu.memory_space<hbm>>
          tpu.enqueue_indirect_dma source(%dma_start3A_244 : memref<10000x128xf32, #tpu.memory_space<hbm>>) target(%arg9 : memref<80x128xf32, #tpu.memory_space<vmem>>) offsets(%dma_start3A_241 : memref<80xi32, #tpu.memory_space<vmem>>) semaphore(%arg12 : memref<!tpu.dma_semaphore, #tpu.memory_space<semaphore_mem>>)
        } else {
        }
        %dma_start3A_222 = arith.constant 1 : i32
        %dma_start3A_223 = arith.constant 0 : i32
        %dma_start3A_224 = tpu.memref_slice %arg5[%dma_start3A_222, %dma_start3A_223] : memref<2x80xi32, #tpu.memory_space<vmem>> -> memref<1x80xi32, #tpu.memory_space<vmem>>
        %dma_start3A_225 = tpu.memref_squeeze %dma_start3A_224 : memref<1x80xi32, #tpu.memory_space<vmem>> -> memref<80xi32, #tpu.memory_space<vmem>>
        %dma_start3A_226 = arith.constant 0 : i32
        %dma_start3A_227 = arith.constant 0 : i32
        %dma_start3A_228 = tpu.memref_slice %arg10[%dma_start3A_226, %dma_start3A_227] : memref<10240x128xf32, #tpu.memory_space<vmem_shared>> -> memref<10240x128xf32, #tpu.memory_space<vmem_shared>>
        tpu.enqueue_indirect_dma source(%arg8 : memref<80x128xf32, #tpu.memory_space<vmem>>) target(%dma_start3A_228 : memref<10240x128xf32, #tpu.memory_space<vmem_shared>>) offsets(%dma_start3A_225 : memref<80xi32, #tpu.memory_space<vmem>>) semaphore(%arg13 : memref<!tpu.dma_semaphore, #tpu.memory_space<semaphore_mem>>) {add = true}
      } else {
      }
      %jit3A_88 = arith.constant 6 : i32
      %eq3A_89 = arith.constant 0 : i32
      %eq3A_90 = arith.cmpi eq, %jit3A_88, %eq3A_89 : i32
      %jit3A_91 = arith.constant 1 : i32
      %select_n3A_92 = arith.select %eq3A_90, %jit3A_91, %jit3A_88 : i32
      %rem3A_93 = arith.remsi %scan3A_74, %select_n3A_92 : i32
      %ne3A_94 = arith.constant 0 : i32
      %ne3A_95 = arith.cmpi ne, %rem3A_93, %ne3A_94 : i32
      %lt3A_96 = arith.constant 0 : i32
      %lt3A_97 = arith.cmpi slt, %rem3A_93, %lt3A_96 : i32
      %lt3A_98 = arith.constant 0 : i32
      %lt3A_99 = arith.cmpi slt, %select_n3A_92, %lt3A_98 : i32
      %ne3A_100 = arith.xori %lt3A_97, %lt3A_99 : i1
      %and3A_101 = arith.andi %ne3A_100, %ne3A_95 : i1
      %add3A_102 = arith.addi %rem3A_93, %select_n3A_92 : i32
      %select_n3A_103 = arith.select %and3A_101, %add3A_102, %rem3A_93 : i32
      %eq3A_104 = arith.constant 1 : i32
      %eq3A_105 = arith.cmpi eq, %select_n3A_103, %eq3A_104 : i32
      %convert_element_type3A_106 = arith.extui %eq3A_105 : i1 to i32
      %cond3A_107 = arith.constant 0 : i32
      %cond3A_108 = arith.cmpi ne, %convert_element_type3A_106, %cond3A_107 : i32
      scf.if %cond3A_108 {
        %dma_wait3A_194 = arith.constant 0 : i32
        %dma_wait3A_195 = arith.constant 0 : i32
        %dma_wait3A_196 = tpu.memref_slice %arg6[%dma_wait3A_194, %dma_wait3A_195] : memref<2x80xi32, #tpu.memory_space<vmem>> -> memref<1x80xi32, #tpu.memory_space<vmem>>
        %dma_wait3A_197 = tpu.memref_squeeze %dma_wait3A_196 : memref<1x80xi32, #tpu.memory_space<vmem>> -> memref<80xi32, #tpu.memory_space<vmem>>
        %dma_wait3A_198 = arith.constant 0 : i32
        %dma_wait3A_199 = arith.constant 0 : i32
        %dma_wait3A_200 = tpu.memref_slice %arg2[%dma_wait3A_198, %dma_wait3A_199] : memref<10000x128xf32, #tpu.memory_space<hbm>> -> memref<10000x128xf32, #tpu.memory_space<hbm>>
        tpu.wait_indirect_dma semaphore(%arg12 : memref<!tpu.dma_semaphore, #tpu.memory_space<semaphore_mem>>) src(%dma_wait3A_200 : memref<10000x128xf32, #tpu.memory_space<hbm>>) dst(%arg9 : memref<80x128xf32, #tpu.memory_space<vmem>>)
        %ge3A = arith.constant 1 : i32
        %ge3A_201 = arith.cmpi sge, %scan3A_74, %ge3A : i32
        %convert_element_type3A_202 = arith.extui %ge3A_201 : i1 to i32
        %cond3A_203 = arith.constant 0 : i32
        %cond3A_204 = arith.cmpi ne, %convert_element_type3A_202, %cond3A_203 : i32
        scf.if %cond3A_204 {
          %dma_wait3A_229 = arith.constant 1 : i32
          %dma_wait3A_230 = arith.constant 0 : i32
          %dma_wait3A_231 = tpu.memref_slice %arg5[%dma_wait3A_229, %dma_wait3A_230] : memref<2x80xi32, #tpu.memory_space<vmem>> -> memref<1x80xi32, #tpu.memory_space<vmem>>
          %dma_wait3A_232 = tpu.memref_squeeze %dma_wait3A_231 : memref<1x80xi32, #tpu.memory_space<vmem>> -> memref<80xi32, #tpu.memory_space<vmem>>
          %dma_wait3A_233 = arith.constant 0 : i32
          %dma_wait3A_234 = arith.constant 0 : i32
          %dma_wait3A_235 = tpu.memref_slice %arg10[%dma_wait3A_233, %dma_wait3A_234] : memref<10240x128xf32, #tpu.memory_space<vmem_shared>> -> memref<10240x128xf32, #tpu.memory_space<vmem_shared>>
          tpu.wait_indirect_dma semaphore(%arg13 : memref<!tpu.dma_semaphore, #tpu.memory_space<semaphore_mem>>) src(%arg8 : memref<80x128xf32, #tpu.memory_space<vmem>>) dst(%dma_wait3A_235 : memref<10240x128xf32, #tpu.memory_space<vmem_shared>>)
        } else {
        }
        %ge3A_205 = arith.constant 1 : i32
        %ge3A_206 = arith.cmpi sge, %scan3A_74, %ge3A_205 : i32
        %add3A_207 = arith.constant 2 : i32
        %add3A_208 = arith.addi %scan3A_74, %add3A_207 : i32
        %lt3A_209 = arith.constant 125 : i32
        %lt3A_210 = arith.cmpi slt, %add3A_208, %lt3A_209 : i32
        %and3A_211 = arith.andi %ge3A_206, %lt3A_210 : i1
        %convert_element_type3A_212 = arith.extui %and3A_211 : i1 to i32
        %cond3A_213 = arith.constant 0 : i32
        %cond3A_214 = arith.cmpi ne, %convert_element_type3A_212, %cond3A_213 : i32
        scf.if %cond3A_214 {
          %add3A_229 = arith.constant 2 : i32
          %add3A_230 = arith.addi %scan3A_74, %add3A_229 : i32
          %dma_start3A_231 = arith.constant 0 : i32
          %dma_start3A_232 = arith.constant 0 : i32
          %dma_start3A_233 = tpu.memref_slice %arg3[%add3A, %add3A_230, %dma_start3A_231, %dma_start3A_232] : memref<32x125x2x80xi32, #tpu.memory_space<hbm>> -> memref<1x1x2x80xi32, #tpu.memory_space<hbm>>
          %dma_start3A_234 = tpu.memref_squeeze %dma_start3A_233 : memref<1x1x2x80xi32, #tpu.memory_space<hbm>> -> memref<2x80xi32, #tpu.memory_space<hbm>>
          %dma_start3A_235 = arith.constant 0 : i32
          %dma_start3A_236 = arith.constant 0 : i32
          %dma_start3A_237 = tpu.memref_slice %arg3[%add3A, %add3A_230, %dma_start3A_235, %dma_start3A_236] : memref<32x125x2x80xi32, #tpu.memory_space<hbm>> -> memref<1x1x2x80xi32, #tpu.memory_space<hbm>>
          %dma_start3A_238 = tpu.memref_squeeze %dma_start3A_237 : memref<1x1x2x80xi32, #tpu.memory_space<hbm>> -> memref<2x80xi32, #tpu.memory_space<hbm>>
          tpu.enqueue_dma source(%dma_start3A_238 : memref<2x80xi32, #tpu.memory_space<hbm>>) target(%arg5 : memref<2x80xi32, #tpu.memory_space<vmem>>) target_semaphore(%arg15 : memref<!tpu.dma_semaphore, #tpu.memory_space<semaphore_mem>>)
        } else {
        }
        %add3A_215 = arith.constant 1 : i32
        %add3A_216 = arith.addi %scan3A_74, %add3A_215 : i32
        %lt3A_217 = arith.constant 125 : i32
        %lt3A_218 = arith.cmpi slt, %add3A_216, %lt3A_217 : i32
        %convert_element_type3A_219 = arith.extui %lt3A_218 : i1 to i32
        %cond3A_220 = arith.constant 0 : i32
        %cond3A_221 = arith.cmpi ne, %convert_element_type3A_219, %cond3A_220 : i32
        scf.if %cond3A_221 {
          %dma_wait3A_229 = arith.constant 0 : i32
          %dma_wait3A_230 = arith.constant 0 : i32
          %dma_wait3A_231 = arith.constant 0 : i32
          %dma_wait3A_232 = tpu.memref_slice %arg3[%add3A, %dma_wait3A_229, %dma_wait3A_230, %dma_wait3A_231] : memref<32x125x2x80xi32, #tpu.memory_space<hbm>> -> memref<1x1x2x80xi32, #tpu.memory_space<hbm>>
          %dma_wait3A_233 = tpu.memref_squeeze %dma_wait3A_232 : memref<1x1x2x80xi32, #tpu.memory_space<hbm>> -> memref<2x80xi32, #tpu.memory_space<hbm>>
          %dma_wait3A_234 = arith.constant 0 : i32
          %dma_wait3A_235 = arith.constant 0 : i32
          %dma_wait3A_236 = tpu.memref_slice %arg3[%add3A, %dma_wait3A_229, %dma_wait3A_234, %dma_wait3A_235] : memref<32x125x2x80xi32, #tpu.memory_space<hbm>> -> memref<1x1x2x80xi32, #tpu.memory_space<hbm>>
          %dma_wait3A_237 = tpu.memref_squeeze %dma_wait3A_236 : memref<1x1x2x80xi32, #tpu.memory_space<hbm>> -> memref<2x80xi32, #tpu.memory_space<hbm>>
          tpu.wait_dma2 semaphore(%arg17 : memref<!tpu.dma_semaphore, #tpu.memory_space<semaphore_mem>>) src(%dma_wait3A_237 : memref<2x80xi32, #tpu.memory_space<hbm>>) dst(%arg7 : memref<2x80xi32, #tpu.memory_space<vmem>>)
          %dma_start3A_238 = arith.constant 0 : i32
          %dma_start3A_239 = arith.constant 0 : i32
          %dma_start3A_240 = tpu.memref_slice %arg7[%dma_start3A_238, %dma_start3A_239] : memref<2x80xi32, #tpu.memory_space<vmem>> -> memref<1x80xi32, #tpu.memory_space<vmem>>
          %dma_start3A_241 = tpu.memref_squeeze %dma_start3A_240 : memref<1x80xi32, #tpu.memory_space<vmem>> -> memref<80xi32, #tpu.memory_space<vmem>>
          %dma_start3A_242 = arith.constant 0 : i32
          %dma_start3A_243 = arith.constant 0 : i32
          %dma_start3A_244 = tpu.memref_slice %arg2[%dma_start3A_242, %dma_start3A_243] : memref<10000x128xf32, #tpu.memory_space<hbm>> -> memref<10000x128xf32, #tpu.memory_space<hbm>>
          tpu.enqueue_indirect_dma source(%dma_start3A_244 : memref<10000x128xf32, #tpu.memory_space<hbm>>) target(%arg8 : memref<80x128xf32, #tpu.memory_space<vmem>>) offsets(%dma_start3A_241 : memref<80xi32, #tpu.memory_space<vmem>>) semaphore(%arg11 : memref<!tpu.dma_semaphore, #tpu.memory_space<semaphore_mem>>)
        } else {
        }
        %dma_start3A_222 = arith.constant 1 : i32
        %dma_start3A_223 = arith.constant 0 : i32
        %dma_start3A_224 = tpu.memref_slice %arg6[%dma_start3A_222, %dma_start3A_223] : memref<2x80xi32, #tpu.memory_space<vmem>> -> memref<1x80xi32, #tpu.memory_space<vmem>>
        %dma_start3A_225 = tpu.memref_squeeze %dma_start3A_224 : memref<1x80xi32, #tpu.memory_space<vmem>> -> memref<80xi32, #tpu.memory_space<vmem>>
        %dma_start3A_226 = arith.constant 0 : i32
        %dma_start3A_227 = arith.constant 0 : i32
        %dma_start3A_228 = tpu.memref_slice %arg10[%dma_start3A_226, %dma_start3A_227] : memref<10240x128xf32, #tpu.memory_space<vmem_shared>> -> memref<10240x128xf32, #tpu.memory_space<vmem_shared>>
        tpu.enqueue_indirect_dma source(%arg9 : memref<80x128xf32, #tpu.memory_space<vmem>>) target(%dma_start3A_228 : memref<10240x128xf32, #tpu.memory_space<vmem_shared>>) offsets(%dma_start3A_225 : memref<80xi32, #tpu.memory_space<vmem>>) semaphore(%arg14 : memref<!tpu.dma_semaphore, #tpu.memory_space<semaphore_mem>>) {add = true}
      } else {
      }
      %jit3A_109 = arith.constant 6 : i32
      %eq3A_110 = arith.constant 0 : i32
      %eq3A_111 = arith.cmpi eq, %jit3A_109, %eq3A_110 : i32
      %jit3A_112 = arith.constant 1 : i32
      %select_n3A_113 = arith.select %eq3A_111, %jit3A_112, %jit3A_109 : i32
      %rem3A_114 = arith.remsi %scan3A_74, %select_n3A_113 : i32
      %ne3A_115 = arith.constant 0 : i32
      %ne3A_116 = arith.cmpi ne, %rem3A_114, %ne3A_115 : i32
      %lt3A_117 = arith.constant 0 : i32
      %lt3A_118 = arith.cmpi slt, %rem3A_114, %lt3A_117 : i32
      %lt3A_119 = arith.constant 0 : i32
      %lt3A_120 = arith.cmpi slt, %select_n3A_113, %lt3A_119 : i32
      %ne3A_121 = arith.xori %lt3A_118, %lt3A_120 : i1
      %and3A_122 = arith.andi %ne3A_121, %ne3A_116 : i1
      %add3A_123 = arith.addi %rem3A_114, %select_n3A_113 : i32
      %select_n3A_124 = arith.select %and3A_122, %add3A_123, %rem3A_114 : i32
      %eq3A_125 = arith.constant 2 : i32
      %eq3A_126 = arith.cmpi eq, %select_n3A_124, %eq3A_125 : i32
      %convert_element_type3A_127 = arith.extui %eq3A_126 : i1 to i32
      %cond3A_128 = arith.constant 0 : i32
      %cond3A_129 = arith.cmpi ne, %convert_element_type3A_127, %cond3A_128 : i32
      scf.if %cond3A_129 {
        %dma_wait3A_194 = arith.constant 0 : i32
        %dma_wait3A_195 = arith.constant 0 : i32
        %dma_wait3A_196 = tpu.memref_slice %arg7[%dma_wait3A_194, %dma_wait3A_195] : memref<2x80xi32, #tpu.memory_space<vmem>> -> memref<1x80xi32, #tpu.memory_space<vmem>>
        %dma_wait3A_197 = tpu.memref_squeeze %dma_wait3A_196 : memref<1x80xi32, #tpu.memory_space<vmem>> -> memref<80xi32, #tpu.memory_space<vmem>>
        %dma_wait3A_198 = arith.constant 0 : i32
        %dma_wait3A_199 = arith.constant 0 : i32
        %dma_wait3A_200 = tpu.memref_slice %arg2[%dma_wait3A_198, %dma_wait3A_199] : memref<10000x128xf32, #tpu.memory_space<hbm>> -> memref<10000x128xf32, #tpu.memory_space<hbm>>
        tpu.wait_indirect_dma semaphore(%arg11 : memref<!tpu.dma_semaphore, #tpu.memory_space<semaphore_mem>>) src(%dma_wait3A_200 : memref<10000x128xf32, #tpu.memory_space<hbm>>) dst(%arg8 : memref<80x128xf32, #tpu.memory_space<vmem>>)
        %ge3A = arith.constant 1 : i32
        %ge3A_201 = arith.cmpi sge, %scan3A_74, %ge3A : i32
        %convert_element_type3A_202 = arith.extui %ge3A_201 : i1 to i32
        %cond3A_203 = arith.constant 0 : i32
        %cond3A_204 = arith.cmpi ne, %convert_element_type3A_202, %cond3A_203 : i32
        scf.if %cond3A_204 {
          %dma_wait3A_229 = arith.constant 1 : i32
          %dma_wait3A_230 = arith.constant 0 : i32
          %dma_wait3A_231 = tpu.memref_slice %arg6[%dma_wait3A_229, %dma_wait3A_230] : memref<2x80xi32, #tpu.memory_space<vmem>> -> memref<1x80xi32, #tpu.memory_space<vmem>>
          %dma_wait3A_232 = tpu.memref_squeeze %dma_wait3A_231 : memref<1x80xi32, #tpu.memory_space<vmem>> -> memref<80xi32, #tpu.memory_space<vmem>>
          %dma_wait3A_233 = arith.constant 0 : i32
          %dma_wait3A_234 = arith.constant 0 : i32
          %dma_wait3A_235 = tpu.memref_slice %arg10[%dma_wait3A_233, %dma_wait3A_234] : memref<10240x128xf32, #tpu.memory_space<vmem_shared>> -> memref<10240x128xf32, #tpu.memory_space<vmem_shared>>
          tpu.wait_indirect_dma semaphore(%arg14 : memref<!tpu.dma_semaphore, #tpu.memory_space<semaphore_mem>>) src(%arg9 : memref<80x128xf32, #tpu.memory_space<vmem>>) dst(%dma_wait3A_235 : memref<10240x128xf32, #tpu.memory_space<vmem_shared>>)
        } else {
        }
        %ge3A_205 = arith.constant 1 : i32
        %ge3A_206 = arith.cmpi sge, %scan3A_74, %ge3A_205 : i32
        %add3A_207 = arith.constant 2 : i32
        %add3A_208 = arith.addi %scan3A_74, %add3A_207 : i32
        %lt3A_209 = arith.constant 125 : i32
        %lt3A_210 = arith.cmpi slt, %add3A_208, %lt3A_209 : i32
        %and3A_211 = arith.andi %ge3A_206, %lt3A_210 : i1
        %convert_element_type3A_212 = arith.extui %and3A_211 : i1 to i32
        %cond3A_213 = arith.constant 0 : i32
        %cond3A_214 = arith.cmpi ne, %convert_element_type3A_212, %cond3A_213 : i32
        scf.if %cond3A_214 {
          %add3A_229 = arith.constant 2 : i32
          %add3A_230 = arith.addi %scan3A_74, %add3A_229 : i32
          %dma_start3A_231 = arith.constant 0 : i32
          %dma_start3A_232 = arith.constant 0 : i32
          %dma_start3A_233 = tpu.memref_slice %arg3[%add3A, %add3A_230, %dma_start3A_231, %dma_start3A_232] : memref<32x125x2x80xi32, #tpu.memory_space<hbm>> -> memref<1x1x2x80xi32, #tpu.memory_space<hbm>>
          %dma_start3A_234 = tpu.memref_squeeze %dma_start3A_233 : memref<1x1x2x80xi32, #tpu.memory_space<hbm>> -> memref<2x80xi32, #tpu.memory_space<hbm>>
          %dma_start3A_235 = arith.constant 0 : i32
          %dma_start3A_236 = arith.constant 0 : i32
          %dma_start3A_237 = tpu.memref_slice %arg3[%add3A, %add3A_230, %dma_start3A_235, %dma_start3A_236] : memref<32x125x2x80xi32, #tpu.memory_space<hbm>> -> memref<1x1x2x80xi32, #tpu.memory_space<hbm>>
          %dma_start3A_238 = tpu.memref_squeeze %dma_start3A_237 : memref<1x1x2x80xi32, #tpu.memory_space<hbm>> -> memref<2x80xi32, #tpu.memory_space<hbm>>
          tpu.enqueue_dma source(%dma_start3A_238 : memref<2x80xi32, #tpu.memory_space<hbm>>) target(%arg6 : memref<2x80xi32, #tpu.memory_space<vmem>>) target_semaphore(%arg16 : memref<!tpu.dma_semaphore, #tpu.memory_space<semaphore_mem>>)
        } else {
        }
        %add3A_215 = arith.constant 1 : i32
        %add3A_216 = arith.addi %scan3A_74, %add3A_215 : i32
        %lt3A_217 = arith.constant 125 : i32
        %lt3A_218 = arith.cmpi slt, %add3A_216, %lt3A_217 : i32
        %convert_element_type3A_219 = arith.extui %lt3A_218 : i1 to i32
        %cond3A_220 = arith.constant 0 : i32
        %cond3A_221 = arith.cmpi ne, %convert_element_type3A_219, %cond3A_220 : i32
        scf.if %cond3A_221 {
          %dma_wait3A_229 = arith.constant 0 : i32
          %dma_wait3A_230 = arith.constant 0 : i32
          %dma_wait3A_231 = arith.constant 0 : i32
          %dma_wait3A_232 = tpu.memref_slice %arg3[%add3A, %dma_wait3A_229, %dma_wait3A_230, %dma_wait3A_231] : memref<32x125x2x80xi32, #tpu.memory_space<hbm>> -> memref<1x1x2x80xi32, #tpu.memory_space<hbm>>
          %dma_wait3A_233 = tpu.memref_squeeze %dma_wait3A_232 : memref<1x1x2x80xi32, #tpu.memory_space<hbm>> -> memref<2x80xi32, #tpu.memory_space<hbm>>
          %dma_wait3A_234 = arith.constant 0 : i32
          %dma_wait3A_235 = arith.constant 0 : i32
          %dma_wait3A_236 = tpu.memref_slice %arg3[%add3A, %dma_wait3A_229, %dma_wait3A_234, %dma_wait3A_235] : memref<32x125x2x80xi32, #tpu.memory_space<hbm>> -> memref<1x1x2x80xi32, #tpu.memory_space<hbm>>
          %dma_wait3A_237 = tpu.memref_squeeze %dma_wait3A_236 : memref<1x1x2x80xi32, #tpu.memory_space<hbm>> -> memref<2x80xi32, #tpu.memory_space<hbm>>
          tpu.wait_dma2 semaphore(%arg15 : memref<!tpu.dma_semaphore, #tpu.memory_space<semaphore_mem>>) src(%dma_wait3A_237 : memref<2x80xi32, #tpu.memory_space<hbm>>) dst(%arg5 : memref<2x80xi32, #tpu.memory_space<vmem>>)
          %dma_start3A_238 = arith.constant 0 : i32
          %dma_start3A_239 = arith.constant 0 : i32
          %dma_start3A_240 = tpu.memref_slice %arg5[%dma_start3A_238, %dma_start3A_239] : memref<2x80xi32, #tpu.memory_space<vmem>> -> memref<1x80xi32, #tpu.memory_space<vmem>>
          %dma_start3A_241 = tpu.memref_squeeze %dma_start3A_240 : memref<1x80xi32, #tpu.memory_space<vmem>> -> memref<80xi32, #tpu.memory_space<vmem>>
          %dma_start3A_242 = arith.constant 0 : i32
          %dma_start3A_243 = arith.constant 0 : i32
          %dma_start3A_244 = tpu.memref_slice %arg2[%dma_start3A_242, %dma_start3A_243] : memref<10000x128xf32, #tpu.memory_space<hbm>> -> memref<10000x128xf32, #tpu.memory_space<hbm>>
          tpu.enqueue_indirect_dma source(%dma_start3A_244 : memref<10000x128xf32, #tpu.memory_space<hbm>>) target(%arg9 : memref<80x128xf32, #tpu.memory_space<vmem>>) offsets(%dma_start3A_241 : memref<80xi32, #tpu.memory_space<vmem>>) semaphore(%arg12 : memref<!tpu.dma_semaphore, #tpu.memory_space<semaphore_mem>>)
        } else {
        }
        %dma_start3A_222 = arith.constant 1 : i32
        %dma_start3A_223 = arith.constant 0 : i32
        %dma_start3A_224 = tpu.memref_slice %arg7[%dma_start3A_222, %dma_start3A_223] : memref<2x80xi32, #tpu.memory_space<vmem>> -> memref<1x80xi32, #tpu.memory_space<vmem>>
        %dma_start3A_225 = tpu.memref_squeeze %dma_start3A_224 : memref<1x80xi32, #tpu.memory_space<vmem>> -> memref<80xi32, #tpu.memory_space<vmem>>
        %dma_start3A_226 = arith.constant 0 : i32
        %dma_start3A_227 = arith.constant 0 : i32
        %dma_start3A_228 = tpu.memref_slice %arg10[%dma_start3A_226, %dma_start3A_227] : memref<10240x128xf32, #tpu.memory_space<vmem_shared>> -> memref<10240x128xf32, #tpu.memory_space<vmem_shared>>
        tpu.enqueue_indirect_dma source(%arg8 : memref<80x128xf32, #tpu.memory_space<vmem>>) target(%dma_start3A_228 : memref<10240x128xf32, #tpu.memory_space<vmem_shared>>) offsets(%dma_start3A_225 : memref<80xi32, #tpu.memory_space<vmem>>) semaphore(%arg13 : memref<!tpu.dma_semaphore, #tpu.memory_space<semaphore_mem>>) {add = true}
      } else {
      }
      %jit3A_130 = arith.constant 6 : i32
      %eq3A_131 = arith.constant 0 : i32
      %eq3A_132 = arith.cmpi eq, %jit3A_130, %eq3A_131 : i32
      %jit3A_133 = arith.constant 1 : i32
      %select_n3A_134 = arith.select %eq3A_132, %jit3A_133, %jit3A_130 : i32
      %rem3A_135 = arith.remsi %scan3A_74, %select_n3A_134 : i32
      %ne3A_136 = arith.constant 0 : i32
      %ne3A_137 = arith.cmpi ne, %rem3A_135, %ne3A_136 : i32
      %lt3A_138 = arith.constant 0 : i32
      %lt3A_139 = arith.cmpi slt, %rem3A_135, %lt3A_138 : i32
      %lt3A_140 = arith.constant 0 : i32
      %lt3A_141 = arith.cmpi slt, %select_n3A_134, %lt3A_140 : i32
      %ne3A_142 = arith.xori %lt3A_139, %lt3A_141 : i1
      %and3A_143 = arith.andi %ne3A_142, %ne3A_137 : i1
      %add3A_144 = arith.addi %rem3A_135, %select_n3A_134 : i32
      %select_n3A_145 = arith.select %and3A_143, %add3A_144, %rem3A_135 : i32
      %eq3A_146 = arith.constant 3 : i32
      %eq3A_147 = arith.cmpi eq, %select_n3A_145, %eq3A_146 : i32
      %convert_element_type3A_148 = arith.extui %eq3A_147 : i1 to i32
      %cond3A_149 = arith.constant 0 : i32
      %cond3A_150 = arith.cmpi ne, %convert_element_type3A_148, %cond3A_149 : i32
      scf.if %cond3A_150 {
        %dma_wait3A_194 = arith.constant 0 : i32
        %dma_wait3A_195 = arith.constant 0 : i32
        %dma_wait3A_196 = tpu.memref_slice %arg5[%dma_wait3A_194, %dma_wait3A_195] : memref<2x80xi32, #tpu.memory_space<vmem>> -> memref<1x80xi32, #tpu.memory_space<vmem>>
        %dma_wait3A_197 = tpu.memref_squeeze %dma_wait3A_196 : memref<1x80xi32, #tpu.memory_space<vmem>> -> memref<80xi32, #tpu.memory_space<vmem>>
        %dma_wait3A_198 = arith.constant 0 : i32
        %dma_wait3A_199 = arith.constant 0 : i32
        %dma_wait3A_200 = tpu.memref_slice %arg2[%dma_wait3A_198, %dma_wait3A_199] : memref<10000x128xf32, #tpu.memory_space<hbm>> -> memref<10000x128xf32, #tpu.memory_space<hbm>>
        tpu.wait_indirect_dma semaphore(%arg12 : memref<!tpu.dma_semaphore, #tpu.memory_space<semaphore_mem>>) src(%dma_wait3A_200 : memref<10000x128xf32, #tpu.memory_space<hbm>>) dst(%arg9 : memref<80x128xf32, #tpu.memory_space<vmem>>)
        %ge3A = arith.constant 1 : i32
        %ge3A_201 = arith.cmpi sge, %scan3A_74, %ge3A : i32
        %convert_element_type3A_202 = arith.extui %ge3A_201 : i1 to i32
        %cond3A_203 = arith.constant 0 : i32
        %cond3A_204 = arith.cmpi ne, %convert_element_type3A_202, %cond3A_203 : i32
        scf.if %cond3A_204 {
          %dma_wait3A_229 = arith.constant 1 : i32
          %dma_wait3A_230 = arith.constant 0 : i32
          %dma_wait3A_231 = tpu.memref_slice %arg7[%dma_wait3A_229, %dma_wait3A_230] : memref<2x80xi32, #tpu.memory_space<vmem>> -> memref<1x80xi32, #tpu.memory_space<vmem>>
          %dma_wait3A_232 = tpu.memref_squeeze %dma_wait3A_231 : memref<1x80xi32, #tpu.memory_space<vmem>> -> memref<80xi32, #tpu.memory_space<vmem>>
          %dma_wait3A_233 = arith.constant 0 : i32
          %dma_wait3A_234 = arith.constant 0 : i32
          %dma_wait3A_235 = tpu.memref_slice %arg10[%dma_wait3A_233, %dma_wait3A_234] : memref<10240x128xf32, #tpu.memory_space<vmem_shared>> -> memref<10240x128xf32, #tpu.memory_space<vmem_shared>>
          tpu.wait_indirect_dma semaphore(%arg13 : memref<!tpu.dma_semaphore, #tpu.memory_space<semaphore_mem>>) src(%arg8 : memref<80x128xf32, #tpu.memory_space<vmem>>) dst(%dma_wait3A_235 : memref<10240x128xf32, #tpu.memory_space<vmem_shared>>)
        } else {
        }
        %ge3A_205 = arith.constant 1 : i32
        %ge3A_206 = arith.cmpi sge, %scan3A_74, %ge3A_205 : i32
        %add3A_207 = arith.constant 2 : i32
        %add3A_208 = arith.addi %scan3A_74, %add3A_207 : i32
        %lt3A_209 = arith.constant 125 : i32
        %lt3A_210 = arith.cmpi slt, %add3A_208, %lt3A_209 : i32
        %and3A_211 = arith.andi %ge3A_206, %lt3A_210 : i1
        %convert_element_type3A_212 = arith.extui %and3A_211 : i1 to i32
        %cond3A_213 = arith.constant 0 : i32
        %cond3A_214 = arith.cmpi ne, %convert_element_type3A_212, %cond3A_213 : i32
        scf.if %cond3A_214 {
          %add3A_229 = arith.constant 2 : i32
          %add3A_230 = arith.addi %scan3A_74, %add3A_229 : i32
          %dma_start3A_231 = arith.constant 0 : i32
          %dma_start3A_232 = arith.constant 0 : i32
          %dma_start3A_233 = tpu.memref_slice %arg3[%add3A, %add3A_230, %dma_start3A_231, %dma_start3A_232] : memref<32x125x2x80xi32, #tpu.memory_space<hbm>> -> memref<1x1x2x80xi32, #tpu.memory_space<hbm>>
          %dma_start3A_234 = tpu.memref_squeeze %dma_start3A_233 : memref<1x1x2x80xi32, #tpu.memory_space<hbm>> -> memref<2x80xi32, #tpu.memory_space<hbm>>
          %dma_start3A_235 = arith.constant 0 : i32
          %dma_start3A_236 = arith.constant 0 : i32
          %dma_start3A_237 = tpu.memref_slice %arg3[%add3A, %add3A_230, %dma_start3A_235, %dma_start3A_236] : memref<32x125x2x80xi32, #tpu.memory_space<hbm>> -> memref<1x1x2x80xi32, #tpu.memory_space<hbm>>
          %dma_start3A_238 = tpu.memref_squeeze %dma_start3A_237 : memref<1x1x2x80xi32, #tpu.memory_space<hbm>> -> memref<2x80xi32, #tpu.memory_space<hbm>>
          tpu.enqueue_dma source(%dma_start3A_238 : memref<2x80xi32, #tpu.memory_space<hbm>>) target(%arg7 : memref<2x80xi32, #tpu.memory_space<vmem>>) target_semaphore(%arg17 : memref<!tpu.dma_semaphore, #tpu.memory_space<semaphore_mem>>)
        } else {
        }
        %add3A_215 = arith.constant 1 : i32
        %add3A_216 = arith.addi %scan3A_74, %add3A_215 : i32
        %lt3A_217 = arith.constant 125 : i32
        %lt3A_218 = arith.cmpi slt, %add3A_216, %lt3A_217 : i32
        %convert_element_type3A_219 = arith.extui %lt3A_218 : i1 to i32
        %cond3A_220 = arith.constant 0 : i32
        %cond3A_221 = arith.cmpi ne, %convert_element_type3A_219, %cond3A_220 : i32
        scf.if %cond3A_221 {
          %dma_wait3A_229 = arith.constant 0 : i32
          %dma_wait3A_230 = arith.constant 0 : i32
          %dma_wait3A_231 = arith.constant 0 : i32
          %dma_wait3A_232 = tpu.memref_slice %arg3[%add3A, %dma_wait3A_229, %dma_wait3A_230, %dma_wait3A_231] : memref<32x125x2x80xi32, #tpu.memory_space<hbm>> -> memref<1x1x2x80xi32, #tpu.memory_space<hbm>>
          %dma_wait3A_233 = tpu.memref_squeeze %dma_wait3A_232 : memref<1x1x2x80xi32, #tpu.memory_space<hbm>> -> memref<2x80xi32, #tpu.memory_space<hbm>>
          %dma_wait3A_234 = arith.constant 0 : i32
          %dma_wait3A_235 = arith.constant 0 : i32
          %dma_wait3A_236 = tpu.memref_slice %arg3[%add3A, %dma_wait3A_229, %dma_wait3A_234, %dma_wait3A_235] : memref<32x125x2x80xi32, #tpu.memory_space<hbm>> -> memref<1x1x2x80xi32, #tpu.memory_space<hbm>>
          %dma_wait3A_237 = tpu.memref_squeeze %dma_wait3A_236 : memref<1x1x2x80xi32, #tpu.memory_space<hbm>> -> memref<2x80xi32, #tpu.memory_space<hbm>>
          tpu.wait_dma2 semaphore(%arg16 : memref<!tpu.dma_semaphore, #tpu.memory_space<semaphore_mem>>) src(%dma_wait3A_237 : memref<2x80xi32, #tpu.memory_space<hbm>>) dst(%arg6 : memref<2x80xi32, #tpu.memory_space<vmem>>)
          %dma_start3A_238 = arith.constant 0 : i32
          %dma_start3A_239 = arith.constant 0 : i32
          %dma_start3A_240 = tpu.memref_slice %arg6[%dma_start3A_238, %dma_start3A_239] : memref<2x80xi32, #tpu.memory_space<vmem>> -> memref<1x80xi32, #tpu.memory_space<vmem>>
          %dma_start3A_241 = tpu.memref_squeeze %dma_start3A_240 : memref<1x80xi32, #tpu.memory_space<vmem>> -> memref<80xi32, #tpu.memory_space<vmem>>
          %dma_start3A_242 = arith.constant 0 : i32
          %dma_start3A_243 = arith.constant 0 : i32
          %dma_start3A_244 = tpu.memref_slice %arg2[%dma_start3A_242, %dma_start3A_243] : memref<10000x128xf32, #tpu.memory_space<hbm>> -> memref<10000x128xf32, #tpu.memory_space<hbm>>
          tpu.enqueue_indirect_dma source(%dma_start3A_244 : memref<10000x128xf32, #tpu.memory_space<hbm>>) target(%arg8 : memref<80x128xf32, #tpu.memory_space<vmem>>) offsets(%dma_start3A_241 : memref<80xi32, #tpu.memory_space<vmem>>) semaphore(%arg11 : memref<!tpu.dma_semaphore, #tpu.memory_space<semaphore_mem>>)
        } else {
        }
        %dma_start3A_222 = arith.constant 1 : i32
        %dma_start3A_223 = arith.constant 0 : i32
        %dma_start3A_224 = tpu.memref_slice %arg5[%dma_start3A_222, %dma_start3A_223] : memref<2x80xi32, #tpu.memory_space<vmem>> -> memref<1x80xi32, #tpu.memory_space<vmem>>
        %dma_start3A_225 = tpu.memref_squeeze %dma_start3A_224 : memref<1x80xi32, #tpu.memory_space<vmem>> -> memref<80xi32, #tpu.memory_space<vmem>>
        %dma_start3A_226 = arith.constant 0 : i32
        %dma_start3A_227 = arith.constant 0 : i32
        %dma_start3A_228 = tpu.memref_slice %arg10[%dma_start3A_226, %dma_start3A_227] : memref<10240x128xf32, #tpu.memory_space<vmem_shared>> -> memref<10240x128xf32, #tpu.memory_space<vmem_shared>>
        tpu.enqueue_indirect_dma source(%arg9 : memref<80x128xf32, #tpu.memory_space<vmem>>) target(%dma_start3A_228 : memref<10240x128xf32, #tpu.memory_space<vmem_shared>>) offsets(%dma_start3A_225 : memref<80xi32, #tpu.memory_space<vmem>>) semaphore(%arg14 : memref<!tpu.dma_semaphore, #tpu.memory_space<semaphore_mem>>) {add = true}
      } else {
      }
      %jit3A_151 = arith.constant 6 : i32
      %eq3A_152 = arith.constant 0 : i32
      %eq3A_153 = arith.cmpi eq, %jit3A_151, %eq3A_152 : i32
      %jit3A_154 = arith.constant 1 : i32
      %select_n3A_155 = arith.select %eq3A_153, %jit3A_154, %jit3A_151 : i32
      %rem3A_156 = arith.remsi %scan3A_74, %select_n3A_155 : i32
      %ne3A_157 = arith.constant 0 : i32
      %ne3A_158 = arith.cmpi ne, %rem3A_156, %ne3A_157 : i32
      %lt3A_159 = arith.constant 0 : i32
      %lt3A_160 = arith.cmpi slt, %rem3A_156, %lt3A_159 : i32
      %lt3A_161 = arith.constant 0 : i32
      %lt3A_162 = arith.cmpi slt, %select_n3A_155, %lt3A_161 : i32
      %ne3A_163 = arith.xori %lt3A_160, %lt3A_162 : i1
      %and3A_164 = arith.andi %ne3A_163, %ne3A_158 : i1
      %add3A_165 = arith.addi %rem3A_156, %select_n3A_155 : i32
      %select_n3A_166 = arith.select %and3A_164, %add3A_165, %rem3A_156 : i32
      %eq3A_167 = arith.constant 4 : i32
      %eq3A_168 = arith.cmpi eq, %select_n3A_166, %eq3A_167 : i32
      %convert_element_type3A_169 = arith.extui %eq3A_168 : i1 to i32
      %cond3A_170 = arith.constant 0 : i32
      %cond3A_171 = arith.cmpi ne, %convert_element_type3A_169, %cond3A_170 : i32
      scf.if %cond3A_171 {
        %dma_wait3A_194 = arith.constant 0 : i32
        %dma_wait3A_195 = arith.constant 0 : i32
        %dma_wait3A_196 = tpu.memref_slice %arg6[%dma_wait3A_194, %dma_wait3A_195] : memref<2x80xi32, #tpu.memory_space<vmem>> -> memref<1x80xi32, #tpu.memory_space<vmem>>
        %dma_wait3A_197 = tpu.memref_squeeze %dma_wait3A_196 : memref<1x80xi32, #tpu.memory_space<vmem>> -> memref<80xi32, #tpu.memory_space<vmem>>
        %dma_wait3A_198 = arith.constant 0 : i32
        %dma_wait3A_199 = arith.constant 0 : i32
        %dma_wait3A_200 = tpu.memref_slice %arg2[%dma_wait3A_198, %dma_wait3A_199] : memref<10000x128xf32, #tpu.memory_space<hbm>> -> memref<10000x128xf32, #tpu.memory_space<hbm>>
        tpu.wait_indirect_dma semaphore(%arg11 : memref<!tpu.dma_semaphore, #tpu.memory_space<semaphore_mem>>) src(%dma_wait3A_200 : memref<10000x128xf32, #tpu.memory_space<hbm>>) dst(%arg8 : memref<80x128xf32, #tpu.memory_space<vmem>>)
        %ge3A = arith.constant 1 : i32
        %ge3A_201 = arith.cmpi sge, %scan3A_74, %ge3A : i32
        %convert_element_type3A_202 = arith.extui %ge3A_201 : i1 to i32
        %cond3A_203 = arith.constant 0 : i32
        %cond3A_204 = arith.cmpi ne, %convert_element_type3A_202, %cond3A_203 : i32
        scf.if %cond3A_204 {
          %dma_wait3A_229 = arith.constant 1 : i32
          %dma_wait3A_230 = arith.constant 0 : i32
          %dma_wait3A_231 = tpu.memref_slice %arg5[%dma_wait3A_229, %dma_wait3A_230] : memref<2x80xi32, #tpu.memory_space<vmem>> -> memref<1x80xi32, #tpu.memory_space<vmem>>
          %dma_wait3A_232 = tpu.memref_squeeze %dma_wait3A_231 : memref<1x80xi32, #tpu.memory_space<vmem>> -> memref<80xi32, #tpu.memory_space<vmem>>
          %dma_wait3A_233 = arith.constant 0 : i32
          %dma_wait3A_234 = arith.constant 0 : i32
          %dma_wait3A_235 = tpu.memref_slice %arg10[%dma_wait3A_233, %dma_wait3A_234] : memref<10240x128xf32, #tpu.memory_space<vmem_shared>> -> memref<10240x128xf32, #tpu.memory_space<vmem_shared>>
          tpu.wait_indirect_dma semaphore(%arg14 : memref<!tpu.dma_semaphore, #tpu.memory_space<semaphore_mem>>) src(%arg9 : memref<80x128xf32, #tpu.memory_space<vmem>>) dst(%dma_wait3A_235 : memref<10240x128xf32, #tpu.memory_space<vmem_shared>>)
        } else {
        }
        %ge3A_205 = arith.constant 1 : i32
        %ge3A_206 = arith.cmpi sge, %scan3A_74, %ge3A_205 : i32
        %add3A_207 = arith.constant 2 : i32
        %add3A_208 = arith.addi %scan3A_74, %add3A_207 : i32
        %lt3A_209 = arith.constant 125 : i32
        %lt3A_210 = arith.cmpi slt, %add3A_208, %lt3A_209 : i32
        %and3A_211 = arith.andi %ge3A_206, %lt3A_210 : i1
        %convert_element_type3A_212 = arith.extui %and3A_211 : i1 to i32
        %cond3A_213 = arith.constant 0 : i32
        %cond3A_214 = arith.cmpi ne, %convert_element_type3A_212, %cond3A_213 : i32
        scf.if %cond3A_214 {
          %add3A_229 = arith.constant 2 : i32
          %add3A_230 = arith.addi %scan3A_74, %add3A_229 : i32
          %dma_start3A_231 = arith.constant 0 : i32
          %dma_start3A_232 = arith.constant 0 : i32
          %dma_start3A_233 = tpu.memref_slice %arg3[%add3A, %add3A_230, %dma_start3A_231, %dma_start3A_232] : memref<32x125x2x80xi32, #tpu.memory_space<hbm>> -> memref<1x1x2x80xi32, #tpu.memory_space<hbm>>
          %dma_start3A_234 = tpu.memref_squeeze %dma_start3A_233 : memref<1x1x2x80xi32, #tpu.memory_space<hbm>> -> memref<2x80xi32, #tpu.memory_space<hbm>>
          %dma_start3A_235 = arith.constant 0 : i32
          %dma_start3A_236 = arith.constant 0 : i32
          %dma_start3A_237 = tpu.memref_slice %arg3[%add3A, %add3A_230, %dma_start3A_235, %dma_start3A_236] : memref<32x125x2x80xi32, #tpu.memory_space<hbm>> -> memref<1x1x2x80xi32, #tpu.memory_space<hbm>>
          %dma_start3A_238 = tpu.memref_squeeze %dma_start3A_237 : memref<1x1x2x80xi32, #tpu.memory_space<hbm>> -> memref<2x80xi32, #tpu.memory_space<hbm>>
          tpu.enqueue_dma source(%dma_start3A_238 : memref<2x80xi32, #tpu.memory_space<hbm>>) target(%arg5 : memref<2x80xi32, #tpu.memory_space<vmem>>) target_semaphore(%arg15 : memref<!tpu.dma_semaphore, #tpu.memory_space<semaphore_mem>>)
        } else {
        }
        %add3A_215 = arith.constant 1 : i32
        %add3A_216 = arith.addi %scan3A_74, %add3A_215 : i32
        %lt3A_217 = arith.constant 125 : i32
        %lt3A_218 = arith.cmpi slt, %add3A_216, %lt3A_217 : i32
        %convert_element_type3A_219 = arith.extui %lt3A_218 : i1 to i32
        %cond3A_220 = arith.constant 0 : i32
        %cond3A_221 = arith.cmpi ne, %convert_element_type3A_219, %cond3A_220 : i32
        scf.if %cond3A_221 {
          %dma_wait3A_229 = arith.constant 0 : i32
          %dma_wait3A_230 = arith.constant 0 : i32
          %dma_wait3A_231 = arith.constant 0 : i32
          %dma_wait3A_232 = tpu.memref_slice %arg3[%add3A, %dma_wait3A_229, %dma_wait3A_230, %dma_wait3A_231] : memref<32x125x2x80xi32, #tpu.memory_space<hbm>> -> memref<1x1x2x80xi32, #tpu.memory_space<hbm>>
          %dma_wait3A_233 = tpu.memref_squeeze %dma_wait3A_232 : memref<1x1x2x80xi32, #tpu.memory_space<hbm>> -> memref<2x80xi32, #tpu.memory_space<hbm>>
          %dma_wait3A_234 = arith.constant 0 : i32
          %dma_wait3A_235 = arith.constant 0 : i32
          %dma_wait3A_236 = tpu.memref_slice %arg3[%add3A, %dma_wait3A_229, %dma_wait3A_234, %dma_wait3A_235] : memref<32x125x2x80xi32, #tpu.memory_space<hbm>> -> memref<1x1x2x80xi32, #tpu.memory_space<hbm>>
          %dma_wait3A_237 = tpu.memref_squeeze %dma_wait3A_236 : memref<1x1x2x80xi32, #tpu.memory_space<hbm>> -> memref<2x80xi32, #tpu.memory_space<hbm>>
          tpu.wait_dma2 semaphore(%arg17 : memref<!tpu.dma_semaphore, #tpu.memory_space<semaphore_mem>>) src(%dma_wait3A_237 : memref<2x80xi32, #tpu.memory_space<hbm>>) dst(%arg7 : memref<2x80xi32, #tpu.memory_space<vmem>>)
          %dma_start3A_238 = arith.constant 0 : i32
          %dma_start3A_239 = arith.constant 0 : i32
          %dma_start3A_240 = tpu.memref_slice %arg7[%dma_start3A_238, %dma_start3A_239] : memref<2x80xi32, #tpu.memory_space<vmem>> -> memref<1x80xi32, #tpu.memory_space<vmem>>
          %dma_start3A_241 = tpu.memref_squeeze %dma_start3A_240 : memref<1x80xi32, #tpu.memory_space<vmem>> -> memref<80xi32, #tpu.memory_space<vmem>>
          %dma_start3A_242 = arith.constant 0 : i32
          %dma_start3A_243 = arith.constant 0 : i32
          %dma_start3A_244 = tpu.memref_slice %arg2[%dma_start3A_242, %dma_start3A_243] : memref<10000x128xf32, #tpu.memory_space<hbm>> -> memref<10000x128xf32, #tpu.memory_space<hbm>>
          tpu.enqueue_indirect_dma source(%dma_start3A_244 : memref<10000x128xf32, #tpu.memory_space<hbm>>) target(%arg9 : memref<80x128xf32, #tpu.memory_space<vmem>>) offsets(%dma_start3A_241 : memref<80xi32, #tpu.memory_space<vmem>>) semaphore(%arg12 : memref<!tpu.dma_semaphore, #tpu.memory_space<semaphore_mem>>)
        } else {
        }
        %dma_start3A_222 = arith.constant 1 : i32
        %dma_start3A_223 = arith.constant 0 : i32
        %dma_start3A_224 = tpu.memref_slice %arg6[%dma_start3A_222, %dma_start3A_223] : memref<2x80xi32, #tpu.memory_space<vmem>> -> memref<1x80xi32, #tpu.memory_space<vmem>>
        %dma_start3A_225 = tpu.memref_squeeze %dma_start3A_224 : memref<1x80xi32, #tpu.memory_space<vmem>> -> memref<80xi32, #tpu.memory_space<vmem>>
        %dma_start3A_226 = arith.constant 0 : i32
        %dma_start3A_227 = arith.constant 0 : i32
        %dma_start3A_228 = tpu.memref_slice %arg10[%dma_start3A_226, %dma_start3A_227] : memref<10240x128xf32, #tpu.memory_space<vmem_shared>> -> memref<10240x128xf32, #tpu.memory_space<vmem_shared>>
        tpu.enqueue_indirect_dma source(%arg8 : memref<80x128xf32, #tpu.memory_space<vmem>>) target(%dma_start3A_228 : memref<10240x128xf32, #tpu.memory_space<vmem_shared>>) offsets(%dma_start3A_225 : memref<80xi32, #tpu.memory_space<vmem>>) semaphore(%arg13 : memref<!tpu.dma_semaphore, #tpu.memory_space<semaphore_mem>>) {add = true}
      } else {
      }
      %jit3A_172 = arith.constant 6 : i32
      %eq3A_173 = arith.constant 0 : i32
      %eq3A_174 = arith.cmpi eq, %jit3A_172, %eq3A_173 : i32
      %jit3A_175 = arith.constant 1 : i32
      %select_n3A_176 = arith.select %eq3A_174, %jit3A_175, %jit3A_172 : i32
      %rem3A_177 = arith.remsi %scan3A_74, %select_n3A_176 : i32
      %ne3A_178 = arith.constant 0 : i32
      %ne3A_179 = arith.cmpi ne, %rem3A_177, %ne3A_178 : i32
      %lt3A_180 = arith.constant 0 : i32
      %lt3A_181 = arith.cmpi slt, %rem3A_177, %lt3A_180 : i32
      %lt3A_182 = arith.constant 0 : i32
      %lt3A_183 = arith.cmpi slt, %select_n3A_176, %lt3A_182 : i32
      %ne3A_184 = arith.xori %lt3A_181, %lt3A_183 : i1
      %and3A_185 = arith.andi %ne3A_184, %ne3A_179 : i1
      %add3A_186 = arith.addi %rem3A_177, %select_n3A_176 : i32
      %select_n3A_187 = arith.select %and3A_185, %add3A_186, %rem3A_177 : i32
      %eq3A_188 = arith.constant 5 : i32
      %eq3A_189 = arith.cmpi eq, %select_n3A_187, %eq3A_188 : i32
      %convert_element_type3A_190 = arith.extui %eq3A_189 : i1 to i32
      %cond3A_191 = arith.constant 0 : i32
      %cond3A_192 = arith.cmpi ne, %convert_element_type3A_190, %cond3A_191 : i32
      scf.if %cond3A_192 {
        %dma_wait3A_194 = arith.constant 0 : i32
        %dma_wait3A_195 = arith.constant 0 : i32
        %dma_wait3A_196 = tpu.memref_slice %arg7[%dma_wait3A_194, %dma_wait3A_195] : memref<2x80xi32, #tpu.memory_space<vmem>> -> memref<1x80xi32, #tpu.memory_space<vmem>>
        %dma_wait3A_197 = tpu.memref_squeeze %dma_wait3A_196 : memref<1x80xi32, #tpu.memory_space<vmem>> -> memref<80xi32, #tpu.memory_space<vmem>>
        %dma_wait3A_198 = arith.constant 0 : i32
        %dma_wait3A_199 = arith.constant 0 : i32
        %dma_wait3A_200 = tpu.memref_slice %arg2[%dma_wait3A_198, %dma_wait3A_199] : memref<10000x128xf32, #tpu.memory_space<hbm>> -> memref<10000x128xf32, #tpu.memory_space<hbm>>
        tpu.wait_indirect_dma semaphore(%arg12 : memref<!tpu.dma_semaphore, #tpu.memory_space<semaphore_mem>>) src(%dma_wait3A_200 : memref<10000x128xf32, #tpu.memory_space<hbm>>) dst(%arg9 : memref<80x128xf32, #tpu.memory_space<vmem>>)
        %ge3A = arith.constant 1 : i32
        %ge3A_201 = arith.cmpi sge, %scan3A_74, %ge3A : i32
        %convert_element_type3A_202 = arith.extui %ge3A_201 : i1 to i32
        %cond3A_203 = arith.constant 0 : i32
        %cond3A_204 = arith.cmpi ne, %convert_element_type3A_202, %cond3A_203 : i32
        scf.if %cond3A_204 {
          %dma_wait3A_229 = arith.constant 1 : i32
          %dma_wait3A_230 = arith.constant 0 : i32
          %dma_wait3A_231 = tpu.memref_slice %arg6[%dma_wait3A_229, %dma_wait3A_230] : memref<2x80xi32, #tpu.memory_space<vmem>> -> memref<1x80xi32, #tpu.memory_space<vmem>>
          %dma_wait3A_232 = tpu.memref_squeeze %dma_wait3A_231 : memref<1x80xi32, #tpu.memory_space<vmem>> -> memref<80xi32, #tpu.memory_space<vmem>>
          %dma_wait3A_233 = arith.constant 0 : i32
          %dma_wait3A_234 = arith.constant 0 : i32
          %dma_wait3A_235 = tpu.memref_slice %arg10[%dma_wait3A_233, %dma_wait3A_234] : memref<10240x128xf32, #tpu.memory_space<vmem_shared>> -> memref<10240x128xf32, #tpu.memory_space<vmem_shared>>
          tpu.wait_indirect_dma semaphore(%arg13 : memref<!tpu.dma_semaphore, #tpu.memory_space<semaphore_mem>>) src(%arg8 : memref<80x128xf32, #tpu.memory_space<vmem>>) dst(%dma_wait3A_235 : memref<10240x128xf32, #tpu.memory_space<vmem_shared>>)
        } else {
        }
        %ge3A_205 = arith.constant 1 : i32
        %ge3A_206 = arith.cmpi sge, %scan3A_74, %ge3A_205 : i32
        %add3A_207 = arith.constant 2 : i32
        %add3A_208 = arith.addi %scan3A_74, %add3A_207 : i32
        %lt3A_209 = arith.constant 125 : i32
        %lt3A_210 = arith.cmpi slt, %add3A_208, %lt3A_209 : i32
        %and3A_211 = arith.andi %ge3A_206, %lt3A_210 : i1
        %convert_element_type3A_212 = arith.extui %and3A_211 : i1 to i32
        %cond3A_213 = arith.constant 0 : i32
        %cond3A_214 = arith.cmpi ne, %convert_element_type3A_212, %cond3A_213 : i32
        scf.if %cond3A_214 {
          %add3A_229 = arith.constant 2 : i32
          %add3A_230 = arith.addi %scan3A_74, %add3A_229 : i32
          %dma_start3A_231 = arith.constant 0 : i32
          %dma_start3A_232 = arith.constant 0 : i32
          %dma_start3A_233 = tpu.memref_slice %arg3[%add3A, %add3A_230, %dma_start3A_231, %dma_start3A_232] : memref<32x125x2x80xi32, #tpu.memory_space<hbm>> -> memref<1x1x2x80xi32, #tpu.memory_space<hbm>>
          %dma_start3A_234 = tpu.memref_squeeze %dma_start3A_233 : memref<1x1x2x80xi32, #tpu.memory_space<hbm>> -> memref<2x80xi32, #tpu.memory_space<hbm>>
          %dma_start3A_235 = arith.constant 0 : i32
          %dma_start3A_236 = arith.constant 0 : i32
          %dma_start3A_237 = tpu.memref_slice %arg3[%add3A, %add3A_230, %dma_start3A_235, %dma_start3A_236] : memref<32x125x2x80xi32, #tpu.memory_space<hbm>> -> memref<1x1x2x80xi32, #tpu.memory_space<hbm>>
          %dma_start3A_238 = tpu.memref_squeeze %dma_start3A_237 : memref<1x1x2x80xi32, #tpu.memory_space<hbm>> -> memref<2x80xi32, #tpu.memory_space<hbm>>
          tpu.enqueue_dma source(%dma_start3A_238 : memref<2x80xi32, #tpu.memory_space<hbm>>) target(%arg6 : memref<2x80xi32, #tpu.memory_space<vmem>>) target_semaphore(%arg16 : memref<!tpu.dma_semaphore, #tpu.memory_space<semaphore_mem>>)
        } else {
        }
        %add3A_215 = arith.constant 1 : i32
        %add3A_216 = arith.addi %scan3A_74, %add3A_215 : i32
        %lt3A_217 = arith.constant 125 : i32
        %lt3A_218 = arith.cmpi slt, %add3A_216, %lt3A_217 : i32
        %convert_element_type3A_219 = arith.extui %lt3A_218 : i1 to i32
        %cond3A_220 = arith.constant 0 : i32
        %cond3A_221 = arith.cmpi ne, %convert_element_type3A_219, %cond3A_220 : i32
        scf.if %cond3A_221 {
          %dma_wait3A_229 = arith.constant 0 : i32
          %dma_wait3A_230 = arith.constant 0 : i32
          %dma_wait3A_231 = arith.constant 0 : i32
          %dma_wait3A_232 = tpu.memref_slice %arg3[%add3A, %dma_wait3A_229, %dma_wait3A_230, %dma_wait3A_231] : memref<32x125x2x80xi32, #tpu.memory_space<hbm>> -> memref<1x1x2x80xi32, #tpu.memory_space<hbm>>
          %dma_wait3A_233 = tpu.memref_squeeze %dma_wait3A_232 : memref<1x1x2x80xi32, #tpu.memory_space<hbm>> -> memref<2x80xi32, #tpu.memory_space<hbm>>
          %dma_wait3A_234 = arith.constant 0 : i32
          %dma_wait3A_235 = arith.constant 0 : i32
          %dma_wait3A_236 = tpu.memref_slice %arg3[%add3A, %dma_wait3A_229, %dma_wait3A_234, %dma_wait3A_235] : memref<32x125x2x80xi32, #tpu.memory_space<hbm>> -> memref<1x1x2x80xi32, #tpu.memory_space<hbm>>
          %dma_wait3A_237 = tpu.memref_squeeze %dma_wait3A_236 : memref<1x1x2x80xi32, #tpu.memory_space<hbm>> -> memref<2x80xi32, #tpu.memory_space<hbm>>
          tpu.wait_dma2 semaphore(%arg15 : memref<!tpu.dma_semaphore, #tpu.memory_space<semaphore_mem>>) src(%dma_wait3A_237 : memref<2x80xi32, #tpu.memory_space<hbm>>) dst(%arg5 : memref<2x80xi32, #tpu.memory_space<vmem>>)
          %dma_start3A_238 = arith.constant 0 : i32
          %dma_start3A_239 = arith.constant 0 : i32
          %dma_start3A_240 = tpu.memref_slice %arg5[%dma_start3A_238, %dma_start3A_239] : memref<2x80xi32, #tpu.memory_space<vmem>> -> memref<1x80xi32, #tpu.memory_space<vmem>>
          %dma_start3A_241 = tpu.memref_squeeze %dma_start3A_240 : memref<1x80xi32, #tpu.memory_space<vmem>> -> memref<80xi32, #tpu.memory_space<vmem>>
          %dma_start3A_242 = arith.constant 0 : i32
          %dma_start3A_243 = arith.constant 0 : i32
          %dma_start3A_244 = tpu.memref_slice %arg2[%dma_start3A_242, %dma_start3A_243] : memref<10000x128xf32, #tpu.memory_space<hbm>> -> memref<10000x128xf32, #tpu.memory_space<hbm>>
          tpu.enqueue_indirect_dma source(%dma_start3A_244 : memref<10000x128xf32, #tpu.memory_space<hbm>>) target(%arg8 : memref<80x128xf32, #tpu.memory_space<vmem>>) offsets(%dma_start3A_241 : memref<80xi32, #tpu.memory_space<vmem>>) semaphore(%arg11 : memref<!tpu.dma_semaphore, #tpu.memory_space<semaphore_mem>>)
        } else {
        }
        %dma_start3A_222 = arith.constant 1 : i32
        %dma_start3A_223 = arith.constant 0 : i32
        %dma_start3A_224 = tpu.memref_slice %arg7[%dma_start3A_222, %dma_start3A_223] : memref<2x80xi32, #tpu.memory_space<vmem>> -> memref<1x80xi32, #tpu.memory_space<vmem>>
        %dma_start3A_225 = tpu.memref_squeeze %dma_start3A_224 : memref<1x80xi32, #tpu.memory_space<vmem>> -> memref<80xi32, #tpu.memory_space<vmem>>
        %dma_start3A_226 = arith.constant 0 : i32
        %dma_start3A_227 = arith.constant 0 : i32
        %dma_start3A_228 = tpu.memref_slice %arg10[%dma_start3A_226, %dma_start3A_227] : memref<10240x128xf32, #tpu.memory_space<vmem_shared>> -> memref<10240x128xf32, #tpu.memory_space<vmem_shared>>
        tpu.enqueue_indirect_dma source(%arg9 : memref<80x128xf32, #tpu.memory_space<vmem>>) target(%dma_start3A_228 : memref<10240x128xf32, #tpu.memory_space<vmem_shared>>) offsets(%dma_start3A_225 : memref<80xi32, #tpu.memory_space<vmem>>) semaphore(%arg14 : memref<!tpu.dma_semaphore, #tpu.memory_space<semaphore_mem>>) {add = true}
      } else {
      }
      %scan3A_193 = arith.constant 0 : i32
      scf.yield %scan3A_193 : i32
    }
    %scan3A_61 = arith.constant 125 : i32
    %dma_wait3A_62 = arith.constant 1 : i32
    %dma_wait3A_63 = arith.constant 0 : i32
    %dma_wait3A_64 = tpu.memref_slice %arg6[%dma_wait3A_62, %dma_wait3A_63] : memref<2x80xi32, #tpu.memory_space<vmem>> -> memref<1x80xi32, #tpu.memory_space<vmem>>
    %dma_wait3A_65 = tpu.memref_squeeze %dma_wait3A_64 : memref<1x80xi32, #tpu.memory_space<vmem>> -> memref<80xi32, #tpu.memory_space<vmem>>
    %dma_wait3A_66 = arith.constant 0 : i32
    %dma_wait3A_67 = arith.constant 0 : i32
    %dma_wait3A_68 = tpu.memref_slice %arg10[%dma_wait3A_66, %dma_wait3A_67] : memref<10240x128xf32, #tpu.memory_space<vmem_shared>> -> memref<10240x128xf32, #tpu.memory_space<vmem_shared>>
    tpu.wait_indirect_dma semaphore(%arg13 : memref<!tpu.dma_semaphore, #tpu.memory_space<semaphore_mem>>) src(%arg8 : memref<80x128xf32, #tpu.memory_space<vmem>>) dst(%dma_wait3A_68 : memref<10240x128xf32, #tpu.memory_space<vmem_shared>>)
    %barrier3A_69 = arith.constant 0 : index
    tpu.barrier barrier_id(%barrier3A_69)
    %mul3A_70 = arith.constant 640 : i32
    %mul3A_71 = arith.muli %arg1, %mul3A_70 : i32
    %mul3A_72 = arith.constant 640 : i32
    %mul3A_73 = arith.muli %arg1, %mul3A_72 : i32
    "tpu.region"() ({
      %run_scoped3A = tpu.sem_alloc : memref<!tpu.dma_semaphore, #tpu.memory_space<semaphore_mem>>
      %dma_start3A_74 = arith.constant 0 : i32
      %dma_start3A_75 = tpu.memref_slice %arg4[%arg0, %mul3A_73, %dma_start3A_74] : memref<2x10240x128xf32, #tpu.memory_space<hbm>> -> memref<1x640x128xf32, #tpu.memory_space<hbm>>
      %dma_start3A_76 = tpu.memref_squeeze %dma_start3A_75 : memref<1x640x128xf32, #tpu.memory_space<hbm>> -> memref<640x128xf32, #tpu.memory_space<hbm>>
      %dma_start3A_77 = arith.constant 0 : i32
      %dma_start3A_78 = tpu.memref_slice %arg10[%mul3A_71, %dma_start3A_77] : memref<10240x128xf32, #tpu.memory_space<vmem_shared>> -> memref<640x128xf32, #tpu.memory_space<vmem_shared>>
      tpu.enqueue_dma source(%dma_start3A_78 : memref<640x128xf32, #tpu.memory_space<vmem_shared>>) target(%dma_start3A_76 : memref<640x128xf32, #tpu.memory_space<hbm>>) target_semaphore(%run_scoped3A : memref<!tpu.dma_semaphore, #tpu.memory_space<semaphore_mem>>)
      %dma_wait3A_79 = arith.constant 0 : i32
      %dma_wait3A_80 = tpu.memref_slice %arg4[%arg0, %mul3A_73, %dma_wait3A_79] : memref<2x10240x128xf32, #tpu.memory_space<hbm>> -> memref<1x640x128xf32, #tpu.memory_space<hbm>>
      %dma_wait3A_81 = tpu.memref_squeeze %dma_wait3A_80 : memref<1x640x128xf32, #tpu.memory_space<hbm>> -> memref<640x128xf32, #tpu.memory_space<hbm>>
      %dma_wait3A_82 = arith.constant 0 : i32
      %dma_wait3A_83 = tpu.memref_slice %arg10[%mul3A_71, %dma_wait3A_82] : memref<10240x128xf32, #tpu.memory_space<vmem_shared>> -> memref<640x128xf32, #tpu.memory_space<vmem_shared>>
      tpu.wait_dma2 semaphore(%run_scoped3A : memref<!tpu.dma_semaphore, #tpu.memory_space<semaphore_mem>>) src(%dma_wait3A_83 : memref<640x128xf32, #tpu.memory_space<vmem_shared>>) dst(%dma_wait3A_81 : memref<640x128xf32, #tpu.memory_space<hbm>>)
      tpu.yield
    }) : () -> ()
    return
  }
}

#map = affine_map<(d0, d1) -> (0, 0, 0)>
module attributes {stable_mosaic.version = 14 : i64} {
  func.func @k(%arg0: i32, %arg1: i32, %arg2: memref<32x125x80xi32, #tpu.memory_space<hbm>>, %arg3: memref<2x10240x16xf32, #tpu.memory_space<hbm>>, %arg4: memref<125x80xi32, #tpu.memory_space<vmem>>, %arg5: memref<80x16xf32, #tpu.memory_space<vmem>>, %arg6: memref<80x16xf32, #tpu.memory_space<vmem>>, %arg7: memref<10240x16xf32, #tpu.memory_space<vmem_shared>>) attributes {dimension_semantics = [#tpu.dimension_semantics<core_parallel>, #tpu.dimension_semantics<subcore_parallel>], iteration_bounds = array<i64: 2, 16>, scalar_prefetch = 0 : i64, scratch_operands = 4 : i64, tpu.core_type = #tpu.core_type<sc_vector_subcore>, window_params = [{transform_indices = #map}, {transform_indices = #map}]} {
    %mul3A = arith.constant 2 : i32
    %mul3A_0 = arith.muli %arg1, %mul3A : i32
    %add3A = arith.addi %mul3A_0, %arg0 : i32
    %scan3A = arith.constant 0 : i32
    %scan3A_1 = arith.constant 0 : i32
    %scan3A_2 = arith.constant 80 : i32
    %scan3A_3 = arith.addi %scan3A_1, %scan3A_2 : i32
    %scan3A_4 = arith.constant 1 : i32
    %scan3A_5 = scf.for %scan3A_26 = %scan3A_1 to %scan3A_3 step %scan3A_4 iter_args(%scan3A_27 = %scan3A) -> (i32)  : i32 {
      %broadcast_in_dim3A = arith.constant 1.000000e+00 : f32
      %broadcast_in_dim3A_28 = vector.broadcast %broadcast_in_dim3A : f32 to vector<16xf32>
      %swap3A = arith.index_cast %scan3A_26 : i32 to index
      %swap3A_29 = arith.constant 0 : index
      %swap3A_30 = tpu.vector_load %arg5[%swap3A, %swap3A_29] {strides = array<i32>} : memref<80x16xf32, #tpu.memory_space<vmem>>, vector<1x16xf32>,
      %swap3A_31 = vector.shape_cast %swap3A_30 : vector<1x16xf32> to vector<16xf32>
      %swap3A_32 = vector.shape_cast %broadcast_in_dim3A_28 : vector<16xf32> to vector<1x16xf32>
      tpu.vector_store %arg5[%swap3A, %swap3A_29], %swap3A_32 {strides = array<i32>} : memref<80x16xf32, #tpu.memory_space<vmem>>, vector<1x16xf32>,
      %broadcast_in_dim3A_33 = arith.constant 0.000000e+00 : f32
      %broadcast_in_dim3A_34 = vector.broadcast %broadcast_in_dim3A_33 : f32 to vector<16xf32>
      %swap3A_35 = arith.index_cast %scan3A_26 : i32 to index
      %swap3A_36 = arith.constant 0 : index
      %swap3A_37 = tpu.vector_load %arg6[%swap3A_35, %swap3A_36] {strides = array<i32>} : memref<80x16xf32, #tpu.memory_space<vmem>>, vector<1x16xf32>,
      %swap3A_38 = vector.shape_cast %swap3A_37 : vector<1x16xf32> to vector<16xf32>
      %swap3A_39 = vector.shape_cast %broadcast_in_dim3A_34 : vector<16xf32> to vector<1x16xf32>
      tpu.vector_store %arg6[%swap3A_35, %swap3A_36], %swap3A_39 {strides = array<i32>} : memref<80x16xf32, #tpu.memory_space<vmem>>, vector<1x16xf32>,
      %scan3A_40 = arith.constant 0 : i32
      scf.yield %scan3A_40 : i32
    }
    %scan3A_6 = arith.constant 80 : i32
    %scan3A_7 = arith.constant 0 : i32
    %scan3A_8 = arith.constant 0 : i32
    %scan3A_9 = arith.constant 8 : i32
    %scan3A_10 = arith.addi %scan3A_8, %scan3A_9 : i32
    %scan3A_11 = arith.constant 1 : i32
    %scan3A_12 = scf.for %scan3A_26 = %scan3A_8 to %scan3A_10 step %scan3A_11 iter_args(%scan3A_27 = %scan3A_7) -> (i32)  : i32 {
      %mul3A_28 = arith.constant 640 : i32
      %mul3A_29 = arith.muli %arg1, %mul3A_28 : i32
      %mul3A_30 = arith.constant 80 : i32
      %mul3A_31 = arith.muli %scan3A_26, %mul3A_30 : i32
      %add3A_32 = arith.addi %mul3A_29, %mul3A_31 : i32
      "tpu.region"() ({
        %run_scoped3A = tpu.sem_alloc : memref<!tpu.dma_semaphore, #tpu.memory_space<semaphore_mem>>
        %dma_start3A = arith.constant 0 : i32
        %dma_start3A_34 = tpu.memref_slice %arg7[%add3A_32, %dma_start3A] : memref<10240x16xf32, #tpu.memory_space<vmem_shared>> -> memref<80x16xf32, #tpu.memory_space<vmem_shared>>
        %dma_start3A_35 = arith.constant 0 : i32
        %dma_start3A_36 = tpu.memref_slice %arg7[%add3A_32, %dma_start3A_35] : memref<10240x16xf32, #tpu.memory_space<vmem_shared>> -> memref<80x16xf32, #tpu.memory_space<vmem_shared>>
        tpu.enqueue_dma source(%arg6 : memref<80x16xf32, #tpu.memory_space<vmem>>) target(%dma_start3A_36 : memref<80x16xf32, #tpu.memory_space<vmem_shared>>) target_semaphore(%run_scoped3A : memref<!tpu.dma_semaphore, #tpu.memory_space<semaphore_mem>>)
        %dma_wait3A = arith.constant 0 : i32
        %dma_wait3A_37 = tpu.memref_slice %arg7[%add3A_32, %dma_wait3A] : memref<10240x16xf32, #tpu.memory_space<vmem_shared>> -> memref<80x16xf32, #tpu.memory_space<vmem_shared>>
        %dma_wait3A_38 = arith.constant 0 : i32
        %dma_wait3A_39 = tpu.memref_slice %arg7[%add3A_32, %dma_wait3A_38] : memref<10240x16xf32, #tpu.memory_space<vmem_shared>> -> memref<80x16xf32, #tpu.memory_space<vmem_shared>>
        tpu.wait_dma2 semaphore(%run_scoped3A : memref<!tpu.dma_semaphore, #tpu.memory_space<semaphore_mem>>) src(%arg6 : memref<80x16xf32, #tpu.memory_space<vmem>>) dst(%dma_wait3A_39 : memref<80x16xf32, #tpu.memory_space<vmem_shared>>)
        tpu.yield
      }) : () -> ()
      %scan3A_33 = arith.constant 0 : i32
      scf.yield %scan3A_33 : i32
    }
    %scan3A_13 = arith.constant 8 : i32
    %barrier3A = arith.constant 0 : index
    tpu.barrier barrier_id(%barrier3A)
    "tpu.region"() ({
      %run_scoped3A = tpu.sem_alloc : memref<!tpu.dma_semaphore, #tpu.memory_space<semaphore_mem>>
      %dma_start3A = arith.constant 0 : i32
      %dma_start3A_26 = arith.constant 0 : i32
      %dma_start3A_27 = tpu.memref_slice %arg2[%add3A, %dma_start3A, %dma_start3A_26] : memref<32x125x80xi32, #tpu.memory_space<hbm>> -> memref<1x125x80xi32, #tpu.memory_space<hbm>>
      %dma_start3A_28 = tpu.memref_squeeze %dma_start3A_27 : memref<1x125x80xi32, #tpu.memory_space<hbm>> -> memref<125x80xi32, #tpu.memory_space<hbm>>
      %dma_start3A_29 = arith.constant 0 : i32
      %dma_start3A_30 = arith.constant 0 : i32
      %dma_start3A_31 = tpu.memref_slice %arg2[%add3A, %dma_start3A_29, %dma_start3A_30] : memref<32x125x80xi32, #tpu.memory_space<hbm>> -> memref<1x125x80xi32, #tpu.memory_space<hbm>>
      %dma_start3A_32 = tpu.memref_squeeze %dma_start3A_31 : memref<1x125x80xi32, #tpu.memory_space<hbm>> -> memref<125x80xi32, #tpu.memory_space<hbm>>
      tpu.enqueue_dma source(%dma_start3A_32 : memref<125x80xi32, #tpu.memory_space<hbm>>) target(%arg4 : memref<125x80xi32, #tpu.memory_space<vmem>>) target_semaphore(%run_scoped3A : memref<!tpu.dma_semaphore, #tpu.memory_space<semaphore_mem>>)
      %dma_wait3A = arith.constant 0 : i32
      %dma_wait3A_33 = arith.constant 0 : i32
      %dma_wait3A_34 = tpu.memref_slice %arg2[%add3A, %dma_wait3A, %dma_wait3A_33] : memref<32x125x80xi32, #tpu.memory_space<hbm>> -> memref<1x125x80xi32, #tpu.memory_space<hbm>>
      %dma_wait3A_35 = tpu.memref_squeeze %dma_wait3A_34 : memref<1x125x80xi32, #tpu.memory_space<hbm>> -> memref<125x80xi32, #tpu.memory_space<hbm>>
      %dma_wait3A_36 = arith.constant 0 : i32
      %dma_wait3A_37 = arith.constant 0 : i32
      %dma_wait3A_38 = tpu.memref_slice %arg2[%add3A, %dma_wait3A_36, %dma_wait3A_37] : memref<32x125x80xi32, #tpu.memory_space<hbm>> -> memref<1x125x80xi32, #tpu.memory_space<hbm>>
      %dma_wait3A_39 = tpu.memref_squeeze %dma_wait3A_38 : memref<1x125x80xi32, #tpu.memory_space<hbm>> -> memref<125x80xi32, #tpu.memory_space<hbm>>
      tpu.wait_dma2 semaphore(%run_scoped3A : memref<!tpu.dma_semaphore, #tpu.memory_space<semaphore_mem>>) src(%dma_wait3A_39 : memref<125x80xi32, #tpu.memory_space<hbm>>) dst(%arg4 : memref<125x80xi32, #tpu.memory_space<vmem>>)
      tpu.yield
    }) : () -> ()
    %scan3A_14 = arith.constant 0 : i32
    %scan3A_15 = arith.constant 0 : i32
    %scan3A_16 = arith.constant 125 : i32
    %scan3A_17 = arith.addi %scan3A_15, %scan3A_16 : i32
    %scan3A_18 = arith.constant 1 : i32
    %scan3A_19 = scf.for %scan3A_26 = %scan3A_15 to %scan3A_17 step %scan3A_18 iter_args(%scan3A_27 = %scan3A_14) -> (i32)  : i32 {
      "tpu.region"() ({
        %run_scoped3A = tpu.sem_alloc : memref<!tpu.dma_semaphore, #tpu.memory_space<semaphore_mem>>
        %dma_start3A = arith.constant 0 : i32
        %dma_start3A_29 = tpu.memref_slice %arg4[%scan3A_26, %dma_start3A] : memref<125x80xi32, #tpu.memory_space<vmem>> -> memref<1x80xi32, #tpu.memory_space<vmem>>
        %dma_start3A_30 = tpu.memref_squeeze %dma_start3A_29 : memref<1x80xi32, #tpu.memory_space<vmem>> -> memref<80xi32, #tpu.memory_space<vmem>>
        %dma_start3A_31 = arith.constant 0 : i32
        %dma_start3A_32 = arith.constant 0 : i32
        %dma_start3A_33 = tpu.memref_slice %arg7[%dma_start3A_31, %dma_start3A_32] : memref<10240x16xf32, #tpu.memory_space<vmem_shared>> -> memref<10240x16xf32, #tpu.memory_space<vmem_shared>>
        tpu.enqueue_indirect_dma source(%arg5 : memref<80x16xf32, #tpu.memory_space<vmem>>) target(%dma_start3A_33 : memref<10240x16xf32, #tpu.memory_space<vmem_shared>>) offsets(%dma_start3A_30 : memref<80xi32, #tpu.memory_space<vmem>>) semaphore(%run_scoped3A : memref<!tpu.dma_semaphore, #tpu.memory_space<semaphore_mem>>) {add = true}
        %dma_wait3A = arith.constant 0 : i32
        %dma_wait3A_34 = tpu.memref_slice %arg4[%scan3A_26, %dma_wait3A] : memref<125x80xi32, #tpu.memory_space<vmem>> -> memref<1x80xi32, #tpu.memory_space<vmem>>
        %dma_wait3A_35 = tpu.memref_squeeze %dma_wait3A_34 : memref<1x80xi32, #tpu.memory_space<vmem>> -> memref<80xi32, #tpu.memory_space<vmem>>
        %dma_wait3A_36 = arith.constant 0 : i32
        %dma_wait3A_37 = arith.constant 0 : i32
        %dma_wait3A_38 = tpu.memref_slice %arg7[%dma_wait3A_36, %dma_wait3A_37] : memref<10240x16xf32, #tpu.memory_space<vmem_shared>> -> memref<10240x16xf32, #tpu.memory_space<vmem_shared>>
        tpu.wait_indirect_dma semaphore(%run_scoped3A : memref<!tpu.dma_semaphore, #tpu.memory_space<semaphore_mem>>) src(%arg5 : memref<80x16xf32, #tpu.memory_space<vmem>>) dst(%dma_wait3A_38 : memref<10240x16xf32, #tpu.memory_space<vmem_shared>>)
        tpu.yield
      }) : () -> ()
      %scan3A_28 = arith.constant 0 : i32
      scf.yield %scan3A_28 : i32
    }
    %scan3A_20 = arith.constant 125 : i32
    %barrier3A_21 = arith.constant 0 : index
    tpu.barrier barrier_id(%barrier3A_21)
    %mul3A_22 = arith.constant 640 : i32
    %mul3A_23 = arith.muli %arg1, %mul3A_22 : i32
    %mul3A_24 = arith.constant 640 : i32
    %mul3A_25 = arith.muli %arg1, %mul3A_24 : i32
    "tpu.region"() ({
      %run_scoped3A = tpu.sem_alloc : memref<!tpu.dma_semaphore, #tpu.memory_space<semaphore_mem>>
      %dma_start3A = arith.constant 0 : i32
      %dma_start3A_26 = tpu.memref_slice %arg3[%arg0, %mul3A_25, %dma_start3A] : memref<2x10240x16xf32, #tpu.memory_space<hbm>> -> memref<1x640x16xf32, #tpu.memory_space<hbm>>
      %dma_start3A_27 = tpu.memref_squeeze %dma_start3A_26 : memref<1x640x16xf32, #tpu.memory_space<hbm>> -> memref<640x16xf32, #tpu.memory_space<hbm>>
      %dma_start3A_28 = arith.constant 0 : i32
      %dma_start3A_29 = tpu.memref_slice %arg7[%mul3A_23, %dma_start3A_28] : memref<10240x16xf32, #tpu.memory_space<vmem_shared>> -> memref<640x16xf32, #tpu.memory_space<vmem_shared>>
      tpu.enqueue_dma source(%dma_start3A_29 : memref<640x16xf32, #tpu.memory_space<vmem_shared>>) target(%dma_start3A_27 : memref<640x16xf32, #tpu.memory_space<hbm>>) target_semaphore(%run_scoped3A : memref<!tpu.dma_semaphore, #tpu.memory_space<semaphore_mem>>)
      %dma_wait3A = arith.constant 0 : i32
      %dma_wait3A_30 = tpu.memref_slice %arg3[%arg0, %mul3A_25, %dma_wait3A] : memref<2x10240x16xf32, #tpu.memory_space<hbm>> -> memref<1x640x16xf32, #tpu.memory_space<hbm>>
      %dma_wait3A_31 = tpu.memref_squeeze %dma_wait3A_30 : memref<1x640x16xf32, #tpu.memory_space<hbm>> -> memref<640x16xf32, #tpu.memory_space<hbm>>
      %dma_wait3A_32 = arith.constant 0 : i32
      %dma_wait3A_33 = tpu.memref_slice %arg7[%mul3A_23, %dma_wait3A_32] : memref<10240x16xf32, #tpu.memory_space<vmem_shared>> -> memref<640x16xf32, #tpu.memory_space<vmem_shared>>
      tpu.wait_dma2 semaphore(%run_scoped3A : memref<!tpu.dma_semaphore, #tpu.memory_space<semaphore_mem>>) src(%dma_wait3A_33 : memref<640x16xf32, #tpu.memory_space<vmem_shared>>) dst(%dma_wait3A_31 : memref<640x16xf32, #tpu.memory_space<hbm>>)
      tpu.yield
    }) : () -> ()
    return
  }
}

#map = affine_map<(d0, d1) -> (0, 0)>
#map1 = affine_map<(d0, d1) -> (0, 0, 0, 0)>
#map2 = affine_map<(d0, d1) -> (0, 0, 0)>
module attributes {stable_mosaic.version = 14 : i64} {
  func.func @k(%arg0: i32, %arg1: i32, %arg2: memref<10000x128xf32, #tpu.memory_space<hbm>>, %arg3: memref<32x125x2x80xi32, #tpu.memory_space<hbm>>, %arg4: memref<2x10240x128xf32, #tpu.memory_space<hbm>>, %arg5: memref<2x80xi32, #tpu.memory_space<vmem>>, %arg6: memref<2x80xi32, #tpu.memory_space<vmem>>, %arg7: memref<2x80xi32, #tpu.memory_space<vmem>>, %arg8: memref<80x128xf32, #tpu.memory_space<vmem>>, %arg9: memref<80x128xf32, #tpu.memory_space<vmem>>, %arg10: memref<10240x128xf32, #tpu.memory_space<vmem_shared>>, %arg11: memref<!tpu.dma_semaphore, #tpu.memory_space<semaphore_mem>>, %arg12: memref<!tpu.dma_semaphore, #tpu.memory_space<semaphore_mem>>, %arg13: memref<!tpu.dma_semaphore, #tpu.memory_space<semaphore_mem>>, %arg14: memref<!tpu.dma_semaphore, #tpu.memory_space<semaphore_mem>>, %arg15: memref<!tpu.dma_semaphore, #tpu.memory_space<semaphore_mem>>, %arg16: memref<!tpu.dma_semaphore, #tpu.memory_space<semaphore_mem>>, %arg17: memref<!tpu.dma_semaphore, #tpu.memory_space<semaphore_mem>>) attributes {dimension_semantics = [#tpu.dimension_semantics<core_parallel>, #tpu.dimension_semantics<subcore_parallel>], iteration_bounds = array<i64: 2, 16>, scalar_prefetch = 0 : i64, scratch_operands = 13 : i64, tpu.core_type = #tpu.core_type<sc_vector_subcore>, window_params = [{transform_indices = #map}, {transform_indices = #map1}, {transform_indices = #map2}]} {
    %mul3A = arith.constant 2 : i32
    %mul3A_0 = arith.muli %arg1, %mul3A : i32
    %add3A = arith.addi %mul3A_0, %arg0 : i32
    %scan3A = arith.constant 0 : i32
    %scan3A_1 = arith.constant 0 : i32
    %scan3A_2 = arith.constant 80 : i32
    %scan3A_3 = arith.addi %scan3A_1, %scan3A_2 : i32
    %scan3A_4 = arith.constant 1 : i32
    %scan3A_5 = scf.for %scan3A_74 = %scan3A_1 to %scan3A_3 step %scan3A_4 iter_args(%scan3A_75 = %scan3A) -> (i32)  : i32 {
      %scan3A_76 = arith.constant 0 : i32
      %scan3A_77 = arith.constant 0 : i32
      %scan3A_78 = arith.constant 8 : i32
      %scan3A_79 = arith.addi %scan3A_77, %scan3A_78 : i32
      %scan3A_80 = arith.constant 1 : i32
      %scan3A_81 = scf.for %scan3A_84 = %scan3A_77 to %scan3A_79 step %scan3A_80 iter_args(%scan3A_85 = %scan3A_76) -> (i32)  : i32 {
        %broadcast_in_dim3A = arith.constant 0.000000e+00 : f32
        %broadcast_in_dim3A_86 = vector.broadcast %broadcast_in_dim3A : f32 to vector<16xf32>
        %mul3A_87 = arith.constant 16 : i32
        %mul3A_88 = arith.muli %scan3A_84, %mul3A_87 : i32
        %swap3A = arith.index_cast %scan3A_74 : i32 to index
        %swap3A_89 = arith.index_cast %mul3A_88 : i32 to index
        %swap3A_90 = tpu.vector_load %arg8[%swap3A, %swap3A_89] {strides = array<i32>} : memref<80x128xf32, #tpu.memory_space<vmem>>, vector<1x16xf32>,
        %swap3A_91 = vector.shape_cast %swap3A_90 : vector<1x16xf32> to vector<16xf32>
        %swap3A_92 = vector.shape_cast %broadcast_in_dim3A_86 : vector<16xf32> to vector<1x16xf32>
        tpu.vector_store %arg8[%swap3A, %swap3A_89], %swap3A_92 {strides = array<i32>} : memref<80x128xf32, #tpu.memory_space<vmem>>, vector<1x16xf32>,
        %scan3A_93 = arith.constant 0 : i32
        scf.yield %scan3A_93 : i32
      }
      %scan3A_82 = arith.constant 8 : i32
      %scan3A_83 = arith.constant 0 : i32
      scf.yield %scan3A_83 : i32
    }
    %scan3A_6 = arith.constant 80 : i32
    %scan3A_7 = arith.constant 0 : i32
    %scan3A_8 = arith.constant 0 : i32
    %scan3A_9 = arith.constant 8 : i32
    %scan3A_10 = arith.addi %scan3A_8, %scan3A_9 : i32
    %scan3A_11 = arith.constant 1 : i32
    %scan3A_12 = scf.for %scan3A_74 = %scan3A_8 to %scan3A_10 step %scan3A_11 iter_args(%scan3A_75 = %scan3A_7) -> (i32)  : i32 {
      %mul3A_76 = arith.constant 640 : i32
      %mul3A_77 = arith.muli %arg1, %mul3A_76 : i32
      %mul3A_78 = arith.constant 80 : i32
      %mul3A_79 = arith.muli %scan3A_74, %mul3A_78 : i32
      %add3A_80 = arith.addi %mul3A_77, %mul3A_79 : i32
      "tpu.region"() ({
        %run_scoped3A = tpu.sem_alloc : memref<!tpu.dma_semaphore, #tpu.memory_space<semaphore_mem>>
        %dma_start3A_82 = arith.constant 0 : i32
        %dma_start3A_83 = tpu.memref_slice %arg10[%add3A_80, %dma_start3A_82] : memref<10240x128xf32, #tpu.memory_space<vmem_shared>> -> memref<80x128xf32, #tpu.memory_space<vmem_shared>>
        %dma_start3A_84 = arith.constant 0 : i32
        %dma_start3A_85 = tpu.memref_slice %arg10[%add3A_80, %dma_start3A_84] : memref<10240x128xf32, #tpu.memory_space<vmem_shared>> -> memref<80x128xf32, #tpu.memory_space<vmem_shared>>
        tpu.enqueue_dma source(%arg8 : memref<80x128xf32, #tpu.memory_space<vmem>>) target(%dma_start3A_85 : memref<80x128xf32, #tpu.memory_space<vmem_shared>>) target_semaphore(%run_scoped3A : memref<!tpu.dma_semaphore, #tpu.memory_space<semaphore_mem>>)
        %dma_wait3A_86 = arith.constant 0 : i32
        %dma_wait3A_87 = tpu.memref_slice %arg10[%add3A_80, %dma_wait3A_86] : memref<10240x128xf32, #tpu.memory_space<vmem_shared>> -> memref<80x128xf32, #tpu.memory_space<vmem_shared>>
        %dma_wait3A_88 = arith.constant 0 : i32
        %dma_wait3A_89 = tpu.memref_slice %arg10[%add3A_80, %dma_wait3A_88] : memref<10240x128xf32, #tpu.memory_space<vmem_shared>> -> memref<80x128xf32, #tpu.memory_space<vmem_shared>>
        tpu.wait_dma2 semaphore(%run_scoped3A : memref<!tpu.dma_semaphore, #tpu.memory_space<semaphore_mem>>) src(%arg8 : memref<80x128xf32, #tpu.memory_space<vmem>>) dst(%dma_wait3A_89 : memref<80x128xf32, #tpu.memory_space<vmem_shared>>)
        tpu.yield
      }) : () -> ()
      %scan3A_81 = arith.constant 0 : i32
      scf.yield %scan3A_81 : i32
    }
    %scan3A_13 = arith.constant 8 : i32
    %barrier3A = arith.constant 0 : index
    tpu.barrier barrier_id(%barrier3A)
    %dma_start3A = arith.constant 0 : i32
    %dma_start3A_14 = arith.constant 0 : i32
    %dma_start3A_15 = arith.constant 0 : i32
    %dma_start3A_16 = tpu.memref_slice %arg3[%add3A, %dma_start3A, %dma_start3A_14, %dma_start3A_15] : memref<32x125x2x80xi32, #tpu.memory_space<hbm>> -> memref<1x1x2x80xi32, #tpu.memory_space<hbm>>
    %dma_start3A_17 = tpu.memref_squeeze %dma_start3A_16 : memref<1x1x2x80xi32, #tpu.memory_space<hbm>> -> memref<2x80xi32, #tpu.memory_space<hbm>>
    %dma_start3A_18 = arith.constant 0 : i32
    %dma_start3A_19 = arith.constant 0 : i32
    %dma_start3A_20 = tpu.memref_slice %arg3[%add3A, %dma_start3A, %dma_start3A_18, %dma_start3A_19] : memref<32x125x2x80xi32, #tpu.memory_space<hbm>> -> memref<1x1x2x80xi32, #tpu.memory_space<hbm>>
    %dma_start3A_21 = tpu.memref_squeeze %dma_start3A_20 : memref<1x1x2x80xi32, #tpu.memory_space<hbm>> -> memref<2x80xi32, #tpu.memory_space<hbm>>
    tpu.enqueue_dma source(%dma_start3A_21 : memref<2x80xi32, #tpu.memory_space<hbm>>) target(%arg5 : memref<2x80xi32, #tpu.memory_space<vmem>>) target_semaphore(%arg15 : memref<!tpu.dma_semaphore, #tpu.memory_space<semaphore_mem>>)
    %dma_start3A_22 = arith.constant 1 : i32
    %dma_start3A_23 = arith.constant 0 : i32
    %dma_start3A_24 = arith.constant 0 : i32
    %dma_start3A_25 = tpu.memref_slice %arg3[%add3A, %dma_start3A_22, %dma_start3A_23, %dma_start3A_24] : memref<32x125x2x80xi32, #tpu.memory_space<hbm>> -> memref<1x1x2x80xi32, #tpu.memory_space<hbm>>
    %dma_start3A_26 = tpu.memref_squeeze %dma_start3A_25 : memref<1x1x2x80xi32, #tpu.memory_space<hbm>> -> memref<2x80xi32, #tpu.memory_space<hbm>>
    %dma_start3A_27 = arith.constant 0 : i32
    %dma_start3A_28 = arith.constant 0 : i32
    %dma_start3A_29 = tpu.memref_slice %arg3[%add3A, %dma_start3A_22, %dma_start3A_27, %dma_start3A_28] : memref<32x125x2x80xi32, #tpu.memory_space<hbm>> -> memref<1x1x2x80xi32, #tpu.memory_space<hbm>>
    %dma_start3A_30 = tpu.memref_squeeze %dma_start3A_29 : memref<1x1x2x80xi32, #tpu.memory_space<hbm>> -> memref<2x80xi32, #tpu.memory_space<hbm>>
    tpu.enqueue_dma source(%dma_start3A_30 : memref<2x80xi32, #tpu.memory_space<hbm>>) target(%arg6 : memref<2x80xi32, #tpu.memory_space<vmem>>) target_semaphore(%arg16 : memref<!tpu.dma_semaphore, #tpu.memory_space<semaphore_mem>>)
    %dma_start3A_31 = arith.constant 2 : i32
    %dma_start3A_32 = arith.constant 0 : i32
    %dma_start3A_33 = arith.constant 0 : i32
    %dma_start3A_34 = tpu.memref_slice %arg3[%add3A, %dma_start3A_31, %dma_start3A_32, %dma_start3A_33] : memref<32x125x2x80xi32, #tpu.memory_space<hbm>> -> memref<1x1x2x80xi32, #tpu.memory_space<hbm>>
    %dma_start3A_35 = tpu.memref_squeeze %dma_start3A_34 : memref<1x1x2x80xi32, #tpu.memory_space<hbm>> -> memref<2x80xi32, #tpu.memory_space<hbm>>
    %dma_start3A_36 = arith.constant 0 : i32
    %dma_start3A_37 = arith.constant 0 : i32
    %dma_start3A_38 = tpu.memref_slice %arg3[%add3A, %dma_start3A_31, %dma_start3A_36, %dma_start3A_37] : memref<32x125x2x80xi32, #tpu.memory_space<hbm>> -> memref<1x1x2x80xi32, #tpu.memory_space<hbm>>
    %dma_start3A_39 = tpu.memref_squeeze %dma_start3A_38 : memref<1x1x2x80xi32, #tpu.memory_space<hbm>> -> memref<2x80xi32, #tpu.memory_space<hbm>>
    tpu.enqueue_dma source(%dma_start3A_39 : memref<2x80xi32, #tpu.memory_space<hbm>>) target(%arg7 : memref<2x80xi32, #tpu.memory_space<vmem>>) target_semaphore(%arg17 : memref<!tpu.dma_semaphore, #tpu.memory_space<semaphore_mem>>)
    %dma_wait3A = arith.constant 0 : i32
    %dma_wait3A_40 = arith.constant 0 : i32
    %dma_wait3A_41 = arith.constant 0 : i32
    %dma_wait3A_42 = tpu.memref_slice %arg3[%add3A, %dma_wait3A, %dma_wait3A_40, %dma_wait3A_41] : memref<32x125x2x80xi32, #tpu.memory_space<hbm>> -> memref<1x1x2x80xi32, #tpu.memory_space<hbm>>
    %dma_wait3A_43 = tpu.memref_squeeze %dma_wait3A_42 : memref<1x1x2x80xi32, #tpu.memory_space<hbm>> -> memref<2x80xi32, #tpu.memory_space<hbm>>
    %dma_wait3A_44 = arith.constant 0 : i32
    %dma_wait3A_45 = arith.constant 0 : i32
    %dma_wait3A_46 = tpu.memref_slice %arg3[%add3A, %dma_wait3A, %dma_wait3A_44, %dma_wait3A_45] : memref<32x125x2x80xi32, #tpu.memory_space<hbm>> -> memref<1x1x2x80xi32, #tpu.memory_space<hbm>>
    %dma_wait3A_47 = tpu.memref_squeeze %dma_wait3A_46 : memref<1x1x2x80xi32, #tpu.memory_space<hbm>> -> memref<2x80xi32, #tpu.memory_space<hbm>>
    tpu.wait_dma2 semaphore(%arg15 : memref<!tpu.dma_semaphore, #tpu.memory_space<semaphore_mem>>) src(%dma_wait3A_47 : memref<2x80xi32, #tpu.memory_space<hbm>>) dst(%arg5 : memref<2x80xi32, #tpu.memory_space<vmem>>)
    %dma_start3A_48 = arith.constant 0 : i32
    %dma_start3A_49 = arith.constant 0 : i32
    %dma_start3A_50 = tpu.memref_slice %arg5[%dma_start3A_48, %dma_start3A_49] : memref<2x80xi32, #tpu.memory_space<vmem>> -> memref<1x80xi32, #tpu.memory_space<vmem>>
    %dma_start3A_51 = tpu.memref_squeeze %dma_start3A_50 : memref<1x80xi32, #tpu.memory_space<vmem>> -> memref<80xi32, #tpu.memory_space<vmem>>
    %dma_start3A_52 = arith.constant 0 : i32
    %dma_start3A_53 = arith.constant 0 : i32
    %dma_start3A_54 = tpu.memref_slice %arg2[%dma_start3A_52, %dma_start3A_53] : memref<10000x128xf32, #tpu.memory_space<hbm>> -> memref<10000x128xf32, #tpu.memory_space<hbm>>
    tpu.enqueue_indirect_dma source(%dma_start3A_54 : memref<10000x128xf32, #tpu.memory_space<hbm>>) target(%arg8 : memref<80x128xf32, #tpu.memory_space<vmem>>) offsets(%dma_start3A_51 : memref<80xi32, #tpu.memory_space<vmem>>) semaphore(%arg11 : memref<!tpu.dma_semaphore, #tpu.memory_space<semaphore_mem>>)
    %scan3A_55 = arith.constant 0 : i32
    %scan3A_56 = arith.constant 0 : i32
    %scan3A_57 = arith.constant 125 : i32
    %scan3A_58 = arith.addi %scan3A_56, %scan3A_57 : i32
    %scan3A_59 = arith.constant 1 : i32
    %scan3A_60 = scf.for %scan3A_74 = %scan3A_56 to %scan3A_58 step %scan3A_59 iter_args(%scan3A_75 = %scan3A_55) -> (i32)  : i32 {
      %jit3A = arith.constant 6 : i32
      %eq3A = arith.constant 0 : i32
      %eq3A_76 = arith.cmpi eq, %jit3A, %eq3A : i32
      %jit3A_77 = arith.constant 1 : i32
      %select_n3A = arith.select %eq3A_76, %jit3A_77, %jit3A : i32
      %rem3A = arith.remsi %scan3A_74, %select_n3A : i32
      %ne3A = arith.constant 0 : i32
      %ne3A_78 = arith.cmpi ne, %rem3A, %ne3A : i32
      %lt3A = arith.constant 0 : i32
      %lt3A_79 = arith.cmpi slt, %rem3A, %lt3A : i32
      %lt3A_80 = arith.constant 0 : i32
      %lt3A_81 = arith.cmpi slt, %select_n3A, %lt3A_80 : i32
      %ne3A_82 = arith.xori %lt3A_79, %lt3A_81 : i1
      %and3A = arith.andi %ne3A_82, %ne3A_78 : i1
      %add3A_83 = arith.addi %rem3A, %select_n3A : i32
      %select_n3A_84 = arith.select %and3A, %add3A_83, %rem3A : i32
      %eq3A_85 = arith.constant 0 : i32
      %eq3A_86 = arith.cmpi eq, %select_n3A_84, %eq3A_85 : i32
      %convert_element_type3A = arith.extui %eq3A_86 : i1 to i32
      %cond3A = arith.constant 0 : i32
      %cond3A_87 = arith.cmpi ne, %convert_element_type3A, %cond3A : i32
      scf.if %cond3A_87 {
        %dma_wait3A_194 = arith.constant 0 : i32
        %dma_wait3A_195 = arith.constant 0 : i32
        %dma_wait3A_196 = tpu.memref_slice %arg5[%dma_wait3A_194, %dma_wait3A_195] : memref<2x80xi32, #tpu.memory_space<vmem>> -> memref<1x80xi32, #tpu.memory_space<vmem>>
        %dma_wait3A_197 = tpu.memref_squeeze %dma_wait3A_196 : memref<1x80xi32, #tpu.memory_space<vmem>> -> memref<80xi32, #tpu.memory_space<vmem>>
        %dma_wait3A_198 = arith.constant 0 : i32
        %dma_wait3A_199 = arith.constant 0 : i32
        %dma_wait3A_200 = tpu.memref_slice %arg2[%dma_wait3A_198, %dma_wait3A_199] : memref<10000x128xf32, #tpu.memory_space<hbm>> -> memref<10000x128xf32, #tpu.memory_space<hbm>>
        tpu.wait_indirect_dma semaphore(%arg11 : memref<!tpu.dma_semaphore, #tpu.memory_space<semaphore_mem>>) src(%dma_wait3A_200 : memref<10000x128xf32, #tpu.memory_space<hbm>>) dst(%arg8 : memref<80x128xf32, #tpu.memory_space<vmem>>)
        %ge3A = arith.constant 1 : i32
        %ge3A_201 = arith.cmpi sge, %scan3A_74, %ge3A : i32
        %convert_element_type3A_202 = arith.extui %ge3A_201 : i1 to i32
        %cond3A_203 = arith.constant 0 : i32
        %cond3A_204 = arith.cmpi ne, %convert_element_type3A_202, %cond3A_203 : i32
        scf.if %cond3A_204 {
          %dma_wait3A_229 = arith.constant 1 : i32
          %dma_wait3A_230 = arith.constant 0 : i32
          %dma_wait3A_231 = tpu.memref_slice %arg7[%dma_wait3A_229, %dma_wait3A_230] : memref<2x80xi32, #tpu.memory_space<vmem>> -> memref<1x80xi32, #tpu.memory_space<vmem>>
          %dma_wait3A_232 = tpu.memref_squeeze %dma_wait3A_231 : memref<1x80xi32, #tpu.memory_space<vmem>> -> memref<80xi32, #tpu.memory_space<vmem>>
          %dma_wait3A_233 = arith.constant 0 : i32
          %dma_wait3A_234 = arith.constant 0 : i32
          %dma_wait3A_235 = tpu.memref_slice %arg10[%dma_wait3A_233, %dma_wait3A_234] : memref<10240x128xf32, #tpu.memory_space<vmem_shared>> -> memref<10240x128xf32, #tpu.memory_space<vmem_shared>>
          tpu.wait_indirect_dma semaphore(%arg14 : memref<!tpu.dma_semaphore, #tpu.memory_space<semaphore_mem>>) src(%arg9 : memref<80x128xf32, #tpu.memory_space<vmem>>) dst(%dma_wait3A_235 : memref<10240x128xf32, #tpu.memory_space<vmem_shared>>)
        } else {
        }
        %ge3A_205 = arith.constant 1 : i32
        %ge3A_206 = arith.cmpi sge, %scan3A_74, %ge3A_205 : i32
        %add3A_207 = arith.constant 2 : i32
        %add3A_208 = arith.addi %scan3A_74, %add3A_207 : i32
        %lt3A_209 = arith.constant 125 : i32
        %lt3A_210 = arith.cmpi slt, %add3A_208, %lt3A_209 : i32
        %and3A_211 = arith.andi %ge3A_206, %lt3A_210 : i1
        %convert_element_type3A_212 = arith.extui %and3A_211 : i1 to i32
        %cond3A_213 = arith.constant 0 : i32
        %cond3A_214 = arith.cmpi ne, %convert_element_type3A_212, %cond3A_213 : i32
        scf.if %cond3A_214 {
          %add3A_229 = arith.constant 2 : i32
          %add3A_230 = arith.addi %scan3A_74, %add3A_229 : i32
          %dma_start3A_231 = arith.constant 0 : i32
          %dma_start3A_232 = arith.constant 0 : i32
          %dma_start3A_233 = tpu.memref_slice %arg3[%add3A, %add3A_230, %dma_start3A_231, %dma_start3A_232] : memref<32x125x2x80xi32, #tpu.memory_space<hbm>> -> memref<1x1x2x80xi32, #tpu.memory_space<hbm>>
          %dma_start3A_234 = tpu.memref_squeeze %dma_start3A_233 : memref<1x1x2x80xi32, #tpu.memory_space<hbm>> -> memref<2x80xi32, #tpu.memory_space<hbm>>
          %dma_start3A_235 = arith.constant 0 : i32
          %dma_start3A_236 = arith.constant 0 : i32
          %dma_start3A_237 = tpu.memref_slice %arg3[%add3A, %add3A_230, %dma_start3A_235, %dma_start3A_236] : memref<32x125x2x80xi32, #tpu.memory_space<hbm>> -> memref<1x1x2x80xi32, #tpu.memory_space<hbm>>
          %dma_start3A_238 = tpu.memref_squeeze %dma_start3A_237 : memref<1x1x2x80xi32, #tpu.memory_space<hbm>> -> memref<2x80xi32, #tpu.memory_space<hbm>>
          tpu.enqueue_dma source(%dma_start3A_238 : memref<2x80xi32, #tpu.memory_space<hbm>>) target(%arg7 : memref<2x80xi32, #tpu.memory_space<vmem>>) target_semaphore(%arg17 : memref<!tpu.dma_semaphore, #tpu.memory_space<semaphore_mem>>)
        } else {
        }
        %add3A_215 = arith.constant 1 : i32
        %add3A_216 = arith.addi %scan3A_74, %add3A_215 : i32
        %lt3A_217 = arith.constant 125 : i32
        %lt3A_218 = arith.cmpi slt, %add3A_216, %lt3A_217 : i32
        %convert_element_type3A_219 = arith.extui %lt3A_218 : i1 to i32
        %cond3A_220 = arith.constant 0 : i32
        %cond3A_221 = arith.cmpi ne, %convert_element_type3A_219, %cond3A_220 : i32
        scf.if %cond3A_221 {
          %dma_wait3A_229 = arith.constant 0 : i32
          %dma_wait3A_230 = arith.constant 0 : i32
          %dma_wait3A_231 = arith.constant 0 : i32
          %dma_wait3A_232 = tpu.memref_slice %arg3[%add3A, %dma_wait3A_229, %dma_wait3A_230, %dma_wait3A_231] : memref<32x125x2x80xi32, #tpu.memory_space<hbm>> -> memref<1x1x2x80xi32, #tpu.memory_space<hbm>>
          %dma_wait3A_233 = tpu.memref_squeeze %dma_wait3A_232 : memref<1x1x2x80xi32, #tpu.memory_space<hbm>> -> memref<2x80xi32, #tpu.memory_space<hbm>>
          %dma_wait3A_234 = arith.constant 0 : i32
          %dma_wait3A_235 = arith.constant 0 : i32
          %dma_wait3A_236 = tpu.memref_slice %arg3[%add3A, %dma_wait3A_229, %dma_wait3A_234, %dma_wait3A_235] : memref<32x125x2x80xi32, #tpu.memory_space<hbm>> -> memref<1x1x2x80xi32, #tpu.memory_space<hbm>>
          %dma_wait3A_237 = tpu.memref_squeeze %dma_wait3A_236 : memref<1x1x2x80xi32, #tpu.memory_space<hbm>> -> memref<2x80xi32, #tpu.memory_space<hbm>>
          tpu.wait_dma2 semaphore(%arg16 : memref<!tpu.dma_semaphore, #tpu.memory_space<semaphore_mem>>) src(%dma_wait3A_237 : memref<2x80xi32, #tpu.memory_space<hbm>>) dst(%arg6 : memref<2x80xi32, #tpu.memory_space<vmem>>)
          %dma_start3A_238 = arith.constant 0 : i32
          %dma_start3A_239 = arith.constant 0 : i32
          %dma_start3A_240 = tpu.memref_slice %arg6[%dma_start3A_238, %dma_start3A_239] : memref<2x80xi32, #tpu.memory_space<vmem>> -> memref<1x80xi32, #tpu.memory_space<vmem>>
          %dma_start3A_241 = tpu.memref_squeeze %dma_start3A_240 : memref<1x80xi32, #tpu.memory_space<vmem>> -> memref<80xi32, #tpu.memory_space<vmem>>
          %dma_start3A_242 = arith.constant 0 : i32
          %dma_start3A_243 = arith.constant 0 : i32
          %dma_start3A_244 = tpu.memref_slice %arg2[%dma_start3A_242, %dma_start3A_243] : memref<10000x128xf32, #tpu.memory_space<hbm>> -> memref<10000x128xf32, #tpu.memory_space<hbm>>
          tpu.enqueue_indirect_dma source(%dma_start3A_244 : memref<10000x128xf32, #tpu.memory_space<hbm>>) target(%arg9 : memref<80x128xf32, #tpu.memory_space<vmem>>) offsets(%dma_start3A_241 : memref<80xi32, #tpu.memory_space<vmem>>) semaphore(%arg12 : memref<!tpu.dma_semaphore, #tpu.memory_space<semaphore_mem>>)
        } else {
        }
        %dma_start3A_222 = arith.constant 1 : i32
        %dma_start3A_223 = arith.constant 0 : i32
        %dma_start3A_224 = tpu.memref_slice %arg5[%dma_start3A_222, %dma_start3A_223] : memref<2x80xi32, #tpu.memory_space<vmem>> -> memref<1x80xi32, #tpu.memory_space<vmem>>
        %dma_start3A_225 = tpu.memref_squeeze %dma_start3A_224 : memref<1x80xi32, #tpu.memory_space<vmem>> -> memref<80xi32, #tpu.memory_space<vmem>>
        %dma_start3A_226 = arith.constant 0 : i32
        %dma_start3A_227 = arith.constant 0 : i32
        %dma_start3A_228 = tpu.memref_slice %arg10[%dma_start3A_226, %dma_start3A_227] : memref<10240x128xf32, #tpu.memory_space<vmem_shared>> -> memref<10240x128xf32, #tpu.memory_space<vmem_shared>>
        tpu.enqueue_indirect_dma source(%arg8 : memref<80x128xf32, #tpu.memory_space<vmem>>) target(%dma_start3A_228 : memref<10240x128xf32, #tpu.memory_space<vmem_shared>>) offsets(%dma_start3A_225 : memref<80xi32, #tpu.memory_space<vmem>>) semaphore(%arg13 : memref<!tpu.dma_semaphore, #tpu.memory_space<semaphore_mem>>) {add = true}
      } else {
      }
      %jit3A_88 = arith.constant 6 : i32
      %eq3A_89 = arith.constant 0 : i32
      %eq3A_90 = arith.cmpi eq, %jit3A_88, %eq3A_89 : i32
      %jit3A_91 = arith.constant 1 : i32
      %select_n3A_92 = arith.select %eq3A_90, %jit3A_91, %jit3A_88 : i32
      %rem3A_93 = arith.remsi %scan3A_74, %select_n3A_92 : i32
      %ne3A_94 = arith.constant 0 : i32
      %ne3A_95 = arith.cmpi ne, %rem3A_93, %ne3A_94 : i32
      %lt3A_96 = arith.constant 0 : i32
      %lt3A_97 = arith.cmpi slt, %rem3A_93, %lt3A_96 : i32
      %lt3A_98 = arith.constant 0 : i32
      %lt3A_99 = arith.cmpi slt, %select_n3A_92, %lt3A_98 : i32
      %ne3A_100 = arith.xori %lt3A_97, %lt3A_99 : i1
      %and3A_101 = arith.andi %ne3A_100, %ne3A_95 : i1
      %add3A_102 = arith.addi %rem3A_93, %select_n3A_92 : i32
      %select_n3A_103 = arith.select %and3A_101, %add3A_102, %rem3A_93 : i32
      %eq3A_104 = arith.constant 1 : i32
      %eq3A_105 = arith.cmpi eq, %select_n3A_103, %eq3A_104 : i32
      %convert_element_type3A_106 = arith.extui %eq3A_105 : i1 to i32
      %cond3A_107 = arith.constant 0 : i32
      %cond3A_108 = arith.cmpi ne, %convert_element_type3A_106, %cond3A_107 : i32
      scf.if %cond3A_108 {
        %dma_wait3A_194 = arith.constant 0 : i32
        %dma_wait3A_195 = arith.constant 0 : i32
        %dma_wait3A_196 = tpu.memref_slice %arg6[%dma_wait3A_194, %dma_wait3A_195] : memref<2x80xi32, #tpu.memory_space<vmem>> -> memref<1x80xi32, #tpu.memory_space<vmem>>
        %dma_wait3A_197 = tpu.memref_squeeze %dma_wait3A_196 : memref<1x80xi32, #tpu.memory_space<vmem>> -> memref<80xi32, #tpu.memory_space<vmem>>
        %dma_wait3A_198 = arith.constant 0 : i32
        %dma_wait3A_199 = arith.constant 0 : i32
        %dma_wait3A_200 = tpu.memref_slice %arg2[%dma_wait3A_198, %dma_wait3A_199] : memref<10000x128xf32, #tpu.memory_space<hbm>> -> memref<10000x128xf32, #tpu.memory_space<hbm>>
        tpu.wait_indirect_dma semaphore(%arg12 : memref<!tpu.dma_semaphore, #tpu.memory_space<semaphore_mem>>) src(%dma_wait3A_200 : memref<10000x128xf32, #tpu.memory_space<hbm>>) dst(%arg9 : memref<80x128xf32, #tpu.memory_space<vmem>>)
        %ge3A = arith.constant 1 : i32
        %ge3A_201 = arith.cmpi sge, %scan3A_74, %ge3A : i32
        %convert_element_type3A_202 = arith.extui %ge3A_201 : i1 to i32
        %cond3A_203 = arith.constant 0 : i32
        %cond3A_204 = arith.cmpi ne, %convert_element_type3A_202, %cond3A_203 : i32
        scf.if %cond3A_204 {
          %dma_wait3A_229 = arith.constant 1 : i32
          %dma_wait3A_230 = arith.constant 0 : i32
          %dma_wait3A_231 = tpu.memref_slice %arg5[%dma_wait3A_229, %dma_wait3A_230] : memref<2x80xi32, #tpu.memory_space<vmem>> -> memref<1x80xi32, #tpu.memory_space<vmem>>
          %dma_wait3A_232 = tpu.memref_squeeze %dma_wait3A_231 : memref<1x80xi32, #tpu.memory_space<vmem>> -> memref<80xi32, #tpu.memory_space<vmem>>
          %dma_wait3A_233 = arith.constant 0 : i32
          %dma_wait3A_234 = arith.constant 0 : i32
          %dma_wait3A_235 = tpu.memref_slice %arg10[%dma_wait3A_233, %dma_wait3A_234] : memref<10240x128xf32, #tpu.memory_space<vmem_shared>> -> memref<10240x128xf32, #tpu.memory_space<vmem_shared>>
          tpu.wait_indirect_dma semaphore(%arg13 : memref<!tpu.dma_semaphore, #tpu.memory_space<semaphore_mem>>) src(%arg8 : memref<80x128xf32, #tpu.memory_space<vmem>>) dst(%dma_wait3A_235 : memref<10240x128xf32, #tpu.memory_space<vmem_shared>>)
        } else {
        }
        %ge3A_205 = arith.constant 1 : i32
        %ge3A_206 = arith.cmpi sge, %scan3A_74, %ge3A_205 : i32
        %add3A_207 = arith.constant 2 : i32
        %add3A_208 = arith.addi %scan3A_74, %add3A_207 : i32
        %lt3A_209 = arith.constant 125 : i32
        %lt3A_210 = arith.cmpi slt, %add3A_208, %lt3A_209 : i32
        %and3A_211 = arith.andi %ge3A_206, %lt3A_210 : i1
        %convert_element_type3A_212 = arith.extui %and3A_211 : i1 to i32
        %cond3A_213 = arith.constant 0 : i32
        %cond3A_214 = arith.cmpi ne, %convert_element_type3A_212, %cond3A_213 : i32
        scf.if %cond3A_214 {
          %add3A_229 = arith.constant 2 : i32
          %add3A_230 = arith.addi %scan3A_74, %add3A_229 : i32
          %dma_start3A_231 = arith.constant 0 : i32
          %dma_start3A_232 = arith.constant 0 : i32
          %dma_start3A_233 = tpu.memref_slice %arg3[%add3A, %add3A_230, %dma_start3A_231, %dma_start3A_232] : memref<32x125x2x80xi32, #tpu.memory_space<hbm>> -> memref<1x1x2x80xi32, #tpu.memory_space<hbm>>
          %dma_start3A_234 = tpu.memref_squeeze %dma_start3A_233 : memref<1x1x2x80xi32, #tpu.memory_space<hbm>> -> memref<2x80xi32, #tpu.memory_space<hbm>>
          %dma_start3A_235 = arith.constant 0 : i32
          %dma_start3A_236 = arith.constant 0 : i32
          %dma_start3A_237 = tpu.memref_slice %arg3[%add3A, %add3A_230, %dma_start3A_235, %dma_start3A_236] : memref<32x125x2x80xi32, #tpu.memory_space<hbm>> -> memref<1x1x2x80xi32, #tpu.memory_space<hbm>>
          %dma_start3A_238 = tpu.memref_squeeze %dma_start3A_237 : memref<1x1x2x80xi32, #tpu.memory_space<hbm>> -> memref<2x80xi32, #tpu.memory_space<hbm>>
          tpu.enqueue_dma source(%dma_start3A_238 : memref<2x80xi32, #tpu.memory_space<hbm>>) target(%arg5 : memref<2x80xi32, #tpu.memory_space<vmem>>) target_semaphore(%arg15 : memref<!tpu.dma_semaphore, #tpu.memory_space<semaphore_mem>>)
        } else {
        }
        %add3A_215 = arith.constant 1 : i32
        %add3A_216 = arith.addi %scan3A_74, %add3A_215 : i32
        %lt3A_217 = arith.constant 125 : i32
        %lt3A_218 = arith.cmpi slt, %add3A_216, %lt3A_217 : i32
        %convert_element_type3A_219 = arith.extui %lt3A_218 : i1 to i32
        %cond3A_220 = arith.constant 0 : i32
        %cond3A_221 = arith.cmpi ne, %convert_element_type3A_219, %cond3A_220 : i32
        scf.if %cond3A_221 {
          %dma_wait3A_229 = arith.constant 0 : i32
          %dma_wait3A_230 = arith.constant 0 : i32
          %dma_wait3A_231 = arith.constant 0 : i32
          %dma_wait3A_232 = tpu.memref_slice %arg3[%add3A, %dma_wait3A_229, %dma_wait3A_230, %dma_wait3A_231] : memref<32x125x2x80xi32, #tpu.memory_space<hbm>> -> memref<1x1x2x80xi32, #tpu.memory_space<hbm>>
          %dma_wait3A_233 = tpu.memref_squeeze %dma_wait3A_232 : memref<1x1x2x80xi32, #tpu.memory_space<hbm>> -> memref<2x80xi32, #tpu.memory_space<hbm>>
          %dma_wait3A_234 = arith.constant 0 : i32
          %dma_wait3A_235 = arith.constant 0 : i32
          %dma_wait3A_236 = tpu.memref_slice %arg3[%add3A, %dma_wait3A_229, %dma_wait3A_234, %dma_wait3A_235] : memref<32x125x2x80xi32, #tpu.memory_space<hbm>> -> memref<1x1x2x80xi32, #tpu.memory_space<hbm>>
          %dma_wait3A_237 = tpu.memref_squeeze %dma_wait3A_236 : memref<1x1x2x80xi32, #tpu.memory_space<hbm>> -> memref<2x80xi32, #tpu.memory_space<hbm>>
          tpu.wait_dma2 semaphore(%arg17 : memref<!tpu.dma_semaphore, #tpu.memory_space<semaphore_mem>>) src(%dma_wait3A_237 : memref<2x80xi32, #tpu.memory_space<hbm>>) dst(%arg7 : memref<2x80xi32, #tpu.memory_space<vmem>>)
          %dma_start3A_238 = arith.constant 0 : i32
          %dma_start3A_239 = arith.constant 0 : i32
          %dma_start3A_240 = tpu.memref_slice %arg7[%dma_start3A_238, %dma_start3A_239] : memref<2x80xi32, #tpu.memory_space<vmem>> -> memref<1x80xi32, #tpu.memory_space<vmem>>
          %dma_start3A_241 = tpu.memref_squeeze %dma_start3A_240 : memref<1x80xi32, #tpu.memory_space<vmem>> -> memref<80xi32, #tpu.memory_space<vmem>>
          %dma_start3A_242 = arith.constant 0 : i32
          %dma_start3A_243 = arith.constant 0 : i32
          %dma_start3A_244 = tpu.memref_slice %arg2[%dma_start3A_242, %dma_start3A_243] : memref<10000x128xf32, #tpu.memory_space<hbm>> -> memref<10000x128xf32, #tpu.memory_space<hbm>>
          tpu.enqueue_indirect_dma source(%dma_start3A_244 : memref<10000x128xf32, #tpu.memory_space<hbm>>) target(%arg8 : memref<80x128xf32, #tpu.memory_space<vmem>>) offsets(%dma_start3A_241 : memref<80xi32, #tpu.memory_space<vmem>>) semaphore(%arg11 : memref<!tpu.dma_semaphore, #tpu.memory_space<semaphore_mem>>)
        } else {
        }
        %dma_start3A_222 = arith.constant 1 : i32
        %dma_start3A_223 = arith.constant 0 : i32
        %dma_start3A_224 = tpu.memref_slice %arg6[%dma_start3A_222, %dma_start3A_223] : memref<2x80xi32, #tpu.memory_space<vmem>> -> memref<1x80xi32, #tpu.memory_space<vmem>>
        %dma_start3A_225 = tpu.memref_squeeze %dma_start3A_224 : memref<1x80xi32, #tpu.memory_space<vmem>> -> memref<80xi32, #tpu.memory_space<vmem>>
        %dma_start3A_226 = arith.constant 0 : i32
        %dma_start3A_227 = arith.constant 0 : i32
        %dma_start3A_228 = tpu.memref_slice %arg10[%dma_start3A_226, %dma_start3A_227] : memref<10240x128xf32, #tpu.memory_space<vmem_shared>> -> memref<10240x128xf32, #tpu.memory_space<vmem_shared>>
        tpu.enqueue_indirect_dma source(%arg9 : memref<80x128xf32, #tpu.memory_space<vmem>>) target(%dma_start3A_228 : memref<10240x128xf32, #tpu.memory_space<vmem_shared>>) offsets(%dma_start3A_225 : memref<80xi32, #tpu.memory_space<vmem>>) semaphore(%arg14 : memref<!tpu.dma_semaphore, #tpu.memory_space<semaphore_mem>>) {add = true}
      } else {
      }
      %jit3A_109 = arith.constant 6 : i32
      %eq3A_110 = arith.constant 0 : i32
      %eq3A_111 = arith.cmpi eq, %jit3A_109, %eq3A_110 : i32
      %jit3A_112 = arith.constant 1 : i32
      %select_n3A_113 = arith.select %eq3A_111, %jit3A_112, %jit3A_109 : i32
      %rem3A_114 = arith.remsi %scan3A_74, %select_n3A_113 : i32
      %ne3A_115 = arith.constant 0 : i32
      %ne3A_116 = arith.cmpi ne, %rem3A_114, %ne3A_115 : i32
      %lt3A_117 = arith.constant 0 : i32
      %lt3A_118 = arith.cmpi slt, %rem3A_114, %lt3A_117 : i32
      %lt3A_119 = arith.constant 0 : i32
      %lt3A_120 = arith.cmpi slt, %select_n3A_113, %lt3A_119 : i32
      %ne3A_121 = arith.xori %lt3A_118, %lt3A_120 : i1
      %and3A_122 = arith.andi %ne3A_121, %ne3A_116 : i1
      %add3A_123 = arith.addi %rem3A_114, %select_n3A_113 : i32
      %select_n3A_124 = arith.select %and3A_122, %add3A_123, %rem3A_114 : i32
      %eq3A_125 = arith.constant 2 : i32
      %eq3A_126 = arith.cmpi eq, %select_n3A_124, %eq3A_125 : i32
      %convert_element_type3A_127 = arith.extui %eq3A_126 : i1 to i32
      %cond3A_128 = arith.constant 0 : i32
      %cond3A_129 = arith.cmpi ne, %convert_element_type3A_127, %cond3A_128 : i32
      scf.if %cond3A_129 {
        %dma_wait3A_194 = arith.constant 0 : i32
        %dma_wait3A_195 = arith.constant 0 : i32
        %dma_wait3A_196 = tpu.memref_slice %arg7[%dma_wait3A_194, %dma_wait3A_195] : memref<2x80xi32, #tpu.memory_space<vmem>> -> memref<1x80xi32, #tpu.memory_space<vmem>>
        %dma_wait3A_197 = tpu.memref_squeeze %dma_wait3A_196 : memref<1x80xi32, #tpu.memory_space<vmem>> -> memref<80xi32, #tpu.memory_space<vmem>>
        %dma_wait3A_198 = arith.constant 0 : i32
        %dma_wait3A_199 = arith.constant 0 : i32
        %dma_wait3A_200 = tpu.memref_slice %arg2[%dma_wait3A_198, %dma_wait3A_199] : memref<10000x128xf32, #tpu.memory_space<hbm>> -> memref<10000x128xf32, #tpu.memory_space<hbm>>
        tpu.wait_indirect_dma semaphore(%arg11 : memref<!tpu.dma_semaphore, #tpu.memory_space<semaphore_mem>>) src(%dma_wait3A_200 : memref<10000x128xf32, #tpu.memory_space<hbm>>) dst(%arg8 : memref<80x128xf32, #tpu.memory_space<vmem>>)
        %ge3A = arith.constant 1 : i32
        %ge3A_201 = arith.cmpi sge, %scan3A_74, %ge3A : i32
        %convert_element_type3A_202 = arith.extui %ge3A_201 : i1 to i32
        %cond3A_203 = arith.constant 0 : i32
        %cond3A_204 = arith.cmpi ne, %convert_element_type3A_202, %cond3A_203 : i32
        scf.if %cond3A_204 {
          %dma_wait3A_229 = arith.constant 1 : i32
          %dma_wait3A_230 = arith.constant 0 : i32
          %dma_wait3A_231 = tpu.memref_slice %arg6[%dma_wait3A_229, %dma_wait3A_230] : memref<2x80xi32, #tpu.memory_space<vmem>> -> memref<1x80xi32, #tpu.memory_space<vmem>>
          %dma_wait3A_232 = tpu.memref_squeeze %dma_wait3A_231 : memref<1x80xi32, #tpu.memory_space<vmem>> -> memref<80xi32, #tpu.memory_space<vmem>>
          %dma_wait3A_233 = arith.constant 0 : i32
          %dma_wait3A_234 = arith.constant 0 : i32
          %dma_wait3A_235 = tpu.memref_slice %arg10[%dma_wait3A_233, %dma_wait3A_234] : memref<10240x128xf32, #tpu.memory_space<vmem_shared>> -> memref<10240x128xf32, #tpu.memory_space<vmem_shared>>
          tpu.wait_indirect_dma semaphore(%arg14 : memref<!tpu.dma_semaphore, #tpu.memory_space<semaphore_mem>>) src(%arg9 : memref<80x128xf32, #tpu.memory_space<vmem>>) dst(%dma_wait3A_235 : memref<10240x128xf32, #tpu.memory_space<vmem_shared>>)
        } else {
        }
        %ge3A_205 = arith.constant 1 : i32
        %ge3A_206 = arith.cmpi sge, %scan3A_74, %ge3A_205 : i32
        %add3A_207 = arith.constant 2 : i32
        %add3A_208 = arith.addi %scan3A_74, %add3A_207 : i32
        %lt3A_209 = arith.constant 125 : i32
        %lt3A_210 = arith.cmpi slt, %add3A_208, %lt3A_209 : i32
        %and3A_211 = arith.andi %ge3A_206, %lt3A_210 : i1
        %convert_element_type3A_212 = arith.extui %and3A_211 : i1 to i32
        %cond3A_213 = arith.constant 0 : i32
        %cond3A_214 = arith.cmpi ne, %convert_element_type3A_212, %cond3A_213 : i32
        scf.if %cond3A_214 {
          %add3A_229 = arith.constant 2 : i32
          %add3A_230 = arith.addi %scan3A_74, %add3A_229 : i32
          %dma_start3A_231 = arith.constant 0 : i32
          %dma_start3A_232 = arith.constant 0 : i32
          %dma_start3A_233 = tpu.memref_slice %arg3[%add3A, %add3A_230, %dma_start3A_231, %dma_start3A_232] : memref<32x125x2x80xi32, #tpu.memory_space<hbm>> -> memref<1x1x2x80xi32, #tpu.memory_space<hbm>>
          %dma_start3A_234 = tpu.memref_squeeze %dma_start3A_233 : memref<1x1x2x80xi32, #tpu.memory_space<hbm>> -> memref<2x80xi32, #tpu.memory_space<hbm>>
          %dma_start3A_235 = arith.constant 0 : i32
          %dma_start3A_236 = arith.constant 0 : i32
          %dma_start3A_237 = tpu.memref_slice %arg3[%add3A, %add3A_230, %dma_start3A_235, %dma_start3A_236] : memref<32x125x2x80xi32, #tpu.memory_space<hbm>> -> memref<1x1x2x80xi32, #tpu.memory_space<hbm>>
          %dma_start3A_238 = tpu.memref_squeeze %dma_start3A_237 : memref<1x1x2x80xi32, #tpu.memory_space<hbm>> -> memref<2x80xi32, #tpu.memory_space<hbm>>
          tpu.enqueue_dma source(%dma_start3A_238 : memref<2x80xi32, #tpu.memory_space<hbm>>) target(%arg6 : memref<2x80xi32, #tpu.memory_space<vmem>>) target_semaphore(%arg16 : memref<!tpu.dma_semaphore, #tpu.memory_space<semaphore_mem>>)
        } else {
        }
        %add3A_215 = arith.constant 1 : i32
        %add3A_216 = arith.addi %scan3A_74, %add3A_215 : i32
        %lt3A_217 = arith.constant 125 : i32
        %lt3A_218 = arith.cmpi slt, %add3A_216, %lt3A_217 : i32
        %convert_element_type3A_219 = arith.extui %lt3A_218 : i1 to i32
        %cond3A_220 = arith.constant 0 : i32
        %cond3A_221 = arith.cmpi ne, %convert_element_type3A_219, %cond3A_220 : i32
        scf.if %cond3A_221 {
          %dma_wait3A_229 = arith.constant 0 : i32
          %dma_wait3A_230 = arith.constant 0 : i32
          %dma_wait3A_231 = arith.constant 0 : i32
          %dma_wait3A_232 = tpu.memref_slice %arg3[%add3A, %dma_wait3A_229, %dma_wait3A_230, %dma_wait3A_231] : memref<32x125x2x80xi32, #tpu.memory_space<hbm>> -> memref<1x1x2x80xi32, #tpu.memory_space<hbm>>
          %dma_wait3A_233 = tpu.memref_squeeze %dma_wait3A_232 : memref<1x1x2x80xi32, #tpu.memory_space<hbm>> -> memref<2x80xi32, #tpu.memory_space<hbm>>
          %dma_wait3A_234 = arith.constant 0 : i32
          %dma_wait3A_235 = arith.constant 0 : i32
          %dma_wait3A_236 = tpu.memref_slice %arg3[%add3A, %dma_wait3A_229, %dma_wait3A_234, %dma_wait3A_235] : memref<32x125x2x80xi32, #tpu.memory_space<hbm>> -> memref<1x1x2x80xi32, #tpu.memory_space<hbm>>
          %dma_wait3A_237 = tpu.memref_squeeze %dma_wait3A_236 : memref<1x1x2x80xi32, #tpu.memory_space<hbm>> -> memref<2x80xi32, #tpu.memory_space<hbm>>
          tpu.wait_dma2 semaphore(%arg15 : memref<!tpu.dma_semaphore, #tpu.memory_space<semaphore_mem>>) src(%dma_wait3A_237 : memref<2x80xi32, #tpu.memory_space<hbm>>) dst(%arg5 : memref<2x80xi32, #tpu.memory_space<vmem>>)
          %dma_start3A_238 = arith.constant 0 : i32
          %dma_start3A_239 = arith.constant 0 : i32
          %dma_start3A_240 = tpu.memref_slice %arg5[%dma_start3A_238, %dma_start3A_239] : memref<2x80xi32, #tpu.memory_space<vmem>> -> memref<1x80xi32, #tpu.memory_space<vmem>>
          %dma_start3A_241 = tpu.memref_squeeze %dma_start3A_240 : memref<1x80xi32, #tpu.memory_space<vmem>> -> memref<80xi32, #tpu.memory_space<vmem>>
          %dma_start3A_242 = arith.constant 0 : i32
          %dma_start3A_243 = arith.constant 0 : i32
          %dma_start3A_244 = tpu.memref_slice %arg2[%dma_start3A_242, %dma_start3A_243] : memref<10000x128xf32, #tpu.memory_space<hbm>> -> memref<10000x128xf32, #tpu.memory_space<hbm>>
          tpu.enqueue_indirect_dma source(%dma_start3A_244 : memref<10000x128xf32, #tpu.memory_space<hbm>>) target(%arg9 : memref<80x128xf32, #tpu.memory_space<vmem>>) offsets(%dma_start3A_241 : memref<80xi32, #tpu.memory_space<vmem>>) semaphore(%arg12 : memref<!tpu.dma_semaphore, #tpu.memory_space<semaphore_mem>>)
        } else {
        }
        %dma_start3A_222 = arith.constant 1 : i32
        %dma_start3A_223 = arith.constant 0 : i32
        %dma_start3A_224 = tpu.memref_slice %arg7[%dma_start3A_222, %dma_start3A_223] : memref<2x80xi32, #tpu.memory_space<vmem>> -> memref<1x80xi32, #tpu.memory_space<vmem>>
        %dma_start3A_225 = tpu.memref_squeeze %dma_start3A_224 : memref<1x80xi32, #tpu.memory_space<vmem>> -> memref<80xi32, #tpu.memory_space<vmem>>
        %dma_start3A_226 = arith.constant 0 : i32
        %dma_start3A_227 = arith.constant 0 : i32
        %dma_start3A_228 = tpu.memref_slice %arg10[%dma_start3A_226, %dma_start3A_227] : memref<10240x128xf32, #tpu.memory_space<vmem_shared>> -> memref<10240x128xf32, #tpu.memory_space<vmem_shared>>
        tpu.enqueue_indirect_dma source(%arg8 : memref<80x128xf32, #tpu.memory_space<vmem>>) target(%dma_start3A_228 : memref<10240x128xf32, #tpu.memory_space<vmem_shared>>) offsets(%dma_start3A_225 : memref<80xi32, #tpu.memory_space<vmem>>) semaphore(%arg13 : memref<!tpu.dma_semaphore, #tpu.memory_space<semaphore_mem>>) {add = true}
      } else {
      }
      %jit3A_130 = arith.constant 6 : i32
      %eq3A_131 = arith.constant 0 : i32
      %eq3A_132 = arith.cmpi eq, %jit3A_130, %eq3A_131 : i32
      %jit3A_133 = arith.constant 1 : i32
      %select_n3A_134 = arith.select %eq3A_132, %jit3A_133, %jit3A_130 : i32
      %rem3A_135 = arith.remsi %scan3A_74, %select_n3A_134 : i32
      %ne3A_136 = arith.constant 0 : i32
      %ne3A_137 = arith.cmpi ne, %rem3A_135, %ne3A_136 : i32
      %lt3A_138 = arith.constant 0 : i32
      %lt3A_139 = arith.cmpi slt, %rem3A_135, %lt3A_138 : i32
      %lt3A_140 = arith.constant 0 : i32
      %lt3A_141 = arith.cmpi slt, %select_n3A_134, %lt3A_140 : i32
      %ne3A_142 = arith.xori %lt3A_139, %lt3A_141 : i1
      %and3A_143 = arith.andi %ne3A_142, %ne3A_137 : i1
      %add3A_144 = arith.addi %rem3A_135, %select_n3A_134 : i32
      %select_n3A_145 = arith.select %and3A_143, %add3A_144, %rem3A_135 : i32
      %eq3A_146 = arith.constant 3 : i32
      %eq3A_147 = arith.cmpi eq, %select_n3A_145, %eq3A_146 : i32
      %convert_element_type3A_148 = arith.extui %eq3A_147 : i1 to i32
      %cond3A_149 = arith.constant 0 : i32
      %cond3A_150 = arith.cmpi ne, %convert_element_type3A_148, %cond3A_149 : i32
      scf.if %cond3A_150 {
        %dma_wait3A_194 = arith.constant 0 : i32
        %dma_wait3A_195 = arith.constant 0 : i32
        %dma_wait3A_196 = tpu.memref_slice %arg5[%dma_wait3A_194, %dma_wait3A_195] : memref<2x80xi32, #tpu.memory_space<vmem>> -> memref<1x80xi32, #tpu.memory_space<vmem>>
        %dma_wait3A_197 = tpu.memref_squeeze %dma_wait3A_196 : memref<1x80xi32, #tpu.memory_space<vmem>> -> memref<80xi32, #tpu.memory_space<vmem>>
        %dma_wait3A_198 = arith.constant 0 : i32
        %dma_wait3A_199 = arith.constant 0 : i32
        %dma_wait3A_200 = tpu.memref_slice %arg2[%dma_wait3A_198, %dma_wait3A_199] : memref<10000x128xf32, #tpu.memory_space<hbm>> -> memref<10000x128xf32, #tpu.memory_space<hbm>>
        tpu.wait_indirect_dma semaphore(%arg12 : memref<!tpu.dma_semaphore, #tpu.memory_space<semaphore_mem>>) src(%dma_wait3A_200 : memref<10000x128xf32, #tpu.memory_space<hbm>>) dst(%arg9 : memref<80x128xf32, #tpu.memory_space<vmem>>)
        %ge3A = arith.constant 1 : i32
        %ge3A_201 = arith.cmpi sge, %scan3A_74, %ge3A : i32
        %convert_element_type3A_202 = arith.extui %ge3A_201 : i1 to i32
        %cond3A_203 = arith.constant 0 : i32
        %cond3A_204 = arith.cmpi ne, %convert_element_type3A_202, %cond3A_203 : i32
        scf.if %cond3A_204 {
          %dma_wait3A_229 = arith.constant 1 : i32
          %dma_wait3A_230 = arith.constant 0 : i32
          %dma_wait3A_231 = tpu.memref_slice %arg7[%dma_wait3A_229, %dma_wait3A_230] : memref<2x80xi32, #tpu.memory_space<vmem>> -> memref<1x80xi32, #tpu.memory_space<vmem>>
          %dma_wait3A_232 = tpu.memref_squeeze %dma_wait3A_231 : memref<1x80xi32, #tpu.memory_space<vmem>> -> memref<80xi32, #tpu.memory_space<vmem>>
          %dma_wait3A_233 = arith.constant 0 : i32
          %dma_wait3A_234 = arith.constant 0 : i32
          %dma_wait3A_235 = tpu.memref_slice %arg10[%dma_wait3A_233, %dma_wait3A_234] : memref<10240x128xf32, #tpu.memory_space<vmem_shared>> -> memref<10240x128xf32, #tpu.memory_space<vmem_shared>>
          tpu.wait_indirect_dma semaphore(%arg13 : memref<!tpu.dma_semaphore, #tpu.memory_space<semaphore_mem>>) src(%arg8 : memref<80x128xf32, #tpu.memory_space<vmem>>) dst(%dma_wait3A_235 : memref<10240x128xf32, #tpu.memory_space<vmem_shared>>)
        } else {
        }
        %ge3A_205 = arith.constant 1 : i32
        %ge3A_206 = arith.cmpi sge, %scan3A_74, %ge3A_205 : i32
        %add3A_207 = arith.constant 2 : i32
        %add3A_208 = arith.addi %scan3A_74, %add3A_207 : i32
        %lt3A_209 = arith.constant 125 : i32
        %lt3A_210 = arith.cmpi slt, %add3A_208, %lt3A_209 : i32
        %and3A_211 = arith.andi %ge3A_206, %lt3A_210 : i1
        %convert_element_type3A_212 = arith.extui %and3A_211 : i1 to i32
        %cond3A_213 = arith.constant 0 : i32
        %cond3A_214 = arith.cmpi ne, %convert_element_type3A_212, %cond3A_213 : i32
        scf.if %cond3A_214 {
          %add3A_229 = arith.constant 2 : i32
          %add3A_230 = arith.addi %scan3A_74, %add3A_229 : i32
          %dma_start3A_231 = arith.constant 0 : i32
          %dma_start3A_232 = arith.constant 0 : i32
          %dma_start3A_233 = tpu.memref_slice %arg3[%add3A, %add3A_230, %dma_start3A_231, %dma_start3A_232] : memref<32x125x2x80xi32, #tpu.memory_space<hbm>> -> memref<1x1x2x80xi32, #tpu.memory_space<hbm>>
          %dma_start3A_234 = tpu.memref_squeeze %dma_start3A_233 : memref<1x1x2x80xi32, #tpu.memory_space<hbm>> -> memref<2x80xi32, #tpu.memory_space<hbm>>
          %dma_start3A_235 = arith.constant 0 : i32
          %dma_start3A_236 = arith.constant 0 : i32
          %dma_start3A_237 = tpu.memref_slice %arg3[%add3A, %add3A_230, %dma_start3A_235, %dma_start3A_236] : memref<32x125x2x80xi32, #tpu.memory_space<hbm>> -> memref<1x1x2x80xi32, #tpu.memory_space<hbm>>
          %dma_start3A_238 = tpu.memref_squeeze %dma_start3A_237 : memref<1x1x2x80xi32, #tpu.memory_space<hbm>> -> memref<2x80xi32, #tpu.memory_space<hbm>>
          tpu.enqueue_dma source(%dma_start3A_238 : memref<2x80xi32, #tpu.memory_space<hbm>>) target(%arg7 : memref<2x80xi32, #tpu.memory_space<vmem>>) target_semaphore(%arg17 : memref<!tpu.dma_semaphore, #tpu.memory_space<semaphore_mem>>)
        } else {
        }
        %add3A_215 = arith.constant 1 : i32
        %add3A_216 = arith.addi %scan3A_74, %add3A_215 : i32
        %lt3A_217 = arith.constant 125 : i32
        %lt3A_218 = arith.cmpi slt, %add3A_216, %lt3A_217 : i32
        %convert_element_type3A_219 = arith.extui %lt3A_218 : i1 to i32
        %cond3A_220 = arith.constant 0 : i32
        %cond3A_221 = arith.cmpi ne, %convert_element_type3A_219, %cond3A_220 : i32
        scf.if %cond3A_221 {
          %dma_wait3A_229 = arith.constant 0 : i32
          %dma_wait3A_230 = arith.constant 0 : i32
          %dma_wait3A_231 = arith.constant 0 : i32
          %dma_wait3A_232 = tpu.memref_slice %arg3[%add3A, %dma_wait3A_229, %dma_wait3A_230, %dma_wait3A_231] : memref<32x125x2x80xi32, #tpu.memory_space<hbm>> -> memref<1x1x2x80xi32, #tpu.memory_space<hbm>>
          %dma_wait3A_233 = tpu.memref_squeeze %dma_wait3A_232 : memref<1x1x2x80xi32, #tpu.memory_space<hbm>> -> memref<2x80xi32, #tpu.memory_space<hbm>>
          %dma_wait3A_234 = arith.constant 0 : i32
          %dma_wait3A_235 = arith.constant 0 : i32
          %dma_wait3A_236 = tpu.memref_slice %arg3[%add3A, %dma_wait3A_229, %dma_wait3A_234, %dma_wait3A_235] : memref<32x125x2x80xi32, #tpu.memory_space<hbm>> -> memref<1x1x2x80xi32, #tpu.memory_space<hbm>>
          %dma_wait3A_237 = tpu.memref_squeeze %dma_wait3A_236 : memref<1x1x2x80xi32, #tpu.memory_space<hbm>> -> memref<2x80xi32, #tpu.memory_space<hbm>>
          tpu.wait_dma2 semaphore(%arg16 : memref<!tpu.dma_semaphore, #tpu.memory_space<semaphore_mem>>) src(%dma_wait3A_237 : memref<2x80xi32, #tpu.memory_space<hbm>>) dst(%arg6 : memref<2x80xi32, #tpu.memory_space<vmem>>)
          %dma_start3A_238 = arith.constant 0 : i32
          %dma_start3A_239 = arith.constant 0 : i32
          %dma_start3A_240 = tpu.memref_slice %arg6[%dma_start3A_238, %dma_start3A_239] : memref<2x80xi32, #tpu.memory_space<vmem>> -> memref<1x80xi32, #tpu.memory_space<vmem>>
          %dma_start3A_241 = tpu.memref_squeeze %dma_start3A_240 : memref<1x80xi32, #tpu.memory_space<vmem>> -> memref<80xi32, #tpu.memory_space<vmem>>
          %dma_start3A_242 = arith.constant 0 : i32
          %dma_start3A_243 = arith.constant 0 : i32
          %dma_start3A_244 = tpu.memref_slice %arg2[%dma_start3A_242, %dma_start3A_243] : memref<10000x128xf32, #tpu.memory_space<hbm>> -> memref<10000x128xf32, #tpu.memory_space<hbm>>
          tpu.enqueue_indirect_dma source(%dma_start3A_244 : memref<10000x128xf32, #tpu.memory_space<hbm>>) target(%arg8 : memref<80x128xf32, #tpu.memory_space<vmem>>) offsets(%dma_start3A_241 : memref<80xi32, #tpu.memory_space<vmem>>) semaphore(%arg11 : memref<!tpu.dma_semaphore, #tpu.memory_space<semaphore_mem>>)
        } else {
        }
        %dma_start3A_222 = arith.constant 1 : i32
        %dma_start3A_223 = arith.constant 0 : i32
        %dma_start3A_224 = tpu.memref_slice %arg5[%dma_start3A_222, %dma_start3A_223] : memref<2x80xi32, #tpu.memory_space<vmem>> -> memref<1x80xi32, #tpu.memory_space<vmem>>
        %dma_start3A_225 = tpu.memref_squeeze %dma_start3A_224 : memref<1x80xi32, #tpu.memory_space<vmem>> -> memref<80xi32, #tpu.memory_space<vmem>>
        %dma_start3A_226 = arith.constant 0 : i32
        %dma_start3A_227 = arith.constant 0 : i32
        %dma_start3A_228 = tpu.memref_slice %arg10[%dma_start3A_226, %dma_start3A_227] : memref<10240x128xf32, #tpu.memory_space<vmem_shared>> -> memref<10240x128xf32, #tpu.memory_space<vmem_shared>>
        tpu.enqueue_indirect_dma source(%arg9 : memref<80x128xf32, #tpu.memory_space<vmem>>) target(%dma_start3A_228 : memref<10240x128xf32, #tpu.memory_space<vmem_shared>>) offsets(%dma_start3A_225 : memref<80xi32, #tpu.memory_space<vmem>>) semaphore(%arg14 : memref<!tpu.dma_semaphore, #tpu.memory_space<semaphore_mem>>) {add = true}
      } else {
      }
      %jit3A_151 = arith.constant 6 : i32
      %eq3A_152 = arith.constant 0 : i32
      %eq3A_153 = arith.cmpi eq, %jit3A_151, %eq3A_152 : i32
      %jit3A_154 = arith.constant 1 : i32
      %select_n3A_155 = arith.select %eq3A_153, %jit3A_154, %jit3A_151 : i32
      %rem3A_156 = arith.remsi %scan3A_74, %select_n3A_155 : i32
      %ne3A_157 = arith.constant 0 : i32
      %ne3A_158 = arith.cmpi ne, %rem3A_156, %ne3A_157 : i32
      %lt3A_159 = arith.constant 0 : i32
      %lt3A_160 = arith.cmpi slt, %rem3A_156, %lt3A_159 : i32
      %lt3A_161 = arith.constant 0 : i32
      %lt3A_162 = arith.cmpi slt, %select_n3A_155, %lt3A_161 : i32
      %ne3A_163 = arith.xori %lt3A_160, %lt3A_162 : i1
      %and3A_164 = arith.andi %ne3A_163, %ne3A_158 : i1
      %add3A_165 = arith.addi %rem3A_156, %select_n3A_155 : i32
      %select_n3A_166 = arith.select %and3A_164, %add3A_165, %rem3A_156 : i32
      %eq3A_167 = arith.constant 4 : i32
      %eq3A_168 = arith.cmpi eq, %select_n3A_166, %eq3A_167 : i32
      %convert_element_type3A_169 = arith.extui %eq3A_168 : i1 to i32
      %cond3A_170 = arith.constant 0 : i32
      %cond3A_171 = arith.cmpi ne, %convert_element_type3A_169, %cond3A_170 : i32
      scf.if %cond3A_171 {
        %dma_wait3A_194 = arith.constant 0 : i32
        %dma_wait3A_195 = arith.constant 0 : i32
        %dma_wait3A_196 = tpu.memref_slice %arg6[%dma_wait3A_194, %dma_wait3A_195] : memref<2x80xi32, #tpu.memory_space<vmem>> -> memref<1x80xi32, #tpu.memory_space<vmem>>
        %dma_wait3A_197 = tpu.memref_squeeze %dma_wait3A_196 : memref<1x80xi32, #tpu.memory_space<vmem>> -> memref<80xi32, #tpu.memory_space<vmem>>
        %dma_wait3A_198 = arith.constant 0 : i32
        %dma_wait3A_199 = arith.constant 0 : i32
        %dma_wait3A_200 = tpu.memref_slice %arg2[%dma_wait3A_198, %dma_wait3A_199] : memref<10000x128xf32, #tpu.memory_space<hbm>> -> memref<10000x128xf32, #tpu.memory_space<hbm>>
        tpu.wait_indirect_dma semaphore(%arg11 : memref<!tpu.dma_semaphore, #tpu.memory_space<semaphore_mem>>) src(%dma_wait3A_200 : memref<10000x128xf32, #tpu.memory_space<hbm>>) dst(%arg8 : memref<80x128xf32, #tpu.memory_space<vmem>>)
        %ge3A = arith.constant 1 : i32
        %ge3A_201 = arith.cmpi sge, %scan3A_74, %ge3A : i32
        %convert_element_type3A_202 = arith.extui %ge3A_201 : i1 to i32
        %cond3A_203 = arith.constant 0 : i32
        %cond3A_204 = arith.cmpi ne, %convert_element_type3A_202, %cond3A_203 : i32
        scf.if %cond3A_204 {
          %dma_wait3A_229 = arith.constant 1 : i32
          %dma_wait3A_230 = arith.constant 0 : i32
          %dma_wait3A_231 = tpu.memref_slice %arg5[%dma_wait3A_229, %dma_wait3A_230] : memref<2x80xi32, #tpu.memory_space<vmem>> -> memref<1x80xi32, #tpu.memory_space<vmem>>
          %dma_wait3A_232 = tpu.memref_squeeze %dma_wait3A_231 : memref<1x80xi32, #tpu.memory_space<vmem>> -> memref<80xi32, #tpu.memory_space<vmem>>
          %dma_wait3A_233 = arith.constant 0 : i32
          %dma_wait3A_234 = arith.constant 0 : i32
          %dma_wait3A_235 = tpu.memref_slice %arg10[%dma_wait3A_233, %dma_wait3A_234] : memref<10240x128xf32, #tpu.memory_space<vmem_shared>> -> memref<10240x128xf32, #tpu.memory_space<vmem_shared>>
          tpu.wait_indirect_dma semaphore(%arg14 : memref<!tpu.dma_semaphore, #tpu.memory_space<semaphore_mem>>) src(%arg9 : memref<80x128xf32, #tpu.memory_space<vmem>>) dst(%dma_wait3A_235 : memref<10240x128xf32, #tpu.memory_space<vmem_shared>>)
        } else {
        }
        %ge3A_205 = arith.constant 1 : i32
        %ge3A_206 = arith.cmpi sge, %scan3A_74, %ge3A_205 : i32
        %add3A_207 = arith.constant 2 : i32
        %add3A_208 = arith.addi %scan3A_74, %add3A_207 : i32
        %lt3A_209 = arith.constant 125 : i32
        %lt3A_210 = arith.cmpi slt, %add3A_208, %lt3A_209 : i32
        %and3A_211 = arith.andi %ge3A_206, %lt3A_210 : i1
        %convert_element_type3A_212 = arith.extui %and3A_211 : i1 to i32
        %cond3A_213 = arith.constant 0 : i32
        %cond3A_214 = arith.cmpi ne, %convert_element_type3A_212, %cond3A_213 : i32
        scf.if %cond3A_214 {
          %add3A_229 = arith.constant 2 : i32
          %add3A_230 = arith.addi %scan3A_74, %add3A_229 : i32
          %dma_start3A_231 = arith.constant 0 : i32
          %dma_start3A_232 = arith.constant 0 : i32
          %dma_start3A_233 = tpu.memref_slice %arg3[%add3A, %add3A_230, %dma_start3A_231, %dma_start3A_232] : memref<32x125x2x80xi32, #tpu.memory_space<hbm>> -> memref<1x1x2x80xi32, #tpu.memory_space<hbm>>
          %dma_start3A_234 = tpu.memref_squeeze %dma_start3A_233 : memref<1x1x2x80xi32, #tpu.memory_space<hbm>> -> memref<2x80xi32, #tpu.memory_space<hbm>>
          %dma_start3A_235 = arith.constant 0 : i32
          %dma_start3A_236 = arith.constant 0 : i32
          %dma_start3A_237 = tpu.memref_slice %arg3[%add3A, %add3A_230, %dma_start3A_235, %dma_start3A_236] : memref<32x125x2x80xi32, #tpu.memory_space<hbm>> -> memref<1x1x2x80xi32, #tpu.memory_space<hbm>>
          %dma_start3A_238 = tpu.memref_squeeze %dma_start3A_237 : memref<1x1x2x80xi32, #tpu.memory_space<hbm>> -> memref<2x80xi32, #tpu.memory_space<hbm>>
          tpu.enqueue_dma source(%dma_start3A_238 : memref<2x80xi32, #tpu.memory_space<hbm>>) target(%arg5 : memref<2x80xi32, #tpu.memory_space<vmem>>) target_semaphore(%arg15 : memref<!tpu.dma_semaphore, #tpu.memory_space<semaphore_mem>>)
        } else {
        }
        %add3A_215 = arith.constant 1 : i32
        %add3A_216 = arith.addi %scan3A_74, %add3A_215 : i32
        %lt3A_217 = arith.constant 125 : i32
        %lt3A_218 = arith.cmpi slt, %add3A_216, %lt3A_217 : i32
        %convert_element_type3A_219 = arith.extui %lt3A_218 : i1 to i32
        %cond3A_220 = arith.constant 0 : i32
        %cond3A_221 = arith.cmpi ne, %convert_element_type3A_219, %cond3A_220 : i32
        scf.if %cond3A_221 {
          %dma_wait3A_229 = arith.constant 0 : i32
          %dma_wait3A_230 = arith.constant 0 : i32
          %dma_wait3A_231 = arith.constant 0 : i32
          %dma_wait3A_232 = tpu.memref_slice %arg3[%add3A, %dma_wait3A_229, %dma_wait3A_230, %dma_wait3A_231] : memref<32x125x2x80xi32, #tpu.memory_space<hbm>> -> memref<1x1x2x80xi32, #tpu.memory_space<hbm>>
          %dma_wait3A_233 = tpu.memref_squeeze %dma_wait3A_232 : memref<1x1x2x80xi32, #tpu.memory_space<hbm>> -> memref<2x80xi32, #tpu.memory_space<hbm>>
          %dma_wait3A_234 = arith.constant 0 : i32
          %dma_wait3A_235 = arith.constant 0 : i32
          %dma_wait3A_236 = tpu.memref_slice %arg3[%add3A, %dma_wait3A_229, %dma_wait3A_234, %dma_wait3A_235] : memref<32x125x2x80xi32, #tpu.memory_space<hbm>> -> memref<1x1x2x80xi32, #tpu.memory_space<hbm>>
          %dma_wait3A_237 = tpu.memref_squeeze %dma_wait3A_236 : memref<1x1x2x80xi32, #tpu.memory_space<hbm>> -> memref<2x80xi32, #tpu.memory_space<hbm>>
          tpu.wait_dma2 semaphore(%arg17 : memref<!tpu.dma_semaphore, #tpu.memory_space<semaphore_mem>>) src(%dma_wait3A_237 : memref<2x80xi32, #tpu.memory_space<hbm>>) dst(%arg7 : memref<2x80xi32, #tpu.memory_space<vmem>>)
          %dma_start3A_238 = arith.constant 0 : i32
          %dma_start3A_239 = arith.constant 0 : i32
          %dma_start3A_240 = tpu.memref_slice %arg7[%dma_start3A_238, %dma_start3A_239] : memref<2x80xi32, #tpu.memory_space<vmem>> -> memref<1x80xi32, #tpu.memory_space<vmem>>
          %dma_start3A_241 = tpu.memref_squeeze %dma_start3A_240 : memref<1x80xi32, #tpu.memory_space<vmem>> -> memref<80xi32, #tpu.memory_space<vmem>>
          %dma_start3A_242 = arith.constant 0 : i32
          %dma_start3A_243 = arith.constant 0 : i32
          %dma_start3A_244 = tpu.memref_slice %arg2[%dma_start3A_242, %dma_start3A_243] : memref<10000x128xf32, #tpu.memory_space<hbm>> -> memref<10000x128xf32, #tpu.memory_space<hbm>>
          tpu.enqueue_indirect_dma source(%dma_start3A_244 : memref<10000x128xf32, #tpu.memory_space<hbm>>) target(%arg9 : memref<80x128xf32, #tpu.memory_space<vmem>>) offsets(%dma_start3A_241 : memref<80xi32, #tpu.memory_space<vmem>>) semaphore(%arg12 : memref<!tpu.dma_semaphore, #tpu.memory_space<semaphore_mem>>)
        } else {
        }
        %dma_start3A_222 = arith.constant 1 : i32
        %dma_start3A_223 = arith.constant 0 : i32
        %dma_start3A_224 = tpu.memref_slice %arg6[%dma_start3A_222, %dma_start3A_223] : memref<2x80xi32, #tpu.memory_space<vmem>> -> memref<1x80xi32, #tpu.memory_space<vmem>>
        %dma_start3A_225 = tpu.memref_squeeze %dma_start3A_224 : memref<1x80xi32, #tpu.memory_space<vmem>> -> memref<80xi32, #tpu.memory_space<vmem>>
        %dma_start3A_226 = arith.constant 0 : i32
        %dma_start3A_227 = arith.constant 0 : i32
        %dma_start3A_228 = tpu.memref_slice %arg10[%dma_start3A_226, %dma_start3A_227] : memref<10240x128xf32, #tpu.memory_space<vmem_shared>> -> memref<10240x128xf32, #tpu.memory_space<vmem_shared>>
        tpu.enqueue_indirect_dma source(%arg8 : memref<80x128xf32, #tpu.memory_space<vmem>>) target(%dma_start3A_228 : memref<10240x128xf32, #tpu.memory_space<vmem_shared>>) offsets(%dma_start3A_225 : memref<80xi32, #tpu.memory_space<vmem>>) semaphore(%arg13 : memref<!tpu.dma_semaphore, #tpu.memory_space<semaphore_mem>>) {add = true}
      } else {
      }
      %jit3A_172 = arith.constant 6 : i32
      %eq3A_173 = arith.constant 0 : i32
      %eq3A_174 = arith.cmpi eq, %jit3A_172, %eq3A_173 : i32
      %jit3A_175 = arith.constant 1 : i32
      %select_n3A_176 = arith.select %eq3A_174, %jit3A_175, %jit3A_172 : i32
      %rem3A_177 = arith.remsi %scan3A_74, %select_n3A_176 : i32
      %ne3A_178 = arith.constant 0 : i32
      %ne3A_179 = arith.cmpi ne, %rem3A_177, %ne3A_178 : i32
      %lt3A_180 = arith.constant 0 : i32
      %lt3A_181 = arith.cmpi slt, %rem3A_177, %lt3A_180 : i32
      %lt3A_182 = arith.constant 0 : i32
      %lt3A_183 = arith.cmpi slt, %select_n3A_176, %lt3A_182 : i32
      %ne3A_184 = arith.xori %lt3A_181, %lt3A_183 : i1
      %and3A_185 = arith.andi %ne3A_184, %ne3A_179 : i1
      %add3A_186 = arith.addi %rem3A_177, %select_n3A_176 : i32
      %select_n3A_187 = arith.select %and3A_185, %add3A_186, %rem3A_177 : i32
      %eq3A_188 = arith.constant 5 : i32
      %eq3A_189 = arith.cmpi eq, %select_n3A_187, %eq3A_188 : i32
      %convert_element_type3A_190 = arith.extui %eq3A_189 : i1 to i32
      %cond3A_191 = arith.constant 0 : i32
      %cond3A_192 = arith.cmpi ne, %convert_element_type3A_190, %cond3A_191 : i32
      scf.if %cond3A_192 {
        %dma_wait3A_194 = arith.constant 0 : i32
        %dma_wait3A_195 = arith.constant 0 : i32
        %dma_wait3A_196 = tpu.memref_slice %arg7[%dma_wait3A_194, %dma_wait3A_195] : memref<2x80xi32, #tpu.memory_space<vmem>> -> memref<1x80xi32, #tpu.memory_space<vmem>>
        %dma_wait3A_197 = tpu.memref_squeeze %dma_wait3A_196 : memref<1x80xi32, #tpu.memory_space<vmem>> -> memref<80xi32, #tpu.memory_space<vmem>>
        %dma_wait3A_198 = arith.constant 0 : i32
        %dma_wait3A_199 = arith.constant 0 : i32
        %dma_wait3A_200 = tpu.memref_slice %arg2[%dma_wait3A_198, %dma_wait3A_199] : memref<10000x128xf32, #tpu.memory_space<hbm>> -> memref<10000x128xf32, #tpu.memory_space<hbm>>
        tpu.wait_indirect_dma semaphore(%arg12 : memref<!tpu.dma_semaphore, #tpu.memory_space<semaphore_mem>>) src(%dma_wait3A_200 : memref<10000x128xf32, #tpu.memory_space<hbm>>) dst(%arg9 : memref<80x128xf32, #tpu.memory_space<vmem>>)
        %ge3A = arith.constant 1 : i32
        %ge3A_201 = arith.cmpi sge, %scan3A_74, %ge3A : i32
        %convert_element_type3A_202 = arith.extui %ge3A_201 : i1 to i32
        %cond3A_203 = arith.constant 0 : i32
        %cond3A_204 = arith.cmpi ne, %convert_element_type3A_202, %cond3A_203 : i32
        scf.if %cond3A_204 {
          %dma_wait3A_229 = arith.constant 1 : i32
          %dma_wait3A_230 = arith.constant 0 : i32
          %dma_wait3A_231 = tpu.memref_slice %arg6[%dma_wait3A_229, %dma_wait3A_230] : memref<2x80xi32, #tpu.memory_space<vmem>> -> memref<1x80xi32, #tpu.memory_space<vmem>>
          %dma_wait3A_232 = tpu.memref_squeeze %dma_wait3A_231 : memref<1x80xi32, #tpu.memory_space<vmem>> -> memref<80xi32, #tpu.memory_space<vmem>>
          %dma_wait3A_233 = arith.constant 0 : i32
          %dma_wait3A_234 = arith.constant 0 : i32
          %dma_wait3A_235 = tpu.memref_slice %arg10[%dma_wait3A_233, %dma_wait3A_234] : memref<10240x128xf32, #tpu.memory_space<vmem_shared>> -> memref<10240x128xf32, #tpu.memory_space<vmem_shared>>
          tpu.wait_indirect_dma semaphore(%arg13 : memref<!tpu.dma_semaphore, #tpu.memory_space<semaphore_mem>>) src(%arg8 : memref<80x128xf32, #tpu.memory_space<vmem>>) dst(%dma_wait3A_235 : memref<10240x128xf32, #tpu.memory_space<vmem_shared>>)
        } else {
        }
        %ge3A_205 = arith.constant 1 : i32
        %ge3A_206 = arith.cmpi sge, %scan3A_74, %ge3A_205 : i32
        %add3A_207 = arith.constant 2 : i32
        %add3A_208 = arith.addi %scan3A_74, %add3A_207 : i32
        %lt3A_209 = arith.constant 125 : i32
        %lt3A_210 = arith.cmpi slt, %add3A_208, %lt3A_209 : i32
        %and3A_211 = arith.andi %ge3A_206, %lt3A_210 : i1
        %convert_element_type3A_212 = arith.extui %and3A_211 : i1 to i32
        %cond3A_213 = arith.constant 0 : i32
        %cond3A_214 = arith.cmpi ne, %convert_element_type3A_212, %cond3A_213 : i32
        scf.if %cond3A_214 {
          %add3A_229 = arith.constant 2 : i32
          %add3A_230 = arith.addi %scan3A_74, %add3A_229 : i32
          %dma_start3A_231 = arith.constant 0 : i32
          %dma_start3A_232 = arith.constant 0 : i32
          %dma_start3A_233 = tpu.memref_slice %arg3[%add3A, %add3A_230, %dma_start3A_231, %dma_start3A_232] : memref<32x125x2x80xi32, #tpu.memory_space<hbm>> -> memref<1x1x2x80xi32, #tpu.memory_space<hbm>>
          %dma_start3A_234 = tpu.memref_squeeze %dma_start3A_233 : memref<1x1x2x80xi32, #tpu.memory_space<hbm>> -> memref<2x80xi32, #tpu.memory_space<hbm>>
          %dma_start3A_235 = arith.constant 0 : i32
          %dma_start3A_236 = arith.constant 0 : i32
          %dma_start3A_237 = tpu.memref_slice %arg3[%add3A, %add3A_230, %dma_start3A_235, %dma_start3A_236] : memref<32x125x2x80xi32, #tpu.memory_space<hbm>> -> memref<1x1x2x80xi32, #tpu.memory_space<hbm>>
          %dma_start3A_238 = tpu.memref_squeeze %dma_start3A_237 : memref<1x1x2x80xi32, #tpu.memory_space<hbm>> -> memref<2x80xi32, #tpu.memory_space<hbm>>
          tpu.enqueue_dma source(%dma_start3A_238 : memref<2x80xi32, #tpu.memory_space<hbm>>) target(%arg6 : memref<2x80xi32, #tpu.memory_space<vmem>>) target_semaphore(%arg16 : memref<!tpu.dma_semaphore, #tpu.memory_space<semaphore_mem>>)
        } else {
        }
        %add3A_215 = arith.constant 1 : i32
        %add3A_216 = arith.addi %scan3A_74, %add3A_215 : i32
        %lt3A_217 = arith.constant 125 : i32
        %lt3A_218 = arith.cmpi slt, %add3A_216, %lt3A_217 : i32
        %convert_element_type3A_219 = arith.extui %lt3A_218 : i1 to i32
        %cond3A_220 = arith.constant 0 : i32
        %cond3A_221 = arith.cmpi ne, %convert_element_type3A_219, %cond3A_220 : i32
        scf.if %cond3A_221 {
          %dma_wait3A_229 = arith.constant 0 : i32
          %dma_wait3A_230 = arith.constant 0 : i32
          %dma_wait3A_231 = arith.constant 0 : i32
          %dma_wait3A_232 = tpu.memref_slice %arg3[%add3A, %dma_wait3A_229, %dma_wait3A_230, %dma_wait3A_231] : memref<32x125x2x80xi32, #tpu.memory_space<hbm>> -> memref<1x1x2x80xi32, #tpu.memory_space<hbm>>
          %dma_wait3A_233 = tpu.memref_squeeze %dma_wait3A_232 : memref<1x1x2x80xi32, #tpu.memory_space<hbm>> -> memref<2x80xi32, #tpu.memory_space<hbm>>
          %dma_wait3A_234 = arith.constant 0 : i32
          %dma_wait3A_235 = arith.constant 0 : i32
          %dma_wait3A_236 = tpu.memref_slice %arg3[%add3A, %dma_wait3A_229, %dma_wait3A_234, %dma_wait3A_235] : memref<32x125x2x80xi32, #tpu.memory_space<hbm>> -> memref<1x1x2x80xi32, #tpu.memory_space<hbm>>
          %dma_wait3A_237 = tpu.memref_squeeze %dma_wait3A_236 : memref<1x1x2x80xi32, #tpu.memory_space<hbm>> -> memref<2x80xi32, #tpu.memory_space<hbm>>
          tpu.wait_dma2 semaphore(%arg15 : memref<!tpu.dma_semaphore, #tpu.memory_space<semaphore_mem>>) src(%dma_wait3A_237 : memref<2x80xi32, #tpu.memory_space<hbm>>) dst(%arg5 : memref<2x80xi32, #tpu.memory_space<vmem>>)
          %dma_start3A_238 = arith.constant 0 : i32
          %dma_start3A_239 = arith.constant 0 : i32
          %dma_start3A_240 = tpu.memref_slice %arg5[%dma_start3A_238, %dma_start3A_239] : memref<2x80xi32, #tpu.memory_space<vmem>> -> memref<1x80xi32, #tpu.memory_space<vmem>>
          %dma_start3A_241 = tpu.memref_squeeze %dma_start3A_240 : memref<1x80xi32, #tpu.memory_space<vmem>> -> memref<80xi32, #tpu.memory_space<vmem>>
          %dma_start3A_242 = arith.constant 0 : i32
          %dma_start3A_243 = arith.constant 0 : i32
          %dma_start3A_244 = tpu.memref_slice %arg2[%dma_start3A_242, %dma_start3A_243] : memref<10000x128xf32, #tpu.memory_space<hbm>> -> memref<10000x128xf32, #tpu.memory_space<hbm>>
          tpu.enqueue_indirect_dma source(%dma_start3A_244 : memref<10000x128xf32, #tpu.memory_space<hbm>>) target(%arg8 : memref<80x128xf32, #tpu.memory_space<vmem>>) offsets(%dma_start3A_241 : memref<80xi32, #tpu.memory_space<vmem>>) semaphore(%arg11 : memref<!tpu.dma_semaphore, #tpu.memory_space<semaphore_mem>>)
        } else {
        }
        %dma_start3A_222 = arith.constant 1 : i32
        %dma_start3A_223 = arith.constant 0 : i32
        %dma_start3A_224 = tpu.memref_slice %arg7[%dma_start3A_222, %dma_start3A_223] : memref<2x80xi32, #tpu.memory_space<vmem>> -> memref<1x80xi32, #tpu.memory_space<vmem>>
        %dma_start3A_225 = tpu.memref_squeeze %dma_start3A_224 : memref<1x80xi32, #tpu.memory_space<vmem>> -> memref<80xi32, #tpu.memory_space<vmem>>
        %dma_start3A_226 = arith.constant 0 : i32
        %dma_start3A_227 = arith.constant 0 : i32
        %dma_start3A_228 = tpu.memref_slice %arg10[%dma_start3A_226, %dma_start3A_227] : memref<10240x128xf32, #tpu.memory_space<vmem_shared>> -> memref<10240x128xf32, #tpu.memory_space<vmem_shared>>
        tpu.enqueue_indirect_dma source(%arg9 : memref<80x128xf32, #tpu.memory_space<vmem>>) target(%dma_start3A_228 : memref<10240x128xf32, #tpu.memory_space<vmem_shared>>) offsets(%dma_start3A_225 : memref<80xi32, #tpu.memory_space<vmem>>) semaphore(%arg14 : memref<!tpu.dma_semaphore, #tpu.memory_space<semaphore_mem>>) {add = true}
      } else {
      }
      %scan3A_193 = arith.constant 0 : i32
      scf.yield %scan3A_193 : i32
    }
    %scan3A_61 = arith.constant 125 : i32
    %dma_wait3A_62 = arith.constant 1 : i32
    %dma_wait3A_63 = arith.constant 0 : i32
    %dma_wait3A_64 = tpu.memref_slice %arg6[%dma_wait3A_62, %dma_wait3A_63] : memref<2x80xi32, #tpu.memory_space<vmem>> -> memref<1x80xi32, #tpu.memory_space<vmem>>
    %dma_wait3A_65 = tpu.memref_squeeze %dma_wait3A_64 : memref<1x80xi32, #tpu.memory_space<vmem>> -> memref<80xi32, #tpu.memory_space<vmem>>
    %dma_wait3A_66 = arith.constant 0 : i32
    %dma_wait3A_67 = arith.constant 0 : i32
    %dma_wait3A_68 = tpu.memref_slice %arg10[%dma_wait3A_66, %dma_wait3A_67] : memref<10240x128xf32, #tpu.memory_space<vmem_shared>> -> memref<10240x128xf32, #tpu.memory_space<vmem_shared>>
    tpu.wait_indirect_dma semaphore(%arg13 : memref<!tpu.dma_semaphore, #tpu.memory_space<semaphore_mem>>) src(%arg8 : memref<80x128xf32, #tpu.memory_space<vmem>>) dst(%dma_wait3A_68 : memref<10240x128xf32, #tpu.memory_space<vmem_shared>>)
    %barrier3A_69 = arith.constant 0 : index
    tpu.barrier barrier_id(%barrier3A_69)
    %mul3A_70 = arith.constant 640 : i32
    %mul3A_71 = arith.muli %arg1, %mul3A_70 : i32
    %mul3A_72 = arith.constant 640 : i32
    %mul3A_73 = arith.muli %arg1, %mul3A_72 : i32
    "tpu.region"() ({
      %run_scoped3A = tpu.sem_alloc : memref<!tpu.dma_semaphore, #tpu.memory_space<semaphore_mem>>
      %dma_start3A_74 = arith.constant 0 : i32
      %dma_start3A_75 = tpu.memref_slice %arg4[%arg0, %mul3A_73, %dma_start3A_74] : memref<2x10240x128xf32, #tpu.memory_space<hbm>> -> memref<1x640x128xf32, #tpu.memory_space<hbm>>
      %dma_start3A_76 = tpu.memref_squeeze %dma_start3A_75 : memref<1x640x128xf32, #tpu.memory_space<hbm>> -> memref<640x128xf32, #tpu.memory_space<hbm>>
      %dma_start3A_77 = arith.constant 0 : i32
      %dma_start3A_78 = tpu.memref_slice %arg10[%mul3A_71, %dma_start3A_77] : memref<10240x128xf32, #tpu.memory_space<vmem_shared>> -> memref<640x128xf32, #tpu.memory_space<vmem_shared>>
      tpu.enqueue_dma source(%dma_start3A_78 : memref<640x128xf32, #tpu.memory_space<vmem_shared>>) target(%dma_start3A_76 : memref<640x128xf32, #tpu.memory_space<hbm>>) target_semaphore(%run_scoped3A : memref<!tpu.dma_semaphore, #tpu.memory_space<semaphore_mem>>)
      %dma_wait3A_79 = arith.constant 0 : i32
      %dma_wait3A_80 = tpu.memref_slice %arg4[%arg0, %mul3A_73, %dma_wait3A_79] : memref<2x10240x128xf32, #tpu.memory_space<hbm>> -> memref<1x640x128xf32, #tpu.memory_space<hbm>>
      %dma_wait3A_81 = tpu.memref_squeeze %dma_wait3A_80 : memref<1x640x128xf32, #tpu.memory_space<hbm>> -> memref<640x128xf32, #tpu.memory_space<hbm>>
      %dma_wait3A_82 = arith.constant 0 : i32
      %dma_wait3A_83 = tpu.memref_slice %arg10[%mul3A_71, %dma_wait3A_82] : memref<10240x128xf32, #tpu.memory_space<vmem_shared>> -> memref<640x128xf32, #tpu.memory_space<vmem_shared>>
      tpu.wait_dma2 semaphore(%run_scoped3A : memref<!tpu.dma_semaphore, #tpu.memory_space<semaphore_mem>>) src(%dma_wait3A_83 : memref<640x128xf32, #tpu.memory_space<vmem_shared>>) dst(%dma_wait3A_81 : memref<640x128xf32, #tpu.memory_space<hbm>>)
      tpu.yield
    }) : () -> ()
    return
  }
}

#map = affine_map<(d0, d1) -> (0, 0)>
#map1 = affine_map<(d0, d1) -> (0, 0, 0, 0)>
#map2 = affine_map<(d0, d1) -> (0, 0, 0)>
module attributes {stable_mosaic.version = 14 : i64} {
  func.func @k(%arg0: i32, %arg1: i32, %arg2: memref<10000x128xf32, #tpu.memory_space<hbm>>, %arg3: memref<32x125x2x80xi32, #tpu.memory_space<hbm>>, %arg4: memref<2x10240x128xf32, #tpu.memory_space<hbm>>, %arg5: memref<2x80xi32, #tpu.memory_space<vmem>>, %arg6: memref<2x80xi32, #tpu.memory_space<vmem>>, %arg7: memref<2x80xi32, #tpu.memory_space<vmem>>, %arg8: memref<80x128xf32, #tpu.memory_space<vmem>>, %arg9: memref<80x128xf32, #tpu.memory_space<vmem>>, %arg10: memref<10240x128xf32, #tpu.memory_space<vmem_shared>>, %arg11: memref<!tpu.dma_semaphore, #tpu.memory_space<semaphore_mem>>, %arg12: memref<!tpu.dma_semaphore, #tpu.memory_space<semaphore_mem>>, %arg13: memref<!tpu.dma_semaphore, #tpu.memory_space<semaphore_mem>>, %arg14: memref<!tpu.dma_semaphore, #tpu.memory_space<semaphore_mem>>, %arg15: memref<!tpu.dma_semaphore, #tpu.memory_space<semaphore_mem>>, %arg16: memref<!tpu.dma_semaphore, #tpu.memory_space<semaphore_mem>>, %arg17: memref<!tpu.dma_semaphore, #tpu.memory_space<semaphore_mem>>) attributes {dimension_semantics = [#tpu.dimension_semantics<core_parallel>, #tpu.dimension_semantics<subcore_parallel>], iteration_bounds = array<i64: 2, 16>, scalar_prefetch = 0 : i64, scratch_operands = 13 : i64, tpu.core_type = #tpu.core_type<sc_vector_subcore>, window_params = [{transform_indices = #map}, {transform_indices = #map1}, {transform_indices = #map2}]} {
    %mul3A = arith.constant 2 : i32
    %mul3A_0 = arith.muli %arg1, %mul3A : i32
    %add3A = arith.addi %mul3A_0, %arg0 : i32
    %scan3A = arith.constant 0 : i32
    %scan3A_1 = arith.constant 0 : i32
    %scan3A_2 = arith.constant 80 : i32
    %scan3A_3 = arith.addi %scan3A_1, %scan3A_2 : i32
    %scan3A_4 = arith.constant 1 : i32
    %scan3A_5 = scf.for %scan3A_74 = %scan3A_1 to %scan3A_3 step %scan3A_4 iter_args(%scan3A_75 = %scan3A) -> (i32)  : i32 {
      %scan3A_76 = arith.constant 0 : i32
      %scan3A_77 = arith.constant 0 : i32
      %scan3A_78 = arith.constant 8 : i32
      %scan3A_79 = arith.addi %scan3A_77, %scan3A_78 : i32
      %scan3A_80 = arith.constant 1 : i32
      %scan3A_81 = scf.for %scan3A_84 = %scan3A_77 to %scan3A_79 step %scan3A_80 iter_args(%scan3A_85 = %scan3A_76) -> (i32)  : i32 {
        %broadcast_in_dim3A = arith.constant 0.000000e+00 : f32
        %broadcast_in_dim3A_86 = vector.broadcast %broadcast_in_dim3A : f32 to vector<16xf32>
        %mul3A_87 = arith.constant 16 : i32
        %mul3A_88 = arith.muli %scan3A_84, %mul3A_87 : i32
        %swap3A = arith.index_cast %scan3A_74 : i32 to index
        %swap3A_89 = arith.index_cast %mul3A_88 : i32 to index
        %swap3A_90 = tpu.vector_load %arg8[%swap3A, %swap3A_89] {strides = array<i32>} : memref<80x128xf32, #tpu.memory_space<vmem>>, vector<1x16xf32>,
        %swap3A_91 = vector.shape_cast %swap3A_90 : vector<1x16xf32> to vector<16xf32>
        %swap3A_92 = vector.shape_cast %broadcast_in_dim3A_86 : vector<16xf32> to vector<1x16xf32>
        tpu.vector_store %arg8[%swap3A, %swap3A_89], %swap3A_92 {strides = array<i32>} : memref<80x128xf32, #tpu.memory_space<vmem>>, vector<1x16xf32>,
        %scan3A_93 = arith.constant 0 : i32
        scf.yield %scan3A_93 : i32
      }
      %scan3A_82 = arith.constant 8 : i32
      %scan3A_83 = arith.constant 0 : i32
      scf.yield %scan3A_83 : i32
    }
    %scan3A_6 = arith.constant 80 : i32
    %scan3A_7 = arith.constant 0 : i32
    %scan3A_8 = arith.constant 0 : i32
    %scan3A_9 = arith.constant 8 : i32
    %scan3A_10 = arith.addi %scan3A_8, %scan3A_9 : i32
    %scan3A_11 = arith.constant 1 : i32
    %scan3A_12 = scf.for %scan3A_74 = %scan3A_8 to %scan3A_10 step %scan3A_11 iter_args(%scan3A_75 = %scan3A_7) -> (i32)  : i32 {
      %mul3A_76 = arith.constant 640 : i32
      %mul3A_77 = arith.muli %arg1, %mul3A_76 : i32
      %mul3A_78 = arith.constant 80 : i32
      %mul3A_79 = arith.muli %scan3A_74, %mul3A_78 : i32
      %add3A_80 = arith.addi %mul3A_77, %mul3A_79 : i32
      "tpu.region"() ({
        %run_scoped3A = tpu.sem_alloc : memref<!tpu.dma_semaphore, #tpu.memory_space<semaphore_mem>>
        %dma_start3A_82 = arith.constant 0 : i32
        %dma_start3A_83 = tpu.memref_slice %arg10[%add3A_80, %dma_start3A_82] : memref<10240x128xf32, #tpu.memory_space<vmem_shared>> -> memref<80x128xf32, #tpu.memory_space<vmem_shared>>
        %dma_start3A_84 = arith.constant 0 : i32
        %dma_start3A_85 = tpu.memref_slice %arg10[%add3A_80, %dma_start3A_84] : memref<10240x128xf32, #tpu.memory_space<vmem_shared>> -> memref<80x128xf32, #tpu.memory_space<vmem_shared>>
        tpu.enqueue_dma source(%arg8 : memref<80x128xf32, #tpu.memory_space<vmem>>) target(%dma_start3A_85 : memref<80x128xf32, #tpu.memory_space<vmem_shared>>) target_semaphore(%run_scoped3A : memref<!tpu.dma_semaphore, #tpu.memory_space<semaphore_mem>>)
        %dma_wait3A_86 = arith.constant 0 : i32
        %dma_wait3A_87 = tpu.memref_slice %arg10[%add3A_80, %dma_wait3A_86] : memref<10240x128xf32, #tpu.memory_space<vmem_shared>> -> memref<80x128xf32, #tpu.memory_space<vmem_shared>>
        %dma_wait3A_88 = arith.constant 0 : i32
        %dma_wait3A_89 = tpu.memref_slice %arg10[%add3A_80, %dma_wait3A_88] : memref<10240x128xf32, #tpu.memory_space<vmem_shared>> -> memref<80x128xf32, #tpu.memory_space<vmem_shared>>
        tpu.wait_dma2 semaphore(%run_scoped3A : memref<!tpu.dma_semaphore, #tpu.memory_space<semaphore_mem>>) src(%arg8 : memref<80x128xf32, #tpu.memory_space<vmem>>) dst(%dma_wait3A_89 : memref<80x128xf32, #tpu.memory_space<vmem_shared>>)
        tpu.yield
      }) : () -> ()
      %scan3A_81 = arith.constant 0 : i32
      scf.yield %scan3A_81 : i32
    }
    %scan3A_13 = arith.constant 8 : i32
    %barrier3A = arith.constant 0 : index
    tpu.barrier barrier_id(%barrier3A)
    %dma_start3A = arith.constant 0 : i32
    %dma_start3A_14 = arith.constant 0 : i32
    %dma_start3A_15 = arith.constant 0 : i32
    %dma_start3A_16 = tpu.memref_slice %arg3[%add3A, %dma_start3A, %dma_start3A_14, %dma_start3A_15] : memref<32x125x2x80xi32, #tpu.memory_space<hbm>> -> memref<1x1x2x80xi32, #tpu.memory_space<hbm>>
    %dma_start3A_17 = tpu.memref_squeeze %dma_start3A_16 : memref<1x1x2x80xi32, #tpu.memory_space<hbm>> -> memref<2x80xi32, #tpu.memory_space<hbm>>
    %dma_start3A_18 = arith.constant 0 : i32
    %dma_start3A_19 = arith.constant 0 : i32
    %dma_start3A_20 = tpu.memref_slice %arg3[%add3A, %dma_start3A, %dma_start3A_18, %dma_start3A_19] : memref<32x125x2x80xi32, #tpu.memory_space<hbm>> -> memref<1x1x2x80xi32, #tpu.memory_space<hbm>>
    %dma_start3A_21 = tpu.memref_squeeze %dma_start3A_20 : memref<1x1x2x80xi32, #tpu.memory_space<hbm>> -> memref<2x80xi32, #tpu.memory_space<hbm>>
    tpu.enqueue_dma source(%dma_start3A_21 : memref<2x80xi32, #tpu.memory_space<hbm>>) target(%arg5 : memref<2x80xi32, #tpu.memory_space<vmem>>) target_semaphore(%arg15 : memref<!tpu.dma_semaphore, #tpu.memory_space<semaphore_mem>>)
    %dma_start3A_22 = arith.constant 1 : i32
    %dma_start3A_23 = arith.constant 0 : i32
    %dma_start3A_24 = arith.constant 0 : i32
    %dma_start3A_25 = tpu.memref_slice %arg3[%add3A, %dma_start3A_22, %dma_start3A_23, %dma_start3A_24] : memref<32x125x2x80xi32, #tpu.memory_space<hbm>> -> memref<1x1x2x80xi32, #tpu.memory_space<hbm>>
    %dma_start3A_26 = tpu.memref_squeeze %dma_start3A_25 : memref<1x1x2x80xi32, #tpu.memory_space<hbm>> -> memref<2x80xi32, #tpu.memory_space<hbm>>
    %dma_start3A_27 = arith.constant 0 : i32
    %dma_start3A_28 = arith.constant 0 : i32
    %dma_start3A_29 = tpu.memref_slice %arg3[%add3A, %dma_start3A_22, %dma_start3A_27, %dma_start3A_28] : memref<32x125x2x80xi32, #tpu.memory_space<hbm>> -> memref<1x1x2x80xi32, #tpu.memory_space<hbm>>
    %dma_start3A_30 = tpu.memref_squeeze %dma_start3A_29 : memref<1x1x2x80xi32, #tpu.memory_space<hbm>> -> memref<2x80xi32, #tpu.memory_space<hbm>>
    tpu.enqueue_dma source(%dma_start3A_30 : memref<2x80xi32, #tpu.memory_space<hbm>>) target(%arg6 : memref<2x80xi32, #tpu.memory_space<vmem>>) target_semaphore(%arg16 : memref<!tpu.dma_semaphore, #tpu.memory_space<semaphore_mem>>)
    %dma_start3A_31 = arith.constant 2 : i32
    %dma_start3A_32 = arith.constant 0 : i32
    %dma_start3A_33 = arith.constant 0 : i32
    %dma_start3A_34 = tpu.memref_slice %arg3[%add3A, %dma_start3A_31, %dma_start3A_32, %dma_start3A_33] : memref<32x125x2x80xi32, #tpu.memory_space<hbm>> -> memref<1x1x2x80xi32, #tpu.memory_space<hbm>>
    %dma_start3A_35 = tpu.memref_squeeze %dma_start3A_34 : memref<1x1x2x80xi32, #tpu.memory_space<hbm>> -> memref<2x80xi32, #tpu.memory_space<hbm>>
    %dma_start3A_36 = arith.constant 0 : i32
    %dma_start3A_37 = arith.constant 0 : i32
    %dma_start3A_38 = tpu.memref_slice %arg3[%add3A, %dma_start3A_31, %dma_start3A_36, %dma_start3A_37] : memref<32x125x2x80xi32, #tpu.memory_space<hbm>> -> memref<1x1x2x80xi32, #tpu.memory_space<hbm>>
    %dma_start3A_39 = tpu.memref_squeeze %dma_start3A_38 : memref<1x1x2x80xi32, #tpu.memory_space<hbm>> -> memref<2x80xi32, #tpu.memory_space<hbm>>
    tpu.enqueue_dma source(%dma_start3A_39 : memref<2x80xi32, #tpu.memory_space<hbm>>) target(%arg7 : memref<2x80xi32, #tpu.memory_space<vmem>>) target_semaphore(%arg17 : memref<!tpu.dma_semaphore, #tpu.memory_space<semaphore_mem>>)
    %dma_wait3A = arith.constant 0 : i32
    %dma_wait3A_40 = arith.constant 0 : i32
    %dma_wait3A_41 = arith.constant 0 : i32
    %dma_wait3A_42 = tpu.memref_slice %arg3[%add3A, %dma_wait3A, %dma_wait3A_40, %dma_wait3A_41] : memref<32x125x2x80xi32, #tpu.memory_space<hbm>> -> memref<1x1x2x80xi32, #tpu.memory_space<hbm>>
    %dma_wait3A_43 = tpu.memref_squeeze %dma_wait3A_42 : memref<1x1x2x80xi32, #tpu.memory_space<hbm>> -> memref<2x80xi32, #tpu.memory_space<hbm>>
    %dma_wait3A_44 = arith.constant 0 : i32
    %dma_wait3A_45 = arith.constant 0 : i32
    %dma_wait3A_46 = tpu.memref_slice %arg3[%add3A, %dma_wait3A, %dma_wait3A_44, %dma_wait3A_45] : memref<32x125x2x80xi32, #tpu.memory_space<hbm>> -> memref<1x1x2x80xi32, #tpu.memory_space<hbm>>
    %dma_wait3A_47 = tpu.memref_squeeze %dma_wait3A_46 : memref<1x1x2x80xi32, #tpu.memory_space<hbm>> -> memref<2x80xi32, #tpu.memory_space<hbm>>
    tpu.wait_dma2 semaphore(%arg15 : memref<!tpu.dma_semaphore, #tpu.memory_space<semaphore_mem>>) src(%dma_wait3A_47 : memref<2x80xi32, #tpu.memory_space<hbm>>) dst(%arg5 : memref<2x80xi32, #tpu.memory_space<vmem>>)
    %dma_start3A_48 = arith.constant 0 : i32
    %dma_start3A_49 = arith.constant 0 : i32
    %dma_start3A_50 = tpu.memref_slice %arg5[%dma_start3A_48, %dma_start3A_49] : memref<2x80xi32, #tpu.memory_space<vmem>> -> memref<1x80xi32, #tpu.memory_space<vmem>>
    %dma_start3A_51 = tpu.memref_squeeze %dma_start3A_50 : memref<1x80xi32, #tpu.memory_space<vmem>> -> memref<80xi32, #tpu.memory_space<vmem>>
    %dma_start3A_52 = arith.constant 0 : i32
    %dma_start3A_53 = arith.constant 0 : i32
    %dma_start3A_54 = tpu.memref_slice %arg2[%dma_start3A_52, %dma_start3A_53] : memref<10000x128xf32, #tpu.memory_space<hbm>> -> memref<10000x128xf32, #tpu.memory_space<hbm>>
    tpu.enqueue_indirect_dma source(%dma_start3A_54 : memref<10000x128xf32, #tpu.memory_space<hbm>>) target(%arg8 : memref<80x128xf32, #tpu.memory_space<vmem>>) offsets(%dma_start3A_51 : memref<80xi32, #tpu.memory_space<vmem>>) semaphore(%arg11 : memref<!tpu.dma_semaphore, #tpu.memory_space<semaphore_mem>>)
    %scan3A_55 = arith.constant 0 : i32
    %scan3A_56 = arith.constant 0 : i32
    %scan3A_57 = arith.constant 125 : i32
    %scan3A_58 = arith.addi %scan3A_56, %scan3A_57 : i32
    %scan3A_59 = arith.constant 1 : i32
    %scan3A_60 = scf.for %scan3A_74 = %scan3A_56 to %scan3A_58 step %scan3A_59 iter_args(%scan3A_75 = %scan3A_55) -> (i32)  : i32 {
      %jit3A = arith.constant 6 : i32
      %eq3A = arith.constant 0 : i32
      %eq3A_76 = arith.cmpi eq, %jit3A, %eq3A : i32
      %jit3A_77 = arith.constant 1 : i32
      %select_n3A = arith.select %eq3A_76, %jit3A_77, %jit3A : i32
      %rem3A = arith.remsi %scan3A_74, %select_n3A : i32
      %ne3A = arith.constant 0 : i32
      %ne3A_78 = arith.cmpi ne, %rem3A, %ne3A : i32
      %lt3A = arith.constant 0 : i32
      %lt3A_79 = arith.cmpi slt, %rem3A, %lt3A : i32
      %lt3A_80 = arith.constant 0 : i32
      %lt3A_81 = arith.cmpi slt, %select_n3A, %lt3A_80 : i32
      %ne3A_82 = arith.xori %lt3A_79, %lt3A_81 : i1
      %and3A = arith.andi %ne3A_82, %ne3A_78 : i1
      %add3A_83 = arith.addi %rem3A, %select_n3A : i32
      %select_n3A_84 = arith.select %and3A, %add3A_83, %rem3A : i32
      %eq3A_85 = arith.constant 0 : i32
      %eq3A_86 = arith.cmpi eq, %select_n3A_84, %eq3A_85 : i32
      %convert_element_type3A = arith.extui %eq3A_86 : i1 to i32
      %cond3A = arith.constant 0 : i32
      %cond3A_87 = arith.cmpi ne, %convert_element_type3A, %cond3A : i32
      scf.if %cond3A_87 {
        %dma_wait3A_194 = arith.constant 0 : i32
        %dma_wait3A_195 = arith.constant 0 : i32
        %dma_wait3A_196 = tpu.memref_slice %arg5[%dma_wait3A_194, %dma_wait3A_195] : memref<2x80xi32, #tpu.memory_space<vmem>> -> memref<1x80xi32, #tpu.memory_space<vmem>>
        %dma_wait3A_197 = tpu.memref_squeeze %dma_wait3A_196 : memref<1x80xi32, #tpu.memory_space<vmem>> -> memref<80xi32, #tpu.memory_space<vmem>>
        %dma_wait3A_198 = arith.constant 0 : i32
        %dma_wait3A_199 = arith.constant 0 : i32
        %dma_wait3A_200 = tpu.memref_slice %arg2[%dma_wait3A_198, %dma_wait3A_199] : memref<10000x128xf32, #tpu.memory_space<hbm>> -> memref<10000x128xf32, #tpu.memory_space<hbm>>
        tpu.wait_indirect_dma semaphore(%arg11 : memref<!tpu.dma_semaphore, #tpu.memory_space<semaphore_mem>>) src(%dma_wait3A_200 : memref<10000x128xf32, #tpu.memory_space<hbm>>) dst(%arg8 : memref<80x128xf32, #tpu.memory_space<vmem>>)
        %ge3A = arith.constant 1 : i32
        %ge3A_201 = arith.cmpi sge, %scan3A_74, %ge3A : i32
        %convert_element_type3A_202 = arith.extui %ge3A_201 : i1 to i32
        %cond3A_203 = arith.constant 0 : i32
        %cond3A_204 = arith.cmpi ne, %convert_element_type3A_202, %cond3A_203 : i32
        scf.if %cond3A_204 {
          %dma_wait3A_229 = arith.constant 1 : i32
          %dma_wait3A_230 = arith.constant 0 : i32
          %dma_wait3A_231 = tpu.memref_slice %arg7[%dma_wait3A_229, %dma_wait3A_230] : memref<2x80xi32, #tpu.memory_space<vmem>> -> memref<1x80xi32, #tpu.memory_space<vmem>>
          %dma_wait3A_232 = tpu.memref_squeeze %dma_wait3A_231 : memref<1x80xi32, #tpu.memory_space<vmem>> -> memref<80xi32, #tpu.memory_space<vmem>>
          %dma_wait3A_233 = arith.constant 0 : i32
          %dma_wait3A_234 = arith.constant 0 : i32
          %dma_wait3A_235 = tpu.memref_slice %arg10[%dma_wait3A_233, %dma_wait3A_234] : memref<10240x128xf32, #tpu.memory_space<vmem_shared>> -> memref<10240x128xf32, #tpu.memory_space<vmem_shared>>
          tpu.wait_indirect_dma semaphore(%arg14 : memref<!tpu.dma_semaphore, #tpu.memory_space<semaphore_mem>>) src(%arg9 : memref<80x128xf32, #tpu.memory_space<vmem>>) dst(%dma_wait3A_235 : memref<10240x128xf32, #tpu.memory_space<vmem_shared>>)
        } else {
        }
        %ge3A_205 = arith.constant 1 : i32
        %ge3A_206 = arith.cmpi sge, %scan3A_74, %ge3A_205 : i32
        %add3A_207 = arith.constant 2 : i32
        %add3A_208 = arith.addi %scan3A_74, %add3A_207 : i32
        %lt3A_209 = arith.constant 125 : i32
        %lt3A_210 = arith.cmpi slt, %add3A_208, %lt3A_209 : i32
        %and3A_211 = arith.andi %ge3A_206, %lt3A_210 : i1
        %convert_element_type3A_212 = arith.extui %and3A_211 : i1 to i32
        %cond3A_213 = arith.constant 0 : i32
        %cond3A_214 = arith.cmpi ne, %convert_element_type3A_212, %cond3A_213 : i32
        scf.if %cond3A_214 {
          %add3A_229 = arith.constant 2 : i32
          %add3A_230 = arith.addi %scan3A_74, %add3A_229 : i32
          %dma_start3A_231 = arith.constant 0 : i32
          %dma_start3A_232 = arith.constant 0 : i32
          %dma_start3A_233 = tpu.memref_slice %arg3[%add3A, %add3A_230, %dma_start3A_231, %dma_start3A_232] : memref<32x125x2x80xi32, #tpu.memory_space<hbm>> -> memref<1x1x2x80xi32, #tpu.memory_space<hbm>>
          %dma_start3A_234 = tpu.memref_squeeze %dma_start3A_233 : memref<1x1x2x80xi32, #tpu.memory_space<hbm>> -> memref<2x80xi32, #tpu.memory_space<hbm>>
          %dma_start3A_235 = arith.constant 0 : i32
          %dma_start3A_236 = arith.constant 0 : i32
          %dma_start3A_237 = tpu.memref_slice %arg3[%add3A, %add3A_230, %dma_start3A_235, %dma_start3A_236] : memref<32x125x2x80xi32, #tpu.memory_space<hbm>> -> memref<1x1x2x80xi32, #tpu.memory_space<hbm>>
          %dma_start3A_238 = tpu.memref_squeeze %dma_start3A_237 : memref<1x1x2x80xi32, #tpu.memory_space<hbm>> -> memref<2x80xi32, #tpu.memory_space<hbm>>
          tpu.enqueue_dma source(%dma_start3A_238 : memref<2x80xi32, #tpu.memory_space<hbm>>) target(%arg7 : memref<2x80xi32, #tpu.memory_space<vmem>>) target_semaphore(%arg17 : memref<!tpu.dma_semaphore, #tpu.memory_space<semaphore_mem>>)
        } else {
        }
        %add3A_215 = arith.constant 1 : i32
        %add3A_216 = arith.addi %scan3A_74, %add3A_215 : i32
        %lt3A_217 = arith.constant 125 : i32
        %lt3A_218 = arith.cmpi slt, %add3A_216, %lt3A_217 : i32
        %convert_element_type3A_219 = arith.extui %lt3A_218 : i1 to i32
        %cond3A_220 = arith.constant 0 : i32
        %cond3A_221 = arith.cmpi ne, %convert_element_type3A_219, %cond3A_220 : i32
        scf.if %cond3A_221 {
          %dma_wait3A_229 = arith.constant 0 : i32
          %dma_wait3A_230 = arith.constant 0 : i32
          %dma_wait3A_231 = arith.constant 0 : i32
          %dma_wait3A_232 = tpu.memref_slice %arg3[%add3A, %dma_wait3A_229, %dma_wait3A_230, %dma_wait3A_231] : memref<32x125x2x80xi32, #tpu.memory_space<hbm>> -> memref<1x1x2x80xi32, #tpu.memory_space<hbm>>
          %dma_wait3A_233 = tpu.memref_squeeze %dma_wait3A_232 : memref<1x1x2x80xi32, #tpu.memory_space<hbm>> -> memref<2x80xi32, #tpu.memory_space<hbm>>
          %dma_wait3A_234 = arith.constant 0 : i32
          %dma_wait3A_235 = arith.constant 0 : i32
          %dma_wait3A_236 = tpu.memref_slice %arg3[%add3A, %dma_wait3A_229, %dma_wait3A_234, %dma_wait3A_235] : memref<32x125x2x80xi32, #tpu.memory_space<hbm>> -> memref<1x1x2x80xi32, #tpu.memory_space<hbm>>
          %dma_wait3A_237 = tpu.memref_squeeze %dma_wait3A_236 : memref<1x1x2x80xi32, #tpu.memory_space<hbm>> -> memref<2x80xi32, #tpu.memory_space<hbm>>
          tpu.wait_dma2 semaphore(%arg16 : memref<!tpu.dma_semaphore, #tpu.memory_space<semaphore_mem>>) src(%dma_wait3A_237 : memref<2x80xi32, #tpu.memory_space<hbm>>) dst(%arg6 : memref<2x80xi32, #tpu.memory_space<vmem>>)
          %dma_start3A_238 = arith.constant 0 : i32
          %dma_start3A_239 = arith.constant 0 : i32
          %dma_start3A_240 = tpu.memref_slice %arg6[%dma_start3A_238, %dma_start3A_239] : memref<2x80xi32, #tpu.memory_space<vmem>> -> memref<1x80xi32, #tpu.memory_space<vmem>>
          %dma_start3A_241 = tpu.memref_squeeze %dma_start3A_240 : memref<1x80xi32, #tpu.memory_space<vmem>> -> memref<80xi32, #tpu.memory_space<vmem>>
          %dma_start3A_242 = arith.constant 0 : i32
          %dma_start3A_243 = arith.constant 0 : i32
          %dma_start3A_244 = tpu.memref_slice %arg2[%dma_start3A_242, %dma_start3A_243] : memref<10000x128xf32, #tpu.memory_space<hbm>> -> memref<10000x128xf32, #tpu.memory_space<hbm>>
          tpu.enqueue_indirect_dma source(%dma_start3A_244 : memref<10000x128xf32, #tpu.memory_space<hbm>>) target(%arg9 : memref<80x128xf32, #tpu.memory_space<vmem>>) offsets(%dma_start3A_241 : memref<80xi32, #tpu.memory_space<vmem>>) semaphore(%arg12 : memref<!tpu.dma_semaphore, #tpu.memory_space<semaphore_mem>>)
        } else {
        }
        %dma_start3A_222 = arith.constant 1 : i32
        %dma_start3A_223 = arith.constant 0 : i32
        %dma_start3A_224 = tpu.memref_slice %arg5[%dma_start3A_222, %dma_start3A_223] : memref<2x80xi32, #tpu.memory_space<vmem>> -> memref<1x80xi32, #tpu.memory_space<vmem>>
        %dma_start3A_225 = tpu.memref_squeeze %dma_start3A_224 : memref<1x80xi32, #tpu.memory_space<vmem>> -> memref<80xi32, #tpu.memory_space<vmem>>
        %dma_start3A_226 = arith.constant 0 : i32
        %dma_start3A_227 = arith.constant 0 : i32
        %dma_start3A_228 = tpu.memref_slice %arg10[%dma_start3A_226, %dma_start3A_227] : memref<10240x128xf32, #tpu.memory_space<vmem_shared>> -> memref<10240x128xf32, #tpu.memory_space<vmem_shared>>
        tpu.enqueue_indirect_dma source(%arg8 : memref<80x128xf32, #tpu.memory_space<vmem>>) target(%dma_start3A_228 : memref<10240x128xf32, #tpu.memory_space<vmem_shared>>) offsets(%dma_start3A_225 : memref<80xi32, #tpu.memory_space<vmem>>) semaphore(%arg13 : memref<!tpu.dma_semaphore, #tpu.memory_space<semaphore_mem>>) {add = true}
      } else {
      }
      %jit3A_88 = arith.constant 6 : i32
      %eq3A_89 = arith.constant 0 : i32
      %eq3A_90 = arith.cmpi eq, %jit3A_88, %eq3A_89 : i32
      %jit3A_91 = arith.constant 1 : i32
      %select_n3A_92 = arith.select %eq3A_90, %jit3A_91, %jit3A_88 : i32
      %rem3A_93 = arith.remsi %scan3A_74, %select_n3A_92 : i32
      %ne3A_94 = arith.constant 0 : i32
      %ne3A_95 = arith.cmpi ne, %rem3A_93, %ne3A_94 : i32
      %lt3A_96 = arith.constant 0 : i32
      %lt3A_97 = arith.cmpi slt, %rem3A_93, %lt3A_96 : i32
      %lt3A_98 = arith.constant 0 : i32
      %lt3A_99 = arith.cmpi slt, %select_n3A_92, %lt3A_98 : i32
      %ne3A_100 = arith.xori %lt3A_97, %lt3A_99 : i1
      %and3A_101 = arith.andi %ne3A_100, %ne3A_95 : i1
      %add3A_102 = arith.addi %rem3A_93, %select_n3A_92 : i32
      %select_n3A_103 = arith.select %and3A_101, %add3A_102, %rem3A_93 : i32
      %eq3A_104 = arith.constant 1 : i32
      %eq3A_105 = arith.cmpi eq, %select_n3A_103, %eq3A_104 : i32
      %convert_element_type3A_106 = arith.extui %eq3A_105 : i1 to i32
      %cond3A_107 = arith.constant 0 : i32
      %cond3A_108 = arith.cmpi ne, %convert_element_type3A_106, %cond3A_107 : i32
      scf.if %cond3A_108 {
        %dma_wait3A_194 = arith.constant 0 : i32
        %dma_wait3A_195 = arith.constant 0 : i32
        %dma_wait3A_196 = tpu.memref_slice %arg6[%dma_wait3A_194, %dma_wait3A_195] : memref<2x80xi32, #tpu.memory_space<vmem>> -> memref<1x80xi32, #tpu.memory_space<vmem>>
        %dma_wait3A_197 = tpu.memref_squeeze %dma_wait3A_196 : memref<1x80xi32, #tpu.memory_space<vmem>> -> memref<80xi32, #tpu.memory_space<vmem>>
        %dma_wait3A_198 = arith.constant 0 : i32
        %dma_wait3A_199 = arith.constant 0 : i32
        %dma_wait3A_200 = tpu.memref_slice %arg2[%dma_wait3A_198, %dma_wait3A_199] : memref<10000x128xf32, #tpu.memory_space<hbm>> -> memref<10000x128xf32, #tpu.memory_space<hbm>>
        tpu.wait_indirect_dma semaphore(%arg12 : memref<!tpu.dma_semaphore, #tpu.memory_space<semaphore_mem>>) src(%dma_wait3A_200 : memref<10000x128xf32, #tpu.memory_space<hbm>>) dst(%arg9 : memref<80x128xf32, #tpu.memory_space<vmem>>)
        %ge3A = arith.constant 1 : i32
        %ge3A_201 = arith.cmpi sge, %scan3A_74, %ge3A : i32
        %convert_element_type3A_202 = arith.extui %ge3A_201 : i1 to i32
        %cond3A_203 = arith.constant 0 : i32
        %cond3A_204 = arith.cmpi ne, %convert_element_type3A_202, %cond3A_203 : i32
        scf.if %cond3A_204 {
          %dma_wait3A_229 = arith.constant 1 : i32
          %dma_wait3A_230 = arith.constant 0 : i32
          %dma_wait3A_231 = tpu.memref_slice %arg5[%dma_wait3A_229, %dma_wait3A_230] : memref<2x80xi32, #tpu.memory_space<vmem>> -> memref<1x80xi32, #tpu.memory_space<vmem>>
          %dma_wait3A_232 = tpu.memref_squeeze %dma_wait3A_231 : memref<1x80xi32, #tpu.memory_space<vmem>> -> memref<80xi32, #tpu.memory_space<vmem>>
          %dma_wait3A_233 = arith.constant 0 : i32
          %dma_wait3A_234 = arith.constant 0 : i32
          %dma_wait3A_235 = tpu.memref_slice %arg10[%dma_wait3A_233, %dma_wait3A_234] : memref<10240x128xf32, #tpu.memory_space<vmem_shared>> -> memref<10240x128xf32, #tpu.memory_space<vmem_shared>>
          tpu.wait_indirect_dma semaphore(%arg13 : memref<!tpu.dma_semaphore, #tpu.memory_space<semaphore_mem>>) src(%arg8 : memref<80x128xf32, #tpu.memory_space<vmem>>) dst(%dma_wait3A_235 : memref<10240x128xf32, #tpu.memory_space<vmem_shared>>)
        } else {
        }
        %ge3A_205 = arith.constant 1 : i32
        %ge3A_206 = arith.cmpi sge, %scan3A_74, %ge3A_205 : i32
        %add3A_207 = arith.constant 2 : i32
        %add3A_208 = arith.addi %scan3A_74, %add3A_207 : i32
        %lt3A_209 = arith.constant 125 : i32
        %lt3A_210 = arith.cmpi slt, %add3A_208, %lt3A_209 : i32
        %and3A_211 = arith.andi %ge3A_206, %lt3A_210 : i1
        %convert_element_type3A_212 = arith.extui %and3A_211 : i1 to i32
        %cond3A_213 = arith.constant 0 : i32
        %cond3A_214 = arith.cmpi ne, %convert_element_type3A_212, %cond3A_213 : i32
        scf.if %cond3A_214 {
          %add3A_229 = arith.constant 2 : i32
          %add3A_230 = arith.addi %scan3A_74, %add3A_229 : i32
          %dma_start3A_231 = arith.constant 0 : i32
          %dma_start3A_232 = arith.constant 0 : i32
          %dma_start3A_233 = tpu.memref_slice %arg3[%add3A, %add3A_230, %dma_start3A_231, %dma_start3A_232] : memref<32x125x2x80xi32, #tpu.memory_space<hbm>> -> memref<1x1x2x80xi32, #tpu.memory_space<hbm>>
          %dma_start3A_234 = tpu.memref_squeeze %dma_start3A_233 : memref<1x1x2x80xi32, #tpu.memory_space<hbm>> -> memref<2x80xi32, #tpu.memory_space<hbm>>
          %dma_start3A_235 = arith.constant 0 : i32
          %dma_start3A_236 = arith.constant 0 : i32
          %dma_start3A_237 = tpu.memref_slice %arg3[%add3A, %add3A_230, %dma_start3A_235, %dma_start3A_236] : memref<32x125x2x80xi32, #tpu.memory_space<hbm>> -> memref<1x1x2x80xi32, #tpu.memory_space<hbm>>
          %dma_start3A_238 = tpu.memref_squeeze %dma_start3A_237 : memref<1x1x2x80xi32, #tpu.memory_space<hbm>> -> memref<2x80xi32, #tpu.memory_space<hbm>>
          tpu.enqueue_dma source(%dma_start3A_238 : memref<2x80xi32, #tpu.memory_space<hbm>>) target(%arg5 : memref<2x80xi32, #tpu.memory_space<vmem>>) target_semaphore(%arg15 : memref<!tpu.dma_semaphore, #tpu.memory_space<semaphore_mem>>)
        } else {
        }
        %add3A_215 = arith.constant 1 : i32
        %add3A_216 = arith.addi %scan3A_74, %add3A_215 : i32
        %lt3A_217 = arith.constant 125 : i32
        %lt3A_218 = arith.cmpi slt, %add3A_216, %lt3A_217 : i32
        %convert_element_type3A_219 = arith.extui %lt3A_218 : i1 to i32
        %cond3A_220 = arith.constant 0 : i32
        %cond3A_221 = arith.cmpi ne, %convert_element_type3A_219, %cond3A_220 : i32
        scf.if %cond3A_221 {
          %dma_wait3A_229 = arith.constant 0 : i32
          %dma_wait3A_230 = arith.constant 0 : i32
          %dma_wait3A_231 = arith.constant 0 : i32
          %dma_wait3A_232 = tpu.memref_slice %arg3[%add3A, %dma_wait3A_229, %dma_wait3A_230, %dma_wait3A_231] : memref<32x125x2x80xi32, #tpu.memory_space<hbm>> -> memref<1x1x2x80xi32, #tpu.memory_space<hbm>>
          %dma_wait3A_233 = tpu.memref_squeeze %dma_wait3A_232 : memref<1x1x2x80xi32, #tpu.memory_space<hbm>> -> memref<2x80xi32, #tpu.memory_space<hbm>>
          %dma_wait3A_234 = arith.constant 0 : i32
          %dma_wait3A_235 = arith.constant 0 : i32
          %dma_wait3A_236 = tpu.memref_slice %arg3[%add3A, %dma_wait3A_229, %dma_wait3A_234, %dma_wait3A_235] : memref<32x125x2x80xi32, #tpu.memory_space<hbm>> -> memref<1x1x2x80xi32, #tpu.memory_space<hbm>>
          %dma_wait3A_237 = tpu.memref_squeeze %dma_wait3A_236 : memref<1x1x2x80xi32, #tpu.memory_space<hbm>> -> memref<2x80xi32, #tpu.memory_space<hbm>>
          tpu.wait_dma2 semaphore(%arg17 : memref<!tpu.dma_semaphore, #tpu.memory_space<semaphore_mem>>) src(%dma_wait3A_237 : memref<2x80xi32, #tpu.memory_space<hbm>>) dst(%arg7 : memref<2x80xi32, #tpu.memory_space<vmem>>)
          %dma_start3A_238 = arith.constant 0 : i32
          %dma_start3A_239 = arith.constant 0 : i32
          %dma_start3A_240 = tpu.memref_slice %arg7[%dma_start3A_238, %dma_start3A_239] : memref<2x80xi32, #tpu.memory_space<vmem>> -> memref<1x80xi32, #tpu.memory_space<vmem>>
          %dma_start3A_241 = tpu.memref_squeeze %dma_start3A_240 : memref<1x80xi32, #tpu.memory_space<vmem>> -> memref<80xi32, #tpu.memory_space<vmem>>
          %dma_start3A_242 = arith.constant 0 : i32
          %dma_start3A_243 = arith.constant 0 : i32
          %dma_start3A_244 = tpu.memref_slice %arg2[%dma_start3A_242, %dma_start3A_243] : memref<10000x128xf32, #tpu.memory_space<hbm>> -> memref<10000x128xf32, #tpu.memory_space<hbm>>
          tpu.enqueue_indirect_dma source(%dma_start3A_244 : memref<10000x128xf32, #tpu.memory_space<hbm>>) target(%arg8 : memref<80x128xf32, #tpu.memory_space<vmem>>) offsets(%dma_start3A_241 : memref<80xi32, #tpu.memory_space<vmem>>) semaphore(%arg11 : memref<!tpu.dma_semaphore, #tpu.memory_space<semaphore_mem>>)
        } else {
        }
        %dma_start3A_222 = arith.constant 1 : i32
        %dma_start3A_223 = arith.constant 0 : i32
        %dma_start3A_224 = tpu.memref_slice %arg6[%dma_start3A_222, %dma_start3A_223] : memref<2x80xi32, #tpu.memory_space<vmem>> -> memref<1x80xi32, #tpu.memory_space<vmem>>
        %dma_start3A_225 = tpu.memref_squeeze %dma_start3A_224 : memref<1x80xi32, #tpu.memory_space<vmem>> -> memref<80xi32, #tpu.memory_space<vmem>>
        %dma_start3A_226 = arith.constant 0 : i32
        %dma_start3A_227 = arith.constant 0 : i32
        %dma_start3A_228 = tpu.memref_slice %arg10[%dma_start3A_226, %dma_start3A_227] : memref<10240x128xf32, #tpu.memory_space<vmem_shared>> -> memref<10240x128xf32, #tpu.memory_space<vmem_shared>>
        tpu.enqueue_indirect_dma source(%arg9 : memref<80x128xf32, #tpu.memory_space<vmem>>) target(%dma_start3A_228 : memref<10240x128xf32, #tpu.memory_space<vmem_shared>>) offsets(%dma_start3A_225 : memref<80xi32, #tpu.memory_space<vmem>>) semaphore(%arg14 : memref<!tpu.dma_semaphore, #tpu.memory_space<semaphore_mem>>) {add = true}
      } else {
      }
      %jit3A_109 = arith.constant 6 : i32
      %eq3A_110 = arith.constant 0 : i32
      %eq3A_111 = arith.cmpi eq, %jit3A_109, %eq3A_110 : i32
      %jit3A_112 = arith.constant 1 : i32
      %select_n3A_113 = arith.select %eq3A_111, %jit3A_112, %jit3A_109 : i32
      %rem3A_114 = arith.remsi %scan3A_74, %select_n3A_113 : i32
      %ne3A_115 = arith.constant 0 : i32
      %ne3A_116 = arith.cmpi ne, %rem3A_114, %ne3A_115 : i32
      %lt3A_117 = arith.constant 0 : i32
      %lt3A_118 = arith.cmpi slt, %rem3A_114, %lt3A_117 : i32
      %lt3A_119 = arith.constant 0 : i32
      %lt3A_120 = arith.cmpi slt, %select_n3A_113, %lt3A_119 : i32
      %ne3A_121 = arith.xori %lt3A_118, %lt3A_120 : i1
      %and3A_122 = arith.andi %ne3A_121, %ne3A_116 : i1
      %add3A_123 = arith.addi %rem3A_114, %select_n3A_113 : i32
      %select_n3A_124 = arith.select %and3A_122, %add3A_123, %rem3A_114 : i32
      %eq3A_125 = arith.constant 2 : i32
      %eq3A_126 = arith.cmpi eq, %select_n3A_124, %eq3A_125 : i32
      %convert_element_type3A_127 = arith.extui %eq3A_126 : i1 to i32
      %cond3A_128 = arith.constant 0 : i32
      %cond3A_129 = arith.cmpi ne, %convert_element_type3A_127, %cond3A_128 : i32
      scf.if %cond3A_129 {
        %dma_wait3A_194 = arith.constant 0 : i32
        %dma_wait3A_195 = arith.constant 0 : i32
        %dma_wait3A_196 = tpu.memref_slice %arg7[%dma_wait3A_194, %dma_wait3A_195] : memref<2x80xi32, #tpu.memory_space<vmem>> -> memref<1x80xi32, #tpu.memory_space<vmem>>
        %dma_wait3A_197 = tpu.memref_squeeze %dma_wait3A_196 : memref<1x80xi32, #tpu.memory_space<vmem>> -> memref<80xi32, #tpu.memory_space<vmem>>
        %dma_wait3A_198 = arith.constant 0 : i32
        %dma_wait3A_199 = arith.constant 0 : i32
        %dma_wait3A_200 = tpu.memref_slice %arg2[%dma_wait3A_198, %dma_wait3A_199] : memref<10000x128xf32, #tpu.memory_space<hbm>> -> memref<10000x128xf32, #tpu.memory_space<hbm>>
        tpu.wait_indirect_dma semaphore(%arg11 : memref<!tpu.dma_semaphore, #tpu.memory_space<semaphore_mem>>) src(%dma_wait3A_200 : memref<10000x128xf32, #tpu.memory_space<hbm>>) dst(%arg8 : memref<80x128xf32, #tpu.memory_space<vmem>>)
        %ge3A = arith.constant 1 : i32
        %ge3A_201 = arith.cmpi sge, %scan3A_74, %ge3A : i32
        %convert_element_type3A_202 = arith.extui %ge3A_201 : i1 to i32
        %cond3A_203 = arith.constant 0 : i32
        %cond3A_204 = arith.cmpi ne, %convert_element_type3A_202, %cond3A_203 : i32
        scf.if %cond3A_204 {
          %dma_wait3A_229 = arith.constant 1 : i32
          %dma_wait3A_230 = arith.constant 0 : i32
          %dma_wait3A_231 = tpu.memref_slice %arg6[%dma_wait3A_229, %dma_wait3A_230] : memref<2x80xi32, #tpu.memory_space<vmem>> -> memref<1x80xi32, #tpu.memory_space<vmem>>
          %dma_wait3A_232 = tpu.memref_squeeze %dma_wait3A_231 : memref<1x80xi32, #tpu.memory_space<vmem>> -> memref<80xi32, #tpu.memory_space<vmem>>
          %dma_wait3A_233 = arith.constant 0 : i32
          %dma_wait3A_234 = arith.constant 0 : i32
          %dma_wait3A_235 = tpu.memref_slice %arg10[%dma_wait3A_233, %dma_wait3A_234] : memref<10240x128xf32, #tpu.memory_space<vmem_shared>> -> memref<10240x128xf32, #tpu.memory_space<vmem_shared>>
          tpu.wait_indirect_dma semaphore(%arg14 : memref<!tpu.dma_semaphore, #tpu.memory_space<semaphore_mem>>) src(%arg9 : memref<80x128xf32, #tpu.memory_space<vmem>>) dst(%dma_wait3A_235 : memref<10240x128xf32, #tpu.memory_space<vmem_shared>>)
        } else {
        }
        %ge3A_205 = arith.constant 1 : i32
        %ge3A_206 = arith.cmpi sge, %scan3A_74, %ge3A_205 : i32
        %add3A_207 = arith.constant 2 : i32
        %add3A_208 = arith.addi %scan3A_74, %add3A_207 : i32
        %lt3A_209 = arith.constant 125 : i32
        %lt3A_210 = arith.cmpi slt, %add3A_208, %lt3A_209 : i32
        %and3A_211 = arith.andi %ge3A_206, %lt3A_210 : i1
        %convert_element_type3A_212 = arith.extui %and3A_211 : i1 to i32
        %cond3A_213 = arith.constant 0 : i32
        %cond3A_214 = arith.cmpi ne, %convert_element_type3A_212, %cond3A_213 : i32
        scf.if %cond3A_214 {
          %add3A_229 = arith.constant 2 : i32
          %add3A_230 = arith.addi %scan3A_74, %add3A_229 : i32
          %dma_start3A_231 = arith.constant 0 : i32
          %dma_start3A_232 = arith.constant 0 : i32
          %dma_start3A_233 = tpu.memref_slice %arg3[%add3A, %add3A_230, %dma_start3A_231, %dma_start3A_232] : memref<32x125x2x80xi32, #tpu.memory_space<hbm>> -> memref<1x1x2x80xi32, #tpu.memory_space<hbm>>
          %dma_start3A_234 = tpu.memref_squeeze %dma_start3A_233 : memref<1x1x2x80xi32, #tpu.memory_space<hbm>> -> memref<2x80xi32, #tpu.memory_space<hbm>>
          %dma_start3A_235 = arith.constant 0 : i32
          %dma_start3A_236 = arith.constant 0 : i32
          %dma_start3A_237 = tpu.memref_slice %arg3[%add3A, %add3A_230, %dma_start3A_235, %dma_start3A_236] : memref<32x125x2x80xi32, #tpu.memory_space<hbm>> -> memref<1x1x2x80xi32, #tpu.memory_space<hbm>>
          %dma_start3A_238 = tpu.memref_squeeze %dma_start3A_237 : memref<1x1x2x80xi32, #tpu.memory_space<hbm>> -> memref<2x80xi32, #tpu.memory_space<hbm>>
          tpu.enqueue_dma source(%dma_start3A_238 : memref<2x80xi32, #tpu.memory_space<hbm>>) target(%arg6 : memref<2x80xi32, #tpu.memory_space<vmem>>) target_semaphore(%arg16 : memref<!tpu.dma_semaphore, #tpu.memory_space<semaphore_mem>>)
        } else {
        }
        %add3A_215 = arith.constant 1 : i32
        %add3A_216 = arith.addi %scan3A_74, %add3A_215 : i32
        %lt3A_217 = arith.constant 125 : i32
        %lt3A_218 = arith.cmpi slt, %add3A_216, %lt3A_217 : i32
        %convert_element_type3A_219 = arith.extui %lt3A_218 : i1 to i32
        %cond3A_220 = arith.constant 0 : i32
        %cond3A_221 = arith.cmpi ne, %convert_element_type3A_219, %cond3A_220 : i32
        scf.if %cond3A_221 {
          %dma_wait3A_229 = arith.constant 0 : i32
          %dma_wait3A_230 = arith.constant 0 : i32
          %dma_wait3A_231 = arith.constant 0 : i32
          %dma_wait3A_232 = tpu.memref_slice %arg3[%add3A, %dma_wait3A_229, %dma_wait3A_230, %dma_wait3A_231] : memref<32x125x2x80xi32, #tpu.memory_space<hbm>> -> memref<1x1x2x80xi32, #tpu.memory_space<hbm>>
          %dma_wait3A_233 = tpu.memref_squeeze %dma_wait3A_232 : memref<1x1x2x80xi32, #tpu.memory_space<hbm>> -> memref<2x80xi32, #tpu.memory_space<hbm>>
          %dma_wait3A_234 = arith.constant 0 : i32
          %dma_wait3A_235 = arith.constant 0 : i32
          %dma_wait3A_236 = tpu.memref_slice %arg3[%add3A, %dma_wait3A_229, %dma_wait3A_234, %dma_wait3A_235] : memref<32x125x2x80xi32, #tpu.memory_space<hbm>> -> memref<1x1x2x80xi32, #tpu.memory_space<hbm>>
          %dma_wait3A_237 = tpu.memref_squeeze %dma_wait3A_236 : memref<1x1x2x80xi32, #tpu.memory_space<hbm>> -> memref<2x80xi32, #tpu.memory_space<hbm>>
          tpu.wait_dma2 semaphore(%arg15 : memref<!tpu.dma_semaphore, #tpu.memory_space<semaphore_mem>>) src(%dma_wait3A_237 : memref<2x80xi32, #tpu.memory_space<hbm>>) dst(%arg5 : memref<2x80xi32, #tpu.memory_space<vmem>>)
          %dma_start3A_238 = arith.constant 0 : i32
          %dma_start3A_239 = arith.constant 0 : i32
          %dma_start3A_240 = tpu.memref_slice %arg5[%dma_start3A_238, %dma_start3A_239] : memref<2x80xi32, #tpu.memory_space<vmem>> -> memref<1x80xi32, #tpu.memory_space<vmem>>
          %dma_start3A_241 = tpu.memref_squeeze %dma_start3A_240 : memref<1x80xi32, #tpu.memory_space<vmem>> -> memref<80xi32, #tpu.memory_space<vmem>>
          %dma_start3A_242 = arith.constant 0 : i32
          %dma_start3A_243 = arith.constant 0 : i32
          %dma_start3A_244 = tpu.memref_slice %arg2[%dma_start3A_242, %dma_start3A_243] : memref<10000x128xf32, #tpu.memory_space<hbm>> -> memref<10000x128xf32, #tpu.memory_space<hbm>>
          tpu.enqueue_indirect_dma source(%dma_start3A_244 : memref<10000x128xf32, #tpu.memory_space<hbm>>) target(%arg9 : memref<80x128xf32, #tpu.memory_space<vmem>>) offsets(%dma_start3A_241 : memref<80xi32, #tpu.memory_space<vmem>>) semaphore(%arg12 : memref<!tpu.dma_semaphore, #tpu.memory_space<semaphore_mem>>)
        } else {
        }
        %dma_start3A_222 = arith.constant 1 : i32
        %dma_start3A_223 = arith.constant 0 : i32
        %dma_start3A_224 = tpu.memref_slice %arg7[%dma_start3A_222, %dma_start3A_223] : memref<2x80xi32, #tpu.memory_space<vmem>> -> memref<1x80xi32, #tpu.memory_space<vmem>>
        %dma_start3A_225 = tpu.memref_squeeze %dma_start3A_224 : memref<1x80xi32, #tpu.memory_space<vmem>> -> memref<80xi32, #tpu.memory_space<vmem>>
        %dma_start3A_226 = arith.constant 0 : i32
        %dma_start3A_227 = arith.constant 0 : i32
        %dma_start3A_228 = tpu.memref_slice %arg10[%dma_start3A_226, %dma_start3A_227] : memref<10240x128xf32, #tpu.memory_space<vmem_shared>> -> memref<10240x128xf32, #tpu.memory_space<vmem_shared>>
        tpu.enqueue_indirect_dma source(%arg8 : memref<80x128xf32, #tpu.memory_space<vmem>>) target(%dma_start3A_228 : memref<10240x128xf32, #tpu.memory_space<vmem_shared>>) offsets(%dma_start3A_225 : memref<80xi32, #tpu.memory_space<vmem>>) semaphore(%arg13 : memref<!tpu.dma_semaphore, #tpu.memory_space<semaphore_mem>>) {add = true}
      } else {
      }
      %jit3A_130 = arith.constant 6 : i32
      %eq3A_131 = arith.constant 0 : i32
      %eq3A_132 = arith.cmpi eq, %jit3A_130, %eq3A_131 : i32
      %jit3A_133 = arith.constant 1 : i32
      %select_n3A_134 = arith.select %eq3A_132, %jit3A_133, %jit3A_130 : i32
      %rem3A_135 = arith.remsi %scan3A_74, %select_n3A_134 : i32
      %ne3A_136 = arith.constant 0 : i32
      %ne3A_137 = arith.cmpi ne, %rem3A_135, %ne3A_136 : i32
      %lt3A_138 = arith.constant 0 : i32
      %lt3A_139 = arith.cmpi slt, %rem3A_135, %lt3A_138 : i32
      %lt3A_140 = arith.constant 0 : i32
      %lt3A_141 = arith.cmpi slt, %select_n3A_134, %lt3A_140 : i32
      %ne3A_142 = arith.xori %lt3A_139, %lt3A_141 : i1
      %and3A_143 = arith.andi %ne3A_142, %ne3A_137 : i1
      %add3A_144 = arith.addi %rem3A_135, %select_n3A_134 : i32
      %select_n3A_145 = arith.select %and3A_143, %add3A_144, %rem3A_135 : i32
      %eq3A_146 = arith.constant 3 : i32
      %eq3A_147 = arith.cmpi eq, %select_n3A_145, %eq3A_146 : i32
      %convert_element_type3A_148 = arith.extui %eq3A_147 : i1 to i32
      %cond3A_149 = arith.constant 0 : i32
      %cond3A_150 = arith.cmpi ne, %convert_element_type3A_148, %cond3A_149 : i32
      scf.if %cond3A_150 {
        %dma_wait3A_194 = arith.constant 0 : i32
        %dma_wait3A_195 = arith.constant 0 : i32
        %dma_wait3A_196 = tpu.memref_slice %arg5[%dma_wait3A_194, %dma_wait3A_195] : memref<2x80xi32, #tpu.memory_space<vmem>> -> memref<1x80xi32, #tpu.memory_space<vmem>>
        %dma_wait3A_197 = tpu.memref_squeeze %dma_wait3A_196 : memref<1x80xi32, #tpu.memory_space<vmem>> -> memref<80xi32, #tpu.memory_space<vmem>>
        %dma_wait3A_198 = arith.constant 0 : i32
        %dma_wait3A_199 = arith.constant 0 : i32
        %dma_wait3A_200 = tpu.memref_slice %arg2[%dma_wait3A_198, %dma_wait3A_199] : memref<10000x128xf32, #tpu.memory_space<hbm>> -> memref<10000x128xf32, #tpu.memory_space<hbm>>
        tpu.wait_indirect_dma semaphore(%arg12 : memref<!tpu.dma_semaphore, #tpu.memory_space<semaphore_mem>>) src(%dma_wait3A_200 : memref<10000x128xf32, #tpu.memory_space<hbm>>) dst(%arg9 : memref<80x128xf32, #tpu.memory_space<vmem>>)
        %ge3A = arith.constant 1 : i32
        %ge3A_201 = arith.cmpi sge, %scan3A_74, %ge3A : i32
        %convert_element_type3A_202 = arith.extui %ge3A_201 : i1 to i32
        %cond3A_203 = arith.constant 0 : i32
        %cond3A_204 = arith.cmpi ne, %convert_element_type3A_202, %cond3A_203 : i32
        scf.if %cond3A_204 {
          %dma_wait3A_229 = arith.constant 1 : i32
          %dma_wait3A_230 = arith.constant 0 : i32
          %dma_wait3A_231 = tpu.memref_slice %arg7[%dma_wait3A_229, %dma_wait3A_230] : memref<2x80xi32, #tpu.memory_space<vmem>> -> memref<1x80xi32, #tpu.memory_space<vmem>>
          %dma_wait3A_232 = tpu.memref_squeeze %dma_wait3A_231 : memref<1x80xi32, #tpu.memory_space<vmem>> -> memref<80xi32, #tpu.memory_space<vmem>>
          %dma_wait3A_233 = arith.constant 0 : i32
          %dma_wait3A_234 = arith.constant 0 : i32
          %dma_wait3A_235 = tpu.memref_slice %arg10[%dma_wait3A_233, %dma_wait3A_234] : memref<10240x128xf32, #tpu.memory_space<vmem_shared>> -> memref<10240x128xf32, #tpu.memory_space<vmem_shared>>
          tpu.wait_indirect_dma semaphore(%arg13 : memref<!tpu.dma_semaphore, #tpu.memory_space<semaphore_mem>>) src(%arg8 : memref<80x128xf32, #tpu.memory_space<vmem>>) dst(%dma_wait3A_235 : memref<10240x128xf32, #tpu.memory_space<vmem_shared>>)
        } else {
        }
        %ge3A_205 = arith.constant 1 : i32
        %ge3A_206 = arith.cmpi sge, %scan3A_74, %ge3A_205 : i32
        %add3A_207 = arith.constant 2 : i32
        %add3A_208 = arith.addi %scan3A_74, %add3A_207 : i32
        %lt3A_209 = arith.constant 125 : i32
        %lt3A_210 = arith.cmpi slt, %add3A_208, %lt3A_209 : i32
        %and3A_211 = arith.andi %ge3A_206, %lt3A_210 : i1
        %convert_element_type3A_212 = arith.extui %and3A_211 : i1 to i32
        %cond3A_213 = arith.constant 0 : i32
        %cond3A_214 = arith.cmpi ne, %convert_element_type3A_212, %cond3A_213 : i32
        scf.if %cond3A_214 {
          %add3A_229 = arith.constant 2 : i32
          %add3A_230 = arith.addi %scan3A_74, %add3A_229 : i32
          %dma_start3A_231 = arith.constant 0 : i32
          %dma_start3A_232 = arith.constant 0 : i32
          %dma_start3A_233 = tpu.memref_slice %arg3[%add3A, %add3A_230, %dma_start3A_231, %dma_start3A_232] : memref<32x125x2x80xi32, #tpu.memory_space<hbm>> -> memref<1x1x2x80xi32, #tpu.memory_space<hbm>>
          %dma_start3A_234 = tpu.memref_squeeze %dma_start3A_233 : memref<1x1x2x80xi32, #tpu.memory_space<hbm>> -> memref<2x80xi32, #tpu.memory_space<hbm>>
          %dma_start3A_235 = arith.constant 0 : i32
          %dma_start3A_236 = arith.constant 0 : i32
          %dma_start3A_237 = tpu.memref_slice %arg3[%add3A, %add3A_230, %dma_start3A_235, %dma_start3A_236] : memref<32x125x2x80xi32, #tpu.memory_space<hbm>> -> memref<1x1x2x80xi32, #tpu.memory_space<hbm>>
          %dma_start3A_238 = tpu.memref_squeeze %dma_start3A_237 : memref<1x1x2x80xi32, #tpu.memory_space<hbm>> -> memref<2x80xi32, #tpu.memory_space<hbm>>
          tpu.enqueue_dma source(%dma_start3A_238 : memref<2x80xi32, #tpu.memory_space<hbm>>) target(%arg7 : memref<2x80xi32, #tpu.memory_space<vmem>>) target_semaphore(%arg17 : memref<!tpu.dma_semaphore, #tpu.memory_space<semaphore_mem>>)
        } else {
        }
        %add3A_215 = arith.constant 1 : i32
        %add3A_216 = arith.addi %scan3A_74, %add3A_215 : i32
        %lt3A_217 = arith.constant 125 : i32
        %lt3A_218 = arith.cmpi slt, %add3A_216, %lt3A_217 : i32
        %convert_element_type3A_219 = arith.extui %lt3A_218 : i1 to i32
        %cond3A_220 = arith.constant 0 : i32
        %cond3A_221 = arith.cmpi ne, %convert_element_type3A_219, %cond3A_220 : i32
        scf.if %cond3A_221 {
          %dma_wait3A_229 = arith.constant 0 : i32
          %dma_wait3A_230 = arith.constant 0 : i32
          %dma_wait3A_231 = arith.constant 0 : i32
          %dma_wait3A_232 = tpu.memref_slice %arg3[%add3A, %dma_wait3A_229, %dma_wait3A_230, %dma_wait3A_231] : memref<32x125x2x80xi32, #tpu.memory_space<hbm>> -> memref<1x1x2x80xi32, #tpu.memory_space<hbm>>
          %dma_wait3A_233 = tpu.memref_squeeze %dma_wait3A_232 : memref<1x1x2x80xi32, #tpu.memory_space<hbm>> -> memref<2x80xi32, #tpu.memory_space<hbm>>
          %dma_wait3A_234 = arith.constant 0 : i32
          %dma_wait3A_235 = arith.constant 0 : i32
          %dma_wait3A_236 = tpu.memref_slice %arg3[%add3A, %dma_wait3A_229, %dma_wait3A_234, %dma_wait3A_235] : memref<32x125x2x80xi32, #tpu.memory_space<hbm>> -> memref<1x1x2x80xi32, #tpu.memory_space<hbm>>
          %dma_wait3A_237 = tpu.memref_squeeze %dma_wait3A_236 : memref<1x1x2x80xi32, #tpu.memory_space<hbm>> -> memref<2x80xi32, #tpu.memory_space<hbm>>
          tpu.wait_dma2 semaphore(%arg16 : memref<!tpu.dma_semaphore, #tpu.memory_space<semaphore_mem>>) src(%dma_wait3A_237 : memref<2x80xi32, #tpu.memory_space<hbm>>) dst(%arg6 : memref<2x80xi32, #tpu.memory_space<vmem>>)
          %dma_start3A_238 = arith.constant 0 : i32
          %dma_start3A_239 = arith.constant 0 : i32
          %dma_start3A_240 = tpu.memref_slice %arg6[%dma_start3A_238, %dma_start3A_239] : memref<2x80xi32, #tpu.memory_space<vmem>> -> memref<1x80xi32, #tpu.memory_space<vmem>>
          %dma_start3A_241 = tpu.memref_squeeze %dma_start3A_240 : memref<1x80xi32, #tpu.memory_space<vmem>> -> memref<80xi32, #tpu.memory_space<vmem>>
          %dma_start3A_242 = arith.constant 0 : i32
          %dma_start3A_243 = arith.constant 0 : i32
          %dma_start3A_244 = tpu.memref_slice %arg2[%dma_start3A_242, %dma_start3A_243] : memref<10000x128xf32, #tpu.memory_space<hbm>> -> memref<10000x128xf32, #tpu.memory_space<hbm>>
          tpu.enqueue_indirect_dma source(%dma_start3A_244 : memref<10000x128xf32, #tpu.memory_space<hbm>>) target(%arg8 : memref<80x128xf32, #tpu.memory_space<vmem>>) offsets(%dma_start3A_241 : memref<80xi32, #tpu.memory_space<vmem>>) semaphore(%arg11 : memref<!tpu.dma_semaphore, #tpu.memory_space<semaphore_mem>>)
        } else {
        }
        %dma_start3A_222 = arith.constant 1 : i32
        %dma_start3A_223 = arith.constant 0 : i32
        %dma_start3A_224 = tpu.memref_slice %arg5[%dma_start3A_222, %dma_start3A_223] : memref<2x80xi32, #tpu.memory_space<vmem>> -> memref<1x80xi32, #tpu.memory_space<vmem>>
        %dma_start3A_225 = tpu.memref_squeeze %dma_start3A_224 : memref<1x80xi32, #tpu.memory_space<vmem>> -> memref<80xi32, #tpu.memory_space<vmem>>
        %dma_start3A_226 = arith.constant 0 : i32
        %dma_start3A_227 = arith.constant 0 : i32
        %dma_start3A_228 = tpu.memref_slice %arg10[%dma_start3A_226, %dma_start3A_227] : memref<10240x128xf32, #tpu.memory_space<vmem_shared>> -> memref<10240x128xf32, #tpu.memory_space<vmem_shared>>
        tpu.enqueue_indirect_dma source(%arg9 : memref<80x128xf32, #tpu.memory_space<vmem>>) target(%dma_start3A_228 : memref<10240x128xf32, #tpu.memory_space<vmem_shared>>) offsets(%dma_start3A_225 : memref<80xi32, #tpu.memory_space<vmem>>) semaphore(%arg14 : memref<!tpu.dma_semaphore, #tpu.memory_space<semaphore_mem>>) {add = true}
      } else {
      }
      %jit3A_151 = arith.constant 6 : i32
      %eq3A_152 = arith.constant 0 : i32
      %eq3A_153 = arith.cmpi eq, %jit3A_151, %eq3A_152 : i32
      %jit3A_154 = arith.constant 1 : i32
      %select_n3A_155 = arith.select %eq3A_153, %jit3A_154, %jit3A_151 : i32
      %rem3A_156 = arith.remsi %scan3A_74, %select_n3A_155 : i32
      %ne3A_157 = arith.constant 0 : i32
      %ne3A_158 = arith.cmpi ne, %rem3A_156, %ne3A_157 : i32
      %lt3A_159 = arith.constant 0 : i32
      %lt3A_160 = arith.cmpi slt, %rem3A_156, %lt3A_159 : i32
      %lt3A_161 = arith.constant 0 : i32
      %lt3A_162 = arith.cmpi slt, %select_n3A_155, %lt3A_161 : i32
      %ne3A_163 = arith.xori %lt3A_160, %lt3A_162 : i1
      %and3A_164 = arith.andi %ne3A_163, %ne3A_158 : i1
      %add3A_165 = arith.addi %rem3A_156, %select_n3A_155 : i32
      %select_n3A_166 = arith.select %and3A_164, %add3A_165, %rem3A_156 : i32
      %eq3A_167 = arith.constant 4 : i32
      %eq3A_168 = arith.cmpi eq, %select_n3A_166, %eq3A_167 : i32
      %convert_element_type3A_169 = arith.extui %eq3A_168 : i1 to i32
      %cond3A_170 = arith.constant 0 : i32
      %cond3A_171 = arith.cmpi ne, %convert_element_type3A_169, %cond3A_170 : i32
      scf.if %cond3A_171 {
        %dma_wait3A_194 = arith.constant 0 : i32
        %dma_wait3A_195 = arith.constant 0 : i32
        %dma_wait3A_196 = tpu.memref_slice %arg6[%dma_wait3A_194, %dma_wait3A_195] : memref<2x80xi32, #tpu.memory_space<vmem>> -> memref<1x80xi32, #tpu.memory_space<vmem>>
        %dma_wait3A_197 = tpu.memref_squeeze %dma_wait3A_196 : memref<1x80xi32, #tpu.memory_space<vmem>> -> memref<80xi32, #tpu.memory_space<vmem>>
        %dma_wait3A_198 = arith.constant 0 : i32
        %dma_wait3A_199 = arith.constant 0 : i32
        %dma_wait3A_200 = tpu.memref_slice %arg2[%dma_wait3A_198, %dma_wait3A_199] : memref<10000x128xf32, #tpu.memory_space<hbm>> -> memref<10000x128xf32, #tpu.memory_space<hbm>>
        tpu.wait_indirect_dma semaphore(%arg11 : memref<!tpu.dma_semaphore, #tpu.memory_space<semaphore_mem>>) src(%dma_wait3A_200 : memref<10000x128xf32, #tpu.memory_space<hbm>>) dst(%arg8 : memref<80x128xf32, #tpu.memory_space<vmem>>)
        %ge3A = arith.constant 1 : i32
        %ge3A_201 = arith.cmpi sge, %scan3A_74, %ge3A : i32
        %convert_element_type3A_202 = arith.extui %ge3A_201 : i1 to i32
        %cond3A_203 = arith.constant 0 : i32
        %cond3A_204 = arith.cmpi ne, %convert_element_type3A_202, %cond3A_203 : i32
        scf.if %cond3A_204 {
          %dma_wait3A_229 = arith.constant 1 : i32
          %dma_wait3A_230 = arith.constant 0 : i32
          %dma_wait3A_231 = tpu.memref_slice %arg5[%dma_wait3A_229, %dma_wait3A_230] : memref<2x80xi32, #tpu.memory_space<vmem>> -> memref<1x80xi32, #tpu.memory_space<vmem>>
          %dma_wait3A_232 = tpu.memref_squeeze %dma_wait3A_231 : memref<1x80xi32, #tpu.memory_space<vmem>> -> memref<80xi32, #tpu.memory_space<vmem>>
          %dma_wait3A_233 = arith.constant 0 : i32
          %dma_wait3A_234 = arith.constant 0 : i32
          %dma_wait3A_235 = tpu.memref_slice %arg10[%dma_wait3A_233, %dma_wait3A_234] : memref<10240x128xf32, #tpu.memory_space<vmem_shared>> -> memref<10240x128xf32, #tpu.memory_space<vmem_shared>>
          tpu.wait_indirect_dma semaphore(%arg14 : memref<!tpu.dma_semaphore, #tpu.memory_space<semaphore_mem>>) src(%arg9 : memref<80x128xf32, #tpu.memory_space<vmem>>) dst(%dma_wait3A_235 : memref<10240x128xf32, #tpu.memory_space<vmem_shared>>)
        } else {
        }
        %ge3A_205 = arith.constant 1 : i32
        %ge3A_206 = arith.cmpi sge, %scan3A_74, %ge3A_205 : i32
        %add3A_207 = arith.constant 2 : i32
        %add3A_208 = arith.addi %scan3A_74, %add3A_207 : i32
        %lt3A_209 = arith.constant 125 : i32
        %lt3A_210 = arith.cmpi slt, %add3A_208, %lt3A_209 : i32
        %and3A_211 = arith.andi %ge3A_206, %lt3A_210 : i1
        %convert_element_type3A_212 = arith.extui %and3A_211 : i1 to i32
        %cond3A_213 = arith.constant 0 : i32
        %cond3A_214 = arith.cmpi ne, %convert_element_type3A_212, %cond3A_213 : i32
        scf.if %cond3A_214 {
          %add3A_229 = arith.constant 2 : i32
          %add3A_230 = arith.addi %scan3A_74, %add3A_229 : i32
          %dma_start3A_231 = arith.constant 0 : i32
          %dma_start3A_232 = arith.constant 0 : i32
          %dma_start3A_233 = tpu.memref_slice %arg3[%add3A, %add3A_230, %dma_start3A_231, %dma_start3A_232] : memref<32x125x2x80xi32, #tpu.memory_space<hbm>> -> memref<1x1x2x80xi32, #tpu.memory_space<hbm>>
          %dma_start3A_234 = tpu.memref_squeeze %dma_start3A_233 : memref<1x1x2x80xi32, #tpu.memory_space<hbm>> -> memref<2x80xi32, #tpu.memory_space<hbm>>
          %dma_start3A_235 = arith.constant 0 : i32
          %dma_start3A_236 = arith.constant 0 : i32
          %dma_start3A_237 = tpu.memref_slice %arg3[%add3A, %add3A_230, %dma_start3A_235, %dma_start3A_236] : memref<32x125x2x80xi32, #tpu.memory_space<hbm>> -> memref<1x1x2x80xi32, #tpu.memory_space<hbm>>
          %dma_start3A_238 = tpu.memref_squeeze %dma_start3A_237 : memref<1x1x2x80xi32, #tpu.memory_space<hbm>> -> memref<2x80xi32, #tpu.memory_space<hbm>>
          tpu.enqueue_dma source(%dma_start3A_238 : memref<2x80xi32, #tpu.memory_space<hbm>>) target(%arg5 : memref<2x80xi32, #tpu.memory_space<vmem>>) target_semaphore(%arg15 : memref<!tpu.dma_semaphore, #tpu.memory_space<semaphore_mem>>)
        } else {
        }
        %add3A_215 = arith.constant 1 : i32
        %add3A_216 = arith.addi %scan3A_74, %add3A_215 : i32
        %lt3A_217 = arith.constant 125 : i32
        %lt3A_218 = arith.cmpi slt, %add3A_216, %lt3A_217 : i32
        %convert_element_type3A_219 = arith.extui %lt3A_218 : i1 to i32
        %cond3A_220 = arith.constant 0 : i32
        %cond3A_221 = arith.cmpi ne, %convert_element_type3A_219, %cond3A_220 : i32
        scf.if %cond3A_221 {
          %dma_wait3A_229 = arith.constant 0 : i32
          %dma_wait3A_230 = arith.constant 0 : i32
          %dma_wait3A_231 = arith.constant 0 : i32
          %dma_wait3A_232 = tpu.memref_slice %arg3[%add3A, %dma_wait3A_229, %dma_wait3A_230, %dma_wait3A_231] : memref<32x125x2x80xi32, #tpu.memory_space<hbm>> -> memref<1x1x2x80xi32, #tpu.memory_space<hbm>>
          %dma_wait3A_233 = tpu.memref_squeeze %dma_wait3A_232 : memref<1x1x2x80xi32, #tpu.memory_space<hbm>> -> memref<2x80xi32, #tpu.memory_space<hbm>>
          %dma_wait3A_234 = arith.constant 0 : i32
          %dma_wait3A_235 = arith.constant 0 : i32
          %dma_wait3A_236 = tpu.memref_slice %arg3[%add3A, %dma_wait3A_229, %dma_wait3A_234, %dma_wait3A_235] : memref<32x125x2x80xi32, #tpu.memory_space<hbm>> -> memref<1x1x2x80xi32, #tpu.memory_space<hbm>>
          %dma_wait3A_237 = tpu.memref_squeeze %dma_wait3A_236 : memref<1x1x2x80xi32, #tpu.memory_space<hbm>> -> memref<2x80xi32, #tpu.memory_space<hbm>>
          tpu.wait_dma2 semaphore(%arg17 : memref<!tpu.dma_semaphore, #tpu.memory_space<semaphore_mem>>) src(%dma_wait3A_237 : memref<2x80xi32, #tpu.memory_space<hbm>>) dst(%arg7 : memref<2x80xi32, #tpu.memory_space<vmem>>)
          %dma_start3A_238 = arith.constant 0 : i32
          %dma_start3A_239 = arith.constant 0 : i32
          %dma_start3A_240 = tpu.memref_slice %arg7[%dma_start3A_238, %dma_start3A_239] : memref<2x80xi32, #tpu.memory_space<vmem>> -> memref<1x80xi32, #tpu.memory_space<vmem>>
          %dma_start3A_241 = tpu.memref_squeeze %dma_start3A_240 : memref<1x80xi32, #tpu.memory_space<vmem>> -> memref<80xi32, #tpu.memory_space<vmem>>
          %dma_start3A_242 = arith.constant 0 : i32
          %dma_start3A_243 = arith.constant 0 : i32
          %dma_start3A_244 = tpu.memref_slice %arg2[%dma_start3A_242, %dma_start3A_243] : memref<10000x128xf32, #tpu.memory_space<hbm>> -> memref<10000x128xf32, #tpu.memory_space<hbm>>
          tpu.enqueue_indirect_dma source(%dma_start3A_244 : memref<10000x128xf32, #tpu.memory_space<hbm>>) target(%arg9 : memref<80x128xf32, #tpu.memory_space<vmem>>) offsets(%dma_start3A_241 : memref<80xi32, #tpu.memory_space<vmem>>) semaphore(%arg12 : memref<!tpu.dma_semaphore, #tpu.memory_space<semaphore_mem>>)
        } else {
        }
        %dma_start3A_222 = arith.constant 1 : i32
        %dma_start3A_223 = arith.constant 0 : i32
        %dma_start3A_224 = tpu.memref_slice %arg6[%dma_start3A_222, %dma_start3A_223] : memref<2x80xi32, #tpu.memory_space<vmem>> -> memref<1x80xi32, #tpu.memory_space<vmem>>
        %dma_start3A_225 = tpu.memref_squeeze %dma_start3A_224 : memref<1x80xi32, #tpu.memory_space<vmem>> -> memref<80xi32, #tpu.memory_space<vmem>>
        %dma_start3A_226 = arith.constant 0 : i32
        %dma_start3A_227 = arith.constant 0 : i32
        %dma_start3A_228 = tpu.memref_slice %arg10[%dma_start3A_226, %dma_start3A_227] : memref<10240x128xf32, #tpu.memory_space<vmem_shared>> -> memref<10240x128xf32, #tpu.memory_space<vmem_shared>>
        tpu.enqueue_indirect_dma source(%arg8 : memref<80x128xf32, #tpu.memory_space<vmem>>) target(%dma_start3A_228 : memref<10240x128xf32, #tpu.memory_space<vmem_shared>>) offsets(%dma_start3A_225 : memref<80xi32, #tpu.memory_space<vmem>>) semaphore(%arg13 : memref<!tpu.dma_semaphore, #tpu.memory_space<semaphore_mem>>) {add = true}
      } else {
      }
      %jit3A_172 = arith.constant 6 : i32
      %eq3A_173 = arith.constant 0 : i32
      %eq3A_174 = arith.cmpi eq, %jit3A_172, %eq3A_173 : i32
      %jit3A_175 = arith.constant 1 : i32
      %select_n3A_176 = arith.select %eq3A_174, %jit3A_175, %jit3A_172 : i32
      %rem3A_177 = arith.remsi %scan3A_74, %select_n3A_176 : i32
      %ne3A_178 = arith.constant 0 : i32
      %ne3A_179 = arith.cmpi ne, %rem3A_177, %ne3A_178 : i32
      %lt3A_180 = arith.constant 0 : i32
      %lt3A_181 = arith.cmpi slt, %rem3A_177, %lt3A_180 : i32
      %lt3A_182 = arith.constant 0 : i32
      %lt3A_183 = arith.cmpi slt, %select_n3A_176, %lt3A_182 : i32
      %ne3A_184 = arith.xori %lt3A_181, %lt3A_183 : i1
      %and3A_185 = arith.andi %ne3A_184, %ne3A_179 : i1
      %add3A_186 = arith.addi %rem3A_177, %select_n3A_176 : i32
      %select_n3A_187 = arith.select %and3A_185, %add3A_186, %rem3A_177 : i32
      %eq3A_188 = arith.constant 5 : i32
      %eq3A_189 = arith.cmpi eq, %select_n3A_187, %eq3A_188 : i32
      %convert_element_type3A_190 = arith.extui %eq3A_189 : i1 to i32
      %cond3A_191 = arith.constant 0 : i32
      %cond3A_192 = arith.cmpi ne, %convert_element_type3A_190, %cond3A_191 : i32
      scf.if %cond3A_192 {
        %dma_wait3A_194 = arith.constant 0 : i32
        %dma_wait3A_195 = arith.constant 0 : i32
        %dma_wait3A_196 = tpu.memref_slice %arg7[%dma_wait3A_194, %dma_wait3A_195] : memref<2x80xi32, #tpu.memory_space<vmem>> -> memref<1x80xi32, #tpu.memory_space<vmem>>
        %dma_wait3A_197 = tpu.memref_squeeze %dma_wait3A_196 : memref<1x80xi32, #tpu.memory_space<vmem>> -> memref<80xi32, #tpu.memory_space<vmem>>
        %dma_wait3A_198 = arith.constant 0 : i32
        %dma_wait3A_199 = arith.constant 0 : i32
        %dma_wait3A_200 = tpu.memref_slice %arg2[%dma_wait3A_198, %dma_wait3A_199] : memref<10000x128xf32, #tpu.memory_space<hbm>> -> memref<10000x128xf32, #tpu.memory_space<hbm>>
        tpu.wait_indirect_dma semaphore(%arg12 : memref<!tpu.dma_semaphore, #tpu.memory_space<semaphore_mem>>) src(%dma_wait3A_200 : memref<10000x128xf32, #tpu.memory_space<hbm>>) dst(%arg9 : memref<80x128xf32, #tpu.memory_space<vmem>>)
        %ge3A = arith.constant 1 : i32
        %ge3A_201 = arith.cmpi sge, %scan3A_74, %ge3A : i32
        %convert_element_type3A_202 = arith.extui %ge3A_201 : i1 to i32
        %cond3A_203 = arith.constant 0 : i32
        %cond3A_204 = arith.cmpi ne, %convert_element_type3A_202, %cond3A_203 : i32
        scf.if %cond3A_204 {
          %dma_wait3A_229 = arith.constant 1 : i32
          %dma_wait3A_230 = arith.constant 0 : i32
          %dma_wait3A_231 = tpu.memref_slice %arg6[%dma_wait3A_229, %dma_wait3A_230] : memref<2x80xi32, #tpu.memory_space<vmem>> -> memref<1x80xi32, #tpu.memory_space<vmem>>
          %dma_wait3A_232 = tpu.memref_squeeze %dma_wait3A_231 : memref<1x80xi32, #tpu.memory_space<vmem>> -> memref<80xi32, #tpu.memory_space<vmem>>
          %dma_wait3A_233 = arith.constant 0 : i32
          %dma_wait3A_234 = arith.constant 0 : i32
          %dma_wait3A_235 = tpu.memref_slice %arg10[%dma_wait3A_233, %dma_wait3A_234] : memref<10240x128xf32, #tpu.memory_space<vmem_shared>> -> memref<10240x128xf32, #tpu.memory_space<vmem_shared>>
          tpu.wait_indirect_dma semaphore(%arg13 : memref<!tpu.dma_semaphore, #tpu.memory_space<semaphore_mem>>) src(%arg8 : memref<80x128xf32, #tpu.memory_space<vmem>>) dst(%dma_wait3A_235 : memref<10240x128xf32, #tpu.memory_space<vmem_shared>>)
        } else {
        }
        %ge3A_205 = arith.constant 1 : i32
        %ge3A_206 = arith.cmpi sge, %scan3A_74, %ge3A_205 : i32
        %add3A_207 = arith.constant 2 : i32
        %add3A_208 = arith.addi %scan3A_74, %add3A_207 : i32
        %lt3A_209 = arith.constant 125 : i32
        %lt3A_210 = arith.cmpi slt, %add3A_208, %lt3A_209 : i32
        %and3A_211 = arith.andi %ge3A_206, %lt3A_210 : i1
        %convert_element_type3A_212 = arith.extui %and3A_211 : i1 to i32
        %cond3A_213 = arith.constant 0 : i32
        %cond3A_214 = arith.cmpi ne, %convert_element_type3A_212, %cond3A_213 : i32
        scf.if %cond3A_214 {
          %add3A_229 = arith.constant 2 : i32
          %add3A_230 = arith.addi %scan3A_74, %add3A_229 : i32
          %dma_start3A_231 = arith.constant 0 : i32
          %dma_start3A_232 = arith.constant 0 : i32
          %dma_start3A_233 = tpu.memref_slice %arg3[%add3A, %add3A_230, %dma_start3A_231, %dma_start3A_232] : memref<32x125x2x80xi32, #tpu.memory_space<hbm>> -> memref<1x1x2x80xi32, #tpu.memory_space<hbm>>
          %dma_start3A_234 = tpu.memref_squeeze %dma_start3A_233 : memref<1x1x2x80xi32, #tpu.memory_space<hbm>> -> memref<2x80xi32, #tpu.memory_space<hbm>>
          %dma_start3A_235 = arith.constant 0 : i32
          %dma_start3A_236 = arith.constant 0 : i32
          %dma_start3A_237 = tpu.memref_slice %arg3[%add3A, %add3A_230, %dma_start3A_235, %dma_start3A_236] : memref<32x125x2x80xi32, #tpu.memory_space<hbm>> -> memref<1x1x2x80xi32, #tpu.memory_space<hbm>>
          %dma_start3A_238 = tpu.memref_squeeze %dma_start3A_237 : memref<1x1x2x80xi32, #tpu.memory_space<hbm>> -> memref<2x80xi32, #tpu.memory_space<hbm>>
          tpu.enqueue_dma source(%dma_start3A_238 : memref<2x80xi32, #tpu.memory_space<hbm>>) target(%arg6 : memref<2x80xi32, #tpu.memory_space<vmem>>) target_semaphore(%arg16 : memref<!tpu.dma_semaphore, #tpu.memory_space<semaphore_mem>>)
        } else {
        }
        %add3A_215 = arith.constant 1 : i32
        %add3A_216 = arith.addi %scan3A_74, %add3A_215 : i32
        %lt3A_217 = arith.constant 125 : i32
        %lt3A_218 = arith.cmpi slt, %add3A_216, %lt3A_217 : i32
        %convert_element_type3A_219 = arith.extui %lt3A_218 : i1 to i32
        %cond3A_220 = arith.constant 0 : i32
        %cond3A_221 = arith.cmpi ne, %convert_element_type3A_219, %cond3A_220 : i32
        scf.if %cond3A_221 {
          %dma_wait3A_229 = arith.constant 0 : i32
          %dma_wait3A_230 = arith.constant 0 : i32
          %dma_wait3A_231 = arith.constant 0 : i32
          %dma_wait3A_232 = tpu.memref_slice %arg3[%add3A, %dma_wait3A_229, %dma_wait3A_230, %dma_wait3A_231] : memref<32x125x2x80xi32, #tpu.memory_space<hbm>> -> memref<1x1x2x80xi32, #tpu.memory_space<hbm>>
          %dma_wait3A_233 = tpu.memref_squeeze %dma_wait3A_232 : memref<1x1x2x80xi32, #tpu.memory_space<hbm>> -> memref<2x80xi32, #tpu.memory_space<hbm>>
          %dma_wait3A_234 = arith.constant 0 : i32
          %dma_wait3A_235 = arith.constant 0 : i32
          %dma_wait3A_236 = tpu.memref_slice %arg3[%add3A, %dma_wait3A_229, %dma_wait3A_234, %dma_wait3A_235] : memref<32x125x2x80xi32, #tpu.memory_space<hbm>> -> memref<1x1x2x80xi32, #tpu.memory_space<hbm>>
          %dma_wait3A_237 = tpu.memref_squeeze %dma_wait3A_236 : memref<1x1x2x80xi32, #tpu.memory_space<hbm>> -> memref<2x80xi32, #tpu.memory_space<hbm>>
          tpu.wait_dma2 semaphore(%arg15 : memref<!tpu.dma_semaphore, #tpu.memory_space<semaphore_mem>>) src(%dma_wait3A_237 : memref<2x80xi32, #tpu.memory_space<hbm>>) dst(%arg5 : memref<2x80xi32, #tpu.memory_space<vmem>>)
          %dma_start3A_238 = arith.constant 0 : i32
          %dma_start3A_239 = arith.constant 0 : i32
          %dma_start3A_240 = tpu.memref_slice %arg5[%dma_start3A_238, %dma_start3A_239] : memref<2x80xi32, #tpu.memory_space<vmem>> -> memref<1x80xi32, #tpu.memory_space<vmem>>
          %dma_start3A_241 = tpu.memref_squeeze %dma_start3A_240 : memref<1x80xi32, #tpu.memory_space<vmem>> -> memref<80xi32, #tpu.memory_space<vmem>>
          %dma_start3A_242 = arith.constant 0 : i32
          %dma_start3A_243 = arith.constant 0 : i32
          %dma_start3A_244 = tpu.memref_slice %arg2[%dma_start3A_242, %dma_start3A_243] : memref<10000x128xf32, #tpu.memory_space<hbm>> -> memref<10000x128xf32, #tpu.memory_space<hbm>>
          tpu.enqueue_indirect_dma source(%dma_start3A_244 : memref<10000x128xf32, #tpu.memory_space<hbm>>) target(%arg8 : memref<80x128xf32, #tpu.memory_space<vmem>>) offsets(%dma_start3A_241 : memref<80xi32, #tpu.memory_space<vmem>>) semaphore(%arg11 : memref<!tpu.dma_semaphore, #tpu.memory_space<semaphore_mem>>)
        } else {
        }
        %dma_start3A_222 = arith.constant 1 : i32
        %dma_start3A_223 = arith.constant 0 : i32
        %dma_start3A_224 = tpu.memref_slice %arg7[%dma_start3A_222, %dma_start3A_223] : memref<2x80xi32, #tpu.memory_space<vmem>> -> memref<1x80xi32, #tpu.memory_space<vmem>>
        %dma_start3A_225 = tpu.memref_squeeze %dma_start3A_224 : memref<1x80xi32, #tpu.memory_space<vmem>> -> memref<80xi32, #tpu.memory_space<vmem>>
        %dma_start3A_226 = arith.constant 0 : i32
        %dma_start3A_227 = arith.constant 0 : i32
        %dma_start3A_228 = tpu.memref_slice %arg10[%dma_start3A_226, %dma_start3A_227] : memref<10240x128xf32, #tpu.memory_space<vmem_shared>> -> memref<10240x128xf32, #tpu.memory_space<vmem_shared>>
        tpu.enqueue_indirect_dma source(%arg9 : memref<80x128xf32, #tpu.memory_space<vmem>>) target(%dma_start3A_228 : memref<10240x128xf32, #tpu.memory_space<vmem_shared>>) offsets(%dma_start3A_225 : memref<80xi32, #tpu.memory_space<vmem>>) semaphore(%arg14 : memref<!tpu.dma_semaphore, #tpu.memory_space<semaphore_mem>>) {add = true}
      } else {
      }
      %scan3A_193 = arith.constant 0 : i32
      scf.yield %scan3A_193 : i32
    }
    %scan3A_61 = arith.constant 125 : i32
    %dma_wait3A_62 = arith.constant 1 : i32
    %dma_wait3A_63 = arith.constant 0 : i32
    %dma_wait3A_64 = tpu.memref_slice %arg6[%dma_wait3A_62, %dma_wait3A_63] : memref<2x80xi32, #tpu.memory_space<vmem>> -> memref<1x80xi32, #tpu.memory_space<vmem>>
    %dma_wait3A_65 = tpu.memref_squeeze %dma_wait3A_64 : memref<1x80xi32, #tpu.memory_space<vmem>> -> memref<80xi32, #tpu.memory_space<vmem>>
    %dma_wait3A_66 = arith.constant 0 : i32
    %dma_wait3A_67 = arith.constant 0 : i32
    %dma_wait3A_68 = tpu.memref_slice %arg10[%dma_wait3A_66, %dma_wait3A_67] : memref<10240x128xf32, #tpu.memory_space<vmem_shared>> -> memref<10240x128xf32, #tpu.memory_space<vmem_shared>>
    tpu.wait_indirect_dma semaphore(%arg13 : memref<!tpu.dma_semaphore, #tpu.memory_space<semaphore_mem>>) src(%arg8 : memref<80x128xf32, #tpu.memory_space<vmem>>) dst(%dma_wait3A_68 : memref<10240x128xf32, #tpu.memory_space<vmem_shared>>)
    %barrier3A_69 = arith.constant 0 : index
    tpu.barrier barrier_id(%barrier3A_69)
    %mul3A_70 = arith.constant 640 : i32
    %mul3A_71 = arith.muli %arg1, %mul3A_70 : i32
    %mul3A_72 = arith.constant 640 : i32
    %mul3A_73 = arith.muli %arg1, %mul3A_72 : i32
    "tpu.region"() ({
      %run_scoped3A = tpu.sem_alloc : memref<!tpu.dma_semaphore, #tpu.memory_space<semaphore_mem>>
      %dma_start3A_74 = arith.constant 0 : i32
      %dma_start3A_75 = tpu.memref_slice %arg4[%arg0, %mul3A_73, %dma_start3A_74] : memref<2x10240x128xf32, #tpu.memory_space<hbm>> -> memref<1x640x128xf32, #tpu.memory_space<hbm>>
      %dma_start3A_76 = tpu.memref_squeeze %dma_start3A_75 : memref<1x640x128xf32, #tpu.memory_space<hbm>> -> memref<640x128xf32, #tpu.memory_space<hbm>>
      %dma_start3A_77 = arith.constant 0 : i32
      %dma_start3A_78 = tpu.memref_slice %arg10[%mul3A_71, %dma_start3A_77] : memref<10240x128xf32, #tpu.memory_space<vmem_shared>> -> memref<640x128xf32, #tpu.memory_space<vmem_shared>>
      tpu.enqueue_dma source(%dma_start3A_78 : memref<640x128xf32, #tpu.memory_space<vmem_shared>>) target(%dma_start3A_76 : memref<640x128xf32, #tpu.memory_space<hbm>>) target_semaphore(%run_scoped3A : memref<!tpu.dma_semaphore, #tpu.memory_space<semaphore_mem>>)
      %dma_wait3A_79 = arith.constant 0 : i32
      %dma_wait3A_80 = tpu.memref_slice %arg4[%arg0, %mul3A_73, %dma_wait3A_79] : memref<2x10240x128xf32, #tpu.memory_space<hbm>> -> memref<1x640x128xf32, #tpu.memory_space<hbm>>
      %dma_wait3A_81 = tpu.memref_squeeze %dma_wait3A_80 : memref<1x640x128xf32, #tpu.memory_space<hbm>> -> memref<640x128xf32, #tpu.memory_space<hbm>>
      %dma_wait3A_82 = arith.constant 0 : i32
      %dma_wait3A_83 = tpu.memref_slice %arg10[%mul3A_71, %dma_wait3A_82] : memref<10240x128xf32, #tpu.memory_space<vmem_shared>> -> memref<640x128xf32, #tpu.memory_space<vmem_shared>>
      tpu.wait_dma2 semaphore(%run_scoped3A : memref<!tpu.dma_semaphore, #tpu.memory_space<semaphore_mem>>) src(%dma_wait3A_83 : memref<640x128xf32, #tpu.memory_space<vmem_shared>>) dst(%dma_wait3A_81 : memref<640x128xf32, #tpu.memory_space<hbm>>)
      tpu.yield
    }) : () -> ()
    return
  }
}

module attributes {stable_mosaic.version = 14 : i64} {
  func.func @body(%arg0: i32, %arg1: memref<1000x128xf32, #tpu.memory_space<vmem>>, %arg2: memref<1000x16xf32, #tpu.memory_space<vmem>>, %arg3: memref<1000x16xf32, #tpu.memory_space<vmem>>, %arg4: memref<1000x128xf32, #tpu.memory_space<vmem>>) attributes {dimension_semantics = [#tpu.dimension_semantics<arbitrary>], iteration_bounds = array<i64: 10>, scalar_prefetch = 0 : i64, scratch_operands = 0 : i64, tpu.core_type = #tpu.core_type<tc>, window_params = [{transform_indices = @transform_0, window_bounds = array<i64: 1000, 128>}, {transform_indices = @transform_1, window_bounds = array<i64: 1000, 16>}, {transform_indices = @transform_2, window_bounds = array<i64: 1000, 16>}, {transform_indices = @transform_3, window_bounds = array<i64: 1000, 128>}]} {
    %get3A = arith.constant 0 : index
    %get3A_0 = arith.constant 0 : index
    %get3A_1 = vector.load %arg1[%get3A, %get3A_0] : memref<1000x128xf32, #tpu.memory_space<vmem>>, vector<1000x128xf32>
    %get3A_2 = arith.constant 0 : index
    %get3A_3 = arith.constant 0 : index
    %get3A_4 = vector.load %arg2[%get3A_2, %get3A_3] : memref<1000x16xf32, #tpu.memory_space<vmem>>, vector<1000x1xf32>
    %get3A_5 = arith.constant 0 : index
    %get3A_6 = arith.constant 0 : index
    %get3A_7 = vector.load %arg3[%get3A_5, %get3A_6] : memref<1000x16xf32, #tpu.memory_space<vmem>>, vector<1000x1xf32>
    %add3A = arith.addf %get3A_4, %get3A_7 : vector<1000x1xf32>
    %rsqrt3A = math.rsqrt %add3A : vector<1000x1xf32>
    %mul3A = vector.broadcast %rsqrt3A : vector<1000x1xf32> to vector<1000x128xf32>
    %mul3A_8 = arith.mulf %get3A_1, %mul3A : vector<1000x128xf32>
    %swap3A = arith.constant 0 : index
    %swap3A_9 = arith.constant 0 : index
    %swap3A_10 = vector.load %arg4[%swap3A, %swap3A_9] : memref<1000x128xf32, #tpu.memory_space<vmem>>, vector<1000x128xf32>
    tpu.vector_store %arg4[%swap3A, %swap3A_9], %mul3A_8 {strides = array<i32>} : memref<1000x128xf32, #tpu.memory_space<vmem>>, vector<1000x128xf32>,
    return
  }
  func.func @transform_0(%arg0: i32) -> (i32, i32) {
    %c0_i32 = arith.constant 0 : i32
    %c0_i32_0 = arith.constant 0 : i32
    return %arg0, %c0_i32 : i32, i32
  }
  func.func @transform_1(%arg0: i32) -> (i32, i32) {
    %c0_i32 = arith.constant 0 : i32
    %c0_i32_0 = arith.constant 0 : i32
    return %arg0, %c0_i32 : i32, i32
  }
  func.func @transform_2(%arg0: i32) -> (i32, i32) {
    %c0_i32 = arith.constant 0 : i32
    %c0_i32_0 = arith.constant 0 : i32
    return %arg0, %c0_i32 : i32, i32
  }
  func.func @transform_3(%arg0: i32) -> (i32, i32) {
    %c0_i32 = arith.constant 0 : i32
    %c0_i32_0 = arith.constant 0 : i32
    return %arg0, %c0_i32 : i32, i32
  }
}

module attributes {stable_mosaic.version = 14 : i64} {
  func.func @body(%arg0: i32, %arg1: memref<1000x128xf32, #tpu.memory_space<vmem>>, %arg2: memref<1000x128xf32, #tpu.memory_space<vmem>>, %arg3: memref<1000x128xf32, #tpu.memory_space<vmem>>, %arg4: memref<1000x128xf32, #tpu.memory_space<vmem>>, %arg5: memref<1000x16xf32, #tpu.memory_space<vmem>>, %arg6: memref<1000x16xf32, #tpu.memory_space<vmem>>, %arg7: memref<1000x128xf32, #tpu.memory_space<vmem>>, %arg8: memref<1000x128xf32, #tpu.memory_space<vmem>>, %arg9: memref<1000x128xf32, #tpu.memory_space<vmem>>) attributes {dimension_semantics = [#tpu.dimension_semantics<arbitrary>], iteration_bounds = array<i64: 10>, scalar_prefetch = 0 : i64, scratch_operands = 0 : i64, tpu.core_type = #tpu.core_type<tc>, window_params = [{transform_indices = @transform_0, window_bounds = array<i64: 1000, 128>}, {transform_indices = @transform_1, window_bounds = array<i64: 1000, 128>}, {transform_indices = @transform_2, window_bounds = array<i64: 1000, 128>}, {transform_indices = @transform_3, window_bounds = array<i64: 1000, 128>}, {transform_indices = @transform_4, window_bounds = array<i64: 1000, 16>}, {transform_indices = @transform_5, window_bounds = array<i64: 1000, 16>}, {transform_indices = @transform_6, window_bounds = array<i64: 1000, 128>}, {transform_indices = @transform_7, window_bounds = array<i64: 1000, 128>}, {transform_indices = @transform_8, window_bounds = array<i64: 1000, 128>}]} {
    %get3A = arith.constant 0 : index
    %get3A_0 = arith.constant 0 : index
    %get3A_1 = vector.load %arg5[%get3A, %get3A_0] : memref<1000x16xf32, #tpu.memory_space<vmem>>, vector<1000x1xf32>
    %get3A_2 = arith.constant 0 : index
    %get3A_3 = arith.constant 0 : index
    %get3A_4 = vector.load %arg6[%get3A_2, %get3A_3] : memref<1000x16xf32, #tpu.memory_space<vmem>>, vector<1000x1xf32>
    %add3A = arith.addf %get3A_1, %get3A_4 : vector<1000x1xf32>
    %rsqrt3A = math.rsqrt %add3A : vector<1000x1xf32>
    %get3A_5 = arith.constant 0 : index
    %get3A_6 = arith.constant 0 : index
    %get3A_7 = vector.load %arg3[%get3A_5, %get3A_6] : memref<1000x128xf32, #tpu.memory_space<vmem>>, vector<1000x128xf32>
    %get3A_8 = arith.constant 0 : index
    %get3A_9 = arith.constant 0 : index
    %get3A_10 = vector.load %arg4[%get3A_8, %get3A_9] : memref<1000x128xf32, #tpu.memory_space<vmem>>, vector<1000x128xf32>
    %add3A_11 = arith.addf %get3A_7, %get3A_10 : vector<1000x128xf32>
    %mul3A = vector.broadcast %rsqrt3A : vector<1000x1xf32> to vector<1000x128xf32>
    %mul3A_12 = arith.mulf %add3A_11, %mul3A : vector<1000x128xf32>
    %get3A_13 = arith.constant 0 : index
    %get3A_14 = arith.constant 0 : index
    %get3A_15 = vector.load %arg1[%get3A_13, %get3A_14] : memref<1000x128xf32, #tpu.memory_space<vmem>>, vector<1000x128xf32>
    %sub3A = arith.subf %get3A_15, %mul3A_12 : vector<1000x128xf32>
    %mul3A_16 = arith.constant -1.000000e-01 : f32
    %mul3A_17 = vector.broadcast %mul3A_16 : f32 to vector<1000x128xf32>
    %mul3A_18 = arith.mulf %mul3A_17, %sub3A : vector<1000x128xf32>
    %swap3A = arith.constant 0 : index
    %swap3A_19 = arith.constant 0 : index
    %swap3A_20 = vector.load %arg7[%swap3A, %swap3A_19] : memref<1000x128xf32, #tpu.memory_space<vmem>>, vector<1000x128xf32>
    tpu.vector_store %arg7[%swap3A, %swap3A_19], %mul3A_18 {strides = array<i32>} : memref<1000x128xf32, #tpu.memory_space<vmem>>, vector<1000x128xf32>,
    %get3A_21 = arith.constant 0 : index
    %get3A_22 = arith.constant 0 : index
    %get3A_23 = vector.load %arg2[%get3A_21, %get3A_22] : memref<1000x128xf32, #tpu.memory_space<vmem>>, vector<1000x128xf32>
    %add3A_24 = arith.addf %get3A_23, %mul3A_18 : vector<1000x128xf32>
    %swap3A_25 = arith.constant 0 : index
    %swap3A_26 = arith.constant 0 : index
    %swap3A_27 = vector.load %arg8[%swap3A_25, %swap3A_26] : memref<1000x128xf32, #tpu.memory_space<vmem>>, vector<1000x128xf32>
    tpu.vector_store %arg8[%swap3A_25, %swap3A_26], %add3A_24 {strides = array<i32>} : memref<1000x128xf32, #tpu.memory_space<vmem>>, vector<1000x128xf32>,
    %mul3A_28 = vector.broadcast %rsqrt3A : vector<1000x1xf32> to vector<1000x128xf32>
    %mul3A_29 = arith.mulf %mul3A_18, %mul3A_28 : vector<1000x128xf32>
    %swap3A_30 = arith.constant 0 : index
    %swap3A_31 = arith.constant 0 : index
    %swap3A_32 = vector.load %arg9[%swap3A_30, %swap3A_31] : memref<1000x128xf32, #tpu.memory_space<vmem>>, vector<1000x128xf32>
    tpu.vector_store %arg9[%swap3A_30, %swap3A_31], %mul3A_29 {strides = array<i32>} : memref<1000x128xf32, #tpu.memory_space<vmem>>, vector<1000x128xf32>,
    return
  }
  func.func @transform_0(%arg0: i32) -> (i32, i32) {
    %c0_i32 = arith.constant 0 : i32
    %c0_i32_0 = arith.constant 0 : i32
    return %arg0, %c0_i32 : i32, i32
  }
  func.func @transform_1(%arg0: i32) -> (i32, i32) {
    %c0_i32 = arith.constant 0 : i32
    %c0_i32_0 = arith.constant 0 : i32
    return %arg0, %c0_i32 : i32, i32
  }
  func.func @transform_2(%arg0: i32) -> (i32, i32) {
    %c0_i32 = arith.constant 0 : i32
    %c0_i32_0 = arith.constant 0 : i32
    return %arg0, %c0_i32 : i32, i32
  }
  func.func @transform_3(%arg0: i32) -> (i32, i32) {
    %c0_i32 = arith.constant 0 : i32
    %c0_i32_0 = arith.constant 0 : i32
    return %arg0, %c0_i32 : i32, i32
  }
  func.func @transform_4(%arg0: i32) -> (i32, i32) {
    %c0_i32 = arith.constant 0 : i32
    %c0_i32_0 = arith.constant 0 : i32
    return %arg0, %c0_i32 : i32, i32
  }
  func.func @transform_5(%arg0: i32) -> (i32, i32) {
    %c0_i32 = arith.constant 0 : i32
    %c0_i32_0 = arith.constant 0 : i32
    return %arg0, %c0_i32 : i32, i32
  }
  func.func @transform_6(%arg0: i32) -> (i32, i32) {
    %c0_i32 = arith.constant 0 : i32
    %c0_i32_0 = arith.constant 0 : i32
    return %arg0, %c0_i32 : i32, i32
  }
  func.func @transform_7(%arg0: i32) -> (i32, i32) {
    %c0_i32 = arith.constant 0 : i32
    %c0_i32_0 = arith.constant 0 : i32
    return %arg0, %c0_i32 : i32, i32
  }
  func.func @transform_8(%arg0: i32) -> (i32, i32) {
    %c0_i32 = arith.constant 0 : i32
    %c0_i32_0 = arith.constant 0 : i32
    return %arg0, %c0_i32 : i32, i32
  }
}

module attributes {stable_mosaic.version = 14 : i64} {
  func.func @body(%arg0: i32, %arg1: memref<1000x128xf32, #tpu.memory_space<vmem>>, %arg2: memref<1000x128xf32, #tpu.memory_space<vmem>>, %arg3: memref<1000x128xf32, #tpu.memory_space<vmem>>, %arg4: memref<1000x128xf32, #tpu.memory_space<vmem>>, %arg5: memref<1000x16xf32, #tpu.memory_space<vmem>>, %arg6: memref<1000x16xf32, #tpu.memory_space<vmem>>, %arg7: memref<1000x128xf32, #tpu.memory_space<vmem>>, %arg8: memref<1000x128xf32, #tpu.memory_space<vmem>>, %arg9: memref<1000x128xf32, #tpu.memory_space<vmem>>) attributes {dimension_semantics = [#tpu.dimension_semantics<arbitrary>], iteration_bounds = array<i64: 10>, scalar_prefetch = 0 : i64, scratch_operands = 0 : i64, tpu.core_type = #tpu.core_type<tc>, window_params = [{transform_indices = @transform_0, window_bounds = array<i64: 1000, 128>}, {transform_indices = @transform_1, window_bounds = array<i64: 1000, 128>}, {transform_indices = @transform_2, window_bounds = array<i64: 1000, 128>}, {transform_indices = @transform_3, window_bounds = array<i64: 1000, 128>}, {transform_indices = @transform_4, window_bounds = array<i64: 1000, 16>}, {transform_indices = @transform_5, window_bounds = array<i64: 1000, 16>}, {transform_indices = @transform_6, window_bounds = array<i64: 1000, 128>}, {transform_indices = @transform_7, window_bounds = array<i64: 1000, 128>}, {transform_indices = @transform_8, window_bounds = array<i64: 1000, 128>}]} {
    %get3A = arith.constant 0 : index
    %get3A_0 = arith.constant 0 : index
    %get3A_1 = vector.load %arg5[%get3A, %get3A_0] : memref<1000x16xf32, #tpu.memory_space<vmem>>, vector<1000x1xf32>
    %get3A_2 = arith.constant 0 : index
    %get3A_3 = arith.constant 0 : index
    %get3A_4 = vector.load %arg6[%get3A_2, %get3A_3] : memref<1000x16xf32, #tpu.memory_space<vmem>>, vector<1000x1xf32>
    %add3A = arith.addf %get3A_1, %get3A_4 : vector<1000x1xf32>
    %rsqrt3A = math.rsqrt %add3A : vector<1000x1xf32>
    %get3A_5 = arith.constant 0 : index
    %get3A_6 = arith.constant 0 : index
    %get3A_7 = vector.load %arg3[%get3A_5, %get3A_6] : memref<1000x128xf32, #tpu.memory_space<vmem>>, vector<1000x128xf32>
    %get3A_8 = arith.constant 0 : index
    %get3A_9 = arith.constant 0 : index
    %get3A_10 = vector.load %arg4[%get3A_8, %get3A_9] : memref<1000x128xf32, #tpu.memory_space<vmem>>, vector<1000x128xf32>
    %add3A_11 = arith.addf %get3A_7, %get3A_10 : vector<1000x128xf32>
    %mul3A = vector.broadcast %rsqrt3A : vector<1000x1xf32> to vector<1000x128xf32>
    %mul3A_12 = arith.mulf %add3A_11, %mul3A : vector<1000x128xf32>
    %get3A_13 = arith.constant 0 : index
    %get3A_14 = arith.constant 0 : index
    %get3A_15 = vector.load %arg1[%get3A_13, %get3A_14] : memref<1000x128xf32, #tpu.memory_space<vmem>>, vector<1000x128xf32>
    %sub3A = arith.subf %get3A_15, %mul3A_12 : vector<1000x128xf32>
    %mul3A_16 = arith.constant -5.000000e-02 : f32
    %mul3A_17 = vector.broadcast %mul3A_16 : f32 to vector<1000x128xf32>
    %mul3A_18 = arith.mulf %mul3A_17, %sub3A : vector<1000x128xf32>
    %swap3A = arith.constant 0 : index
    %swap3A_19 = arith.constant 0 : index
    %swap3A_20 = vector.load %arg7[%swap3A, %swap3A_19] : memref<1000x128xf32, #tpu.memory_space<vmem>>, vector<1000x128xf32>
    tpu.vector_store %arg7[%swap3A, %swap3A_19], %mul3A_18 {strides = array<i32>} : memref<1000x128xf32, #tpu.memory_space<vmem>>, vector<1000x128xf32>,
    %get3A_21 = arith.constant 0 : index
    %get3A_22 = arith.constant 0 : index
    %get3A_23 = vector.load %arg2[%get3A_21, %get3A_22] : memref<1000x128xf32, #tpu.memory_space<vmem>>, vector<1000x128xf32>
    %add3A_24 = arith.addf %get3A_23, %mul3A_18 : vector<1000x128xf32>
    %swap3A_25 = arith.constant 0 : index
    %swap3A_26 = arith.constant 0 : index
    %swap3A_27 = vector.load %arg8[%swap3A_25, %swap3A_26] : memref<1000x128xf32, #tpu.memory_space<vmem>>, vector<1000x128xf32>
    tpu.vector_store %arg8[%swap3A_25, %swap3A_26], %add3A_24 {strides = array<i32>} : memref<1000x128xf32, #tpu.memory_space<vmem>>, vector<1000x128xf32>,
    %mul3A_28 = vector.broadcast %rsqrt3A : vector<1000x1xf32> to vector<1000x128xf32>
    %mul3A_29 = arith.mulf %mul3A_18, %mul3A_28 : vector<1000x128xf32>
    %swap3A_30 = arith.constant 0 : index
    %swap3A_31 = arith.constant 0 : index
    %swap3A_32 = vector.load %arg9[%swap3A_30, %swap3A_31] : memref<1000x128xf32, #tpu.memory_space<vmem>>, vector<1000x128xf32>
    tpu.vector_store %arg9[%swap3A_30, %swap3A_31], %mul3A_29 {strides = array<i32>} : memref<1000x128xf32, #tpu.memory_space<vmem>>, vector<1000x128xf32>,
    return
  }
  func.func @transform_0(%arg0: i32) -> (i32, i32) {
    %c0_i32 = arith.constant 0 : i32
    %c0_i32_0 = arith.constant 0 : i32
    return %arg0, %c0_i32 : i32, i32
  }
  func.func @transform_1(%arg0: i32) -> (i32, i32) {
    %c0_i32 = arith.constant 0 : i32
    %c0_i32_0 = arith.constant 0 : i32
    return %arg0, %c0_i32 : i32, i32
  }
  func.func @transform_2(%arg0: i32) -> (i32, i32) {
    %c0_i32 = arith.constant 0 : i32
    %c0_i32_0 = arith.constant 0 : i32
    return %arg0, %c0_i32 : i32, i32
  }
  func.func @transform_3(%arg0: i32) -> (i32, i32) {
    %c0_i32 = arith.constant 0 : i32
    %c0_i32_0 = arith.constant 0 : i32
    return %arg0, %c0_i32 : i32, i32
  }
  func.func @transform_4(%arg0: i32) -> (i32, i32) {
    %c0_i32 = arith.constant 0 : i32
    %c0_i32_0 = arith.constant 0 : i32
    return %arg0, %c0_i32 : i32, i32
  }
  func.func @transform_5(%arg0: i32) -> (i32, i32) {
    %c0_i32 = arith.constant 0 : i32
    %c0_i32_0 = arith.constant 0 : i32
    return %arg0, %c0_i32 : i32, i32
  }
  func.func @transform_6(%arg0: i32) -> (i32, i32) {
    %c0_i32 = arith.constant 0 : i32
    %c0_i32_0 = arith.constant 0 : i32
    return %arg0, %c0_i32 : i32, i32
  }
  func.func @transform_7(%arg0: i32) -> (i32, i32) {
    %c0_i32 = arith.constant 0 : i32
    %c0_i32_0 = arith.constant 0 : i32
    return %arg0, %c0_i32 : i32, i32
  }
  func.func @transform_8(%arg0: i32) -> (i32, i32) {
    %c0_i32 = arith.constant 0 : i32
    %c0_i32_0 = arith.constant 0 : i32
    return %arg0, %c0_i32 : i32, i32
  }
}

module attributes {stable_mosaic.version = 14 : i64} {
  func.func @body(%arg0: i32, %arg1: memref<1000x128xf32, #tpu.memory_space<vmem>>, %arg2: memref<1000x128xf32, #tpu.memory_space<vmem>>, %arg3: memref<1000x128xf32, #tpu.memory_space<vmem>>, %arg4: memref<1000x128xf32, #tpu.memory_space<vmem>>, %arg5: memref<1000x16xf32, #tpu.memory_space<vmem>>, %arg6: memref<1000x16xf32, #tpu.memory_space<vmem>>, %arg7: memref<1000x128xf32, #tpu.memory_space<vmem>>, %arg8: memref<1000x128xf32, #tpu.memory_space<vmem>>, %arg9: memref<1000x128xf32, #tpu.memory_space<vmem>>) attributes {dimension_semantics = [#tpu.dimension_semantics<arbitrary>], iteration_bounds = array<i64: 10>, scalar_prefetch = 0 : i64, scratch_operands = 0 : i64, tpu.core_type = #tpu.core_type<tc>, window_params = [{transform_indices = @transform_0, window_bounds = array<i64: 1000, 128>}, {transform_indices = @transform_1, window_bounds = array<i64: 1000, 128>}, {transform_indices = @transform_2, window_bounds = array<i64: 1000, 128>}, {transform_indices = @transform_3, window_bounds = array<i64: 1000, 128>}, {transform_indices = @transform_4, window_bounds = array<i64: 1000, 16>}, {transform_indices = @transform_5, window_bounds = array<i64: 1000, 16>}, {transform_indices = @transform_6, window_bounds = array<i64: 1000, 128>}, {transform_indices = @transform_7, window_bounds = array<i64: 1000, 128>}, {transform_indices = @transform_8, window_bounds = array<i64: 1000, 128>}]} {
    %get3A = arith.constant 0 : index
    %get3A_0 = arith.constant 0 : index
    %get3A_1 = vector.load %arg5[%get3A, %get3A_0] : memref<1000x16xf32, #tpu.memory_space<vmem>>, vector<1000x1xf32>
    %get3A_2 = arith.constant 0 : index
    %get3A_3 = arith.constant 0 : index
    %get3A_4 = vector.load %arg6[%get3A_2, %get3A_3] : memref<1000x16xf32, #tpu.memory_space<vmem>>, vector<1000x1xf32>
    %add3A = arith.addf %get3A_1, %get3A_4 : vector<1000x1xf32>
    %rsqrt3A = math.rsqrt %add3A : vector<1000x1xf32>
    %get3A_5 = arith.constant 0 : index
    %get3A_6 = arith.constant 0 : index
    %get3A_7 = vector.load %arg3[%get3A_5, %get3A_6] : memref<1000x128xf32, #tpu.memory_space<vmem>>, vector<1000x128xf32>
    %get3A_8 = arith.constant 0 : index
    %get3A_9 = arith.constant 0 : index
    %get3A_10 = vector.load %arg4[%get3A_8, %get3A_9] : memref<1000x128xf32, #tpu.memory_space<vmem>>, vector<1000x128xf32>
    %add3A_11 = arith.addf %get3A_7, %get3A_10 : vector<1000x128xf32>
    %mul3A = vector.broadcast %rsqrt3A : vector<1000x1xf32> to vector<1000x128xf32>
    %mul3A_12 = arith.mulf %add3A_11, %mul3A : vector<1000x128xf32>
    %get3A_13 = arith.constant 0 : index
    %get3A_14 = arith.constant 0 : index
    %get3A_15 = vector.load %arg1[%get3A_13, %get3A_14] : memref<1000x128xf32, #tpu.memory_space<vmem>>, vector<1000x128xf32>
    %sub3A = arith.subf %get3A_15, %mul3A_12 : vector<1000x128xf32>
    %mul3A_16 = arith.constant -0.0333333351 : f32
    %mul3A_17 = vector.broadcast %mul3A_16 : f32 to vector<1000x128xf32>
    %mul3A_18 = arith.mulf %mul3A_17, %sub3A : vector<1000x128xf32>
    %swap3A = arith.constant 0 : index
    %swap3A_19 = arith.constant 0 : index
    %swap3A_20 = vector.load %arg7[%swap3A, %swap3A_19] : memref<1000x128xf32, #tpu.memory_space<vmem>>, vector<1000x128xf32>
    tpu.vector_store %arg7[%swap3A, %swap3A_19], %mul3A_18 {strides = array<i32>} : memref<1000x128xf32, #tpu.memory_space<vmem>>, vector<1000x128xf32>,
    %get3A_21 = arith.constant 0 : index
    %get3A_22 = arith.constant 0 : index
    %get3A_23 = vector.load %arg2[%get3A_21, %get3A_22] : memref<1000x128xf32, #tpu.memory_space<vmem>>, vector<1000x128xf32>
    %add3A_24 = arith.addf %get3A_23, %mul3A_18 : vector<1000x128xf32>
    %swap3A_25 = arith.constant 0 : index
    %swap3A_26 = arith.constant 0 : index
    %swap3A_27 = vector.load %arg8[%swap3A_25, %swap3A_26] : memref<1000x128xf32, #tpu.memory_space<vmem>>, vector<1000x128xf32>
    tpu.vector_store %arg8[%swap3A_25, %swap3A_26], %add3A_24 {strides = array<i32>} : memref<1000x128xf32, #tpu.memory_space<vmem>>, vector<1000x128xf32>,
    %mul3A_28 = vector.broadcast %rsqrt3A : vector<1000x1xf32> to vector<1000x128xf32>
    %mul3A_29 = arith.mulf %mul3A_18, %mul3A_28 : vector<1000x128xf32>
    %swap3A_30 = arith.constant 0 : index
    %swap3A_31 = arith.constant 0 : index
    %swap3A_32 = vector.load %arg9[%swap3A_30, %swap3A_31] : memref<1000x128xf32, #tpu.memory_space<vmem>>, vector<1000x128xf32>
    tpu.vector_store %arg9[%swap3A_30, %swap3A_31], %mul3A_29 {strides = array<i32>} : memref<1000x128xf32, #tpu.memory_space<vmem>>, vector<1000x128xf32>,
    return
  }
  func.func @transform_0(%arg0: i32) -> (i32, i32) {
    %c0_i32 = arith.constant 0 : i32
    %c0_i32_0 = arith.constant 0 : i32
    return %arg0, %c0_i32 : i32, i32
  }
  func.func @transform_1(%arg0: i32) -> (i32, i32) {
    %c0_i32 = arith.constant 0 : i32
    %c0_i32_0 = arith.constant 0 : i32
    return %arg0, %c0_i32 : i32, i32
  }
  func.func @transform_2(%arg0: i32) -> (i32, i32) {
    %c0_i32 = arith.constant 0 : i32
    %c0_i32_0 = arith.constant 0 : i32
    return %arg0, %c0_i32 : i32, i32
  }
  func.func @transform_3(%arg0: i32) -> (i32, i32) {
    %c0_i32 = arith.constant 0 : i32
    %c0_i32_0 = arith.constant 0 : i32
    return %arg0, %c0_i32 : i32, i32
  }
  func.func @transform_4(%arg0: i32) -> (i32, i32) {
    %c0_i32 = arith.constant 0 : i32
    %c0_i32_0 = arith.constant 0 : i32
    return %arg0, %c0_i32 : i32, i32
  }
  func.func @transform_5(%arg0: i32) -> (i32, i32) {
    %c0_i32 = arith.constant 0 : i32
    %c0_i32_0 = arith.constant 0 : i32
    return %arg0, %c0_i32 : i32, i32
  }
  func.func @transform_6(%arg0: i32) -> (i32, i32) {
    %c0_i32 = arith.constant 0 : i32
    %c0_i32_0 = arith.constant 0 : i32
    return %arg0, %c0_i32 : i32, i32
  }
  func.func @transform_7(%arg0: i32) -> (i32, i32) {
    %c0_i32 = arith.constant 0 : i32
    %c0_i32_0 = arith.constant 0 : i32
    return %arg0, %c0_i32 : i32, i32
  }
  func.func @transform_8(%arg0: i32) -> (i32, i32) {
    %c0_i32 = arith.constant 0 : i32
    %c0_i32_0 = arith.constant 0 : i32
    return %arg0, %c0_i32 : i32, i32
  }
}

module attributes {stable_mosaic.version = 14 : i64} {
  func.func @body(%arg0: i32, %arg1: memref<1000x128xf32, #tpu.memory_space<vmem>>, %arg2: memref<1000x128xf32, #tpu.memory_space<vmem>>, %arg3: memref<1000x128xf32, #tpu.memory_space<vmem>>, %arg4: memref<1000x128xf32, #tpu.memory_space<vmem>>, %arg5: memref<1000x128xf32, #tpu.memory_space<vmem>>, %arg6: memref<1000x16xf32, #tpu.memory_space<vmem>>, %arg7: memref<1000x16xf32, #tpu.memory_space<vmem>>, %arg8: memref<256x256xf32, #tpu.memory_space<vmem>>, %arg9: memref<1x256xf32, #tpu.memory_space<vmem>>, %arg10: memref<256x128xf32, #tpu.memory_space<vmem>>, %arg11: memref<1x128xf32, #tpu.memory_space<vmem>>, %arg12: memref<1000x128xf32, #tpu.memory_space<vmem>>) attributes {dimension_semantics = [#tpu.dimension_semantics<arbitrary>], iteration_bounds = array<i64: 10>, scalar_prefetch = 0 : i64, scratch_operands = 0 : i64, tpu.core_type = #tpu.core_type<tc>, window_params = [{transform_indices = @transform_0, window_bounds = array<i64: 1000, 128>}, {transform_indices = @transform_1, window_bounds = array<i64: 1000, 128>}, {transform_indices = @transform_2, window_bounds = array<i64: 1000, 128>}, {transform_indices = @transform_3, window_bounds = array<i64: 1000, 128>}, {transform_indices = @transform_4, window_bounds = array<i64: 1000, 128>}, {transform_indices = @transform_5, window_bounds = array<i64: 1000, 16>}, {transform_indices = @transform_6, window_bounds = array<i64: 1000, 16>}, {pipeline_mode = #tpu.pipeline_mode<synchronous>, transform_indices = @transform_7, window_bounds = array<i64: 256, 256>}, {pipeline_mode = #tpu.pipeline_mode<synchronous>, transform_indices = @transform_8, window_bounds = array<i64: 1, 256>}, {pipeline_mode = #tpu.pipeline_mode<synchronous>, transform_indices = @transform_9, window_bounds = array<i64: 256, 128>}, {pipeline_mode = #tpu.pipeline_mode<synchronous>, transform_indices = @transform_10, window_bounds = array<i64: 1, 128>}, {transform_indices = @transform_11, window_bounds = array<i64: 1000, 128>}]} {
    %get3A = arith.constant 0 : index
    %get3A_0 = arith.constant 0 : index
    %get3A_1 = vector.load %arg6[%get3A, %get3A_0] : memref<1000x16xf32, #tpu.memory_space<vmem>>, vector<1000x1xf32>
    %get3A_2 = arith.constant 0 : index
    %get3A_3 = arith.constant 0 : index
    %get3A_4 = vector.load %arg7[%get3A_2, %get3A_3] : memref<1000x16xf32, #tpu.memory_space<vmem>>, vector<1000x1xf32>
    %add3A = arith.addf %get3A_1, %get3A_4 : vector<1000x1xf32>
    %rsqrt3A = math.rsqrt %add3A : vector<1000x1xf32>
    %get3A_5 = arith.constant 0 : index
    %get3A_6 = arith.constant 0 : index
    %get3A_7 = vector.load %arg4[%get3A_5, %get3A_6] : memref<1000x128xf32, #tpu.memory_space<vmem>>, vector<1000x128xf32>
    %get3A_8 = arith.constant 0 : index
    %get3A_9 = arith.constant 0 : index
    %get3A_10 = vector.load %arg5[%get3A_8, %get3A_9] : memref<1000x128xf32, #tpu.memory_space<vmem>>, vector<1000x128xf32>
    %add3A_11 = arith.addf %get3A_7, %get3A_10 : vector<1000x128xf32>
    %mul3A = vector.broadcast %rsqrt3A : vector<1000x1xf32> to vector<1000x128xf32>
    %mul3A_12 = arith.mulf %add3A_11, %mul3A : vector<1000x128xf32>
    %get3A_13 = arith.constant 0 : index
    %get3A_14 = arith.constant 0 : index
    %get3A_15 = vector.load %arg2[%get3A_13, %get3A_14] : memref<1000x128xf32, #tpu.memory_space<vmem>>, vector<1000x128xf32>
    %sub3A = arith.subf %get3A_15, %mul3A_12 : vector<1000x128xf32>
    %mul3A_16 = arith.constant -2.500000e-02 : f32
    %mul3A_17 = vector.broadcast %mul3A_16 : f32 to vector<1000x128xf32>
    %mul3A_18 = arith.mulf %mul3A_17, %sub3A : vector<1000x128xf32>
    %get3A_19 = arith.constant 0 : index
    %get3A_20 = arith.constant 0 : index
    %get3A_21 = vector.load %arg3[%get3A_19, %get3A_20] : memref<1000x128xf32, #tpu.memory_space<vmem>>, vector<1000x128xf32>
    %add3A_22 = arith.addf %get3A_21, %mul3A_18 : vector<1000x128xf32>
    %get3A_23 = arith.constant 0 : index
    %get3A_24 = arith.constant 0 : index
    %get3A_25 = vector.load %arg1[%get3A_23, %get3A_24] : memref<1000x128xf32, #tpu.memory_space<vmem>>, vector<1000x128xf32>
    %get3A_26 = arith.constant 0 : index
    %get3A_27 = arith.constant 0 : index
    %get3A_28 = vector.load %arg8[%get3A_26, %get3A_27] : memref<256x256xf32, #tpu.memory_space<vmem>>, vector<128x256xf32>
    %dot_general3A = arith.constant dense<0.000000e+00> : vector<1000x256xf32>
    %dot_general3A_29 = tpu.matmul %get3A_25, %get3A_28, %dot_general3A {dimension_numbers = #tpu.dot_dimension_numbers<[1], [0], [0], [1], [0, 0, 1, 1], [], []>, precision = #tpu.contract_precision<fp32>, transpose_lhs_hint = false} : vector<1000x128xf32>, vector<128x256xf32>, vector<1000x256xf32> -> vector<1000x256xf32>
    %get3A_30 = arith.constant 128 : index
    %get3A_31 = arith.constant 0 : index
    %get3A_32 = vector.load %arg8[%get3A_30, %get3A_31] : memref<256x256xf32, #tpu.memory_space<vmem>>, vector<128x256xf32>
    %dot_general3A_33 = arith.constant dense<0.000000e+00> : vector<1000x256xf32>
    %dot_general3A_34 = tpu.matmul %add3A_22, %get3A_32, %dot_general3A_33 {dimension_numbers = #tpu.dot_dimension_numbers<[1], [0], [0], [1], [0, 0, 1, 1], [], []>, precision = #tpu.contract_precision<fp32>, transpose_lhs_hint = false} : vector<1000x128xf32>, vector<128x256xf32>, vector<1000x256xf32> -> vector<1000x256xf32>
    %add3A_35 = arith.addf %dot_general3A_29, %dot_general3A_34 : vector<1000x256xf32>
    %get3A_36 = arith.constant 0 : index
    %get3A_37 = arith.constant 0 : index
    %get3A_38 = vector.load %arg9[%get3A_36, %get3A_37] : memref<1x256xf32, #tpu.memory_space<vmem>>, vector<1x256xf32>
    %add3A_39 = vector.broadcast %get3A_38 : vector<1x256xf32> to vector<1000x256xf32>
    %add3A_40 = arith.addf %add3A_35, %add3A_39 : vector<1000x256xf32>
    %integer_pow3A = arith.mulf %add3A_40, %add3A_40 : vector<1000x256xf32>
    %integer_pow3A_41 = arith.mulf %add3A_40, %integer_pow3A : vector<1000x256xf32>
    %mul3A_42 = arith.constant 4.471500e-02 : f32
    %mul3A_43 = vector.broadcast %mul3A_42 : f32 to vector<1000x256xf32>
    %mul3A_44 = arith.mulf %mul3A_43, %integer_pow3A_41 : vector<1000x256xf32>
    %add3A_45 = arith.addf %add3A_40, %mul3A_44 : vector<1000x256xf32>
    %mul3A_46 = arith.constant 0.797884583 : f32
    %mul3A_47 = vector.broadcast %mul3A_46 : f32 to vector<1000x256xf32>
    %mul3A_48 = arith.mulf %mul3A_47, %add3A_45 : vector<1000x256xf32>
    %tanh3A = math.tanh %mul3A_48 : vector<1000x256xf32>
    %add3A_49 = arith.constant 1.000000e+00 : f32
    %add3A_50 = vector.broadcast %add3A_49 : f32 to vector<1000x256xf32>
    %add3A_51 = arith.addf %add3A_50, %tanh3A : vector<1000x256xf32>
    %mul3A_52 = arith.constant 5.000000e-01 : f32
    %mul3A_53 = vector.broadcast %mul3A_52 : f32 to vector<1000x256xf32>
    %mul3A_54 = arith.mulf %mul3A_53, %add3A_51 : vector<1000x256xf32>
    %mul3A_55 = arith.mulf %add3A_40, %mul3A_54 : vector<1000x256xf32>
    %get3A_56 = arith.constant 0 : index
    %get3A_57 = arith.constant 0 : index
    %get3A_58 = vector.load %arg10[%get3A_56, %get3A_57] : memref<256x128xf32, #tpu.memory_space<vmem>>, vector<256x128xf32>
    %dot_general3A_59 = arith.constant dense<0.000000e+00> : vector<1000x128xf32>
    %dot_general3A_60 = tpu.matmul %mul3A_55, %get3A_58, %dot_general3A_59 {dimension_numbers = #tpu.dot_dimension_numbers<[1], [0], [0], [1], [0, 0, 1, 1], [], []>, precision = #tpu.contract_precision<fp32>, transpose_lhs_hint = false} : vector<1000x256xf32>, vector<256x128xf32>, vector<1000x128xf32> -> vector<1000x128xf32>
    %get3A_61 = arith.constant 0 : index
    %get3A_62 = arith.constant 0 : index
    %get3A_63 = vector.load %arg11[%get3A_61, %get3A_62] : memref<1x128xf32, #tpu.memory_space<vmem>>, vector<1x128xf32>
    %add3A_64 = vector.broadcast %get3A_63 : vector<1x128xf32> to vector<1000x128xf32>
    %add3A_65 = arith.addf %dot_general3A_60, %add3A_64 : vector<1000x128xf32>
    %swap3A = arith.constant 0 : index
    %swap3A_66 = arith.constant 0 : index
    %swap3A_67 = vector.load %arg12[%swap3A, %swap3A_66] : memref<1000x128xf32, #tpu.memory_space<vmem>>, vector<1000x128xf32>
    tpu.vector_store %arg12[%swap3A, %swap3A_66], %add3A_65 {strides = array<i32>} : memref<1000x128xf32, #tpu.memory_space<vmem>>, vector<1000x128xf32>,
    return
  }
  func.func @transform_0(%arg0: i32) -> (i32, i32) {
    %c0_i32 = arith.constant 0 : i32
    %c0_i32_0 = arith.constant 0 : i32
    return %arg0, %c0_i32 : i32, i32
  }
  func.func @transform_1(%arg0: i32) -> (i32, i32) {
    %c0_i32 = arith.constant 0 : i32
    %c0_i32_0 = arith.constant 0 : i32
    return %arg0, %c0_i32 : i32, i32
  }
  func.func @transform_2(%arg0: i32) -> (i32, i32) {
    %c0_i32 = arith.constant 0 : i32
    %c0_i32_0 = arith.constant 0 : i32
    return %arg0, %c0_i32 : i32, i32
  }
  func.func @transform_3(%arg0: i32) -> (i32, i32) {
    %c0_i32 = arith.constant 0 : i32
    %c0_i32_0 = arith.constant 0 : i32
    return %arg0, %c0_i32 : i32, i32
  }
  func.func @transform_4(%arg0: i32) -> (i32, i32) {
    %c0_i32 = arith.constant 0 : i32
    %c0_i32_0 = arith.constant 0 : i32
    return %arg0, %c0_i32 : i32, i32
  }
  func.func @transform_5(%arg0: i32) -> (i32, i32) {
    %c0_i32 = arith.constant 0 : i32
    %c0_i32_0 = arith.constant 0 : i32
    return %arg0, %c0_i32 : i32, i32
  }
  func.func @transform_6(%arg0: i32) -> (i32, i32) {
    %c0_i32 = arith.constant 0 : i32
    %c0_i32_0 = arith.constant 0 : i32
    return %arg0, %c0_i32 : i32, i32
  }
  func.func @transform_7(%arg0: i32) -> (i32, i32) {
    %c0_i32 = arith.constant 0 : i32
    %c0_i32_0 = arith.constant 0 : i32
    %c0_i32_1 = arith.constant 0 : i32
    return %c0_i32, %c0_i32_0 : i32, i32
  }
  func.func @transform_8(%arg0: i32) -> (i32, i32) {
    %c0_i32 = arith.constant 0 : i32
    %c0_i32_0 = arith.constant 0 : i32
    %c0_i32_1 = arith.constant 0 : i32
    return %c0_i32, %c0_i32_0 : i32, i32
  }
  func.func @transform_9(%arg0: i32) -> (i32, i32) {
    %c0_i32 = arith.constant 0 : i32
    %c0_i32_0 = arith.constant 0 : i32
    %c0_i32_1 = arith.constant 0 : i32
    return %c0_i32, %c0_i32_0 : i32, i32
  }
  func.func @transform_10(%arg0: i32) -> (i32, i32) {
    %c0_i32 = arith.constant 0 : i32
    %c0_i32_0 = arith.constant 0 : i32
    %c0_i32_1 = arith.constant 0 : i32
    return %c0_i32, %c0_i32_0 : i32, i32
  }
  func.func @transform_11(%arg0: i32) -> (i32, i32) {
    %c0_i32 = arith.constant 0 : i32
    %c0_i32_0 = arith.constant 0 : i32
    return %arg0, %c0_i32 : i32, i32
  }
}

</mosaic_0001>

<sc_bundles>
// kernel: kernel.12.cloned.1.call-start
scs
__scs_entry_jumppad:
0x0: {  	(pc) =	sbr.rel $0x88, $3  }
0x1: {  	(tag) =	ssettag $0x0;
	lr =	simm.s32 $0x1  }
0x2: {  	[smem:$0x3F9B] =	sst lr;
	_ =	strace $0xD0000000  }
0x3: {  	_ = 	snop  }
0x4: {  	_ = 	snop  }
0x5: {  	_ = 	snop  }
0x6: {  	_ = 	snop  }
0x7: {  	_ = 	snop  }
__scs_overlays_trampoline_lowered:
0x8: {  	[smem:$0x3FAA] =	sst s0  }
0x9: {  	[smem:$0x3FAB] =	sst s1  }
0xa: {  	[smem:$0x3FAC] =	sst s2  }
0xb: {  	[smem:$0x3FAD] =	sst s3  }
0xc: {  	[smem:$0x3FAE] =	sst s4  }
0xd: {  	[smem:$0x3FAF] =	sst s5  }
0xe: {  	[smem:$0x3FB0] =	sst s6  }
0xf: {  	[smem:$0x3FB1] =	sst s7  }
0x10: {  	[smem:$0x3FB2] =	sst s8  }
0x11: {  	[smem:$0x3FB3] =	sst s9;
	s0 =	simm.s32 @!p0 $0x0  }
0x12: {  	s1 =	sld [smem:$0x3F99];
	s0 =	simm.s32 @p0 $0x1  }
0x13: {  	[smem:$0x3FB4] =	sst s0;
	s0 =	simm.s32 @!p1 $0x0  }
0x14: {  	s2 =	sld [smem:$0x3F98];
	s0 =	simm.s32 @p1 $0x1  }
0x15: {  	[smem:$0x3FB5] =	sst s0;
	s0 =	simm.s32 @!p2 $0x0  }
0x16: {  	s3 =	sld [smem:$0x3FDB];
	s0 =	simm.s32 @p2 $0x1  }
0x17: {  	s4 =	simm.s32 $0x1BF5;
	[smem:$0x3FB7] =	sst s0  }
0x18: {  	s0 =	sld [smem:$0x3F9A];
	_ =	swait.ge [sflag:s4], $0x0  }
0x19: {  	s7 =	sld [smem:$0x3F9B]  }
0x1a: {  	s8 =	sadd.s32 $0xFFFFE003, lr  }
0x1b: {  	s9 =	sadd.s32 $0xFFFFFEF7, lr;
	s5 =	simm.s32 $0xFFFFFFFF;
	p2 =	slt.u32 s8, $0xFFFFF086  }
0x1c: {  	p1 =	slt.u32 s9, $0xF7A;
	s5 =	simm.s32 @!p2 $0x0  }
0x1d: {  	s5 =	simm.s32 @p1 $0x1;
	p0 =	seq.s32 s7, s2  }
0x1e: {  	s7 =	smul.u32 @!p0 $0xF7A, s2;
	p2 =	seq.s32 @!p0 s5, $0x0  }
0x1f: {  	s9 =	smul.u32 $0xF7A, s1;
	s8 =	simm.s32 @!p0 $0x1BF5;
	p2 =	por !p2, p0  }
0x20: {  	[sflag:s8] =	ssyncset.s32 @!p0 $0xFFFFF086;
	s6 =	sadd.s32 @!p0 s3, s7;
	s7 =	simm.s32 @!p0 $0x108  }
0x21: {  	s3 =	sadd.s32 s3, s9;
	s6 =	sadd.s32 @!p0 $0x88, s6;
	s7 =	simm.s32 @p2 $0x1082  }
0x22: {  	[simem:s7], [sflag:s8] =	dma.local @!p0 [hbm:s6], $0xF7A  }
0x23: {  	s9 =	sor.u32 $0xD0000000, s2;
	s6 =	simm.s32 $0x108;
	_ =	swait.ge @!p0 [sflag:s8], $0x0  }
0x24: {  	s3 =	sadd.s32 $0x88, s3;
	s6 =	simm.s32 @!p1 $0x1082;
	[sflag:s4] =	ssyncset.s32 $0xFFFFF086  }
0x25: {  	[simem:s6], [sflag:s4] =	dma.local [hbm:s3], $0xF7A  }
0x26: {  	[smem:$0x3F9B] =	sst s1;
	(tag) =	ssettag s2;
	_ =	strace s9  }
0x27: {  	s1 =	sld [smem:$0x3FAB]  }
0x28: {  	s2 =	sld [smem:$0x3FAC]  }
0x29: {  	s4 =	sld [smem:$0x3FAE]  }
0x2a: {  	p0 =	seq.s32 s5, $0x0;
	s5 =	sld [smem:$0x3FAF]  }
0x2b: {  	s6 =	sld [smem:$0x3FB0]  }
0x2c: {  	s7 =	sld [smem:$0x3FB1]  }
0x2d: {  	s3 =	simm.s32 $0x108;
	s8 =	sld [smem:$0x3FB2]  }
0x2e: {  	s3 =	simm.s32 @!p0 $0x1082;
	s9 =	sld [smem:$0x3FB3]  }
0x2f: {  	lr =	sadd.s32 s0, s3;
	s0 =	sld [smem:$0x3FAA]  }
0x30: {  	s3 =	sld [smem:$0x3FAD]  }
0x31: {  	[smem:$0x3FB6] =	sst s10  }
0x32: {  	s10 =	sld [smem:$0x3FB4];
	_ =	sdelay $0x3  }
0x33: {  	p0 =	seq.s32 s10, $0x1;
	s10 =	sld [smem:$0x3FB6];
	_ =	sdelay $0x3  }
0x34: {  	[smem:$0x3FB6] =	sst s10  }
0x35: {  	s10 =	sld [smem:$0x3FB5];
	_ =	sdelay $0x3  }
0x36: {  	p1 =	seq.s32 s10, $0x1;
	s10 =	sld [smem:$0x3FB6];
	_ =	sdelay $0x3  }
0x37: {  	[smem:$0x3FB6] =	sst s10  }
0x38: {  	s10 =	sld [smem:$0x3FB7]  }
0x39: {  	_ = 	snop;
	(pc) =	sbr.ind lr, $3  }
0x3a: {  	_ = 	snop  }
0x3b: {  	_ = 	snop  }
0x3c: {  	p2 =	seq.s32 s10, $0x1;
	s10 =	sld [smem:$0x3FB6]  }
0x3d: {  	_ =	shalt  }
0x3e: {  	_ =	shalt  }
0x3f: {  	_ =	shalt  }
0x40: {  	_ =	shalt  }
0x41: {  	_ =	shalt  }
0x42: {  	_ =	shalt  }
0x43: {  	_ =	shalt  }
0x44: {  	_ =	shalt  }
0x45: {  	_ =	shalt  }
0x46: {  	_ =	shalt  }
0x47: {  	_ =	shalt  }
0x48: {  	_ =	shalt  }
0x49: {  	_ =	shalt  }
0x4a: {  	_ =	shalt  }
0x4b: {  	_ =	shalt  }
0x4c: {  	_ =	shalt  }
0x4d: {  	_ =	shalt  }
0x4e: {  	_ =	shalt  }
0x4f: {  	_ =	shalt  }
0x50: {  	_ =	shalt  }
0x51: {  	_ =	shalt  }
0x52: {  	_ =	shalt  }
0x53: {  	_ =	shalt  }
0x54: {  	_ =	shalt  }
0x55: {  	_ =	shalt  }
0x56: {  	_ =	shalt  }
0x57: {  	_ =	shalt  }
0x58: {  	_ =	shalt  }
0x59: {  	_ =	shalt  }
0x5a: {  	_ =	shalt  }
0x5b: {  	_ =	shalt  }
0x5c: {  	_ =	shalt  }
0x5d: {  	_ =	shalt  }
0x5e: {  	_ =	shalt  }
0x5f: {  	_ =	shalt  }
0x60: {  	_ =	shalt  }
0x61: {  	_ =	shalt  }
0x62: {  	_ =	shalt  }
0x63: {  	_ =	shalt  }
0x64: {  	_ =	shalt  }
0x65: {  	_ =	shalt  }
0x66: {  	_ =	shalt  }
0x67: {  	_ =	shalt  }
0x68: {  	_ =	shalt  }
0x69: {  	_ =	shalt  }
0x6a: {  	_ =	shalt  }
0x6b: {  	_ =	shalt  }
0x6c: {  	_ =	shalt  }
0x6d: {  	_ =	shalt  }
0x6e: {  	_ =	shalt  }
0x6f: {  	_ =	shalt  }
0x70: {  	_ =	shalt  }
0x71: {  	_ =	shalt  }
0x72: {  	_ =	shalt  }
0x73: {  	_ =	shalt  }
0x74: {  	_ =	shalt  }
0x75: {  	_ =	shalt  }
0x76: {  	_ =	shalt  }
0x77: {  	_ =	shalt  }
0x78: {  	_ =	shalt  }
0x79: {  	_ =	shalt  }
0x7a: {  	_ =	shalt  }
0x7b: {  	_ =	shalt  }
0x7c: {  	_ =	shalt  }
0x7d: {  	_ =	shalt  }
0x7e: {  	_ =	shalt  }
0x7f: {  	_ =	shalt  }
0x80: {  	_ =	shalt  }
0x81: {  	_ =	shalt  }
0x82: {  	_ =	shalt  }
0x83: {  	_ =	shalt  }
0x84: {  	_ =	shalt  }
0x85: {  	_ =	shalt  }
0x86: {  	_ =	shalt  }
0x87: {  	_ =	shalt  }
.Lfunc_end0:
.L_simem_size_0:
called_computation_lowered:
.L_overlay_start_0:
0x88: {  	s2 =	sld [smem:$0x3FD9]  }
0x89: {  	s3 =	sld [smem:$0x3FFE];
	_ =	sdelay $0x1  }
0x8a: {  	s1 =	srdreg.scid  }
0x8b: {  	s0 =	sand.u32 $0x1, s1  }
0x8c: {  	s17 =	sshll.u32 s0, $0xA;
	s2 =	sadd.s32 s3, s2  }
0x8d: {  	s2 =	sadd.s32 s2, s17  }
0x8e: {  	[smem:$0x3FC2] =	sst s2  }
0x8f: {  	_ = 	snop  }
0x90: {  	s2 =	sld [smem:$0x3FD0];
	(tm) =	ssettm $0x1  }
0x91: {  	s18 =	sld [smem:$0x3FFB];
	_ =	sdelay $0x3  }
0x92: {  	_ =	strace s18  }
0x93: {  	s3 =	sld [smem:$0x3FFC];
	_ =	sdelay $0x3  }
0x94: {  	_ =	strace s3  }
0x95: {  	s3 =	sld [smem:$0x3FFD];
	_ =	sdelay $0x3  }
0x96: {  	_ =	strace s3  }
0x97: {  	_ =	strace $0x8FFFFFFF  }
0x98: {  	s19 =	sld [smem:$0x3FDB];
	_ =	sdelay $0x1  }
0x99: {  	s4 =	simm.s32 $_scs_section_size  }
0x9a: {  	s5 =	simm.s32 $_size__tile_overlayer_lowered;
	s6 =	simm.s32 $_tile_overlayer_lowered  }
0x9b: {  	s22 =	simm.s32 $0x1BFF;
	s21 =	sshll.u32 s6, $0x1;
	s3 =	sadd.s32 s4, s19  }
0x9c: {  	s7 =	simm.s32 $0x0;
	s20 =	sshll.u32 s5, $0x1;
	s5 =	sadd.s32 s21, s3  }
0x9d: {  	[timem:s7], [sflag:s22] =	dma.local [hbm:s5], s20  }
0x9e: {  	_ =	swait.ge [sflag:s22], s20  }
0x9f: {  	s4 =	ssub.s32 $0x0, s20;
	[sflag:s22] =	ssyncset.done $0x0  }
0xa0: {  	[sflag:s22] =	ssyncadd.s32 s4;
	_ =	sdelay $0x1  }
0xa1: {  	s23 =	simm.s32 $0x1B8B  }
0xa2: {  	_ =	swait.ge [sflag:s23], $0x1  }
0xa3: {  	[sflag:s23] =	ssyncset.done $0x0  }
0xa4: {  	s25 =	simm.s32 $0x1B8E;
	s24 =	sld [smem:$0x3FFE];
	[sflag:s23] =	ssyncadd.s32 $0xFFFFFFFF  }
0xa5: {  	s26 =	simm.s32 $execute0_lowered;
	[smem:$0x3FD2] =	sst s25  }
0xa6: {  	s5 =	sshll.u32 s26, $0x1;
	_ =	strace $0x80000046;
	[dreg:$0x1] =	wrdreg $0xFFFFFFFF  }
0xa7: {  	s28 =	simm.s32 $_size_execute0_lowered;
	s3 =	sadd.s32 s3, s5;
	[dreg:$0x0] =	wrdreg $0x0  }
0xa8: {  	s5 =	sshll.u32 s28, $0x1;
	[dreg:$0x2] =	wrdreg s3  }
0xa9: {  	[dreg:$0x3] =	wrdreg s5  }
0xaa: {  	[dreg:$0x4] =	wrdreg $0xC0  }
0xab: {  	_ =	task [dreg:s7], $0x5FFFF  }
0xac: {  	[dreg:$0x1] =	wrdreg $0xFFFFFFFF  }
0xad: {  	[dreg:$0x0] =	wrdreg $0x60  }
0xae: {  	[dreg:$0x2] =	wrdreg s2  }
0xaf: {  	[dreg:$0x3] =	wrdreg s24  }
0xb0: {  	[dreg:$0x4] =	wrdreg $0x90000  }
0xb1: {  	[dreg:$0x5] =	wrdreg $0x9  }
0xb2: {  	_ =	task.clear_ibuf [dreg:s7], $0x6FFFF;
	_ =	strace $0x90000046  }
0xb3: {  	s29 =	simm.s32 $0x9;
	_ =	strace $0x80000048  }
0xb4: {  	_ =	swait.ge [sflag:s29], $0x1  }
0xb5: {  	[sflag:s29] =	ssyncadd.s32 $0xFFFFFFFF  }
0xb6: {  	_ =	strace $0x90000048  }
0xb7: {  	_ =	sfence  }
0xb8: {  	s30 =	sld [smem:$0x0];
	_ =	sdelay $0x2  }
0xb9: {  	s31 =	sshll.u32 s1, $0xD;
	s1 =	sshrl.u32 s1, $0x2  }
0xba: {  	s3 =	sand.u32 $0x4000, s31;
	s1 =	sadd.s32 s1, s30  }
0xbb: {  	s0 =	sor.u32 s3, s0;
	s1 =	sshll.u32 s1, $0x11  }
0xbc: {  	s0 =	sor.u32 s1, s0  }
0xbd: {  	s0 =	sadd.s32 $0x8F2B, s0  }
0xbe: {  	[sflag:s0] =	ssyncadd.remote.s32 $0x1  }
0xbf: {  	_ =	sfence.sel $0xFFFF  }
0xc0: {  	[dreg:$0x0] =	wrdreg $0xFFFFFFFF;
	(pc) =	sbr.abs _section_cstart, $3  }
0xc1: {  	[dreg:$0x1] =	wrdreg $0xFFFFFFFF  }
0xc2: {  	_ =	task.clear_ibuf [dreg:s7], $0x2FFFF;
	_ =	strace $0x9FFFFFFF  }
0xc3: {  	(tm) =	ssettm $0x7FFFFFFF  }
tec
execute0_lowered:
.L_overlay_start_1:
0x0: {  	(tag) =	ssettag $0x1  }
0x1: {  	s4 =	rddreg [dreg:$0x0]  }
0x2: {  	s5 =	rddreg [dreg:$0x1];
	s0 =	srdreg.scid  }
0x3: {  	s2 =	rddreg [dreg:$0x2];
	s1 =	stileid.u32  }
0x4: {  	s3 =	simm.s32 $0x0;
	s15 =	simm.s32 $0x6800;
	s16 =	simm.s32 $0x1  }
0x5: {  	s17 =	simm.s32 $0x50;
	s6 =	sand.u32 $0x1, s0;
	s0 =	rddreg [dreg:$0x3]  }
0x6: {  	s18 =	simm.s32 $0x4000;
	s8 =	smul.u32 $0x14000, s1;
	[smem:$0x7FF] =	sst s3  }
0x7: {  	s10 =	smul.u32 $0x50000, s1;
	s30 =	sshll.u32 s1, $0xC;
	s19 =	sshll.u32 s1, $0x6  }
0x8: {  	s7 =	smul.u32 $0x140000, s6;
	_ =	strace $0x80000047;
	s28 =	ssub.s32 $0x2, s6  }
0x9: {  	s6 =	sshll.u32 s6, $0xB;
	s19 =	sor.u32 $0x1C01, s19;
	s9 =	sshrl.u32 s28, $0x1  }
0xa: {  	s4 =	sadd.s32 s4, s6;
	s31 =	sshrl.u32 s10, $0x2;
	s7 =	sadd.s32 s8, s7  }
0xb: {  	s29 =	ssub.s32 s28, s9;
	s4 =	sadd.s32 s30, s4;
	s6 =	sadd.s32 s31, s2  }
0xc: {  	s7 =	sshrl.u32 s7, $0x3;
	s8 =	sadd.s32 $0x2800, s6;
	s9 =	sadd.s32 $0x5000, s6  }
0xd: {  	s10 =	sadd.s32 $0x7800, s6;
	s11 =	sadd.s32 $0xA000, s6;
	s12 =	sadd.s32 $0xC800, s6  }
0xe: {  	s13 =	sadd.s32 $0xF000, s6;
	s14 =	sadd.s32 $0x11800, s6;
	s5 =	sadd.s32 s7, s5  }
0xf: {  	v0 =	vimm.f32 $1.000000000e+00;
	v1 =	vimm.f32 $0.0e+00;
	s20 =	sshrl.u32 s6, $0x3;
	s7 =	smax.u32 s29, $0x1;
	s5 =	sadd.s32 $0x4E00, s5  }
.LBB2_1:
0x10: {  	s21 =	simm.s32 $0x200;
	s22 =	simm.s32 $0x0  }
.LBB2_2:
0x11: {  	p0 =	sne.s32 s21, $0x9E00;
	[tilespmem:s22+$0x4000] =	vst v0;
	s23 =	smov.u32 s21;
	s21 =	sadd.s32 $0x200, s21  }
.Ltmp0:
0x12: {  	[tilespmem:s22+$0x6800] =	vst v1;
	(pc) =	sbr.rel @p0 .LBB2_2-.Ltmp0, $2  }
0x13: {  	_ =	sdelay $0x2  }
0x14: {  	s22 =	sshra.s32 s23, $0x2  }
0x15: {  	[tilespmem:s22+$0x4000] =	vst v0  }
0x16: {  	[tilespmem:s22+$0x6800] =	vst v1  }
0x17: {  	[spmem:s6] =	stream.linear.scatter [tilespmem:s15], [sflag:$0x1], $0x2800, $0x38;
	[tilespmem:$0xB800] =	vst v63  }
0x18: {  	_ =	swait.ge [sflag:s16], $0x2800  }
0x19: {  	[sflag:s16] =	ssyncset.done $0x0  }
0x1a: {  	[sflag:s16] =	ssyncadd.s32 $0xFFFFD800  }
0x1b: {  	[spmem:s8] =	stream.linear.scatter [tilespmem:s15], [sflag:$0x1], $0x2800, $0x38;
	[tilespmem:$0xB800] =	vst v63  }
0x1c: {  	_ =	swait.ge [sflag:s16], $0x2800  }
0x1d: {  	[sflag:s16] =	ssyncset.done $0x0  }
0x1e: {  	[sflag:s16] =	ssyncadd.s32 $0xFFFFD800  }
0x1f: {  	[spmem:s9] =	stream.linear.scatter [tilespmem:s15], [sflag:$0x1], $0x2800, $0x38;
	[tilespmem:$0xB800] =	vst v63  }
0x20: {  	_ =	swait.ge [sflag:s16], $0x2800  }
0x21: {  	[sflag:s16] =	ssyncset.done $0x0  }
0x22: {  	[sflag:s16] =	ssyncadd.s32 $0xFFFFD800  }
0x23: {  	[spmem:s10] =	stream.linear.scatter [tilespmem:s15], [sflag:$0x1], $0x2800, $0x38;
	[tilespmem:$0xB800] =	vst v63  }
0x24: {  	_ =	swait.ge [sflag:s16], $0x2800  }
0x25: {  	[sflag:s16] =	ssyncset.done $0x0  }
0x26: {  	[sflag:s16] =	ssyncadd.s32 $0xFFFFD800  }
0x27: {  	[spmem:s11] =	stream.linear.scatter [tilespmem:s15], [sflag:$0x1], $0x2800, $0x38;
	[tilespmem:$0xB800] =	vst v63  }
0x28: {  	_ =	swait.ge [sflag:s16], $0x2800  }
0x29: {  	[sflag:s16] =	ssyncset.done $0x0  }
0x2a: {  	[sflag:s16] =	ssyncadd.s32 $0xFFFFD800  }
0x2b: {  	[spmem:s12] =	stream.linear.scatter [tilespmem:s15], [sflag:$0x1], $0x2800, $0x38;
	[tilespmem:$0xB800] =	vst v63  }
0x2c: {  	_ =	swait.ge [sflag:s16], $0x2800  }
0x2d: {  	[sflag:s16] =	ssyncset.done $0x0  }
0x2e: {  	[sflag:s16] =	ssyncadd.s32 $0xFFFFD800  }
0x2f: {  	[spmem:s13] =	stream.linear.scatter [tilespmem:s15], [sflag:$0x1], $0x2800, $0x38;
	[tilespmem:$0xB800] =	vst v63  }
0x30: {  	_ =	swait.ge [sflag:s16], $0x2800  }
0x31: {  	[sflag:s16] =	ssyncset.done $0x0  }
0x32: {  	[sflag:s16] =	ssyncadd.s32 $0xFFFFD800  }
0x33: {  	[spmem:s14] =	stream.linear.scatter [tilespmem:s15], [sflag:$0x1], $0x2800, $0x38;
	[tilespmem:$0xB800] =	vst v63  }
0x34: {  	_ =	swait.ge [sflag:s16], $0x2800  }
0x35: {  	[sflag:s16] =	ssyncset.done $0x0  }
0x36: {  	[sflag:s16] =	ssyncadd.s32 $0xFFFFD800  }
0x37: {  	s21 =	simm.s32 $0x0;
	[bflag:$0x0] =	sbarrier.arrive $0xFFFF  }
0x38: {  	[tilespmem:s21], [sflag:$0x1] =	stream.linear.gather [hbm4b:s4+s21], $0x3E80, $0x38;
	[tilespmem:$0xB800] =	vst v63  }
0x39: {  	_ =	swait.ge [sflag:s16], $0x3E80  }
0x3a: {  	[sflag:s16] =	ssyncset.done $0x0  }
0x3b: {  	s31 =	simm.s32 $0x0;
	[sflag:s16] =	ssyncadd.s32 $0xFFFFC180  }
0x3c: {  	[spmem:s2] =	stream.indirect.scatter.add.f32 [tilespmem:s18], [sflag:$0x1], $0x10, s31, s17, $0xb8;
	[tilespmem:$0xB800] =	vst v63  }
0x3d: {  	_ =	swait.ge [sflag:s16], $0x500  }
0x3e: {  	s21 =	simm.s32 $0x200;
	[sflag:s16] =	ssyncset.done $0x0  }
.LBB2_4:
0x3f: {  	s22 =	sshra.s32 s21, $0x2;
	[sflag:s16] =	ssyncadd.s32 $0xFFFFFB00;
	p0 =	sne.s32 s21, $0xF800  }
0x40: {  	[spmem:s2] =	stream.indirect.scatter.add.f32 [tilespmem:s18], [sflag:$0x1], $0x10, s22, s17, $0xb8;
	[tilespmem:$0xB800] =	vst v63  }
.Ltmp1:
0x41: {  	_ = 	snop;
	(pc) =	sbr.rel @p0 .LBB2_4-.Ltmp1, $4  }
0x42: {  	_ = 	snop  }
0x43: {  	s21 =	sadd.s32 $0x200, s21  }
0x44: {  	_ =	swait.ge [sflag:s16], $0x500  }
0x45: {  	[sflag:s16] =	ssyncset.done $0x0  }
0x46: {  	s3 =	sadd.s32 $0x1, s3  }
0x47: {  	[sflag:s16] =	ssyncadd.s32 $0xFFFFFB00;
	p0 =	sne.s32 s3, s7  }
.Ltmp2:
0x48: {  	[bflag:$0x0] =	sbarrier.arrive $0xFFFF;
	(pc) =	sbr.rel @p0 .LBB2_1-.Ltmp2, $4  }
0x49: {  	[hbm:s5], [sflag:s19] =	dma.local [spmem:s20], $0x2800  }
0x4a: {  	_ =	swait.ge [sflag:s16], $0x2800  }
0x4b: {  	[sflag:s16] =	ssyncset.done $0x0  }
0x4c: {  	[sflag:s16] =	ssyncadd.s32 $0xFFFFD800  }
0x4d: {  	_ =	sfence.sel $0x180000  }
0x4e: {  	[bflag:$0x0] =	sbarrier.arrive $0xFFFF  }
0x4f: {  	p0 =	sne.s32 s1, $0x0;
	_ =	strace $0x90000047  }
0x50: {  	s0 =	sadd.s32 @!p0 $0x100000, s0;
	[bflag:$0x2] =	sbarrier.arrive $0xFFFF  }
0x51: {  	[sflag:s0] =	ssyncadd.tile.s32 @!p0 $0x1;
	_ =	shalt  }
.Lfunc_end2:
_tile_overlayer_lowered:
.L_overlay_start_2:
0x52: {  	(tag) =	ssettag $0x2  }
0x53: {  	s0 =	rddreg [dreg:$0x0];
	s2 =	stileid.u32  }
0x54: {  	s1 =	rddreg [dreg:$0x1];
	p0 =	sne.s32 s2, $0x0  }
0x55: {  	s3 =	rddreg [dreg:$0x2];
	[bflag:$0x3] =	sbarrier.arrive $0xFFFF;
	s2 =	simm.s32 @!p0 $0x1C01  }
0x56: {  	[timem:s3], [sflag:s2] =	dma.local @!p0 [hbm:s0], s1  }
0x57: {  	s0 =	simm.s32 @!p0 $0x1  }
0x58: {  	_ =	swait.ge @!p0 [sflag:s0], s1  }
0x59: {  	s1 =	ssub.s32 @!p0 $0x0, s1;
	[sflag:s0] =	ssyncset.done @!p0 $0x0  }
0x5a: {  	[sflag:s0] =	ssyncadd.s32 @!p0 s1  }
0x5b: {  	[bflag:$0x3] =	sbarrier.arrive $0xFFFF  }
0x5c: {  	_ =	shalt  }

// kernel: kernel.15.cloned.1.call-start
scs
__scs_entry_jumppad:
0x0: {  	(pc) =	sbr.rel $0x88, $3  }
0x1: {  	(tag) =	ssettag $0x0;
	lr =	simm.s32 $0x1  }
0x2: {  	[smem:$0x3F9B] =	sst lr;
	_ =	strace $0xD0000000  }
0x3: {  	_ = 	snop  }
0x4: {  	_ = 	snop  }
0x5: {  	_ = 	snop  }
0x6: {  	_ = 	snop  }
0x7: {  	_ = 	snop  }
__scs_overlays_trampoline_lowered:
0x8: {  	[smem:$0x3FAA] =	sst s0  }
0x9: {  	[smem:$0x3FAB] =	sst s1  }
0xa: {  	[smem:$0x3FAC] =	sst s2  }
0xb: {  	[smem:$0x3FAD] =	sst s3  }
0xc: {  	[smem:$0x3FAE] =	sst s4  }
0xd: {  	[smem:$0x3FAF] =	sst s5  }
0xe: {  	[smem:$0x3FB0] =	sst s6  }
0xf: {  	[smem:$0x3FB1] =	sst s7  }
0x10: {  	[smem:$0x3FB2] =	sst s8  }
0x11: {  	[smem:$0x3FB3] =	sst s9;
	s0 =	simm.s32 @!p0 $0x0  }
0x12: {  	s1 =	sld [smem:$0x3F99];
	s0 =	simm.s32 @p0 $0x1  }
0x13: {  	[smem:$0x3FB4] =	sst s0;
	s0 =	simm.s32 @!p1 $0x0  }
0x14: {  	s2 =	sld [smem:$0x3F98];
	s0 =	simm.s32 @p1 $0x1  }
0x15: {  	[smem:$0x3FB5] =	sst s0;
	s0 =	simm.s32 @!p2 $0x0  }
0x16: {  	s3 =	sld [smem:$0x3FDB];
	s0 =	simm.s32 @p2 $0x1  }
0x17: {  	s4 =	simm.s32 $0x1BF5;
	[smem:$0x3FB7] =	sst s0  }
0x18: {  	s0 =	sld [smem:$0x3F9A];
	_ =	swait.ge [sflag:s4], $0x0  }
0x19: {  	s7 =	sld [smem:$0x3F9B]  }
0x1a: {  	s8 =	sadd.s32 $0xFFFFE003, lr  }
0x1b: {  	s9 =	sadd.s32 $0xFFFFFEF7, lr;
	s5 =	simm.s32 $0xFFFFFFFF;
	p2 =	slt.u32 s8, $0xFFFFF086  }
0x1c: {  	p1 =	slt.u32 s9, $0xF7A;
	s5 =	simm.s32 @!p2 $0x0  }
0x1d: {  	s5 =	simm.s32 @p1 $0x1;
	p0 =	seq.s32 s7, s2  }
0x1e: {  	s7 =	smul.u32 @!p0 $0xF7A, s2;
	p2 =	seq.s32 @!p0 s5, $0x0  }
0x1f: {  	s9 =	smul.u32 $0xF7A, s1;
	s8 =	simm.s32 @!p0 $0x1BF5;
	p2 =	por !p2, p0  }
0x20: {  	[sflag:s8] =	ssyncset.s32 @!p0 $0xFFFFF086;
	s6 =	sadd.s32 @!p0 s3, s7;
	s7 =	simm.s32 @!p0 $0x108  }
0x21: {  	s3 =	sadd.s32 s3, s9;
	s6 =	sadd.s32 @!p0 $0x88, s6;
	s7 =	simm.s32 @p2 $0x1082  }
0x22: {  	[simem:s7], [sflag:s8] =	dma.local @!p0 [hbm:s6], $0xF7A  }
0x23: {  	s9 =	sor.u32 $0xD0000000, s2;
	s6 =	simm.s32 $0x108;
	_ =	swait.ge @!p0 [sflag:s8], $0x0  }
0x24: {  	s3 =	sadd.s32 $0x88, s3;
	s6 =	simm.s32 @!p1 $0x1082;
	[sflag:s4] =	ssyncset.s32 $0xFFFFF086  }
0x25: {  	[simem:s6], [sflag:s4] =	dma.local [hbm:s3], $0xF7A  }
0x26: {  	[smem:$0x3F9B] =	sst s1;
	(tag) =	ssettag s2;
	_ =	strace s9  }
0x27: {  	s1 =	sld [smem:$0x3FAB]  }
0x28: {  	s2 =	sld [smem:$0x3FAC]  }
0x29: {  	s4 =	sld [smem:$0x3FAE]  }
0x2a: {  	p0 =	seq.s32 s5, $0x0;
	s5 =	sld [smem:$0x3FAF]  }
0x2b: {  	s6 =	sld [smem:$0x3FB0]  }
0x2c: {  	s7 =	sld [smem:$0x3FB1]  }
0x2d: {  	s3 =	simm.s32 $0x108;
	s8 =	sld [smem:$0x3FB2]  }
0x2e: {  	s3 =	simm.s32 @!p0 $0x1082;
	s9 =	sld [smem:$0x3FB3]  }
0x2f: {  	lr =	sadd.s32 s0, s3;
	s0 =	sld [smem:$0x3FAA]  }
0x30: {  	s3 =	sld [smem:$0x3FAD]  }
0x31: {  	[smem:$0x3FB6] =	sst s10  }
0x32: {  	s10 =	sld [smem:$0x3FB4];
	_ =	sdelay $0x3  }
0x33: {  	p0 =	seq.s32 s10, $0x1;
	s10 =	sld [smem:$0x3FB6];
	_ =	sdelay $0x3  }
0x34: {  	[smem:$0x3FB6] =	sst s10  }
0x35: {  	s10 =	sld [smem:$0x3FB5];
	_ =	sdelay $0x3  }
0x36: {  	p1 =	seq.s32 s10, $0x1;
	s10 =	sld [smem:$0x3FB6];
	_ =	sdelay $0x3  }
0x37: {  	[smem:$0x3FB6] =	sst s10  }
0x38: {  	s10 =	sld [smem:$0x3FB7]  }
0x39: {  	_ = 	snop;
	(pc) =	sbr.ind lr, $3  }
0x3a: {  	_ = 	snop  }
0x3b: {  	_ = 	snop  }
0x3c: {  	p2 =	seq.s32 s10, $0x1;
	s10 =	sld [smem:$0x3FB6]  }
0x3d: {  	_ =	shalt  }
0x3e: {  	_ =	shalt  }
0x3f: {  	_ =	shalt  }
0x40: {  	_ =	shalt  }
0x41: {  	_ =	shalt  }
0x42: {  	_ =	shalt  }
0x43: {  	_ =	shalt  }
0x44: {  	_ =	shalt  }
0x45: {  	_ =	shalt  }
0x46: {  	_ =	shalt  }
0x47: {  	_ =	shalt  }
0x48: {  	_ =	shalt  }
0x49: {  	_ =	shalt  }
0x4a: {  	_ =	shalt  }
0x4b: {  	_ =	shalt  }
0x4c: {  	_ =	shalt  }
0x4d: {  	_ =	shalt  }
0x4e: {  	_ =	shalt  }
0x4f: {  	_ =	shalt  }
0x50: {  	_ =	shalt  }
0x51: {  	_ =	shalt  }
0x52: {  	_ =	shalt  }
0x53: {  	_ =	shalt  }
0x54: {  	_ =	shalt  }
0x55: {  	_ =	shalt  }
0x56: {  	_ =	shalt  }
0x57: {  	_ =	shalt  }
0x58: {  	_ =	shalt  }
0x59: {  	_ =	shalt  }
0x5a: {  	_ =	shalt  }
0x5b: {  	_ =	shalt  }
0x5c: {  	_ =	shalt  }
0x5d: {  	_ =	shalt  }
0x5e: {  	_ =	shalt  }
0x5f: {  	_ =	shalt  }
0x60: {  	_ =	shalt  }
0x61: {  	_ =	shalt  }
0x62: {  	_ =	shalt  }
0x63: {  	_ =	shalt  }
0x64: {  	_ =	shalt  }
0x65: {  	_ =	shalt  }
0x66: {  	_ =	shalt  }
0x67: {  	_ =	shalt  }
0x68: {  	_ =	shalt  }
0x69: {  	_ =	shalt  }
0x6a: {  	_ =	shalt  }
0x6b: {  	_ =	shalt  }
0x6c: {  	_ =	shalt  }
0x6d: {  	_ =	shalt  }
0x6e: {  	_ =	shalt  }
0x6f: {  	_ =	shalt  }
0x70: {  	_ =	shalt  }
0x71: {  	_ =	shalt  }
0x72: {  	_ =	shalt  }
0x73: {  	_ =	shalt  }
0x74: {  	_ =	shalt  }
0x75: {  	_ =	shalt  }
0x76: {  	_ =	shalt  }
0x77: {  	_ =	shalt  }
0x78: {  	_ =	shalt  }
0x79: {  	_ =	shalt  }
0x7a: {  	_ =	shalt  }
0x7b: {  	_ =	shalt  }
0x7c: {  	_ =	shalt  }
0x7d: {  	_ =	shalt  }
0x7e: {  	_ =	shalt  }
0x7f: {  	_ =	shalt  }
0x80: {  	_ =	shalt  }
0x81: {  	_ =	shalt  }
0x82: {  	_ =	shalt  }
0x83: {  	_ =	shalt  }
0x84: {  	_ =	shalt  }
0x85: {  	_ =	shalt  }
0x86: {  	_ =	shalt  }
0x87: {  	_ =	shalt  }
.Lfunc_end0:
.L_simem_size_0:
called_computation.1_lowered:
.L_overlay_start_0:
0x88: {  	s2 =	sld [smem:$0x3FD9]  }
0x89: {  	s3 =	sld [smem:$0x3FFE];
	_ =	sdelay $0x1  }
0x8a: {  	s1 =	srdreg.scid  }
0x8b: {  	s0 =	sand.u32 $0x1, s1  }
0x8c: {  	s17 =	sshll.u32 s0, $0xA;
	s2 =	sadd.s32 s3, s2  }
0x8d: {  	s2 =	sadd.s32 s2, s17  }
0x8e: {  	[smem:$0x3FC2] =	sst s2  }
0x8f: {  	_ = 	snop  }
0x90: {  	s2 =	sld [smem:$0x3FD0];
	(tm) =	ssettm $0x1  }
0x91: {  	s18 =	sld [smem:$0x3FFB];
	_ =	sdelay $0x3  }
0x92: {  	_ =	strace s18  }
0x93: {  	s3 =	sld [smem:$0x3FFC];
	_ =	sdelay $0x3  }
0x94: {  	_ =	strace s3  }
0x95: {  	s3 =	sld [smem:$0x3FFD];
	_ =	sdelay $0x3  }
0x96: {  	_ =	strace s3  }
0x97: {  	_ =	strace $0x8FFFFFFF  }
0x98: {  	s19 =	sld [smem:$0x3FDB];
	_ =	sdelay $0x1  }
0x99: {  	s4 =	simm.s32 $_scs_section_size  }
0x9a: {  	s5 =	simm.s32 $_size__tile_overlayer_lowered;
	s6 =	simm.s32 $_tile_overlayer_lowered  }
0x9b: {  	s22 =	simm.s32 $0x1BFF;
	s21 =	sshll.u32 s6, $0x1;
	s3 =	sadd.s32 s4, s19  }
0x9c: {  	s7 =	simm.s32 $0x0;
	s20 =	sshll.u32 s5, $0x1;
	s5 =	sadd.s32 s21, s3  }
0x9d: {  	[timem:s7], [sflag:s22] =	dma.local [hbm:s5], s20  }
0x9e: {  	_ =	swait.ge [sflag:s22], s20  }
0x9f: {  	s4 =	ssub.s32 $0x0, s20;
	[sflag:s22] =	ssyncset.done $0x0  }
0xa0: {  	[sflag:s22] =	ssyncadd.s32 s4;
	_ =	sdelay $0x1  }
0xa1: {  	s23 =	simm.s32 $0x1B8B  }
0xa2: {  	_ =	swait.ge [sflag:s23], $0x1  }
0xa3: {  	[sflag:s23] =	ssyncset.done $0x0  }
0xa4: {  	s25 =	simm.s32 $0x1B8E;
	s24 =	sld [smem:$0x3FFE];
	[sflag:s23] =	ssyncadd.s32 $0xFFFFFFFF  }
0xa5: {  	s26 =	simm.s32 $execute0_lowered;
	[smem:$0x3FD2] =	sst s25  }
0xa6: {  	s5 =	sshll.u32 s26, $0x1;
	_ =	strace $0x80000049;
	[dreg:$0x1] =	wrdreg $0xFFFFFFFF  }
0xa7: {  	s28 =	simm.s32 $_size_execute0_lowered;
	s3 =	sadd.s32 s3, s5;
	[dreg:$0x0] =	wrdreg $0x0  }
0xa8: {  	s5 =	sshll.u32 s28, $0x1;
	[dreg:$0x2] =	wrdreg s3  }
0xa9: {  	[dreg:$0x3] =	wrdreg s5  }
0xaa: {  	[dreg:$0x4] =	wrdreg $0xC0  }
0xab: {  	_ =	task [dreg:s7], $0x5FFFF  }
0xac: {  	[dreg:$0x1] =	wrdreg $0xFFFFFFFF  }
0xad: {  	[dreg:$0x0] =	wrdreg $0x60  }
0xae: {  	[dreg:$0x2] =	wrdreg s2  }
0xaf: {  	[dreg:$0x3] =	wrdreg s24  }
0xb0: {  	[dreg:$0x4] =	wrdreg $0x53000  }
0xb1: {  	[dreg:$0x5] =	wrdreg $0x9  }
0xb2: {  	_ =	task.clear_ibuf [dreg:s7], $0x6FFFF;
	_ =	strace $0x90000049  }
0xb3: {  	s29 =	simm.s32 $0x9;
	_ =	strace $0x8000004B  }
0xb4: {  	_ =	swait.ge [sflag:s29], $0x1  }
0xb5: {  	[sflag:s29] =	ssyncadd.s32 $0xFFFFFFFF  }
0xb6: {  	_ =	strace $0x9000004B  }
0xb7: {  	_ =	sfence  }
0xb8: {  	s30 =	sld [smem:$0x0];
	_ =	sdelay $0x2  }
0xb9: {  	s31 =	sshll.u32 s1, $0xD;
	s1 =	sshrl.u32 s1, $0x2  }
0xba: {  	s3 =	sand.u32 $0x4000, s31;
	s1 =	sadd.s32 s1, s30  }
0xbb: {  	s0 =	sor.u32 s3, s0;
	s1 =	sshll.u32 s1, $0x11  }
0xbc: {  	s0 =	sor.u32 s1, s0  }
0xbd: {  	s0 =	sadd.s32 $0x8F2B, s0  }
0xbe: {  	[sflag:s0] =	ssyncadd.remote.s32 $0x1  }
0xbf: {  	_ =	sfence.sel $0xFFFF  }
0xc0: {  	[dreg:$0x0] =	wrdreg $0xFFFFFFFF;
	(pc) =	sbr.abs _section_cstart, $3  }
0xc1: {  	[dreg:$0x1] =	wrdreg $0xFFFFFFFF  }
0xc2: {  	_ =	task.clear_ibuf [dreg:s7], $0x2FFFF;
	_ =	strace $0x9FFFFFFF  }
0xc3: {  	(tm) =	ssettm $0x7FFFFFFF  }
tec
execute0_lowered:
.L_overlay_start_1:
0x0: {  	(tag) =	ssettag $0x1  }
0x1: {  	s1 =	rddreg [dreg:$0x0]  }
0x2: {  	s0 =	rddreg [dreg:$0x1]  }
0x3: {  	s3 =	rddreg [dreg:$0x2];
	s2 =	srdreg.scid  }
0x4: {  	s11 =	stileid.u32;
	s4 =	simm.s32 $0x0;
	s28 =	simm.s32 $0x2B00  }
0x5: {  	s29 =	simm.s32 $0x80;
	s30 =	simm.s32 $0x4;
	s6 =	smul.u32 $0x14000, s11  }
0x6: {  	s31 =	simm.s32 $0x2;
	s2 =	sand.u32 $0x1, s2;
	s10 =	smul.u32 $0x50000, s11  }
0x7: {  	s7 =	sshll.u32 s11, $0x1;
	[smem:$0x7FF] =	sst s4;
	s21 =	smul.u32 $0xFA00, s11  }
0x8: {  	s19 =	sadd.s32 $0x54E00, s0;
	s5 =	smul.u32 $0x140000, s2;
	s7 =	sor.u32 s2, s7  }
0x9: {  	_ =	strace $0x8000004A;
	s8 =	ssub.s32 $0x2, s2;
	s2 =	smul.u32 $0x7D00, s2  }
0xa: {  	s18 =	smul.u32 $0x7D00, s7;
	s9 =	sshrl.u32 s8, $0x1;
	s20 =	sshrl.u32 s10, $0x2  }
0xb: {  	s7 =	simm.s32 $0x280;
	s5 =	sadd.s32 s6, s5;
	s9 =	ssub.s32 s8, s9  }
0xc: {  	s8 =	sadd.s32 s20, s3;
	s26 =	sadd.s32 s2, s21;
	s20 =	simm.s32 $0x8  }
0xd: {  	s21 =	simm.s32 $0x100;
	s2 =	simm.s32 $0x7;
	s5 =	sshrl.u32 s5, $0x3  }
0xe: {  	s6 =	sshrl.u32 s18, $0x3;
	s23 =	smax.u32 s9, $0x1;
	s24 =	sadd.s32 $0x2800, s8  }
0xf: {  	s25 =	sadd.s32 $0x5000, s8;
	s13 =	sadd.s32 $0x7800, s8;
	s14 =	sadd.s32 $0xA000, s8  }
0x10: {  	s15 =	sadd.s32 $0xC800, s8;
	s16 =	sadd.s32 $0xF000, s8;
	[dreg:$0x7] =	wrdreg s23  }
0x11: {  	s17 =	sadd.s32 $0x11800, s8;
	s9 =	simm.s32 $0x0;
	[dreg:$0x8] =	wrdreg s24  }
0x12: {  	s0 =	sadd.s32 s5, s0;
	s5 =	sadd.s32 s19, s6;
	[dreg:$0x9] =	wrdreg s25  }
0x13: {  	s23 =	simm.s32 $0x5;
	s24 =	simm.s32 $0x50;
	s6 =	sadd.s32 $0x20, s5  }
.Ltmp0:
0x14: {  	s22 =	sadd.s32 $0x40, s5;
	[dreg:$0x4] =	wrdreg s6;
	(pc) =	sbr.rel .LBB2_1-.Ltmp0, $4  }
0x15: {  	s25 =	simm.s32 $0x1;
	s0 =	sadd.s32 $0x74200, s0;
	[dreg:$0x5] =	wrdreg s22  }
0x16: {  	[dreg:$0x6] =	wrdreg s0;
	s0 =	sadd.s32 $0x200, s26;
	s22 =	simm.s32 $0x200  }
0x17: {  	s26 =	simm.s32 $0x6;
	s6 =	simm.s32 $0x180;
	s0 =	sshrl.u32 s0, $0x3  }
0x18: {  	v0 =	vimm.f32 $0.0e+00;
	s11 =	sadd.s32 s0, s19;
	s19 =	simm.s32 $0x300;
	s0 =	simm.s32 $0x3  }
.LBB2_42:
0x19: {  	_ =	swait.ge [sflag:s0], $0x2800  }
0x1a: {  	[sflag:s0] =	ssyncset.done $0x0  }
0x1b: {  	s10 =	stileid.u32;
	[sflag:s0] =	ssyncadd.s32 $0xFFFFD800  }
0x1c: {  	s10 =	sshll.u32 s10, $0x6;
	[bflag:$0x0] =	sbarrier.arrive $0xFFFF  }
0x1d: {  	s12 =	sshrl.u32 s8, $0x3;
	s10 =	sor.u32 $0x1C08, s10;
	s18 =	rddreg [dreg:$0x6]  }
0x1e: {  	[hbm:s18], [sflag:s10] =	dma.local [spmem:s12], $0x2800  }
0x1f: {  	_ =	swait.ge [sflag:s20], $0x2800  }
0x20: {  	s9 =	sadd.s32 $0x1, s9;
	s18 =	rddreg [dreg:$0x7]  }
0x21: {  	p0 =	sne.s32 s9, s18  }
.Ltmp1:
0x22: {  	_ = 	snop;
	(pc) =	sbr.rel @!p0 .LBB2_43-.Ltmp1, $3  }
0x23: {  	_ =	sdelay $0x1  }
0x24: {  	[sflag:s20] =	ssyncset.done $0x0  }
0x25: {  	[sflag:s20] =	ssyncadd.s32 $0xFFFFD800  }
.LBB2_1:
0x26: {  	s10 =	simm.s32 $0x70;
	s18 =	simm.s32 $0x3C0  }
.LBB2_2:
0x27: {  	p0 =	sne.s32 s18, $0x9FC0;
	[tilespmem:s10+$0x300] =	vst v0  }
0x28: {  	[tilespmem:s10+$0x290] =	vst v0  }
0x29: {  	[tilespmem:s10+$0x2A0] =	vst v0  }
.Ltmp2:
0x2a: {  	[tilespmem:s10+$0x2B0] =	vst v0;
	(pc) =	sbr.rel @p0 .LBB2_2-.Ltmp2, $4  }
0x2b: {  	[tilespmem:s10+$0x2C0] =	vst v0  }
0x2c: {  	[tilespmem:s10+$0x2D0] =	vst v0  }
0x2d: {  	[tilespmem:s10+$0x2E0] =	vst v0  }
0x2e: {  	[tilespmem:s10+$0x2F0] =	vst v0;
	s10 =	sshra.s32 s18, $0x2;
	s18 =	sadd.s32 $0x200, s18  }
0x2f: {  	[tilespmem:s10+$0x300] =	vst v0  }
0x30: {  	[tilespmem:s10+$0x290] =	vst v0  }
0x31: {  	[tilespmem:s10+$0x2A0] =	vst v0  }
0x32: {  	[tilespmem:s10+$0x2B0] =	vst v0  }
0x33: {  	[tilespmem:s10+$0x2C0] =	vst v0  }
0x34: {  	[tilespmem:s10+$0x2D0] =	vst v0  }
0x35: {  	[tilespmem:s10+$0x2E0] =	vst v0  }
0x36: {  	[tilespmem:s10+$0x2F0] =	vst v0  }
0x37: {  	[spmem:s8] =	stream.linear.scatter [tilespmem:s19], [sflag:$0x8], $0x2800, $0x38;
	[tilespmem:$0x19300] =	vst v63  }
0x38: {  	_ =	swait.ge [sflag:s20], $0x2800  }
0x39: {  	[sflag:s20] =	ssyncset.done $0x0  }
0x3a: {  	s18 =	rddreg [dreg:$0x8];
	[sflag:s20] =	ssyncadd.s32 $0xFFFFD800  }
0x3b: {  	[spmem:s18] =	stream.linear.scatter [tilespmem:s19], [sflag:$0x8], $0x2800, $0x38;
	[tilespmem:$0x19300] =	vst v63  }
0x3c: {  	_ =	swait.ge [sflag:s20], $0x2800  }
0x3d: {  	[sflag:s20] =	ssyncset.done $0x0  }
0x3e: {  	s12 =	rddreg [dreg:$0x9];
	[sflag:s20] =	ssyncadd.s32 $0xFFFFD800  }
0x3f: {  	[spmem:s12] =	stream.linear.scatter [tilespmem:s19], [sflag:$0x8], $0x2800, $0x38;
	[tilespmem:$0x19300] =	vst v63  }
0x40: {  	_ =	swait.ge [sflag:s20], $0x2800  }
0x41: {  	[sflag:s20] =	ssyncset.done $0x0  }
0x42: {  	[sflag:s20] =	ssyncadd.s32 $0xFFFFD800  }
0x43: {  	[spmem:s13] =	stream.linear.scatter [tilespmem:s19], [sflag:$0x8], $0x2800, $0x38;
	[tilespmem:$0x19300] =	vst v63  }
0x44: {  	_ =	swait.ge [sflag:s20], $0x2800  }
0x45: {  	[sflag:s20] =	ssyncset.done $0x0  }
0x46: {  	[sflag:s20] =	ssyncadd.s32 $0xFFFFD800  }
0x47: {  	[spmem:s14] =	stream.linear.scatter [tilespmem:s19], [sflag:$0x8], $0x2800, $0x38;
	[tilespmem:$0x19300] =	vst v63  }
0x48: {  	_ =	swait.ge [sflag:s20], $0x2800  }
0x49: {  	[sflag:s20] =	ssyncset.done $0x0  }
0x4a: {  	[sflag:s20] =	ssyncadd.s32 $0xFFFFD800  }
0x4b: {  	[spmem:s15] =	stream.linear.scatter [tilespmem:s19], [sflag:$0x8], $0x2800, $0x38;
	[tilespmem:$0x19300] =	vst v63  }
0x4c: {  	_ =	swait.ge [sflag:s20], $0x2800  }
0x4d: {  	[sflag:s20] =	ssyncset.done $0x0  }
0x4e: {  	[sflag:s20] =	ssyncadd.s32 $0xFFFFD800  }
0x4f: {  	[spmem:s16] =	stream.linear.scatter [tilespmem:s19], [sflag:$0x8], $0x2800, $0x38;
	[tilespmem:$0x19300] =	vst v63  }
0x50: {  	_ =	swait.ge [sflag:s20], $0x2800  }
0x51: {  	[sflag:s20] =	ssyncset.done $0x0  }
0x52: {  	[sflag:s20] =	ssyncadd.s32 $0xFFFFD800  }
0x53: {  	[spmem:s17] =	stream.linear.scatter [tilespmem:s19], [sflag:$0x8], $0x2800, $0x38;
	[tilespmem:$0x19300] =	vst v63  }
0x54: {  	_ =	swait.ge [sflag:s20], $0x2800  }
0x55: {  	[sflag:s20] =	ssyncset.done $0x0  }
0x56: {  	[sflag:s20] =	ssyncadd.s32 $0xFFFFD800  }
0x57: {  	s10 =	simm.s32 $0x0;
	[bflag:$0x0] =	sbarrier.arrive $0xFFFF  }
0x58: {  	[tilespmem:s10], [sflag:$0x5] =	stream.linear.gather [hbm4b:s5+s10], $0x100, $0x38;
	[tilespmem:$0x19300] =	vst v63  }
0x59: {  	s12 =	rddreg [dreg:$0x4]  }
0x5a: {  	[tilespmem:s21], [sflag:$0x6] =	stream.linear.gather [hbm4b:s12+s10], $0x100, $0x38;
	[tilespmem:$0x19300] =	vst v63  }
0x5b: {  	s18 =	rddreg [dreg:$0x5]  }
0x5c: {  	[tilespmem:s22], [sflag:$0x7] =	stream.linear.gather [hbm4b:s18+s10], $0x100, $0x38;
	[tilespmem:$0x19300] =	vst v63  }
.Ltmp3:
0x5d: {  	_ = 	snop;
	(pc) =	sbr.rel .LBB2_4-.Ltmp3, $4  }
0x5e: {  	_ =	swait.ge [sflag:s23], $0x100  }
0x5f: {  	[sflag:s23] =	ssyncset.done $0x0  }
0x60: {  	s18 =	smov.u32 s11;
	[sflag:s23] =	ssyncadd.s32 $0xFFFFFF00  }
0x61: {  	[tilespmem:s19], [sflag:$0x1] =	stream.indirect.gather [hbm4b:s1+s24], $0x80, s10, s24, $0xb8;
	[tilespmem:$0x19300] =	vst v63  }
.LBB2_28:
0x62: {  	[tilespmem:s22], [sflag:$0x7] =	stream.linear.gather [hbm4b:s18+s4], $0x100, $0x38;
	[tilespmem:$0x19300] =	vst v63  }
0x63: {  	_ =	swait.ge [sflag:s26], $0x100  }
0x64: {  	[sflag:s26] =	ssyncset.done $0x0  }
0x65: {  	[sflag:s26] =	ssyncadd.s32 $0xFFFFFF00  }
0x66: {  	[tilespmem:s19], [sflag:$0x1] =	stream.indirect.gather [hbm4b:s1+s24], $0x80, s21, s24, $0xb8;
	[tilespmem:$0x19300] =	vst v63  }
0x67: {  	_ = 	snop  }
0x68: {  	[spmem:s3] =	stream.indirect.scatter.add.f32 [tilespmem:s28], [sflag:$0x4], $0x80, s29, s24, $0xb8;
	[tilespmem:$0x19300] =	vst v63  }
.LBB2_41:
0x69: {  	s10 =	sadd.s32 $0x1, s10  }
0x6a: {  	p0 =	sne.s32 s10, $0x7D  }
.Ltmp4:
0x6b: {  	_ = 	snop;
	(pc) =	sbr.rel @!p0 .LBB2_42-.Ltmp4, $2  }
0x6c: {  	_ =	sdelay $0x2  }
0x6d: {  	s18 =	sadd.s32 $0x20, s18  }
.LBB2_4:
0x6e: {  	s12 =	smul.u32 $0xAB, s10;
	_ =	sdelay $0x1  }
0x6f: {  	s12 =	sshrl.u32 s12, $0xA  }
0x70: {  	s12 =	sand.u32 $0x3F, s12  }
0x71: {  	s12 =	smul.u32 $0x6, s12;
	_ =	sdelay $0x1  }
0x72: {  	s12 =	ssub.s32 s10, s12  }
0x73: {  	s12 =	sand.u32 $0xFF, s12  }
0x74: {  	p0 =	sgt.s32 s12, $0x2  }
.Ltmp5:
0x75: {  	_ = 	snop;
	(pc) =	sbr.rel @p0 .LBB2_9-.Ltmp5, $1  }
0x76: {  	_ =	sdelay $0x3  }
0x77: {  	p0 =	seq.s32 s12, $0x0  }
.Ltmp6:
0x78: {  	_ = 	snop;
	(pc) =	sbr.rel @p0 .LBB2_13-.Ltmp6, $1  }
0x79: {  	_ =	sdelay $0x3  }
0x7a: {  	p0 =	seq.s32 s12, $0x1  }
.Ltmp7:
0x7b: {  	_ = 	snop;
	(pc) =	sbr.rel @!p0 .LBB2_22-.Ltmp7, $1  }
0x7c: {  	_ =	sdelay $0x3  }
0x7d: {  	_ =	swait.ge [sflag:s31], $0x2800;
	p0 =	sgt.u32 s10, $0x7A  }
.Ltmp8:
0x7e: {  	[sflag:s31] =	ssyncset.done $0x0;
	(pc) =	sbr.rel @p0 .LBB2_19-.Ltmp8, $4  }
0x7f: {  	[sflag:s31] =	ssyncadd.s32 $0xFFFFD800  }
0x80: {  	_ =	swait.ge [sflag:s0], $0x2800  }
0x81: {  	[sflag:s0] =	ssyncset.done $0x0  }
0x82: {  	[sflag:s0] =	ssyncadd.s32 $0xFFFFD800  }
0x83: {  	[tilespmem:s4], [sflag:$0x5] =	stream.linear.gather [hbm4b:s18+s4], $0x100, $0x38;
	[tilespmem:$0x19300] =	vst v63  }
0x84: {  	_ =	swait.ge [sflag:s2], $0x100  }
.Ltmp9:
0x85: {  	[sflag:s2] =	ssyncset.done $0x0;
	(pc) =	sbr.rel .LBB2_41-.Ltmp9, $4  }
0x86: {  	[sflag:s2] =	ssyncadd.s32 $0xFFFFFF00  }
0x87: {  	[tilespmem:s19], [sflag:$0x1] =	stream.indirect.gather [hbm4b:s1+s24], $0x80, s22, s24, $0xb8;
	[tilespmem:$0x19300] =	vst v63  }
0x88: {  	_ = 	snop  }
0x89: {  	[spmem:s3] =	stream.indirect.scatter.add.f32 [tilespmem:s28], [sflag:$0x4], $0x80, s6, s24, $0xb8;
	[tilespmem:$0x19300] =	vst v63  }
.LBB2_9:
0x8a: {  	p0 =	seq.s32 s12, $0x3  }
.Ltmp10:
0x8b: {  	_ = 	snop;
	(pc) =	sbr.rel @p0 .LBB2_27-.Ltmp10, $1  }
0x8c: {  	_ =	sdelay $0x3  }
0x8d: {  	p0 =	seq.s32 s12, $0x4  }
.Ltmp11:
0x8e: {  	_ = 	snop;
	(pc) =	sbr.rel @!p0 .LBB2_11-.Ltmp11, $1  }
0x8f: {  	_ =	sdelay $0x3  }
.LBB2_32:
0x90: {  	p0 =	seq.s32 s10, $0x0  }
.Ltmp12:
0x91: {  	_ = 	snop;
	(pc) =	sbr.rel @p0 .LBB2_36-.Ltmp12, $4  }
0x92: {  	_ = 	snop  }
0x93: {  	_ =	swait.ge [sflag:s25], $0x2800  }
0x94: {  	[sflag:s25] =	ssyncset.done $0x0  }
0x95: {  	[sflag:s25] =	ssyncadd.s32 $0xFFFFD800  }
0x96: {  	p0 =	sgt.u32 s10, $0x7A  }
.Ltmp13:
0x97: {  	_ = 	snop;
	(pc) =	sbr.rel @p0 .LBB2_35-.Ltmp13, $4  }
0x98: {  	_ = 	snop  }
0x99: {  	_ =	swait.ge [sflag:s30], $0x2800  }
0x9a: {  	[sflag:s30] =	ssyncset.done $0x0  }
0x9b: {  	[sflag:s30] =	ssyncadd.s32 $0xFFFFD800  }
.Ltmp14:
0x9c: {  	(pc) =	sbr.rel .LBB2_36-.Ltmp14, $2  }
0x9d: {  	_ =	sdelay $0x2  }
0x9e: {  	[tilespmem:s4], [sflag:$0x5] =	stream.linear.gather [hbm4b:s18+s4], $0x100, $0x38;
	[tilespmem:$0x19300] =	vst v63  }
.LBB2_13:
0x9f: {  	p0 =	seq.s32 s10, $0x0  }
.Ltmp15:
0xa0: {  	_ = 	snop;
	(pc) =	sbr.rel @p0 .LBB2_17-.Ltmp15, $4  }
0xa1: {  	_ = 	snop  }
0xa2: {  	_ =	swait.ge [sflag:s25], $0x2800  }
0xa3: {  	[sflag:s25] =	ssyncset.done $0x0  }
0xa4: {  	[sflag:s25] =	ssyncadd.s32 $0xFFFFD800  }
0xa5: {  	p0 =	sgt.u32 s10, $0x7A  }
.Ltmp16:
0xa6: {  	_ = 	snop;
	(pc) =	sbr.rel @p0 .LBB2_16-.Ltmp16, $4  }
0xa7: {  	_ = 	snop  }
0xa8: {  	_ =	swait.ge [sflag:s30], $0x2800  }
0xa9: {  	[sflag:s30] =	ssyncset.done $0x0  }
0xaa: {  	[sflag:s30] =	ssyncadd.s32 $0xFFFFD800  }
.Ltmp17:
0xab: {  	(pc) =	sbr.rel .LBB2_17-.Ltmp17, $2  }
0xac: {  	_ =	sdelay $0x2  }
0xad: {  	[tilespmem:s22], [sflag:$0x7] =	stream.linear.gather [hbm4b:s18+s4], $0x100, $0x38;
	[tilespmem:$0x19300] =	vst v63  }
.LBB2_27:
0xae: {  	_ =	swait.ge [sflag:s31], $0x2800;
	p0 =	sgt.u32 s10, $0x7A  }
.Ltmp18:
0xaf: {  	[sflag:s31] =	ssyncset.done $0x0;
	(pc) =	sbr.rel @!p0 .LBB2_28-.Ltmp18, $4  }
0xb0: {  	[sflag:s31] =	ssyncadd.s32 $0xFFFFD800  }
0xb1: {  	_ =	swait.ge [sflag:s0], $0x2800  }
0xb2: {  	[sflag:s0] =	ssyncset.done $0x0  }
0xb3: {  	[sflag:s0] =	ssyncadd.s32 $0xFFFFD800  }
0xb4: {  	p0 =	seq.s32 s10, $0x7C  }
.Ltmp19:
0xb5: {  	_ = 	snop;
	(pc) =	sbr.rel @!p0 .LBB2_30-.Ltmp19, $1  }
0xb6: {  	_ =	sdelay $0x3  }
.Ltmp20:
0xb7: {  	(pc) =	sbr.rel .LBB2_32-.Ltmp20, $2  }
0xb8: {  	_ =	sdelay $0x2  }
0xb9: {  	[spmem:s3] =	stream.indirect.scatter.add.f32 [tilespmem:s28], [sflag:$0x4], $0x80, s29, s24, $0xb8;
	[tilespmem:$0x19300] =	vst v63  }
.LBB2_22:
0xba: {  	_ =	swait.ge [sflag:s25], $0x2800;
	p0 =	sgt.u32 s10, $0x7A  }
.Ltmp21:
0xbb: {  	[sflag:s25] =	ssyncset.done $0x0;
	(pc) =	sbr.rel @p0 .LBB2_24-.Ltmp21, $4  }
0xbc: {  	[sflag:s25] =	ssyncadd.s32 $0xFFFFD800  }
0xbd: {  	_ =	swait.ge [sflag:s30], $0x2800  }
0xbe: {  	[sflag:s30] =	ssyncset.done $0x0  }
0xbf: {  	[sflag:s30] =	ssyncadd.s32 $0xFFFFD800  }
0xc0: {  	[tilespmem:s21], [sflag:$0x6] =	stream.linear.gather [hbm4b:s18+s4], $0x100, $0x38;
	[tilespmem:$0x19300] =	vst v63  }
0xc1: {  	_ =	swait.ge [sflag:s23], $0x100  }
.Ltmp22:
0xc2: {  	[sflag:s23] =	ssyncset.done $0x0;
	(pc) =	sbr.rel .LBB2_41-.Ltmp22, $4  }
0xc3: {  	[sflag:s23] =	ssyncadd.s32 $0xFFFFFF00  }
0xc4: {  	[tilespmem:s28], [sflag:$0x2] =	stream.indirect.gather [hbm4b:s1+s24], $0x80, s4, s24, $0xb8;
	[tilespmem:$0x19300] =	vst v63  }
0xc5: {  	_ = 	snop  }
0xc6: {  	[spmem:s3] =	stream.indirect.scatter.add.f32 [tilespmem:s19], [sflag:$0x3], $0x80, s7, s24, $0xb8;
	[tilespmem:$0x19300] =	vst v63  }
.LBB2_11:
0xc7: {  	_ =	swait.ge [sflag:s31], $0x2800;
	p0 =	sgt.u32 s10, $0x7A  }
.Ltmp23:
0xc8: {  	[sflag:s31] =	ssyncset.done $0x0;
	(pc) =	sbr.rel @p0 .LBB2_38-.Ltmp23, $4  }
0xc9: {  	[sflag:s31] =	ssyncadd.s32 $0xFFFFD800  }
0xca: {  	_ =	swait.ge [sflag:s0], $0x2800  }
0xcb: {  	[sflag:s0] =	ssyncset.done $0x0  }
0xcc: {  	[sflag:s0] =	ssyncadd.s32 $0xFFFFD800  }
.Ltmp24:
0xcd: {  	(pc) =	sbr.rel .LBB2_39-.Ltmp24, $2  }
0xce: {  	_ =	sdelay $0x2  }
0xcf: {  	[tilespmem:s21], [sflag:$0x6] =	stream.linear.gather [hbm4b:s18+s4], $0x100, $0x38;
	[tilespmem:$0x19300] =	vst v63  }
.LBB2_35:
0xd0: {  	p0 =	seq.s32 s10, $0x7C  }
.Ltmp25:
0xd1: {  	_ = 	snop;
	(pc) =	sbr.rel @p0 .LBB2_37-.Ltmp25, $1  }
0xd2: {  	_ =	sdelay $0x3  }
.LBB2_36:
0xd3: {  	_ =	swait.ge [sflag:s2], $0x100  }
0xd4: {  	[sflag:s2] =	ssyncset.done $0x0  }
0xd5: {  	[sflag:s2] =	ssyncadd.s32 $0xFFFFFF00  }
0xd6: {  	[tilespmem:s28], [sflag:$0x2] =	stream.indirect.gather [hbm4b:s1+s24], $0x80, s22, s24, $0xb8;
	[tilespmem:$0x19300] =	vst v63  }
.LBB2_37:
.Ltmp26:
0xd7: {  	(pc) =	sbr.rel .LBB2_41-.Ltmp26, $2  }
0xd8: {  	_ =	sdelay $0x2  }
0xd9: {  	[spmem:s3] =	stream.indirect.scatter.add.f32 [tilespmem:s19], [sflag:$0x3], $0x80, s6, s24, $0xb8;
	[tilespmem:$0x19300] =	vst v63  }
.LBB2_19:
0xda: {  	p0 =	seq.s32 s10, $0x7C  }
.Ltmp27:
0xdb: {  	_ = 	snop;
	(pc) =	sbr.rel @!p0 .LBB2_20-.Ltmp27, $1  }
0xdc: {  	_ =	sdelay $0x3  }
.Ltmp28:
0xdd: {  	(pc) =	sbr.rel .LBB2_32-.Ltmp28, $2  }
0xde: {  	_ =	sdelay $0x2  }
0xdf: {  	[spmem:s3] =	stream.indirect.scatter.add.f32 [tilespmem:s28], [sflag:$0x4], $0x80, s6, s24, $0xb8;
	[tilespmem:$0x19300] =	vst v63  }
.LBB2_24:
0xe0: {  	p0 =	seq.s32 s10, $0x7C  }
.Ltmp29:
0xe1: {  	_ = 	snop;
	(pc) =	sbr.rel @!p0 .LBB2_25-.Ltmp29, $1  }
0xe2: {  	_ =	sdelay $0x3  }
.Ltmp30:
0xe3: {  	(pc) =	sbr.rel .LBB2_32-.Ltmp30, $2  }
0xe4: {  	_ =	sdelay $0x2  }
0xe5: {  	[spmem:s3] =	stream.indirect.scatter.add.f32 [tilespmem:s19], [sflag:$0x3], $0x80, s7, s24, $0xb8;
	[tilespmem:$0x19300] =	vst v63  }
.LBB2_38:
0xe6: {  	p0 =	seq.s32 s10, $0x7C  }
.Ltmp31:
0xe7: {  	_ = 	snop;
	(pc) =	sbr.rel @p0 .LBB2_40-.Ltmp31, $1  }
0xe8: {  	_ =	sdelay $0x3  }
.LBB2_39:
0xe9: {  	_ =	swait.ge [sflag:s23], $0x100  }
0xea: {  	[sflag:s23] =	ssyncset.done $0x0  }
0xeb: {  	[sflag:s23] =	ssyncadd.s32 $0xFFFFFF00  }
0xec: {  	[tilespmem:s19], [sflag:$0x1] =	stream.indirect.gather [hbm4b:s1+s24], $0x80, s4, s24, $0xb8;
	[tilespmem:$0x19300] =	vst v63  }
.LBB2_40:
.Ltmp32:
0xed: {  	(pc) =	sbr.rel .LBB2_41-.Ltmp32, $2  }
0xee: {  	_ =	sdelay $0x2  }
0xef: {  	[spmem:s3] =	stream.indirect.scatter.add.f32 [tilespmem:s28], [sflag:$0x4], $0x80, s7, s24, $0xb8;
	[tilespmem:$0x19300] =	vst v63  }
.LBB2_16:
0xf0: {  	p0 =	seq.s32 s10, $0x7C  }
.Ltmp33:
0xf1: {  	_ = 	snop;
	(pc) =	sbr.rel @p0 .LBB2_18-.Ltmp33, $1  }
0xf2: {  	_ =	sdelay $0x3  }
.LBB2_17:
0xf3: {  	_ =	swait.ge [sflag:s26], $0x100  }
0xf4: {  	[sflag:s26] =	ssyncset.done $0x0  }
0xf5: {  	[sflag:s26] =	ssyncadd.s32 $0xFFFFFF00  }
0xf6: {  	[tilespmem:s28], [sflag:$0x2] =	stream.indirect.gather [hbm4b:s1+s24], $0x80, s21, s24, $0xb8;
	[tilespmem:$0x19300] =	vst v63  }
.LBB2_18:
.Ltmp34:
0xf7: {  	(pc) =	sbr.rel .LBB2_41-.Ltmp34, $2  }
0xf8: {  	_ =	sdelay $0x2  }
0xf9: {  	[spmem:s3] =	stream.indirect.scatter.add.f32 [tilespmem:s19], [sflag:$0x3], $0x80, s29, s24, $0xb8;
	[tilespmem:$0x19300] =	vst v63  }
.LBB2_30:
0xfa: {  	_ =	swait.ge [sflag:s26], $0x100  }
.Ltmp35:
0xfb: {  	[sflag:s26] =	ssyncset.done $0x0;
	(pc) =	sbr.rel .LBB2_41-.Ltmp35, $4  }
0xfc: {  	[sflag:s26] =	ssyncadd.s32 $0xFFFFFF00  }
0xfd: {  	[tilespmem:s19], [sflag:$0x1] =	stream.indirect.gather [hbm4b:s1+s24], $0x80, s21, s24, $0xb8;
	[tilespmem:$0x19300] =	vst v63  }
0xfe: {  	_ = 	snop  }
0xff: {  	[spmem:s3] =	stream.indirect.scatter.add.f32 [tilespmem:s28], [sflag:$0x4], $0x80, s29, s24, $0xb8;
	[tilespmem:$0x19300] =	vst v63  }
.LBB2_20:
0x100: {  	_ =	swait.ge [sflag:s2], $0x100  }
.Ltmp36:
0x101: {  	[sflag:s2] =	ssyncset.done $0x0;
	(pc) =	sbr.rel .LBB2_41-.Ltmp36, $4  }
0x102: {  	[sflag:s2] =	ssyncadd.s32 $0xFFFFFF00  }
0x103: {  	[tilespmem:s19], [sflag:$0x1] =	stream.indirect.gather [hbm4b:s1+s24], $0x80, s22, s24, $0xb8;
	[tilespmem:$0x19300] =	vst v63  }
0x104: {  	_ = 	snop  }
0x105: {  	[spmem:s3] =	stream.indirect.scatter.add.f32 [tilespmem:s28], [sflag:$0x4], $0x80, s6, s24, $0xb8;
	[tilespmem:$0x19300] =	vst v63  }
.LBB2_25:
0x106: {  	_ =	swait.ge [sflag:s23], $0x100  }
.Ltmp37:
0x107: {  	[sflag:s23] =	ssyncset.done $0x0;
	(pc) =	sbr.rel .LBB2_41-.Ltmp37, $4  }
0x108: {  	[sflag:s23] =	ssyncadd.s32 $0xFFFFFF00  }
0x109: {  	[tilespmem:s28], [sflag:$0x2] =	stream.indirect.gather [hbm4b:s1+s24], $0x80, s4, s24, $0xb8;
	[tilespmem:$0x19300] =	vst v63  }
0x10a: {  	_ = 	snop  }
0x10b: {  	[spmem:s3] =	stream.indirect.scatter.add.f32 [tilespmem:s19], [sflag:$0x3], $0x80, s7, s24, $0xb8;
	[tilespmem:$0x19300] =	vst v63  }
.LBB2_43:
0x10c: {  	_ =	sfence.sel $0x180000  }
0x10d: {  	[bflag:$0x0] =	sbarrier.arrive $0xFFFF  }
0x10e: {  	_ =	strace $0x9000004A  }
0x10f: {  	s0 =	stileid.u32;
	[bflag:$0x2] =	sbarrier.arrive $0xFFFF  }
0x110: {  	p0 =	sne.s32 s0, $0x0;
	s0 =	rddreg [dreg:$0x3]  }
0x111: {  	s0 =	sadd.s32 @!p0 $0x100000, s0  }
0x112: {  	[sflag:s0] =	ssyncadd.tile.s32 @!p0 $0x1;
	_ =	shalt  }
.Lfunc_end2:
_tile_overlayer_lowered:
.L_overlay_start_2:
0x113: {  	(tag) =	ssettag $0x2  }
0x114: {  	s0 =	rddreg [dreg:$0x0];
	s2 =	stileid.u32  }
0x115: {  	s1 =	rddreg [dreg:$0x1];
	p0 =	sne.s32 s2, $0x0  }
0x116: {  	s3 =	rddreg [dreg:$0x2];
	[bflag:$0x3] =	sbarrier.arrive $0xFFFF;
	s2 =	simm.s32 @!p0 $0x1C08  }
0x117: {  	[timem:s3], [sflag:s2] =	dma.local @!p0 [hbm:s0], s1  }
0x118: {  	s0 =	simm.s32 @!p0 $0x8  }
0x119: {  	_ =	swait.ge @!p0 [sflag:s0], s1  }
0x11a: {  	s1 =	ssub.s32 @!p0 $0x0, s1;
	[sflag:s0] =	ssyncset.done @!p0 $0x0  }
0x11b: {  	[sflag:s0] =	ssyncadd.s32 @!p0 s1  }
0x11c: {  	[bflag:$0x3] =	sbarrier.arrive $0xFFFF  }
0x11d: {  	_ =	shalt  }

// kernel: kernel.18.cloned.1.call-start
scs
__scs_entry_jumppad:
0x0: {  	(pc) =	sbr.rel $0x88, $3  }
0x1: {  	(tag) =	ssettag $0x0;
	lr =	simm.s32 $0x1  }
0x2: {  	[smem:$0x3F9B] =	sst lr;
	_ =	strace $0xD0000000  }
0x3: {  	_ = 	snop  }
0x4: {  	_ = 	snop  }
0x5: {  	_ = 	snop  }
0x6: {  	_ = 	snop  }
0x7: {  	_ = 	snop  }
__scs_overlays_trampoline_lowered:
0x8: {  	[smem:$0x3FAA] =	sst s0  }
0x9: {  	[smem:$0x3FAB] =	sst s1  }
0xa: {  	[smem:$0x3FAC] =	sst s2  }
0xb: {  	[smem:$0x3FAD] =	sst s3  }
0xc: {  	[smem:$0x3FAE] =	sst s4  }
0xd: {  	[smem:$0x3FAF] =	sst s5  }
0xe: {  	[smem:$0x3FB0] =	sst s6  }
0xf: {  	[smem:$0x3FB1] =	sst s7  }
0x10: {  	[smem:$0x3FB2] =	sst s8  }
0x11: {  	[smem:$0x3FB3] =	sst s9;
	s0 =	simm.s32 @!p0 $0x0  }
0x12: {  	s1 =	sld [smem:$0x3F99];
	s0 =	simm.s32 @p0 $0x1  }
0x13: {  	[smem:$0x3FB4] =	sst s0;
	s0 =	simm.s32 @!p1 $0x0  }
0x14: {  	s2 =	sld [smem:$0x3F98];
	s0 =	simm.s32 @p1 $0x1  }
0x15: {  	[smem:$0x3FB5] =	sst s0;
	s0 =	simm.s32 @!p2 $0x0  }
0x16: {  	s3 =	sld [smem:$0x3FDB];
	s0 =	simm.s32 @p2 $0x1  }
0x17: {  	s4 =	simm.s32 $0x1BF5;
	[smem:$0x3FB7] =	sst s0  }
0x18: {  	s0 =	sld [smem:$0x3F9A];
	_ =	swait.ge [sflag:s4], $0x0  }
0x19: {  	s7 =	sld [smem:$0x3F9B]  }
0x1a: {  	s8 =	sadd.s32 $0xFFFFE003, lr  }
0x1b: {  	s9 =	sadd.s32 $0xFFFFFEF7, lr;
	s5 =	simm.s32 $0xFFFFFFFF;
	p2 =	slt.u32 s8, $0xFFFFF086  }
0x1c: {  	p1 =	slt.u32 s9, $0xF7A;
	s5 =	simm.s32 @!p2 $0x0  }
0x1d: {  	s5 =	simm.s32 @p1 $0x1;
	p0 =	seq.s32 s7, s2  }
0x1e: {  	s7 =	smul.u32 @!p0 $0xF7A, s2;
	p2 =	seq.s32 @!p0 s5, $0x0  }
0x1f: {  	s9 =	smul.u32 $0xF7A, s1;
	s8 =	simm.s32 @!p0 $0x1BF5;
	p2 =	por !p2, p0  }
0x20: {  	[sflag:s8] =	ssyncset.s32 @!p0 $0xFFFFF086;
	s6 =	sadd.s32 @!p0 s3, s7;
	s7 =	simm.s32 @!p0 $0x108  }
0x21: {  	s3 =	sadd.s32 s3, s9;
	s6 =	sadd.s32 @!p0 $0x88, s6;
	s7 =	simm.s32 @p2 $0x1082  }
0x22: {  	[simem:s7], [sflag:s8] =	dma.local @!p0 [hbm:s6], $0xF7A  }
0x23: {  	s9 =	sor.u32 $0xD0000000, s2;
	s6 =	simm.s32 $0x108;
	_ =	swait.ge @!p0 [sflag:s8], $0x0  }
0x24: {  	s3 =	sadd.s32 $0x88, s3;
	s6 =	simm.s32 @!p1 $0x1082;
	[sflag:s4] =	ssyncset.s32 $0xFFFFF086  }
0x25: {  	[simem:s6], [sflag:s4] =	dma.local [hbm:s3], $0xF7A  }
0x26: {  	[smem:$0x3F9B] =	sst s1;
	(tag) =	ssettag s2;
	_ =	strace s9  }
0x27: {  	s1 =	sld [smem:$0x3FAB]  }
0x28: {  	s2 =	sld [smem:$0x3FAC]  }
0x29: {  	s4 =	sld [smem:$0x3FAE]  }
0x2a: {  	p0 =	seq.s32 s5, $0x0;
	s5 =	sld [smem:$0x3FAF]  }
0x2b: {  	s6 =	sld [smem:$0x3FB0]  }
0x2c: {  	s7 =	sld [smem:$0x3FB1]  }
0x2d: {  	s3 =	simm.s32 $0x108;
	s8 =	sld [smem:$0x3FB2]  }
0x2e: {  	s3 =	simm.s32 @!p0 $0x1082;
	s9 =	sld [smem:$0x3FB3]  }
0x2f: {  	lr =	sadd.s32 s0, s3;
	s0 =	sld [smem:$0x3FAA]  }
0x30: {  	s3 =	sld [smem:$0x3FAD]  }
0x31: {  	[smem:$0x3FB6] =	sst s10  }
0x32: {  	s10 =	sld [smem:$0x3FB4];
	_ =	sdelay $0x3  }
0x33: {  	p0 =	seq.s32 s10, $0x1;
	s10 =	sld [smem:$0x3FB6];
	_ =	sdelay $0x3  }
0x34: {  	[smem:$0x3FB6] =	sst s10  }
0x35: {  	s10 =	sld [smem:$0x3FB5];
	_ =	sdelay $0x3  }
0x36: {  	p1 =	seq.s32 s10, $0x1;
	s10 =	sld [smem:$0x3FB6];
	_ =	sdelay $0x3  }
0x37: {  	[smem:$0x3FB6] =	sst s10  }
0x38: {  	s10 =	sld [smem:$0x3FB7]  }
0x39: {  	_ = 	snop;
	(pc) =	sbr.ind lr, $3  }
0x3a: {  	_ = 	snop  }
0x3b: {  	_ = 	snop  }
0x3c: {  	p2 =	seq.s32 s10, $0x1;
	s10 =	sld [smem:$0x3FB6]  }
0x3d: {  	_ =	shalt  }
0x3e: {  	_ =	shalt  }
0x3f: {  	_ =	shalt  }
0x40: {  	_ =	shalt  }
0x41: {  	_ =	shalt  }
0x42: {  	_ =	shalt  }
0x43: {  	_ =	shalt  }
0x44: {  	_ =	shalt  }
0x45: {  	_ =	shalt  }
0x46: {  	_ =	shalt  }
0x47: {  	_ =	shalt  }
0x48: {  	_ =	shalt  }
0x49: {  	_ =	shalt  }
0x4a: {  	_ =	shalt  }
0x4b: {  	_ =	shalt  }
0x4c: {  	_ =	shalt  }
0x4d: {  	_ =	shalt  }
0x4e: {  	_ =	shalt  }
0x4f: {  	_ =	shalt  }
0x50: {  	_ =	shalt  }
0x51: {  	_ =	shalt  }
0x52: {  	_ =	shalt  }
0x53: {  	_ =	shalt  }
0x54: {  	_ =	shalt  }
0x55: {  	_ =	shalt  }
0x56: {  	_ =	shalt  }
0x57: {  	_ =	shalt  }
0x58: {  	_ =	shalt  }
0x59: {  	_ =	shalt  }
0x5a: {  	_ =	shalt  }
0x5b: {  	_ =	shalt  }
0x5c: {  	_ =	shalt  }
0x5d: {  	_ =	shalt  }
0x5e: {  	_ =	shalt  }
0x5f: {  	_ =	shalt  }
0x60: {  	_ =	shalt  }
0x61: {  	_ =	shalt  }
0x62: {  	_ =	shalt  }
0x63: {  	_ =	shalt  }
0x64: {  	_ =	shalt  }
0x65: {  	_ =	shalt  }
0x66: {  	_ =	shalt  }
0x67: {  	_ =	shalt  }
0x68: {  	_ =	shalt  }
0x69: {  	_ =	shalt  }
0x6a: {  	_ =	shalt  }
0x6b: {  	_ =	shalt  }
0x6c: {  	_ =	shalt  }
0x6d: {  	_ =	shalt  }
0x6e: {  	_ =	shalt  }
0x6f: {  	_ =	shalt  }
0x70: {  	_ =	shalt  }
0x71: {  	_ =	shalt  }
0x72: {  	_ =	shalt  }
0x73: {  	_ =	shalt  }
0x74: {  	_ =	shalt  }
0x75: {  	_ =	shalt  }
0x76: {  	_ =	shalt  }
0x77: {  	_ =	shalt  }
0x78: {  	_ =	shalt  }
0x79: {  	_ =	shalt  }
0x7a: {  	_ =	shalt  }
0x7b: {  	_ =	shalt  }
0x7c: {  	_ =	shalt  }
0x7d: {  	_ =	shalt  }
0x7e: {  	_ =	shalt  }
0x7f: {  	_ =	shalt  }
0x80: {  	_ =	shalt  }
0x81: {  	_ =	shalt  }
0x82: {  	_ =	shalt  }
0x83: {  	_ =	shalt  }
0x84: {  	_ =	shalt  }
0x85: {  	_ =	shalt  }
0x86: {  	_ =	shalt  }
0x87: {  	_ =	shalt  }
.Lfunc_end0:
.L_simem_size_0:
called_computation.2_lowered:
.L_overlay_start_0:
0x88: {  	s2 =	sld [smem:$0x3FD9]  }
0x89: {  	s3 =	sld [smem:$0x3FFE];
	_ =	sdelay $0x1  }
0x8a: {  	s1 =	srdreg.scid  }
0x8b: {  	s0 =	sand.u32 $0x1, s1  }
0x8c: {  	s16 =	sshll.u32 s0, $0xA;
	s2 =	sadd.s32 s3, s2  }
0x8d: {  	s2 =	sadd.s32 s2, s16  }
0x8e: {  	[smem:$0x3FC2] =	sst s2  }
0x8f: {  	_ = 	snop  }
0x90: {  	(tm) =	ssettm $0x1  }
0x91: {  	s17 =	sld [smem:$0x3FFB];
	_ =	sdelay $0x3  }
0x92: {  	_ =	strace s17  }
0x93: {  	s2 =	sld [smem:$0x3FFC];
	_ =	sdelay $0x3  }
0x94: {  	_ =	strace s2  }
0x95: {  	s2 =	sld [smem:$0x3FFD];
	_ =	sdelay $0x3  }
0x96: {  	_ =	strace s2  }
0x97: {  	_ =	strace $0x8FFFFFFF  }
0x98: {  	s18 =	sld [smem:$0x3FDB];
	_ =	sdelay $0x1  }
0x99: {  	s19 =	simm.s32 $_scs_section_size  }
0x9a: {  	s4 =	simm.s32 $_size__tile_overlayer_lowered;
	s5 =	simm.s32 $_tile_overlayer_lowered  }
0x9b: {  	s22 =	simm.s32 $0x1BFF;
	s21 =	sshll.u32 s5, $0x1;
	s2 =	sadd.s32 s19, s18  }
0x9c: {  	s6 =	simm.s32 $0x0;
	s20 =	sshll.u32 s4, $0x1;
	s4 =	sadd.s32 s21, s2  }
0x9d: {  	[timem:s6], [sflag:s22] =	dma.local [hbm:s4], s20  }
0x9e: {  	_ =	swait.ge [sflag:s22], s20  }
0x9f: {  	s3 =	ssub.s32 $0x0, s20;
	[sflag:s22] =	ssyncset.done $0x0  }
0xa0: {  	[sflag:s22] =	ssyncadd.s32 s3;
	_ =	sdelay $0x1  }
0xa1: {  	s23 =	simm.s32 $0x1B8B  }
0xa2: {  	_ =	swait.ge [sflag:s23], $0x1  }
0xa3: {  	[sflag:s23] =	ssyncset.done $0x0  }
0xa4: {  	s25 =	simm.s32 $0x1B8E;
	s24 =	sld [smem:$0x3FFE];
	[sflag:s23] =	ssyncadd.s32 $0xFFFFFFFF  }
0xa5: {  	s26 =	simm.s32 $execute0_lowered;
	[smem:$0x3FD2] =	sst s25  }
0xa6: {  	s4 =	sshll.u32 s26, $0x1;
	_ =	strace $0x8000004C;
	[dreg:$0x1] =	wrdreg $0xFFFFFFFF  }
0xa7: {  	s28 =	simm.s32 $_size_execute0_lowered;
	s2 =	sadd.s32 s2, s4;
	[dreg:$0x0] =	wrdreg $0x0  }
0xa8: {  	s4 =	sshll.u32 s28, $0x1;
	[dreg:$0x2] =	wrdreg s2  }
0xa9: {  	[dreg:$0x3] =	wrdreg s4  }
0xaa: {  	[dreg:$0x4] =	wrdreg $0xC0  }
0xab: {  	_ =	task [dreg:s6], $0x5FFFF  }
0xac: {  	[dreg:$0x1] =	wrdreg $0xFFFFFFFF  }
0xad: {  	[dreg:$0x0] =	wrdreg $0x60  }
0xae: {  	[dreg:$0x2] =	wrdreg s24  }
0xaf: {  	[dreg:$0x3] =	wrdreg $0x53000  }
0xb0: {  	[dreg:$0x4] =	wrdreg $0x9  }
0xb1: {  	_ =	task.clear_ibuf [dreg:s6], $0x5FFFF;
	_ =	strace $0x9000004C  }
0xb2: {  	s29 =	simm.s32 $0x9;
	_ =	strace $0x8000004E  }
0xb3: {  	_ =	swait.ge [sflag:s29], $0x1  }
0xb4: {  	[sflag:s29] =	ssyncadd.s32 $0xFFFFFFFF  }
0xb5: {  	_ =	strace $0x9000004E  }
0xb6: {  	_ =	sfence  }
0xb7: {  	s30 =	sld [smem:$0x0];
	_ =	sdelay $0x2  }
0xb8: {  	s31 =	sshll.u32 s1, $0xD;
	s1 =	sshrl.u32 s1, $0x2  }
0xb9: {  	s3 =	sand.u32 $0x4000, s31;
	s1 =	sadd.s32 s1, s30  }
0xba: {  	s0 =	sor.u32 s3, s0;
	s1 =	sshll.u32 s1, $0x11  }
0xbb: {  	s0 =	sor.u32 s1, s0  }
0xbc: {  	s0 =	sadd.s32 $0x8F2B, s0  }
0xbd: {  	[sflag:s0] =	ssyncadd.remote.s32 $0x1  }
0xbe: {  	_ =	sfence.sel $0xFFFF  }
0xbf: {  	[dreg:$0x0] =	wrdreg $0xFFFFFFFF;
	(pc) =	sbr.abs _section_cstart, $3  }
0xc0: {  	[dreg:$0x1] =	wrdreg $0xFFFFFFFF  }
0xc1: {  	_ =	task.clear_ibuf [dreg:s6], $0x2FFFF;
	_ =	strace $0x9FFFFFFF  }
0xc2: {  	(tm) =	ssettm $0x7FFFFFFF  }
0xc3: {  	_ =	shalt  }
tec
execute0_lowered:
.L_overlay_start_1:
0x0: {  	(tag) =	ssettag $0x1  }
0x1: {  	s0 =	rddreg [dreg:$0x0]  }
0x2: {  	s1 =	rddreg [dreg:$0x1];
	s2 =	srdreg.scid;
	s3 =	simm.s32 $0x0  }
0x3: {  	s11 =	stileid.u32;
	s28 =	simm.s32 $0x2B00;
	s29 =	simm.s32 $0x80  }
0x4: {  	s30 =	simm.s32 $0x4;
	s31 =	simm.s32 $0x2;
	s6 =	smul.u32 $0x14000, s11  }
0x5: {  	s2 =	sand.u32 $0x1, s2;
	[smem:$0x7FF] =	sst s3;
	s10 =	smul.u32 $0x50000, s11  }
0x6: {  	s4 =	sshll.u32 s11, $0x1;
	s19 =	sadd.s32 $0x54E00, s0;
	s21 =	smul.u32 $0xFA00, s11  }
0x7: {  	s5 =	smul.u32 $0x140000, s2;
	_ =	strace $0x8000004D;
	s7 =	sor.u32 s2, s4  }
0x8: {  	s4 =	sadd.s32 $0x74200, s0;
	s8 =	ssub.s32 $0x2, s2;
	s2 =	smul.u32 $0x7D00, s2  }
0x9: {  	s18 =	smul.u32 $0x7D00, s7;
	s9 =	sshrl.u32 s8, $0x1;
	s20 =	sshrl.u32 s10, $0x2  }
0xa: {  	s7 =	simm.s32 $0x280;
	s5 =	sadd.s32 s6, s5;
	s9 =	ssub.s32 s8, s9  }
0xb: {  	s8 =	sadd.s32 s20, s1;
	s26 =	sadd.s32 s2, s21;
	s20 =	simm.s32 $0x8  }
0xc: {  	s21 =	simm.s32 $0x100;
	s2 =	simm.s32 $0x7;
	s5 =	sshrl.u32 s5, $0x3  }
0xd: {  	s6 =	sshrl.u32 s18, $0x3;
	s23 =	smax.u32 s9, $0x1;
	s24 =	sadd.s32 $0x2800, s8  }
0xe: {  	s25 =	sadd.s32 $0x5000, s8;
	s13 =	sadd.s32 $0x7800, s8;
	s14 =	sadd.s32 $0xA000, s8  }
0xf: {  	s15 =	sadd.s32 $0xC800, s8;
	s16 =	sadd.s32 $0xF000, s8;
	[dreg:$0x6] =	wrdreg s23  }
0x10: {  	s17 =	sadd.s32 $0x11800, s8;
	s9 =	simm.s32 $0x0;
	[dreg:$0x7] =	wrdreg s24  }
0x11: {  	s0 =	sadd.s32 s5, s0;
	s5 =	sadd.s32 s19, s6;
	[dreg:$0x8] =	wrdreg s25  }
0x12: {  	s23 =	simm.s32 $0x5;
	s24 =	simm.s32 $0x50;
	s6 =	sadd.s32 $0x20, s5  }
.Ltmp0:
0x13: {  	s22 =	sadd.s32 $0x40, s5;
	[dreg:$0x3] =	wrdreg s6;
	(pc) =	sbr.rel .LBB2_1-.Ltmp0, $4  }
0x14: {  	s25 =	simm.s32 $0x1;
	s0 =	sadd.s32 $0xC2600, s0;
	[dreg:$0x4] =	wrdreg s22  }
0x15: {  	[dreg:$0x5] =	wrdreg s0;
	s0 =	sadd.s32 $0x200, s26;
	s22 =	simm.s32 $0x200  }
0x16: {  	s26 =	simm.s32 $0x6;
	s6 =	simm.s32 $0x180;
	s0 =	sshrl.u32 s0, $0x3  }
0x17: {  	v0 =	vimm.f32 $0.0e+00;
	s11 =	sadd.s32 s0, s19;
	s19 =	simm.s32 $0x300;
	s0 =	simm.s32 $0x3  }
.LBB2_42:
0x18: {  	_ =	swait.ge [sflag:s0], $0x2800  }
0x19: {  	[sflag:s0] =	ssyncset.done $0x0  }
0x1a: {  	s10 =	stileid.u32;
	[sflag:s0] =	ssyncadd.s32 $0xFFFFD800  }
0x1b: {  	s10 =	sshll.u32 s10, $0x6;
	[bflag:$0x0] =	sbarrier.arrive $0xFFFF  }
0x1c: {  	s12 =	sshrl.u32 s8, $0x3;
	s10 =	sor.u32 $0x1C08, s10;
	s18 =	rddreg [dreg:$0x5]  }
0x1d: {  	[hbm:s18], [sflag:s10] =	dma.local [spmem:s12], $0x2800  }
0x1e: {  	_ =	swait.ge [sflag:s20], $0x2800  }
0x1f: {  	s9 =	sadd.s32 $0x1, s9;
	s18 =	rddreg [dreg:$0x6]  }
0x20: {  	p0 =	sne.s32 s9, s18  }
.Ltmp1:
0x21: {  	_ = 	snop;
	(pc) =	sbr.rel @!p0 .LBB2_43-.Ltmp1, $3  }
0x22: {  	_ =	sdelay $0x1  }
0x23: {  	[sflag:s20] =	ssyncset.done $0x0  }
0x24: {  	[sflag:s20] =	ssyncadd.s32 $0xFFFFD800  }
.LBB2_1:
0x25: {  	s10 =	simm.s32 $0x70;
	s18 =	simm.s32 $0x3C0  }
.LBB2_2:
0x26: {  	p0 =	sne.s32 s18, $0x9FC0;
	[tilespmem:s10+$0x300] =	vst v0  }
0x27: {  	[tilespmem:s10+$0x290] =	vst v0  }
0x28: {  	[tilespmem:s10+$0x2A0] =	vst v0  }
.Ltmp2:
0x29: {  	[tilespmem:s10+$0x2B0] =	vst v0;
	(pc) =	sbr.rel @p0 .LBB2_2-.Ltmp2, $4  }
0x2a: {  	[tilespmem:s10+$0x2C0] =	vst v0  }
0x2b: {  	[tilespmem:s10+$0x2D0] =	vst v0  }
0x2c: {  	[tilespmem:s10+$0x2E0] =	vst v0  }
0x2d: {  	[tilespmem:s10+$0x2F0] =	vst v0;
	s10 =	sshra.s32 s18, $0x2;
	s18 =	sadd.s32 $0x200, s18  }
0x2e: {  	[tilespmem:s10+$0x300] =	vst v0  }
0x2f: {  	[tilespmem:s10+$0x290] =	vst v0  }
0x30: {  	[tilespmem:s10+$0x2A0] =	vst v0  }
0x31: {  	[tilespmem:s10+$0x2B0] =	vst v0  }
0x32: {  	[tilespmem:s10+$0x2C0] =	vst v0  }
0x33: {  	[tilespmem:s10+$0x2D0] =	vst v0  }
0x34: {  	[tilespmem:s10+$0x2E0] =	vst v0  }
0x35: {  	[tilespmem:s10+$0x2F0] =	vst v0  }
0x36: {  	[spmem:s8] =	stream.linear.scatter [tilespmem:s19], [sflag:$0x8], $0x2800, $0x38;
	[tilespmem:$0x19300] =	vst v63  }
0x37: {  	_ =	swait.ge [sflag:s20], $0x2800  }
0x38: {  	[sflag:s20] =	ssyncset.done $0x0  }
0x39: {  	s18 =	rddreg [dreg:$0x7];
	[sflag:s20] =	ssyncadd.s32 $0xFFFFD800  }
0x3a: {  	[spmem:s18] =	stream.linear.scatter [tilespmem:s19], [sflag:$0x8], $0x2800, $0x38;
	[tilespmem:$0x19300] =	vst v63  }
0x3b: {  	_ =	swait.ge [sflag:s20], $0x2800  }
0x3c: {  	[sflag:s20] =	ssyncset.done $0x0  }
0x3d: {  	s12 =	rddreg [dreg:$0x8];
	[sflag:s20] =	ssyncadd.s32 $0xFFFFD800  }
0x3e: {  	[spmem:s12] =	stream.linear.scatter [tilespmem:s19], [sflag:$0x8], $0x2800, $0x38;
	[tilespmem:$0x19300] =	vst v63  }
0x3f: {  	_ =	swait.ge [sflag:s20], $0x2800  }
0x40: {  	[sflag:s20] =	ssyncset.done $0x0  }
0x41: {  	[sflag:s20] =	ssyncadd.s32 $0xFFFFD800  }
0x42: {  	[spmem:s13] =	stream.linear.scatter [tilespmem:s19], [sflag:$0x8], $0x2800, $0x38;
	[tilespmem:$0x19300] =	vst v63  }
0x43: {  	_ =	swait.ge [sflag:s20], $0x2800  }
0x44: {  	[sflag:s20] =	ssyncset.done $0x0  }
0x45: {  	[sflag:s20] =	ssyncadd.s32 $0xFFFFD800  }
0x46: {  	[spmem:s14] =	stream.linear.scatter [tilespmem:s19], [sflag:$0x8], $0x2800, $0x38;
	[tilespmem:$0x19300] =	vst v63  }
0x47: {  	_ =	swait.ge [sflag:s20], $0x2800  }
0x48: {  	[sflag:s20] =	ssyncset.done $0x0  }
0x49: {  	[sflag:s20] =	ssyncadd.s32 $0xFFFFD800  }
0x4a: {  	[spmem:s15] =	stream.linear.scatter [tilespmem:s19], [sflag:$0x8], $0x2800, $0x38;
	[tilespmem:$0x19300] =	vst v63  }
0x4b: {  	_ =	swait.ge [sflag:s20], $0x2800  }
0x4c: {  	[sflag:s20] =	ssyncset.done $0x0  }
0x4d: {  	[sflag:s20] =	ssyncadd.s32 $0xFFFFD800  }
0x4e: {  	[spmem:s16] =	stream.linear.scatter [tilespmem:s19], [sflag:$0x8], $0x2800, $0x38;
	[tilespmem:$0x19300] =	vst v63  }
0x4f: {  	_ =	swait.ge [sflag:s20], $0x2800  }
0x50: {  	[sflag:s20] =	ssyncset.done $0x0  }
0x51: {  	[sflag:s20] =	ssyncadd.s32 $0xFFFFD800  }
0x52: {  	[spmem:s17] =	stream.linear.scatter [tilespmem:s19], [sflag:$0x8], $0x2800, $0x38;
	[tilespmem:$0x19300] =	vst v63  }
0x53: {  	_ =	swait.ge [sflag:s20], $0x2800  }
0x54: {  	[sflag:s20] =	ssyncset.done $0x0  }
0x55: {  	[sflag:s20] =	ssyncadd.s32 $0xFFFFD800  }
0x56: {  	s10 =	simm.s32 $0x0;
	[bflag:$0x0] =	sbarrier.arrive $0xFFFF  }
0x57: {  	[tilespmem:s10], [sflag:$0x5] =	stream.linear.gather [hbm4b:s5+s10], $0x100, $0x38;
	[tilespmem:$0x19300] =	vst v63  }
0x58: {  	s12 =	rddreg [dreg:$0x3]  }
0x59: {  	[tilespmem:s21], [sflag:$0x6] =	stream.linear.gather [hbm4b:s12+s10], $0x100, $0x38;
	[tilespmem:$0x19300] =	vst v63  }
0x5a: {  	s18 =	rddreg [dreg:$0x4]  }
0x5b: {  	[tilespmem:s22], [sflag:$0x7] =	stream.linear.gather [hbm4b:s18+s10], $0x100, $0x38;
	[tilespmem:$0x19300] =	vst v63  }
.Ltmp3:
0x5c: {  	_ = 	snop;
	(pc) =	sbr.rel .LBB2_4-.Ltmp3, $4  }
0x5d: {  	_ =	swait.ge [sflag:s23], $0x100  }
0x5e: {  	[sflag:s23] =	ssyncset.done $0x0  }
0x5f: {  	s18 =	smov.u32 s11;
	[sflag:s23] =	ssyncadd.s32 $0xFFFFFF00  }
0x60: {  	[tilespmem:s19], [sflag:$0x1] =	stream.indirect.gather [hbm4b:s4+s24], $0x80, s10, s24, $0xb8;
	[tilespmem:$0x19300] =	vst v63  }
.LBB2_28:
0x61: {  	[tilespmem:s22], [sflag:$0x7] =	stream.linear.gather [hbm4b:s18+s3], $0x100, $0x38;
	[tilespmem:$0x19300] =	vst v63  }
0x62: {  	_ =	swait.ge [sflag:s26], $0x100  }
0x63: {  	[sflag:s26] =	ssyncset.done $0x0  }
0x64: {  	[sflag:s26] =	ssyncadd.s32 $0xFFFFFF00  }
0x65: {  	[tilespmem:s19], [sflag:$0x1] =	stream.indirect.gather [hbm4b:s4+s24], $0x80, s21, s24, $0xb8;
	[tilespmem:$0x19300] =	vst v63  }
0x66: {  	_ = 	snop  }
0x67: {  	[spmem:s1] =	stream.indirect.scatter.add.f32 [tilespmem:s28], [sflag:$0x4], $0x80, s29, s24, $0xb8;
	[tilespmem:$0x19300] =	vst v63  }
.LBB2_41:
0x68: {  	s10 =	sadd.s32 $0x1, s10  }
0x69: {  	p0 =	sne.s32 s10, $0x7D  }
.Ltmp4:
0x6a: {  	_ = 	snop;
	(pc) =	sbr.rel @!p0 .LBB2_42-.Ltmp4, $2  }
0x6b: {  	_ =	sdelay $0x2  }
0x6c: {  	s18 =	sadd.s32 $0x20, s18  }
.LBB2_4:
0x6d: {  	s12 =	smul.u32 $0xAB, s10;
	_ =	sdelay $0x1  }
0x6e: {  	s12 =	sshrl.u32 s12, $0xA  }
0x6f: {  	s12 =	sand.u32 $0x3F, s12  }
0x70: {  	s12 =	smul.u32 $0x6, s12;
	_ =	sdelay $0x1  }
0x71: {  	s12 =	ssub.s32 s10, s12  }
0x72: {  	s12 =	sand.u32 $0xFF, s12  }
0x73: {  	p0 =	sgt.s32 s12, $0x2  }
.Ltmp5:
0x74: {  	_ = 	snop;
	(pc) =	sbr.rel @p0 .LBB2_9-.Ltmp5, $1  }
0x75: {  	_ =	sdelay $0x3  }
0x76: {  	p0 =	seq.s32 s12, $0x0  }
.Ltmp6:
0x77: {  	_ = 	snop;
	(pc) =	sbr.rel @p0 .LBB2_13-.Ltmp6, $1  }
0x78: {  	_ =	sdelay $0x3  }
0x79: {  	p0 =	seq.s32 s12, $0x1  }
.Ltmp7:
0x7a: {  	_ = 	snop;
	(pc) =	sbr.rel @!p0 .LBB2_22-.Ltmp7, $1  }
0x7b: {  	_ =	sdelay $0x3  }
0x7c: {  	_ =	swait.ge [sflag:s31], $0x2800;
	p0 =	sgt.u32 s10, $0x7A  }
.Ltmp8:
0x7d: {  	[sflag:s31] =	ssyncset.done $0x0;
	(pc) =	sbr.rel @p0 .LBB2_19-.Ltmp8, $4  }
0x7e: {  	[sflag:s31] =	ssyncadd.s32 $0xFFFFD800  }
0x7f: {  	_ =	swait.ge [sflag:s0], $0x2800  }
0x80: {  	[sflag:s0] =	ssyncset.done $0x0  }
0x81: {  	[sflag:s0] =	ssyncadd.s32 $0xFFFFD800  }
0x82: {  	[tilespmem:s3], [sflag:$0x5] =	stream.linear.gather [hbm4b:s18+s3], $0x100, $0x38;
	[tilespmem:$0x19300] =	vst v63  }
0x83: {  	_ =	swait.ge [sflag:s2], $0x100  }
.Ltmp9:
0x84: {  	[sflag:s2] =	ssyncset.done $0x0;
	(pc) =	sbr.rel .LBB2_41-.Ltmp9, $4  }
0x85: {  	[sflag:s2] =	ssyncadd.s32 $0xFFFFFF00  }
0x86: {  	[tilespmem:s19], [sflag:$0x1] =	stream.indirect.gather [hbm4b:s4+s24], $0x80, s22, s24, $0xb8;
	[tilespmem:$0x19300] =	vst v63  }
0x87: {  	_ = 	snop  }
0x88: {  	[spmem:s1] =	stream.indirect.scatter.add.f32 [tilespmem:s28], [sflag:$0x4], $0x80, s6, s24, $0xb8;
	[tilespmem:$0x19300] =	vst v63  }
.LBB2_9:
0x89: {  	p0 =	seq.s32 s12, $0x3  }
.Ltmp10:
0x8a: {  	_ = 	snop;
	(pc) =	sbr.rel @p0 .LBB2_27-.Ltmp10, $1  }
0x8b: {  	_ =	sdelay $0x3  }
0x8c: {  	p0 =	seq.s32 s12, $0x4  }
.Ltmp11:
0x8d: {  	_ = 	snop;
	(pc) =	sbr.rel @!p0 .LBB2_11-.Ltmp11, $1  }
0x8e: {  	_ =	sdelay $0x3  }
.LBB2_32:
0x8f: {  	p0 =	seq.s32 s10, $0x0  }
.Ltmp12:
0x90: {  	_ = 	snop;
	(pc) =	sbr.rel @p0 .LBB2_36-.Ltmp12, $4  }
0x91: {  	_ = 	snop  }
0x92: {  	_ =	swait.ge [sflag:s25], $0x2800  }
0x93: {  	[sflag:s25] =	ssyncset.done $0x0  }
0x94: {  	[sflag:s25] =	ssyncadd.s32 $0xFFFFD800  }
0x95: {  	p0 =	sgt.u32 s10, $0x7A  }
.Ltmp13:
0x96: {  	_ = 	snop;
	(pc) =	sbr.rel @p0 .LBB2_35-.Ltmp13, $4  }
0x97: {  	_ = 	snop  }
0x98: {  	_ =	swait.ge [sflag:s30], $0x2800  }
0x99: {  	[sflag:s30] =	ssyncset.done $0x0  }
0x9a: {  	[sflag:s30] =	ssyncadd.s32 $0xFFFFD800  }
.Ltmp14:
0x9b: {  	(pc) =	sbr.rel .LBB2_36-.Ltmp14, $2  }
0x9c: {  	_ =	sdelay $0x2  }
0x9d: {  	[tilespmem:s3], [sflag:$0x5] =	stream.linear.gather [hbm4b:s18+s3], $0x100, $0x38;
	[tilespmem:$0x19300] =	vst v63  }
.LBB2_13:
0x9e: {  	p0 =	seq.s32 s10, $0x0  }
.Ltmp15:
0x9f: {  	_ = 	snop;
	(pc) =	sbr.rel @p0 .LBB2_17-.Ltmp15, $4  }
0xa0: {  	_ = 	snop  }
0xa1: {  	_ =	swait.ge [sflag:s25], $0x2800  }
0xa2: {  	[sflag:s25] =	ssyncset.done $0x0  }
0xa3: {  	[sflag:s25] =	ssyncadd.s32 $0xFFFFD800  }
0xa4: {  	p0 =	sgt.u32 s10, $0x7A  }
.Ltmp16:
0xa5: {  	_ = 	snop;
	(pc) =	sbr.rel @p0 .LBB2_16-.Ltmp16, $4  }
0xa6: {  	_ = 	snop  }
0xa7: {  	_ =	swait.ge [sflag:s30], $0x2800  }
0xa8: {  	[sflag:s30] =	ssyncset.done $0x0  }
0xa9: {  	[sflag:s30] =	ssyncadd.s32 $0xFFFFD800  }
.Ltmp17:
0xaa: {  	(pc) =	sbr.rel .LBB2_17-.Ltmp17, $2  }
0xab: {  	_ =	sdelay $0x2  }
0xac: {  	[tilespmem:s22], [sflag:$0x7] =	stream.linear.gather [hbm4b:s18+s3], $0x100, $0x38;
	[tilespmem:$0x19300] =	vst v63  }
.LBB2_27:
0xad: {  	_ =	swait.ge [sflag:s31], $0x2800;
	p0 =	sgt.u32 s10, $0x7A  }
.Ltmp18:
0xae: {  	[sflag:s31] =	ssyncset.done $0x0;
	(pc) =	sbr.rel @!p0 .LBB2_28-.Ltmp18, $4  }
0xaf: {  	[sflag:s31] =	ssyncadd.s32 $0xFFFFD800  }
0xb0: {  	_ =	swait.ge [sflag:s0], $0x2800  }
0xb1: {  	[sflag:s0] =	ssyncset.done $0x0  }
0xb2: {  	[sflag:s0] =	ssyncadd.s32 $0xFFFFD800  }
0xb3: {  	p0 =	seq.s32 s10, $0x7C  }
.Ltmp19:
0xb4: {  	_ = 	snop;
	(pc) =	sbr.rel @!p0 .LBB2_30-.Ltmp19, $1  }
0xb5: {  	_ =	sdelay $0x3  }
.Ltmp20:
0xb6: {  	(pc) =	sbr.rel .LBB2_32-.Ltmp20, $2  }
0xb7: {  	_ =	sdelay $0x2  }
0xb8: {  	[spmem:s1] =	stream.indirect.scatter.add.f32 [tilespmem:s28], [sflag:$0x4], $0x80, s29, s24, $0xb8;
	[tilespmem:$0x19300] =	vst v63  }
.LBB2_22:
0xb9: {  	_ =	swait.ge [sflag:s25], $0x2800;
	p0 =	sgt.u32 s10, $0x7A  }
.Ltmp21:
0xba: {  	[sflag:s25] =	ssyncset.done $0x0;
	(pc) =	sbr.rel @p0 .LBB2_24-.Ltmp21, $4  }
0xbb: {  	[sflag:s25] =	ssyncadd.s32 $0xFFFFD800  }
0xbc: {  	_ =	swait.ge [sflag:s30], $0x2800  }
0xbd: {  	[sflag:s30] =	ssyncset.done $0x0  }
0xbe: {  	[sflag:s30] =	ssyncadd.s32 $0xFFFFD800  }
0xbf: {  	[tilespmem:s21], [sflag:$0x6] =	stream.linear.gather [hbm4b:s18+s3], $0x100, $0x38;
	[tilespmem:$0x19300] =	vst v63  }
0xc0: {  	_ =	swait.ge [sflag:s23], $0x100  }
.Ltmp22:
0xc1: {  	[sflag:s23] =	ssyncset.done $0x0;
	(pc) =	sbr.rel .LBB2_41-.Ltmp22, $4  }
0xc2: {  	[sflag:s23] =	ssyncadd.s32 $0xFFFFFF00  }
0xc3: {  	[tilespmem:s28], [sflag:$0x2] =	stream.indirect.gather [hbm4b:s4+s24], $0x80, s3, s24, $0xb8;
	[tilespmem:$0x19300] =	vst v63  }
0xc4: {  	_ = 	snop  }
0xc5: {  	[spmem:s1] =	stream.indirect.scatter.add.f32 [tilespmem:s19], [sflag:$0x3], $0x80, s7, s24, $0xb8;
	[tilespmem:$0x19300] =	vst v63  }
.LBB2_11:
0xc6: {  	_ =	swait.ge [sflag:s31], $0x2800;
	p0 =	sgt.u32 s10, $0x7A  }
.Ltmp23:
0xc7: {  	[sflag:s31] =	ssyncset.done $0x0;
	(pc) =	sbr.rel @p0 .LBB2_38-.Ltmp23, $4  }
0xc8: {  	[sflag:s31] =	ssyncadd.s32 $0xFFFFD800  }
0xc9: {  	_ =	swait.ge [sflag:s0], $0x2800  }
0xca: {  	[sflag:s0] =	ssyncset.done $0x0  }
0xcb: {  	[sflag:s0] =	ssyncadd.s32 $0xFFFFD800  }
.Ltmp24:
0xcc: {  	(pc) =	sbr.rel .LBB2_39-.Ltmp24, $2  }
0xcd: {  	_ =	sdelay $0x2  }
0xce: {  	[tilespmem:s21], [sflag:$0x6] =	stream.linear.gather [hbm4b:s18+s3], $0x100, $0x38;
	[tilespmem:$0x19300] =	vst v63  }
.LBB2_35:
0xcf: {  	p0 =	seq.s32 s10, $0x7C  }
.Ltmp25:
0xd0: {  	_ = 	snop;
	(pc) =	sbr.rel @p0 .LBB2_37-.Ltmp25, $1  }
0xd1: {  	_ =	sdelay $0x3  }
.LBB2_36:
0xd2: {  	_ =	swait.ge [sflag:s2], $0x100  }
0xd3: {  	[sflag:s2] =	ssyncset.done $0x0  }
0xd4: {  	[sflag:s2] =	ssyncadd.s32 $0xFFFFFF00  }
0xd5: {  	[tilespmem:s28], [sflag:$0x2] =	stream.indirect.gather [hbm4b:s4+s24], $0x80, s22, s24, $0xb8;
	[tilespmem:$0x19300] =	vst v63  }
.LBB2_37:
.Ltmp26:
0xd6: {  	(pc) =	sbr.rel .LBB2_41-.Ltmp26, $2  }
0xd7: {  	_ =	sdelay $0x2  }
0xd8: {  	[spmem:s1] =	stream.indirect.scatter.add.f32 [tilespmem:s19], [sflag:$0x3], $0x80, s6, s24, $0xb8;
	[tilespmem:$0x19300] =	vst v63  }
.LBB2_19:
0xd9: {  	p0 =	seq.s32 s10, $0x7C  }
.Ltmp27:
0xda: {  	_ = 	snop;
	(pc) =	sbr.rel @!p0 .LBB2_20-.Ltmp27, $1  }
0xdb: {  	_ =	sdelay $0x3  }
.Ltmp28:
0xdc: {  	(pc) =	sbr.rel .LBB2_32-.Ltmp28, $2  }
0xdd: {  	_ =	sdelay $0x2  }
0xde: {  	[spmem:s1] =	stream.indirect.scatter.add.f32 [tilespmem:s28], [sflag:$0x4], $0x80, s6, s24, $0xb8;
	[tilespmem:$0x19300] =	vst v63  }
.LBB2_24:
0xdf: {  	p0 =	seq.s32 s10, $0x7C  }
.Ltmp29:
0xe0: {  	_ = 	snop;
	(pc) =	sbr.rel @!p0 .LBB2_25-.Ltmp29, $1  }
0xe1: {  	_ =	sdelay $0x3  }
.Ltmp30:
0xe2: {  	(pc) =	sbr.rel .LBB2_32-.Ltmp30, $2  }
0xe3: {  	_ =	sdelay $0x2  }
0xe4: {  	[spmem:s1] =	stream.indirect.scatter.add.f32 [tilespmem:s19], [sflag:$0x3], $0x80, s7, s24, $0xb8;
	[tilespmem:$0x19300] =	vst v63  }
.LBB2_38:
0xe5: {  	p0 =	seq.s32 s10, $0x7C  }
.Ltmp31:
0xe6: {  	_ = 	snop;
	(pc) =	sbr.rel @p0 .LBB2_40-.Ltmp31, $1  }
0xe7: {  	_ =	sdelay $0x3  }
.LBB2_39:
0xe8: {  	_ =	swait.ge [sflag:s23], $0x100  }
0xe9: {  	[sflag:s23] =	ssyncset.done $0x0  }
0xea: {  	[sflag:s23] =	ssyncadd.s32 $0xFFFFFF00  }
0xeb: {  	[tilespmem:s19], [sflag:$0x1] =	stream.indirect.gather [hbm4b:s4+s24], $0x80, s3, s24, $0xb8;
	[tilespmem:$0x19300] =	vst v63  }
.LBB2_40:
.Ltmp32:
0xec: {  	(pc) =	sbr.rel .LBB2_41-.Ltmp32, $2  }
0xed: {  	_ =	sdelay $0x2  }
0xee: {  	[spmem:s1] =	stream.indirect.scatter.add.f32 [tilespmem:s28], [sflag:$0x4], $0x80, s7, s24, $0xb8;
	[tilespmem:$0x19300] =	vst v63  }
.LBB2_16:
0xef: {  	p0 =	seq.s32 s10, $0x7C  }
.Ltmp33:
0xf0: {  	_ = 	snop;
	(pc) =	sbr.rel @p0 .LBB2_18-.Ltmp33, $1  }
0xf1: {  	_ =	sdelay $0x3  }
.LBB2_17:
0xf2: {  	_ =	swait.ge [sflag:s26], $0x100  }
0xf3: {  	[sflag:s26] =	ssyncset.done $0x0  }
0xf4: {  	[sflag:s26] =	ssyncadd.s32 $0xFFFFFF00  }
0xf5: {  	[tilespmem:s28], [sflag:$0x2] =	stream.indirect.gather [hbm4b:s4+s24], $0x80, s21, s24, $0xb8;
	[tilespmem:$0x19300] =	vst v63  }
.LBB2_18:
.Ltmp34:
0xf6: {  	(pc) =	sbr.rel .LBB2_41-.Ltmp34, $2  }
0xf7: {  	_ =	sdelay $0x2  }
0xf8: {  	[spmem:s1] =	stream.indirect.scatter.add.f32 [tilespmem:s19], [sflag:$0x3], $0x80, s29, s24, $0xb8;
	[tilespmem:$0x19300] =	vst v63  }
.LBB2_30:
0xf9: {  	_ =	swait.ge [sflag:s26], $0x100  }
.Ltmp35:
0xfa: {  	[sflag:s26] =	ssyncset.done $0x0;
	(pc) =	sbr.rel .LBB2_41-.Ltmp35, $4  }
0xfb: {  	[sflag:s26] =	ssyncadd.s32 $0xFFFFFF00  }
0xfc: {  	[tilespmem:s19], [sflag:$0x1] =	stream.indirect.gather [hbm4b:s4+s24], $0x80, s21, s24, $0xb8;
	[tilespmem:$0x19300] =	vst v63  }
0xfd: {  	_ = 	snop  }
0xfe: {  	[spmem:s1] =	stream.indirect.scatter.add.f32 [tilespmem:s28], [sflag:$0x4], $0x80, s29, s24, $0xb8;
	[tilespmem:$0x19300] =	vst v63  }
.LBB2_20:
0xff: {  	_ =	swait.ge [sflag:s2], $0x100  }
.Ltmp36:
0x100: {  	[sflag:s2] =	ssyncset.done $0x0;
	(pc) =	sbr.rel .LBB2_41-.Ltmp36, $4  }
0x101: {  	[sflag:s2] =	ssyncadd.s32 $0xFFFFFF00  }
0x102: {  	[tilespmem:s19], [sflag:$0x1] =	stream.indirect.gather [hbm4b:s4+s24], $0x80, s22, s24, $0xb8;
	[tilespmem:$0x19300] =	vst v63  }
0x103: {  	_ = 	snop  }
0x104: {  	[spmem:s1] =	stream.indirect.scatter.add.f32 [tilespmem:s28], [sflag:$0x4], $0x80, s6, s24, $0xb8;
	[tilespmem:$0x19300] =	vst v63  }
.LBB2_25:
0x105: {  	_ =	swait.ge [sflag:s23], $0x100  }
.Ltmp37:
0x106: {  	[sflag:s23] =	ssyncset.done $0x0;
	(pc) =	sbr.rel .LBB2_41-.Ltmp37, $4  }
0x107: {  	[sflag:s23] =	ssyncadd.s32 $0xFFFFFF00  }
0x108: {  	[tilespmem:s28], [sflag:$0x2] =	stream.indirect.gather [hbm4b:s4+s24], $0x80, s3, s24, $0xb8;
	[tilespmem:$0x19300] =	vst v63  }
0x109: {  	_ = 	snop  }
0x10a: {  	[spmem:s1] =	stream.indirect.scatter.add.f32 [tilespmem:s19], [sflag:$0x3], $0x80, s7, s24, $0xb8;
	[tilespmem:$0x19300] =	vst v63  }
.LBB2_43:
0x10b: {  	_ =	sfence.sel $0x180000  }
0x10c: {  	[bflag:$0x0] =	sbarrier.arrive $0xFFFF  }
0x10d: {  	_ =	strace $0x9000004D  }
0x10e: {  	s0 =	stileid.u32;
	[bflag:$0x2] =	sbarrier.arrive $0xFFFF  }
0x10f: {  	p0 =	sne.s32 s0, $0x0;
	s0 =	rddreg [dreg:$0x2]  }
0x110: {  	s0 =	sadd.s32 @!p0 $0x100000, s0  }
0x111: {  	[sflag:s0] =	ssyncadd.tile.s32 @!p0 $0x1;
	_ =	shalt  }
.Lfunc_end2:
_tile_overlayer_lowered:
.L_overlay_start_2:
0x112: {  	(tag) =	ssettag $0x2  }
0x113: {  	s0 =	rddreg [dreg:$0x0];
	s2 =	stileid.u32  }
0x114: {  	s1 =	rddreg [dreg:$0x1];
	p0 =	sne.s32 s2, $0x0  }
0x115: {  	s3 =	rddreg [dreg:$0x2];
	[bflag:$0x3] =	sbarrier.arrive $0xFFFF;
	s2 =	simm.s32 @!p0 $0x1C08  }
0x116: {  	[timem:s3], [sflag:s2] =	dma.local @!p0 [hbm:s0], s1  }
0x117: {  	s0 =	simm.s32 @!p0 $0x8  }
0x118: {  	_ =	swait.ge @!p0 [sflag:s0], s1  }
0x119: {  	s1 =	ssub.s32 @!p0 $0x0, s1;
	[sflag:s0] =	ssyncset.done @!p0 $0x0  }
0x11a: {  	[sflag:s0] =	ssyncadd.s32 @!p0 s1  }
0x11b: {  	[bflag:$0x3] =	sbarrier.arrive $0xFFFF  }
0x11c: {  	_ =	shalt  }

// kernel: kernel.21.cloned.1.call-start
scs
__scs_entry_jumppad:
0x0: {  	(pc) =	sbr.rel $0x88, $3  }
0x1: {  	(tag) =	ssettag $0x0;
	lr =	simm.s32 $0x1  }
0x2: {  	[smem:$0x3F9B] =	sst lr;
	_ =	strace $0xD0000000  }
0x3: {  	_ = 	snop  }
0x4: {  	_ = 	snop  }
0x5: {  	_ = 	snop  }
0x6: {  	_ = 	snop  }
0x7: {  	_ = 	snop  }
__scs_overlays_trampoline_lowered:
0x8: {  	[smem:$0x3FAA] =	sst s0  }
0x9: {  	[smem:$0x3FAB] =	sst s1  }
0xa: {  	[smem:$0x3FAC] =	sst s2  }
0xb: {  	[smem:$0x3FAD] =	sst s3  }
0xc: {  	[smem:$0x3FAE] =	sst s4  }
0xd: {  	[smem:$0x3FAF] =	sst s5  }
0xe: {  	[smem:$0x3FB0] =	sst s6  }
0xf: {  	[smem:$0x3FB1] =	sst s7  }
0x10: {  	[smem:$0x3FB2] =	sst s8  }
0x11: {  	[smem:$0x3FB3] =	sst s9;
	s0 =	simm.s32 @!p0 $0x0  }
0x12: {  	s1 =	sld [smem:$0x3F99];
	s0 =	simm.s32 @p0 $0x1  }
0x13: {  	[smem:$0x3FB4] =	sst s0;
	s0 =	simm.s32 @!p1 $0x0  }
0x14: {  	s2 =	sld [smem:$0x3F98];
	s0 =	simm.s32 @p1 $0x1  }
0x15: {  	[smem:$0x3FB5] =	sst s0;
	s0 =	simm.s32 @!p2 $0x0  }
0x16: {  	s3 =	sld [smem:$0x3FDB];
	s0 =	simm.s32 @p2 $0x1  }
0x17: {  	s4 =	simm.s32 $0x1BF5;
	[smem:$0x3FB7] =	sst s0  }
0x18: {  	s0 =	sld [smem:$0x3F9A];
	_ =	swait.ge [sflag:s4], $0x0  }
0x19: {  	s7 =	sld [smem:$0x3F9B]  }
0x1a: {  	s8 =	sadd.s32 $0xFFFFE003, lr  }
0x1b: {  	s9 =	sadd.s32 $0xFFFFFEF7, lr;
	s5 =	simm.s32 $0xFFFFFFFF;
	p2 =	slt.u32 s8, $0xFFFFF086  }
0x1c: {  	p1 =	slt.u32 s9, $0xF7A;
	s5 =	simm.s32 @!p2 $0x0  }
0x1d: {  	s5 =	simm.s32 @p1 $0x1;
	p0 =	seq.s32 s7, s2  }
0x1e: {  	s7 =	smul.u32 @!p0 $0xF7A, s2;
	p2 =	seq.s32 @!p0 s5, $0x0  }
0x1f: {  	s9 =	smul.u32 $0xF7A, s1;
	s8 =	simm.s32 @!p0 $0x1BF5;
	p2 =	por !p2, p0  }
0x20: {  	[sflag:s8] =	ssyncset.s32 @!p0 $0xFFFFF086;
	s6 =	sadd.s32 @!p0 s3, s7;
	s7 =	simm.s32 @!p0 $0x108  }
0x21: {  	s3 =	sadd.s32 s3, s9;
	s6 =	sadd.s32 @!p0 $0x88, s6;
	s7 =	simm.s32 @p2 $0x1082  }
0x22: {  	[simem:s7], [sflag:s8] =	dma.local @!p0 [hbm:s6], $0xF7A  }
0x23: {  	s9 =	sor.u32 $0xD0000000, s2;
	s6 =	simm.s32 $0x108;
	_ =	swait.ge @!p0 [sflag:s8], $0x0  }
0x24: {  	s3 =	sadd.s32 $0x88, s3;
	s6 =	simm.s32 @!p1 $0x1082;
	[sflag:s4] =	ssyncset.s32 $0xFFFFF086  }
0x25: {  	[simem:s6], [sflag:s4] =	dma.local [hbm:s3], $0xF7A  }
0x26: {  	[smem:$0x3F9B] =	sst s1;
	(tag) =	ssettag s2;
	_ =	strace s9  }
0x27: {  	s1 =	sld [smem:$0x3FAB]  }
0x28: {  	s2 =	sld [smem:$0x3FAC]  }
0x29: {  	s4 =	sld [smem:$0x3FAE]  }
0x2a: {  	p0 =	seq.s32 s5, $0x0;
	s5 =	sld [smem:$0x3FAF]  }
0x2b: {  	s6 =	sld [smem:$0x3FB0]  }
0x2c: {  	s7 =	sld [smem:$0x3FB1]  }
0x2d: {  	s3 =	simm.s32 $0x108;
	s8 =	sld [smem:$0x3FB2]  }
0x2e: {  	s3 =	simm.s32 @!p0 $0x1082;
	s9 =	sld [smem:$0x3FB3]  }
0x2f: {  	lr =	sadd.s32 s0, s3;
	s0 =	sld [smem:$0x3FAA]  }
0x30: {  	s3 =	sld [smem:$0x3FAD]  }
0x31: {  	[smem:$0x3FB6] =	sst s10  }
0x32: {  	s10 =	sld [smem:$0x3FB4];
	_ =	sdelay $0x3  }
0x33: {  	p0 =	seq.s32 s10, $0x1;
	s10 =	sld [smem:$0x3FB6];
	_ =	sdelay $0x3  }
0x34: {  	[smem:$0x3FB6] =	sst s10  }
0x35: {  	s10 =	sld [smem:$0x3FB5];
	_ =	sdelay $0x3  }
0x36: {  	p1 =	seq.s32 s10, $0x1;
	s10 =	sld [smem:$0x3FB6];
	_ =	sdelay $0x3  }
0x37: {  	[smem:$0x3FB6] =	sst s10  }
0x38: {  	s10 =	sld [smem:$0x3FB7]  }
0x39: {  	_ = 	snop;
	(pc) =	sbr.ind lr, $3  }
0x3a: {  	_ = 	snop  }
0x3b: {  	_ = 	snop  }
0x3c: {  	p2 =	seq.s32 s10, $0x1;
	s10 =	sld [smem:$0x3FB6]  }
0x3d: {  	_ =	shalt  }
0x3e: {  	_ =	shalt  }
0x3f: {  	_ =	shalt  }
0x40: {  	_ =	shalt  }
0x41: {  	_ =	shalt  }
0x42: {  	_ =	shalt  }
0x43: {  	_ =	shalt  }
0x44: {  	_ =	shalt  }
0x45: {  	_ =	shalt  }
0x46: {  	_ =	shalt  }
0x47: {  	_ =	shalt  }
0x48: {  	_ =	shalt  }
0x49: {  	_ =	shalt  }
0x4a: {  	_ =	shalt  }
0x4b: {  	_ =	shalt  }
0x4c: {  	_ =	shalt  }
0x4d: {  	_ =	shalt  }
0x4e: {  	_ =	shalt  }
0x4f: {  	_ =	shalt  }
0x50: {  	_ =	shalt  }
0x51: {  	_ =	shalt  }
0x52: {  	_ =	shalt  }
0x53: {  	_ =	shalt  }
0x54: {  	_ =	shalt  }
0x55: {  	_ =	shalt  }
0x56: {  	_ =	shalt  }
0x57: {  	_ =	shalt  }
0x58: {  	_ =	shalt  }
0x59: {  	_ =	shalt  }
0x5a: {  	_ =	shalt  }
0x5b: {  	_ =	shalt  }
0x5c: {  	_ =	shalt  }
0x5d: {  	_ =	shalt  }
0x5e: {  	_ =	shalt  }
0x5f: {  	_ =	shalt  }
0x60: {  	_ =	shalt  }
0x61: {  	_ =	shalt  }
0x62: {  	_ =	shalt  }
0x63: {  	_ =	shalt  }
0x64: {  	_ =	shalt  }
0x65: {  	_ =	shalt  }
0x66: {  	_ =	shalt  }
0x67: {  	_ =	shalt  }
0x68: {  	_ =	shalt  }
0x69: {  	_ =	shalt  }
0x6a: {  	_ =	shalt  }
0x6b: {  	_ =	shalt  }
0x6c: {  	_ =	shalt  }
0x6d: {  	_ =	shalt  }
0x6e: {  	_ =	shalt  }
0x6f: {  	_ =	shalt  }
0x70: {  	_ =	shalt  }
0x71: {  	_ =	shalt  }
0x72: {  	_ =	shalt  }
0x73: {  	_ =	shalt  }
0x74: {  	_ =	shalt  }
0x75: {  	_ =	shalt  }
0x76: {  	_ =	shalt  }
0x77: {  	_ =	shalt  }
0x78: {  	_ =	shalt  }
0x79: {  	_ =	shalt  }
0x7a: {  	_ =	shalt  }
0x7b: {  	_ =	shalt  }
0x7c: {  	_ =	shalt  }
0x7d: {  	_ =	shalt  }
0x7e: {  	_ =	shalt  }
0x7f: {  	_ =	shalt  }
0x80: {  	_ =	shalt  }
0x81: {  	_ =	shalt  }
0x82: {  	_ =	shalt  }
0x83: {  	_ =	shalt  }
0x84: {  	_ =	shalt  }
0x85: {  	_ =	shalt  }
0x86: {  	_ =	shalt  }
0x87: {  	_ =	shalt  }
.Lfunc_end0:
.L_simem_size_0:
called_computation.3_lowered:
.L_overlay_start_0:
0x88: {  	s2 =	sld [smem:$0x3FD9]  }
0x89: {  	s3 =	sld [smem:$0x3FFE];
	_ =	sdelay $0x1  }
0x8a: {  	s1 =	srdreg.scid  }
0x8b: {  	s0 =	sand.u32 $0x1, s1  }
0x8c: {  	s16 =	sshll.u32 s0, $0xA;
	s2 =	sadd.s32 s3, s2  }
0x8d: {  	s2 =	sadd.s32 s2, s16  }
0x8e: {  	[smem:$0x3FC2] =	sst s2  }
0x8f: {  	_ = 	snop  }
0x90: {  	(tm) =	ssettm $0x1  }
0x91: {  	s17 =	sld [smem:$0x3FFB];
	_ =	sdelay $0x3  }
0x92: {  	_ =	strace s17  }
0x93: {  	s2 =	sld [smem:$0x3FFC];
	_ =	sdelay $0x3  }
0x94: {  	_ =	strace s2  }
0x95: {  	s2 =	sld [smem:$0x3FFD];
	_ =	sdelay $0x3  }
0x96: {  	_ =	strace s2  }
0x97: {  	_ =	strace $0x8FFFFFFF  }
0x98: {  	s18 =	sld [smem:$0x3FDB];
	_ =	sdelay $0x1  }
0x99: {  	s19 =	simm.s32 $_scs_section_size  }
0x9a: {  	s4 =	simm.s32 $_size__tile_overlayer_lowered;
	s5 =	simm.s32 $_tile_overlayer_lowered  }
0x9b: {  	s22 =	simm.s32 $0x1BFF;
	s21 =	sshll.u32 s5, $0x1;
	s2 =	sadd.s32 s19, s18  }
0x9c: {  	s6 =	simm.s32 $0x0;
	s20 =	sshll.u32 s4, $0x1;
	s4 =	sadd.s32 s21, s2  }
0x9d: {  	[timem:s6], [sflag:s22] =	dma.local [hbm:s4], s20  }
0x9e: {  	_ =	swait.ge [sflag:s22], s20  }
0x9f: {  	s3 =	ssub.s32 $0x0, s20;
	[sflag:s22] =	ssyncset.done $0x0  }
0xa0: {  	[sflag:s22] =	ssyncadd.s32 s3;
	_ =	sdelay $0x1  }
0xa1: {  	s23 =	simm.s32 $0x1B8B  }
0xa2: {  	_ =	swait.ge [sflag:s23], $0x1  }
0xa3: {  	[sflag:s23] =	ssyncset.done $0x0  }
0xa4: {  	s25 =	simm.s32 $0x1B8E;
	s24 =	sld [smem:$0x3FFE];
	[sflag:s23] =	ssyncadd.s32 $0xFFFFFFFF  }
0xa5: {  	s26 =	simm.s32 $execute0_lowered;
	[smem:$0x3FD2] =	sst s25  }
0xa6: {  	s4 =	sshll.u32 s26, $0x1;
	_ =	strace $0x8000004F;
	[dreg:$0x1] =	wrdreg $0xFFFFFFFF  }
0xa7: {  	s28 =	simm.s32 $_size_execute0_lowered;
	s2 =	sadd.s32 s2, s4;
	[dreg:$0x0] =	wrdreg $0x0  }
0xa8: {  	s4 =	sshll.u32 s28, $0x1;
	[dreg:$0x2] =	wrdreg s2  }
0xa9: {  	[dreg:$0x3] =	wrdreg s4  }
0xaa: {  	[dreg:$0x4] =	wrdreg $0xC0  }
0xab: {  	_ =	task [dreg:s6], $0x5FFFF  }
0xac: {  	[dreg:$0x1] =	wrdreg $0xFFFFFFFF  }
0xad: {  	[dreg:$0x0] =	wrdreg $0x60  }
0xae: {  	[dreg:$0x2] =	wrdreg s24  }
0xaf: {  	[dreg:$0x3] =	wrdreg $0x53000  }
0xb0: {  	[dreg:$0x4] =	wrdreg $0x9  }
0xb1: {  	_ =	task.clear_ibuf [dreg:s6], $0x5FFFF;
	_ =	strace $0x9000004F  }
0xb2: {  	s29 =	simm.s32 $0x9;
	_ =	strace $0x80000051  }
0xb3: {  	_ =	swait.ge [sflag:s29], $0x1  }
0xb4: {  	[sflag:s29] =	ssyncadd.s32 $0xFFFFFFFF  }
0xb5: {  	_ =	strace $0x90000051  }
0xb6: {  	_ =	sfence  }
0xb7: {  	s30 =	sld [smem:$0x0];
	_ =	sdelay $0x2  }
0xb8: {  	s31 =	sshll.u32 s1, $0xD;
	s1 =	sshrl.u32 s1, $0x2  }
0xb9: {  	s3 =	sand.u32 $0x4000, s31;
	s1 =	sadd.s32 s1, s30  }
0xba: {  	s0 =	sor.u32 s3, s0;
	s1 =	sshll.u32 s1, $0x11  }
0xbb: {  	s0 =	sor.u32 s1, s0  }
0xbc: {  	s0 =	sadd.s32 $0x8F2B, s0  }
0xbd: {  	[sflag:s0] =	ssyncadd.remote.s32 $0x1  }
0xbe: {  	_ =	sfence.sel $0xFFFF  }
0xbf: {  	[dreg:$0x0] =	wrdreg $0xFFFFFFFF;
	(pc) =	sbr.abs _section_cstart, $3  }
0xc0: {  	[dreg:$0x1] =	wrdreg $0xFFFFFFFF  }
0xc1: {  	_ =	task.clear_ibuf [dreg:s6], $0x2FFFF;
	_ =	strace $0x9FFFFFFF  }
0xc2: {  	(tm) =	ssettm $0x7FFFFFFF  }
0xc3: {  	_ =	shalt  }
tec
execute0_lowered:
.L_overlay_start_1:
0x0: {  	(tag) =	ssettag $0x1  }
0x1: {  	s0 =	rddreg [dreg:$0x0]  }
0x2: {  	s1 =	rddreg [dreg:$0x1];
	s2 =	srdreg.scid;
	s3 =	simm.s32 $0x0  }
0x3: {  	s11 =	stileid.u32;
	s28 =	simm.s32 $0x2B00;
	s29 =	simm.s32 $0x80  }
0x4: {  	s30 =	simm.s32 $0x4;
	s31 =	simm.s32 $0x2;
	s6 =	smul.u32 $0x14000, s11  }
0x5: {  	s2 =	sand.u32 $0x1, s2;
	[smem:$0x7FF] =	sst s3;
	s10 =	smul.u32 $0x50000, s11  }
0x6: {  	s4 =	sshll.u32 s11, $0x1;
	s19 =	sadd.s32 $0x54E00, s0;
	s21 =	smul.u32 $0xFA00, s11  }
0x7: {  	s5 =	smul.u32 $0x140000, s2;
	_ =	strace $0x80000050;
	s7 =	sor.u32 s2, s4  }
0x8: {  	s4 =	sadd.s32 $0x74200, s0;
	s8 =	ssub.s32 $0x2, s2;
	s2 =	smul.u32 $0x7D00, s2  }
0x9: {  	s18 =	smul.u32 $0x7D00, s7;
	s9 =	sshrl.u32 s8, $0x1;
	s20 =	sshrl.u32 s10, $0x2  }
0xa: {  	s7 =	simm.s32 $0x280;
	s5 =	sadd.s32 s6, s5;
	s9 =	ssub.s32 s8, s9  }
0xb: {  	s8 =	sadd.s32 s20, s1;
	s26 =	sadd.s32 s2, s21;
	s20 =	simm.s32 $0x8  }
0xc: {  	s21 =	simm.s32 $0x100;
	s2 =	simm.s32 $0x7;
	s5 =	sshrl.u32 s5, $0x3  }
0xd: {  	s6 =	sshrl.u32 s18, $0x3;
	s23 =	smax.u32 s9, $0x1;
	s24 =	sadd.s32 $0x2800, s8  }
0xe: {  	s25 =	sadd.s32 $0x5000, s8;
	s13 =	sadd.s32 $0x7800, s8;
	s14 =	sadd.s32 $0xA000, s8  }
0xf: {  	s15 =	sadd.s32 $0xC800, s8;
	s16 =	sadd.s32 $0xF000, s8;
	[dreg:$0x6] =	wrdreg s23  }
0x10: {  	s17 =	sadd.s32 $0x11800, s8;
	s9 =	simm.s32 $0x0;
	[dreg:$0x7] =	wrdreg s24  }
0x11: {  	s0 =	sadd.s32 s5, s0;
	s5 =	sadd.s32 s19, s6;
	[dreg:$0x8] =	wrdreg s25  }
0x12: {  	s23 =	simm.s32 $0x5;
	s24 =	simm.s32 $0x50;
	s6 =	sadd.s32 $0x20, s5  }
.Ltmp0:
0x13: {  	s22 =	sadd.s32 $0x40, s5;
	[dreg:$0x3] =	wrdreg s6;
	(pc) =	sbr.rel .LBB2_1-.Ltmp0, $4  }
0x14: {  	s25 =	simm.s32 $0x1;
	s0 =	sadd.s32 $0x9B400, s0;
	[dreg:$0x4] =	wrdreg s22  }
0x15: {  	[dreg:$0x5] =	wrdreg s0;
	s0 =	sadd.s32 $0x200, s26;
	s22 =	simm.s32 $0x200  }
0x16: {  	s26 =	simm.s32 $0x6;
	s6 =	simm.s32 $0x180;
	s0 =	sshrl.u32 s0, $0x3  }
0x17: {  	v0 =	vimm.f32 $0.0e+00;
	s11 =	sadd.s32 s0, s19;
	s19 =	simm.s32 $0x300;
	s0 =	simm.s32 $0x3  }
.LBB2_42:
0x18: {  	_ =	swait.ge [sflag:s0], $0x2800  }
0x19: {  	[sflag:s0] =	ssyncset.done $0x0  }
0x1a: {  	s10 =	stileid.u32;
	[sflag:s0] =	ssyncadd.s32 $0xFFFFD800  }
0x1b: {  	s10 =	sshll.u32 s10, $0x6;
	[bflag:$0x0] =	sbarrier.arrive $0xFFFF  }
0x1c: {  	s12 =	sshrl.u32 s8, $0x3;
	s10 =	sor.u32 $0x1C08, s10;
	s18 =	rddreg [dreg:$0x5]  }
0x1d: {  	[hbm:s18], [sflag:s10] =	dma.local [spmem:s12], $0x2800  }
0x1e: {  	_ =	swait.ge [sflag:s20], $0x2800  }
0x1f: {  	s9 =	sadd.s32 $0x1, s9;
	s18 =	rddreg [dreg:$0x6]  }
0x20: {  	p0 =	sne.s32 s9, s18  }
.Ltmp1:
0x21: {  	_ = 	snop;
	(pc) =	sbr.rel @!p0 .LBB2_43-.Ltmp1, $3  }
0x22: {  	_ =	sdelay $0x1  }
0x23: {  	[sflag:s20] =	ssyncset.done $0x0  }
0x24: {  	[sflag:s20] =	ssyncadd.s32 $0xFFFFD800  }
.LBB2_1:
0x25: {  	s10 =	simm.s32 $0x70;
	s18 =	simm.s32 $0x3C0  }
.LBB2_2:
0x26: {  	p0 =	sne.s32 s18, $0x9FC0;
	[tilespmem:s10+$0x300] =	vst v0  }
0x27: {  	[tilespmem:s10+$0x290] =	vst v0  }
0x28: {  	[tilespmem:s10+$0x2A0] =	vst v0  }
.Ltmp2:
0x29: {  	[tilespmem:s10+$0x2B0] =	vst v0;
	(pc) =	sbr.rel @p0 .LBB2_2-.Ltmp2, $4  }
0x2a: {  	[tilespmem:s10+$0x2C0] =	vst v0  }
0x2b: {  	[tilespmem:s10+$0x2D0] =	vst v0  }
0x2c: {  	[tilespmem:s10+$0x2E0] =	vst v0  }
0x2d: {  	[tilespmem:s10+$0x2F0] =	vst v0;
	s10 =	sshra.s32 s18, $0x2;
	s18 =	sadd.s32 $0x200, s18  }
0x2e: {  	[tilespmem:s10+$0x300] =	vst v0  }
0x2f: {  	[tilespmem:s10+$0x290] =	vst v0  }
0x30: {  	[tilespmem:s10+$0x2A0] =	vst v0  }
0x31: {  	[tilespmem:s10+$0x2B0] =	vst v0  }
0x32: {  	[tilespmem:s10+$0x2C0] =	vst v0  }
0x33: {  	[tilespmem:s10+$0x2D0] =	vst v0  }
0x34: {  	[tilespmem:s10+$0x2E0] =	vst v0  }
0x35: {  	[tilespmem:s10+$0x2F0] =	vst v0  }
0x36: {  	[spmem:s8] =	stream.linear.scatter [tilespmem:s19], [sflag:$0x8], $0x2800, $0x38;
	[tilespmem:$0x19300] =	vst v63  }
0x37: {  	_ =	swait.ge [sflag:s20], $0x2800  }
0x38: {  	[sflag:s20] =	ssyncset.done $0x0  }
0x39: {  	s18 =	rddreg [dreg:$0x7];
	[sflag:s20] =	ssyncadd.s32 $0xFFFFD800  }
0x3a: {  	[spmem:s18] =	stream.linear.scatter [tilespmem:s19], [sflag:$0x8], $0x2800, $0x38;
	[tilespmem:$0x19300] =	vst v63  }
0x3b: {  	_ =	swait.ge [sflag:s20], $0x2800  }
0x3c: {  	[sflag:s20] =	ssyncset.done $0x0  }
0x3d: {  	s12 =	rddreg [dreg:$0x8];
	[sflag:s20] =	ssyncadd.s32 $0xFFFFD800  }
0x3e: {  	[spmem:s12] =	stream.linear.scatter [tilespmem:s19], [sflag:$0x8], $0x2800, $0x38;
	[tilespmem:$0x19300] =	vst v63  }
0x3f: {  	_ =	swait.ge [sflag:s20], $0x2800  }
0x40: {  	[sflag:s20] =	ssyncset.done $0x0  }
0x41: {  	[sflag:s20] =	ssyncadd.s32 $0xFFFFD800  }
0x42: {  	[spmem:s13] =	stream.linear.scatter [tilespmem:s19], [sflag:$0x8], $0x2800, $0x38;
	[tilespmem:$0x19300] =	vst v63  }
0x43: {  	_ =	swait.ge [sflag:s20], $0x2800  }
0x44: {  	[sflag:s20] =	ssyncset.done $0x0  }
0x45: {  	[sflag:s20] =	ssyncadd.s32 $0xFFFFD800  }
0x46: {  	[spmem:s14] =	stream.linear.scatter [tilespmem:s19], [sflag:$0x8], $0x2800, $0x38;
	[tilespmem:$0x19300] =	vst v63  }
0x47: {  	_ =	swait.ge [sflag:s20], $0x2800  }
0x48: {  	[sflag:s20] =	ssyncset.done $0x0  }
0x49: {  	[sflag:s20] =	ssyncadd.s32 $0xFFFFD800  }
0x4a: {  	[spmem:s15] =	stream.linear.scatter [tilespmem:s19], [sflag:$0x8], $0x2800, $0x38;
	[tilespmem:$0x19300] =	vst v63  }
0x4b: {  	_ =	swait.ge [sflag:s20], $0x2800  }
0x4c: {  	[sflag:s20] =	ssyncset.done $0x0  }
0x4d: {  	[sflag:s20] =	ssyncadd.s32 $0xFFFFD800  }
0x4e: {  	[spmem:s16] =	stream.linear.scatter [tilespmem:s19], [sflag:$0x8], $0x2800, $0x38;
	[tilespmem:$0x19300] =	vst v63  }
0x4f: {  	_ =	swait.ge [sflag:s20], $0x2800  }
0x50: {  	[sflag:s20] =	ssyncset.done $0x0  }
0x51: {  	[sflag:s20] =	ssyncadd.s32 $0xFFFFD800  }
0x52: {  	[spmem:s17] =	stream.linear.scatter [tilespmem:s19], [sflag:$0x8], $0x2800, $0x38;
	[tilespmem:$0x19300] =	vst v63  }
0x53: {  	_ =	swait.ge [sflag:s20], $0x2800  }
0x54: {  	[sflag:s20] =	ssyncset.done $0x0  }
0x55: {  	[sflag:s20] =	ssyncadd.s32 $0xFFFFD800  }
0x56: {  	s10 =	simm.s32 $0x0;
	[bflag:$0x0] =	sbarrier.arrive $0xFFFF  }
0x57: {  	[tilespmem:s10], [sflag:$0x5] =	stream.linear.gather [hbm4b:s5+s10], $0x100, $0x38;
	[tilespmem:$0x19300] =	vst v63  }
0x58: {  	s12 =	rddreg [dreg:$0x3]  }
0x59: {  	[tilespmem:s21], [sflag:$0x6] =	stream.linear.gather [hbm4b:s12+s10], $0x100, $0x38;
	[tilespmem:$0x19300] =	vst v63  }
0x5a: {  	s18 =	rddreg [dreg:$0x4]  }
0x5b: {  	[tilespmem:s22], [sflag:$0x7] =	stream.linear.gather [hbm4b:s18+s10], $0x100, $0x38;
	[tilespmem:$0x19300] =	vst v63  }
.Ltmp3:
0x5c: {  	_ = 	snop;
	(pc) =	sbr.rel .LBB2_4-.Ltmp3, $4  }
0x5d: {  	_ =	swait.ge [sflag:s23], $0x100  }
0x5e: {  	[sflag:s23] =	ssyncset.done $0x0  }
0x5f: {  	s18 =	smov.u32 s11;
	[sflag:s23] =	ssyncadd.s32 $0xFFFFFF00  }
0x60: {  	[tilespmem:s19], [sflag:$0x1] =	stream.indirect.gather [hbm4b:s4+s24], $0x80, s10, s24, $0xb8;
	[tilespmem:$0x19300] =	vst v63  }
.LBB2_28:
0x61: {  	[tilespmem:s22], [sflag:$0x7] =	stream.linear.gather [hbm4b:s18+s3], $0x100, $0x38;
	[tilespmem:$0x19300] =	vst v63  }
0x62: {  	_ =	swait.ge [sflag:s26], $0x100  }
0x63: {  	[sflag:s26] =	ssyncset.done $0x0  }
0x64: {  	[sflag:s26] =	ssyncadd.s32 $0xFFFFFF00  }
0x65: {  	[tilespmem:s19], [sflag:$0x1] =	stream.indirect.gather [hbm4b:s4+s24], $0x80, s21, s24, $0xb8;
	[tilespmem:$0x19300] =	vst v63  }
0x66: {  	_ = 	snop  }
0x67: {  	[spmem:s1] =	stream.indirect.scatter.add.f32 [tilespmem:s28], [sflag:$0x4], $0x80, s29, s24, $0xb8;
	[tilespmem:$0x19300] =	vst v63  }
.LBB2_41:
0x68: {  	s10 =	sadd.s32 $0x1, s10  }
0x69: {  	p0 =	sne.s32 s10, $0x7D  }
.Ltmp4:
0x6a: {  	_ = 	snop;
	(pc) =	sbr.rel @!p0 .LBB2_42-.Ltmp4, $2  }
0x6b: {  	_ =	sdelay $0x2  }
0x6c: {  	s18 =	sadd.s32 $0x20, s18  }
.LBB2_4:
0x6d: {  	s12 =	smul.u32 $0xAB, s10;
	_ =	sdelay $0x1  }
0x6e: {  	s12 =	sshrl.u32 s12, $0xA  }
0x6f: {  	s12 =	sand.u32 $0x3F, s12  }
0x70: {  	s12 =	smul.u32 $0x6, s12;
	_ =	sdelay $0x1  }
0x71: {  	s12 =	ssub.s32 s10, s12  }
0x72: {  	s12 =	sand.u32 $0xFF, s12  }
0x73: {  	p0 =	sgt.s32 s12, $0x2  }
.Ltmp5:
0x74: {  	_ = 	snop;
	(pc) =	sbr.rel @p0 .LBB2_9-.Ltmp5, $1  }
0x75: {  	_ =	sdelay $0x3  }
0x76: {  	p0 =	seq.s32 s12, $0x0  }
.Ltmp6:
0x77: {  	_ = 	snop;
	(pc) =	sbr.rel @p0 .LBB2_13-.Ltmp6, $1  }
0x78: {  	_ =	sdelay $0x3  }
0x79: {  	p0 =	seq.s32 s12, $0x1  }
.Ltmp7:
0x7a: {  	_ = 	snop;
	(pc) =	sbr.rel @!p0 .LBB2_22-.Ltmp7, $1  }
0x7b: {  	_ =	sdelay $0x3  }
0x7c: {  	_ =	swait.ge [sflag:s31], $0x2800;
	p0 =	sgt.u32 s10, $0x7A  }
.Ltmp8:
0x7d: {  	[sflag:s31] =	ssyncset.done $0x0;
	(pc) =	sbr.rel @p0 .LBB2_19-.Ltmp8, $4  }
0x7e: {  	[sflag:s31] =	ssyncadd.s32 $0xFFFFD800  }
0x7f: {  	_ =	swait.ge [sflag:s0], $0x2800  }
0x80: {  	[sflag:s0] =	ssyncset.done $0x0  }
0x81: {  	[sflag:s0] =	ssyncadd.s32 $0xFFFFD800  }
0x82: {  	[tilespmem:s3], [sflag:$0x5] =	stream.linear.gather [hbm4b:s18+s3], $0x100, $0x38;
	[tilespmem:$0x19300] =	vst v63  }
0x83: {  	_ =	swait.ge [sflag:s2], $0x100  }
.Ltmp9:
0x84: {  	[sflag:s2] =	ssyncset.done $0x0;
	(pc) =	sbr.rel .LBB2_41-.Ltmp9, $4  }
0x85: {  	[sflag:s2] =	ssyncadd.s32 $0xFFFFFF00  }
0x86: {  	[tilespmem:s19], [sflag:$0x1] =	stream.indirect.gather [hbm4b:s4+s24], $0x80, s22, s24, $0xb8;
	[tilespmem:$0x19300] =	vst v63  }
0x87: {  	_ = 	snop  }
0x88: {  	[spmem:s1] =	stream.indirect.scatter.add.f32 [tilespmem:s28], [sflag:$0x4], $0x80, s6, s24, $0xb8;
	[tilespmem:$0x19300] =	vst v63  }
.LBB2_9:
0x89: {  	p0 =	seq.s32 s12, $0x3  }
.Ltmp10:
0x8a: {  	_ = 	snop;
	(pc) =	sbr.rel @p0 .LBB2_27-.Ltmp10, $1  }
0x8b: {  	_ =	sdelay $0x3  }
0x8c: {  	p0 =	seq.s32 s12, $0x4  }
.Ltmp11:
0x8d: {  	_ = 	snop;
	(pc) =	sbr.rel @!p0 .LBB2_11-.Ltmp11, $1  }
0x8e: {  	_ =	sdelay $0x3  }
.LBB2_32:
0x8f: {  	p0 =	seq.s32 s10, $0x0  }
.Ltmp12:
0x90: {  	_ = 	snop;
	(pc) =	sbr.rel @p0 .LBB2_36-.Ltmp12, $4  }
0x91: {  	_ = 	snop  }
0x92: {  	_ =	swait.ge [sflag:s25], $0x2800  }
0x93: {  	[sflag:s25] =	ssyncset.done $0x0  }
0x94: {  	[sflag:s25] =	ssyncadd.s32 $0xFFFFD800  }
0x95: {  	p0 =	sgt.u32 s10, $0x7A  }
.Ltmp13:
0x96: {  	_ = 	snop;
	(pc) =	sbr.rel @p0 .LBB2_35-.Ltmp13, $4  }
0x97: {  	_ = 	snop  }
0x98: {  	_ =	swait.ge [sflag:s30], $0x2800  }
0x99: {  	[sflag:s30] =	ssyncset.done $0x0  }
0x9a: {  	[sflag:s30] =	ssyncadd.s32 $0xFFFFD800  }
.Ltmp14:
0x9b: {  	(pc) =	sbr.rel .LBB2_36-.Ltmp14, $2  }
0x9c: {  	_ =	sdelay $0x2  }
0x9d: {  	[tilespmem:s3], [sflag:$0x5] =	stream.linear.gather [hbm4b:s18+s3], $0x100, $0x38;
	[tilespmem:$0x19300] =	vst v63  }
.LBB2_13:
0x9e: {  	p0 =	seq.s32 s10, $0x0  }
.Ltmp15:
0x9f: {  	_ = 	snop;
	(pc) =	sbr.rel @p0 .LBB2_17-.Ltmp15, $4  }
0xa0: {  	_ = 	snop  }
0xa1: {  	_ =	swait.ge [sflag:s25], $0x2800  }
0xa2: {  	[sflag:s25] =	ssyncset.done $0x0  }
0xa3: {  	[sflag:s25] =	ssyncadd.s32 $0xFFFFD800  }
0xa4: {  	p0 =	sgt.u32 s10, $0x7A  }
.Ltmp16:
0xa5: {  	_ = 	snop;
	(pc) =	sbr.rel @p0 .LBB2_16-.Ltmp16, $4  }
0xa6: {  	_ = 	snop  }
0xa7: {  	_ =	swait.ge [sflag:s30], $0x2800  }
0xa8: {  	[sflag:s30] =	ssyncset.done $0x0  }
0xa9: {  	[sflag:s30] =	ssyncadd.s32 $0xFFFFD800  }
.Ltmp17:
0xaa: {  	(pc) =	sbr.rel .LBB2_17-.Ltmp17, $2  }
0xab: {  	_ =	sdelay $0x2  }
0xac: {  	[tilespmem:s22], [sflag:$0x7] =	stream.linear.gather [hbm4b:s18+s3], $0x100, $0x38;
	[tilespmem:$0x19300] =	vst v63  }
.LBB2_27:
0xad: {  	_ =	swait.ge [sflag:s31], $0x2800;
	p0 =	sgt.u32 s10, $0x7A  }
.Ltmp18:
0xae: {  	[sflag:s31] =	ssyncset.done $0x0;
	(pc) =	sbr.rel @!p0 .LBB2_28-.Ltmp18, $4  }
0xaf: {  	[sflag:s31] =	ssyncadd.s32 $0xFFFFD800  }
0xb0: {  	_ =	swait.ge [sflag:s0], $0x2800  }
0xb1: {  	[sflag:s0] =	ssyncset.done $0x0  }
0xb2: {  	[sflag:s0] =	ssyncadd.s32 $0xFFFFD800  }
0xb3: {  	p0 =	seq.s32 s10, $0x7C  }
.Ltmp19:
0xb4: {  	_ = 	snop;
	(pc) =	sbr.rel @!p0 .LBB2_30-.Ltmp19, $1  }
0xb5: {  	_ =	sdelay $0x3  }
.Ltmp20:
0xb6: {  	(pc) =	sbr.rel .LBB2_32-.Ltmp20, $2  }
0xb7: {  	_ =	sdelay $0x2  }
0xb8: {  	[spmem:s1] =	stream.indirect.scatter.add.f32 [tilespmem:s28], [sflag:$0x4], $0x80, s29, s24, $0xb8;
	[tilespmem:$0x19300] =	vst v63  }
.LBB2_22:
0xb9: {  	_ =	swait.ge [sflag:s25], $0x2800;
	p0 =	sgt.u32 s10, $0x7A  }
.Ltmp21:
0xba: {  	[sflag:s25] =	ssyncset.done $0x0;
	(pc) =	sbr.rel @p0 .LBB2_24-.Ltmp21, $4  }
0xbb: {  	[sflag:s25] =	ssyncadd.s32 $0xFFFFD800  }
0xbc: {  	_ =	swait.ge [sflag:s30], $0x2800  }
0xbd: {  	[sflag:s30] =	ssyncset.done $0x0  }
0xbe: {  	[sflag:s30] =	ssyncadd.s32 $0xFFFFD800  }
0xbf: {  	[tilespmem:s21], [sflag:$0x6] =	stream.linear.gather [hbm4b:s18+s3], $0x100, $0x38;
	[tilespmem:$0x19300] =	vst v63  }
0xc0: {  	_ =	swait.ge [sflag:s23], $0x100  }
.Ltmp22:
0xc1: {  	[sflag:s23] =	ssyncset.done $0x0;
	(pc) =	sbr.rel .LBB2_41-.Ltmp22, $4  }
0xc2: {  	[sflag:s23] =	ssyncadd.s32 $0xFFFFFF00  }
0xc3: {  	[tilespmem:s28], [sflag:$0x2] =	stream.indirect.gather [hbm4b:s4+s24], $0x80, s3, s24, $0xb8;
	[tilespmem:$0x19300] =	vst v63  }
0xc4: {  	_ = 	snop  }
0xc5: {  	[spmem:s1] =	stream.indirect.scatter.add.f32 [tilespmem:s19], [sflag:$0x3], $0x80, s7, s24, $0xb8;
	[tilespmem:$0x19300] =	vst v63  }
.LBB2_11:
0xc6: {  	_ =	swait.ge [sflag:s31], $0x2800;
	p0 =	sgt.u32 s10, $0x7A  }
.Ltmp23:
0xc7: {  	[sflag:s31] =	ssyncset.done $0x0;
	(pc) =	sbr.rel @p0 .LBB2_38-.Ltmp23, $4  }
0xc8: {  	[sflag:s31] =	ssyncadd.s32 $0xFFFFD800  }
0xc9: {  	_ =	swait.ge [sflag:s0], $0x2800  }
0xca: {  	[sflag:s0] =	ssyncset.done $0x0  }
0xcb: {  	[sflag:s0] =	ssyncadd.s32 $0xFFFFD800  }
.Ltmp24:
0xcc: {  	(pc) =	sbr.rel .LBB2_39-.Ltmp24, $2  }
0xcd: {  	_ =	sdelay $0x2  }
0xce: {  	[tilespmem:s21], [sflag:$0x6] =	stream.linear.gather [hbm4b:s18+s3], $0x100, $0x38;
	[tilespmem:$0x19300] =	vst v63  }
.LBB2_35:
0xcf: {  	p0 =	seq.s32 s10, $0x7C  }
.Ltmp25:
0xd0: {  	_ = 	snop;
	(pc) =	sbr.rel @p0 .LBB2_37-.Ltmp25, $1  }
0xd1: {  	_ =	sdelay $0x3  }
.LBB2_36:
0xd2: {  	_ =	swait.ge [sflag:s2], $0x100  }
0xd3: {  	[sflag:s2] =	ssyncset.done $0x0  }
0xd4: {  	[sflag:s2] =	ssyncadd.s32 $0xFFFFFF00  }
0xd5: {  	[tilespmem:s28], [sflag:$0x2] =	stream.indirect.gather [hbm4b:s4+s24], $0x80, s22, s24, $0xb8;
	[tilespmem:$0x19300] =	vst v63  }
.LBB2_37:
.Ltmp26:
0xd6: {  	(pc) =	sbr.rel .LBB2_41-.Ltmp26, $2  }
0xd7: {  	_ =	sdelay $0x2  }
0xd8: {  	[spmem:s1] =	stream.indirect.scatter.add.f32 [tilespmem:s19], [sflag:$0x3], $0x80, s6, s24, $0xb8;
	[tilespmem:$0x19300] =	vst v63  }
.LBB2_19:
0xd9: {  	p0 =	seq.s32 s10, $0x7C  }
.Ltmp27:
0xda: {  	_ = 	snop;
	(pc) =	sbr.rel @!p0 .LBB2_20-.Ltmp27, $1  }
0xdb: {  	_ =	sdelay $0x3  }
.Ltmp28:
0xdc: {  	(pc) =	sbr.rel .LBB2_32-.Ltmp28, $2  }
0xdd: {  	_ =	sdelay $0x2  }
0xde: {  	[spmem:s1] =	stream.indirect.scatter.add.f32 [tilespmem:s28], [sflag:$0x4], $0x80, s6, s24, $0xb8;
	[tilespmem:$0x19300] =	vst v63  }
.LBB2_24:
0xdf: {  	p0 =	seq.s32 s10, $0x7C  }
.Ltmp29:
0xe0: {  	_ = 	snop;
	(pc) =	sbr.rel @!p0 .LBB2_25-.Ltmp29, $1  }
0xe1: {  	_ =	sdelay $0x3  }
.Ltmp30:
0xe2: {  	(pc) =	sbr.rel .LBB2_32-.Ltmp30, $2  }
0xe3: {  	_ =	sdelay $0x2  }
0xe4: {  	[spmem:s1] =	stream.indirect.scatter.add.f32 [tilespmem:s19], [sflag:$0x3], $0x80, s7, s24, $0xb8;
	[tilespmem:$0x19300] =	vst v63  }
.LBB2_38:
0xe5: {  	p0 =	seq.s32 s10, $0x7C  }
.Ltmp31:
0xe6: {  	_ = 	snop;
	(pc) =	sbr.rel @p0 .LBB2_40-.Ltmp31, $1  }
0xe7: {  	_ =	sdelay $0x3  }
.LBB2_39:
0xe8: {  	_ =	swait.ge [sflag:s23], $0x100  }
0xe9: {  	[sflag:s23] =	ssyncset.done $0x0  }
0xea: {  	[sflag:s23] =	ssyncadd.s32 $0xFFFFFF00  }
0xeb: {  	[tilespmem:s19], [sflag:$0x1] =	stream.indirect.gather [hbm4b:s4+s24], $0x80, s3, s24, $0xb8;
	[tilespmem:$0x19300] =	vst v63  }
.LBB2_40:
.Ltmp32:
0xec: {  	(pc) =	sbr.rel .LBB2_41-.Ltmp32, $2  }
0xed: {  	_ =	sdelay $0x2  }
0xee: {  	[spmem:s1] =	stream.indirect.scatter.add.f32 [tilespmem:s28], [sflag:$0x4], $0x80, s7, s24, $0xb8;
	[tilespmem:$0x19300] =	vst v63  }
.LBB2_16:
0xef: {  	p0 =	seq.s32 s10, $0x7C  }
.Ltmp33:
0xf0: {  	_ = 	snop;
	(pc) =	sbr.rel @p0 .LBB2_18-.Ltmp33, $1  }
0xf1: {  	_ =	sdelay $0x3  }
.LBB2_17:
0xf2: {  	_ =	swait.ge [sflag:s26], $0x100  }
0xf3: {  	[sflag:s26] =	ssyncset.done $0x0  }
0xf4: {  	[sflag:s26] =	ssyncadd.s32 $0xFFFFFF00  }
0xf5: {  	[tilespmem:s28], [sflag:$0x2] =	stream.indirect.gather [hbm4b:s4+s24], $0x80, s21, s24, $0xb8;
	[tilespmem:$0x19300] =	vst v63  }
.LBB2_18:
.Ltmp34:
0xf6: {  	(pc) =	sbr.rel .LBB2_41-.Ltmp34, $2  }
0xf7: {  	_ =	sdelay $0x2  }
0xf8: {  	[spmem:s1] =	stream.indirect.scatter.add.f32 [tilespmem:s19], [sflag:$0x3], $0x80, s29, s24, $0xb8;
	[tilespmem:$0x19300] =	vst v63  }
.LBB2_30:
0xf9: {  	_ =	swait.ge [sflag:s26], $0x100  }
.Ltmp35:
0xfa: {  	[sflag:s26] =	ssyncset.done $0x0;
	(pc) =	sbr.rel .LBB2_41-.Ltmp35, $4  }
0xfb: {  	[sflag:s26] =	ssyncadd.s32 $0xFFFFFF00  }
0xfc: {  	[tilespmem:s19], [sflag:$0x1] =	stream.indirect.gather [hbm4b:s4+s24], $0x80, s21, s24, $0xb8;
	[tilespmem:$0x19300] =	vst v63  }
0xfd: {  	_ = 	snop  }
0xfe: {  	[spmem:s1] =	stream.indirect.scatter.add.f32 [tilespmem:s28], [sflag:$0x4], $0x80, s29, s24, $0xb8;
	[tilespmem:$0x19300] =	vst v63  }
.LBB2_20:
0xff: {  	_ =	swait.ge [sflag:s2], $0x100  }
.Ltmp36:
0x100: {  	[sflag:s2] =	ssyncset.done $0x0;
	(pc) =	sbr.rel .LBB2_41-.Ltmp36, $4  }
0x101: {  	[sflag:s2] =	ssyncadd.s32 $0xFFFFFF00  }
0x102: {  	[tilespmem:s19], [sflag:$0x1] =	stream.indirect.gather [hbm4b:s4+s24], $0x80, s22, s24, $0xb8;
	[tilespmem:$0x19300] =	vst v63  }
0x103: {  	_ = 	snop  }
0x104: {  	[spmem:s1] =	stream.indirect.scatter.add.f32 [tilespmem:s28], [sflag:$0x4], $0x80, s6, s24, $0xb8;
	[tilespmem:$0x19300] =	vst v63  }
.LBB2_25:
0x105: {  	_ =	swait.ge [sflag:s23], $0x100  }
.Ltmp37:
0x106: {  	[sflag:s23] =	ssyncset.done $0x0;
	(pc) =	sbr.rel .LBB2_41-.Ltmp37, $4  }
0x107: {  	[sflag:s23] =	ssyncadd.s32 $0xFFFFFF00  }
0x108: {  	[tilespmem:s28], [sflag:$0x2] =	stream.indirect.gather [hbm4b:s4+s24], $0x80, s3, s24, $0xb8;
	[tilespmem:$0x19300] =	vst v63  }
0x109: {  	_ = 	snop  }
0x10a: {  	[spmem:s1] =	stream.indirect.scatter.add.f32 [tilespmem:s19], [sflag:$0x3], $0x80, s7, s24, $0xb8;
	[tilespmem:$0x19300] =	vst v63  }
.LBB2_43:
0x10b: {  	_ =	sfence.sel $0x180000  }
0x10c: {  	[bflag:$0x0] =	sbarrier.arrive $0xFFFF  }
0x10d: {  	_ =	strace $0x90000050  }
0x10e: {  	s0 =	stileid.u32;
	[bflag:$0x2] =	sbarrier.arrive $0xFFFF  }
0x10f: {  	p0 =	sne.s32 s0, $0x0;
	s0 =	rddreg [dreg:$0x2]  }
0x110: {  	s0 =	sadd.s32 @!p0 $0x100000, s0  }
0x111: {  	[sflag:s0] =	ssyncadd.tile.s32 @!p0 $0x1;
	_ =	shalt  }
.Lfunc_end2:
_tile_overlayer_lowered:
.L_overlay_start_2:
0x112: {  	(tag) =	ssettag $0x2  }
0x113: {  	s0 =	rddreg [dreg:$0x0];
	s2 =	stileid.u32  }
0x114: {  	s1 =	rddreg [dreg:$0x1];
	p0 =	sne.s32 s2, $0x0  }
0x115: {  	s3 =	rddreg [dreg:$0x2];
	[bflag:$0x3] =	sbarrier.arrive $0xFFFF;
	s2 =	simm.s32 @!p0 $0x1C08  }
0x116: {  	[timem:s3], [sflag:s2] =	dma.local @!p0 [hbm:s0], s1  }
0x117: {  	s0 =	simm.s32 @!p0 $0x8  }
0x118: {  	_ =	swait.ge @!p0 [sflag:s0], s1  }
0x119: {  	s1 =	ssub.s32 @!p0 $0x0, s1;
	[sflag:s0] =	ssyncset.done @!p0 $0x0  }
0x11a: {  	[sflag:s0] =	ssyncadd.s32 @!p0 s1  }
0x11b: {  	[bflag:$0x3] =	sbarrier.arrive $0xFFFF  }
0x11c: {  	_ =	shalt  }

// kernel: kernel.24.cloned.1.call-start
scs
__scs_entry_jumppad:
0x0: {  	(pc) =	sbr.rel $0x88, $3  }
0x1: {  	(tag) =	ssettag $0x0;
	lr =	simm.s32 $0x1  }
0x2: {  	[smem:$0x3F9B] =	sst lr;
	_ =	strace $0xD0000000  }
0x3: {  	_ = 	snop  }
0x4: {  	_ = 	snop  }
0x5: {  	_ = 	snop  }
0x6: {  	_ = 	snop  }
0x7: {  	_ = 	snop  }
__scs_overlays_trampoline_lowered:
0x8: {  	[smem:$0x3FAA] =	sst s0  }
0x9: {  	[smem:$0x3FAB] =	sst s1  }
0xa: {  	[smem:$0x3FAC] =	sst s2  }
0xb: {  	[smem:$0x3FAD] =	sst s3  }
0xc: {  	[smem:$0x3FAE] =	sst s4  }
0xd: {  	[smem:$0x3FAF] =	sst s5  }
0xe: {  	[smem:$0x3FB0] =	sst s6  }
0xf: {  	[smem:$0x3FB1] =	sst s7  }
0x10: {  	[smem:$0x3FB2] =	sst s8  }
0x11: {  	[smem:$0x3FB3] =	sst s9;
	s0 =	simm.s32 @!p0 $0x0  }
0x12: {  	s1 =	sld [smem:$0x3F99];
	s0 =	simm.s32 @p0 $0x1  }
0x13: {  	[smem:$0x3FB4] =	sst s0;
	s0 =	simm.s32 @!p1 $0x0  }
0x14: {  	s2 =	sld [smem:$0x3F98];
	s0 =	simm.s32 @p1 $0x1  }
0x15: {  	[smem:$0x3FB5] =	sst s0;
	s0 =	simm.s32 @!p2 $0x0  }
0x16: {  	s3 =	sld [smem:$0x3FDB];
	s0 =	simm.s32 @p2 $0x1  }
0x17: {  	s4 =	simm.s32 $0x1BF5;
	[smem:$0x3FB7] =	sst s0  }
0x18: {  	s0 =	sld [smem:$0x3F9A];
	_ =	swait.ge [sflag:s4], $0x0  }
0x19: {  	s7 =	sld [smem:$0x3F9B]  }
0x1a: {  	s8 =	sadd.s32 $0xFFFFE003, lr  }
0x1b: {  	s9 =	sadd.s32 $0xFFFFFEF7, lr;
	s5 =	simm.s32 $0xFFFFFFFF;
	p2 =	slt.u32 s8, $0xFFFFF086  }
0x1c: {  	p1 =	slt.u32 s9, $0xF7A;
	s5 =	simm.s32 @!p2 $0x0  }
0x1d: {  	s5 =	simm.s32 @p1 $0x1;
	p0 =	seq.s32 s7, s2  }
0x1e: {  	s7 =	smul.u32 @!p0 $0xF7A, s2;
	p2 =	seq.s32 @!p0 s5, $0x0  }
0x1f: {  	s9 =	smul.u32 $0xF7A, s1;
	s8 =	simm.s32 @!p0 $0x1BF5;
	p2 =	por !p2, p0  }
0x20: {  	[sflag:s8] =	ssyncset.s32 @!p0 $0xFFFFF086;
	s6 =	sadd.s32 @!p0 s3, s7;
	s7 =	simm.s32 @!p0 $0x108  }
0x21: {  	s3 =	sadd.s32 s3, s9;
	s6 =	sadd.s32 @!p0 $0x88, s6;
	s7 =	simm.s32 @p2 $0x1082  }
0x22: {  	[simem:s7], [sflag:s8] =	dma.local @!p0 [hbm:s6], $0xF7A  }
0x23: {  	s9 =	sor.u32 $0xD0000000, s2;
	s6 =	simm.s32 $0x108;
	_ =	swait.ge @!p0 [sflag:s8], $0x0  }
0x24: {  	s3 =	sadd.s32 $0x88, s3;
	s6 =	simm.s32 @!p1 $0x1082;
	[sflag:s4] =	ssyncset.s32 $0xFFFFF086  }
0x25: {  	[simem:s6], [sflag:s4] =	dma.local [hbm:s3], $0xF7A  }
0x26: {  	[smem:$0x3F9B] =	sst s1;
	(tag) =	ssettag s2;
	_ =	strace s9  }
0x27: {  	s1 =	sld [smem:$0x3FAB]  }
0x28: {  	s2 =	sld [smem:$0x3FAC]  }
0x29: {  	s4 =	sld [smem:$0x3FAE]  }
0x2a: {  	p0 =	seq.s32 s5, $0x0;
	s5 =	sld [smem:$0x3FAF]  }
0x2b: {  	s6 =	sld [smem:$0x3FB0]  }
0x2c: {  	s7 =	sld [smem:$0x3FB1]  }
0x2d: {  	s3 =	simm.s32 $0x108;
	s8 =	sld [smem:$0x3FB2]  }
0x2e: {  	s3 =	simm.s32 @!p0 $0x1082;
	s9 =	sld [smem:$0x3FB3]  }
0x2f: {  	lr =	sadd.s32 s0, s3;
	s0 =	sld [smem:$0x3FAA]  }
0x30: {  	s3 =	sld [smem:$0x3FAD]  }
0x31: {  	[smem:$0x3FB6] =	sst s10  }
0x32: {  	s10 =	sld [smem:$0x3FB4];
	_ =	sdelay $0x3  }
0x33: {  	p0 =	seq.s32 s10, $0x1;
	s10 =	sld [smem:$0x3FB6];
	_ =	sdelay $0x3  }
0x34: {  	[smem:$0x3FB6] =	sst s10  }
0x35: {  	s10 =	sld [smem:$0x3FB5];
	_ =	sdelay $0x3  }
0x36: {  	p1 =	seq.s32 s10, $0x1;
	s10 =	sld [smem:$0x3FB6];
	_ =	sdelay $0x3  }
0x37: {  	[smem:$0x3FB6] =	sst s10  }
0x38: {  	s10 =	sld [smem:$0x3FB7]  }
0x39: {  	_ = 	snop;
	(pc) =	sbr.ind lr, $3  }
0x3a: {  	_ = 	snop  }
0x3b: {  	_ = 	snop  }
0x3c: {  	p2 =	seq.s32 s10, $0x1;
	s10 =	sld [smem:$0x3FB6]  }
0x3d: {  	_ =	shalt  }
0x3e: {  	_ =	shalt  }
0x3f: {  	_ =	shalt  }
0x40: {  	_ =	shalt  }
0x41: {  	_ =	shalt  }
0x42: {  	_ =	shalt  }
0x43: {  	_ =	shalt  }
0x44: {  	_ =	shalt  }
0x45: {  	_ =	shalt  }
0x46: {  	_ =	shalt  }
0x47: {  	_ =	shalt  }
0x48: {  	_ =	shalt  }
0x49: {  	_ =	shalt  }
0x4a: {  	_ =	shalt  }
0x4b: {  	_ =	shalt  }
0x4c: {  	_ =	shalt  }
0x4d: {  	_ =	shalt  }
0x4e: {  	_ =	shalt  }
0x4f: {  	_ =	shalt  }
0x50: {  	_ =	shalt  }
0x51: {  	_ =	shalt  }
0x52: {  	_ =	shalt  }
0x53: {  	_ =	shalt  }
0x54: {  	_ =	shalt  }
0x55: {  	_ =	shalt  }
0x56: {  	_ =	shalt  }
0x57: {  	_ =	shalt  }
0x58: {  	_ =	shalt  }
0x59: {  	_ =	shalt  }
0x5a: {  	_ =	shalt  }
0x5b: {  	_ =	shalt  }
0x5c: {  	_ =	shalt  }
0x5d: {  	_ =	shalt  }
0x5e: {  	_ =	shalt  }
0x5f: {  	_ =	shalt  }
0x60: {  	_ =	shalt  }
0x61: {  	_ =	shalt  }
0x62: {  	_ =	shalt  }
0x63: {  	_ =	shalt  }
0x64: {  	_ =	shalt  }
0x65: {  	_ =	shalt  }
0x66: {  	_ =	shalt  }
0x67: {  	_ =	shalt  }
0x68: {  	_ =	shalt  }
0x69: {  	_ =	shalt  }
0x6a: {  	_ =	shalt  }
0x6b: {  	_ =	shalt  }
0x6c: {  	_ =	shalt  }
0x6d: {  	_ =	shalt  }
0x6e: {  	_ =	shalt  }
0x6f: {  	_ =	shalt  }
0x70: {  	_ =	shalt  }
0x71: {  	_ =	shalt  }
0x72: {  	_ =	shalt  }
0x73: {  	_ =	shalt  }
0x74: {  	_ =	shalt  }
0x75: {  	_ =	shalt  }
0x76: {  	_ =	shalt  }
0x77: {  	_ =	shalt  }
0x78: {  	_ =	shalt  }
0x79: {  	_ =	shalt  }
0x7a: {  	_ =	shalt  }
0x7b: {  	_ =	shalt  }
0x7c: {  	_ =	shalt  }
0x7d: {  	_ =	shalt  }
0x7e: {  	_ =	shalt  }
0x7f: {  	_ =	shalt  }
0x80: {  	_ =	shalt  }
0x81: {  	_ =	shalt  }
0x82: {  	_ =	shalt  }
0x83: {  	_ =	shalt  }
0x84: {  	_ =	shalt  }
0x85: {  	_ =	shalt  }
0x86: {  	_ =	shalt  }
0x87: {  	_ =	shalt  }
.Lfunc_end0:
.L_simem_size_0:
called_computation.4_lowered:
.L_overlay_start_0:
0x88: {  	s2 =	sld [smem:$0x3FD9]  }
0x89: {  	s3 =	sld [smem:$0x3FFE];
	_ =	sdelay $0x1  }
0x8a: {  	s1 =	srdreg.scid  }
0x8b: {  	s0 =	sand.u32 $0x1, s1  }
0x8c: {  	s17 =	sshll.u32 s0, $0xA;
	s2 =	sadd.s32 s3, s2  }
0x8d: {  	s2 =	sadd.s32 s2, s17  }
0x8e: {  	[smem:$0x3FC2] =	sst s2  }
0x8f: {  	_ = 	snop  }
0x90: {  	s2 =	sld [smem:$0x3FD0];
	(tm) =	ssettm $0x1  }
0x91: {  	s18 =	sld [smem:$0x3FFB];
	_ =	sdelay $0x3  }
0x92: {  	_ =	strace s18  }
0x93: {  	s3 =	sld [smem:$0x3FFC];
	_ =	sdelay $0x3  }
0x94: {  	_ =	strace s3  }
0x95: {  	s3 =	sld [smem:$0x3FFD];
	_ =	sdelay $0x3  }
0x96: {  	_ =	strace s3  }
0x97: {  	_ =	strace $0x8FFFFFFF  }
0x98: {  	s19 =	sld [smem:$0x3FDB];
	_ =	sdelay $0x1  }
0x99: {  	s4 =	simm.s32 $_scs_section_size  }
0x9a: {  	s5 =	simm.s32 $_size__tile_overlayer_lowered;
	s6 =	simm.s32 $_tile_overlayer_lowered  }
0x9b: {  	s22 =	simm.s32 $0x1BFF;
	s21 =	sshll.u32 s6, $0x1;
	s3 =	sadd.s32 s4, s19  }
0x9c: {  	s7 =	simm.s32 $0x0;
	s20 =	sshll.u32 s5, $0x1;
	s5 =	sadd.s32 s21, s3  }
0x9d: {  	[timem:s7], [sflag:s22] =	dma.local [hbm:s5], s20  }
0x9e: {  	_ =	swait.ge [sflag:s22], s20  }
0x9f: {  	s4 =	ssub.s32 $0x0, s20;
	[sflag:s22] =	ssyncset.done $0x0  }
0xa0: {  	[sflag:s22] =	ssyncadd.s32 s4;
	_ =	sdelay $0x1  }
0xa1: {  	s23 =	simm.s32 $0x1B8B  }
0xa2: {  	_ =	swait.ge [sflag:s23], $0x1  }
0xa3: {  	[sflag:s23] =	ssyncset.done $0x0  }
0xa4: {  	s25 =	simm.s32 $0x1B8E;
	s24 =	sld [smem:$0x3FFE];
	[sflag:s23] =	ssyncadd.s32 $0xFFFFFFFF  }
0xa5: {  	s26 =	simm.s32 $execute0_lowered;
	[smem:$0x3FD2] =	sst s25  }
0xa6: {  	s5 =	sshll.u32 s26, $0x1;
	_ =	strace $0x80000052;
	[dreg:$0x1] =	wrdreg $0xFFFFFFFF  }
0xa7: {  	s28 =	simm.s32 $_size_execute0_lowered;
	s3 =	sadd.s32 s3, s5;
	[dreg:$0x0] =	wrdreg $0x0  }
0xa8: {  	s5 =	sshll.u32 s28, $0x1;
	[dreg:$0x2] =	wrdreg s3  }
0xa9: {  	[dreg:$0x3] =	wrdreg s5  }
0xaa: {  	[dreg:$0x4] =	wrdreg $0xC0  }
0xab: {  	_ =	task [dreg:s7], $0x5FFFF  }
0xac: {  	[dreg:$0x1] =	wrdreg $0xFFFFFFFF  }
0xad: {  	[dreg:$0x0] =	wrdreg $0x60  }
0xae: {  	[dreg:$0x2] =	wrdreg s2  }
0xaf: {  	[dreg:$0x3] =	wrdreg s24  }
0xb0: {  	[dreg:$0x4] =	wrdreg $0x53000  }
0xb1: {  	[dreg:$0x5] =	wrdreg $0x9  }
0xb2: {  	_ =	task.clear_ibuf [dreg:s7], $0x6FFFF;
	_ =	strace $0x90000052  }
0xb3: {  	s29 =	simm.s32 $0x9;
	_ =	strace $0x80000054  }
0xb4: {  	_ =	swait.ge [sflag:s29], $0x1  }
0xb5: {  	[sflag:s29] =	ssyncadd.s32 $0xFFFFFFFF  }
0xb6: {  	_ =	strace $0x90000054  }
0xb7: {  	_ =	sfence  }
0xb8: {  	s30 =	sld [smem:$0x0];
	_ =	sdelay $0x2  }
0xb9: {  	s31 =	sshll.u32 s1, $0xD;
	s1 =	sshrl.u32 s1, $0x2  }
0xba: {  	s3 =	sand.u32 $0x4000, s31;
	s1 =	sadd.s32 s1, s30  }
0xbb: {  	s0 =	sor.u32 s3, s0;
	s1 =	sshll.u32 s1, $0x11  }
0xbc: {  	s0 =	sor.u32 s1, s0  }
0xbd: {  	s0 =	sadd.s32 $0x8F2B, s0  }
0xbe: {  	[sflag:s0] =	ssyncadd.remote.s32 $0x1  }
0xbf: {  	_ =	sfence.sel $0xFFFF  }
0xc0: {  	[dreg:$0x0] =	wrdreg $0xFFFFFFFF;
	(pc) =	sbr.abs _section_cstart, $3  }
0xc1: {  	[dreg:$0x1] =	wrdreg $0xFFFFFFFF  }
0xc2: {  	_ =	task.clear_ibuf [dreg:s7], $0x2FFFF;
	_ =	strace $0x9FFFFFFF  }
0xc3: {  	(tm) =	ssettm $0x7FFFFFFF  }
tec
execute0_lowered:
.L_overlay_start_1:
0x0: {  	(tag) =	ssettag $0x1  }
0x1: {  	s1 =	rddreg [dreg:$0x0]  }
0x2: {  	s0 =	rddreg [dreg:$0x1]  }
0x3: {  	s3 =	rddreg [dreg:$0x2];
	s2 =	srdreg.scid  }
0x4: {  	s11 =	stileid.u32;
	s4 =	simm.s32 $0x0;
	s28 =	simm.s32 $0x2B00  }
0x5: {  	s29 =	simm.s32 $0x80;
	s30 =	simm.s32 $0x4;
	s6 =	smul.u32 $0x14000, s11  }
0x6: {  	s31 =	simm.s32 $0x2;
	s2 =	sand.u32 $0x1, s2;
	s10 =	smul.u32 $0x50000, s11  }
0x7: {  	s7 =	sshll.u32 s11, $0x1;
	[smem:$0x7FF] =	sst s4;
	s21 =	smul.u32 $0xFA00, s11  }
0x8: {  	s19 =	sadd.s32 $0x54E00, s0;
	s5 =	smul.u32 $0x140000, s2;
	s7 =	sor.u32 s2, s7  }
0x9: {  	_ =	strace $0x80000053;
	s8 =	ssub.s32 $0x2, s2;
	s2 =	smul.u32 $0x7D00, s2  }
0xa: {  	s18 =	smul.u32 $0x7D00, s7;
	s9 =	sshrl.u32 s8, $0x1;
	s20 =	sshrl.u32 s10, $0x2  }
0xb: {  	s7 =	simm.s32 $0x280;
	s5 =	sadd.s32 s6, s5;
	s9 =	ssub.s32 s8, s9  }
0xc: {  	s8 =	sadd.s32 s20, s3;
	s26 =	sadd.s32 s2, s21;
	s20 =	simm.s32 $0x8  }
0xd: {  	s21 =	simm.s32 $0x100;
	s2 =	simm.s32 $0x7;
	s5 =	sshrl.u32 s5, $0x3  }
0xe: {  	s6 =	sshrl.u32 s18, $0x3;
	s23 =	smax.u32 s9, $0x1;
	s24 =	sadd.s32 $0x2800, s8  }
0xf: {  	s25 =	sadd.s32 $0x5000, s8;
	s13 =	sadd.s32 $0x7800, s8;
	s14 =	sadd.s32 $0xA000, s8  }
0x10: {  	s15 =	sadd.s32 $0xC800, s8;
	s16 =	sadd.s32 $0xF000, s8;
	[dreg:$0x7] =	wrdreg s23  }
0x11: {  	s17 =	sadd.s32 $0x11800, s8;
	s9 =	simm.s32 $0x0;
	[dreg:$0x8] =	wrdreg s24  }
0x12: {  	s0 =	sadd.s32 s5, s0;
	s5 =	sadd.s32 s19, s6;
	[dreg:$0x9] =	wrdreg s25  }
0x13: {  	s23 =	simm.s32 $0x5;
	s24 =	simm.s32 $0x50;
	s6 =	sadd.s32 $0x20, s5  }
.Ltmp0:
0x14: {  	s22 =	sadd.s32 $0x40, s5;
	[dreg:$0x4] =	wrdreg s6;
	(pc) =	sbr.rel .LBB2_1-.Ltmp0, $4  }
0x15: {  	s25 =	simm.s32 $0x1;
	s0 =	sadd.s32 $0x74200, s0;
	[dreg:$0x5] =	wrdreg s22  }
0x16: {  	[dreg:$0x6] =	wrdreg s0;
	s0 =	sadd.s32 $0x200, s26;
	s22 =	simm.s32 $0x200  }
0x17: {  	s26 =	simm.s32 $0x6;
	s6 =	simm.s32 $0x180;
	s0 =	sshrl.u32 s0, $0x3  }
0x18: {  	v0 =	vimm.f32 $0.0e+00;
	s11 =	sadd.s32 s0, s19;
	s19 =	simm.s32 $0x300;
	s0 =	simm.s32 $0x3  }
.LBB2_42:
0x19: {  	_ =	swait.ge [sflag:s0], $0x2800  }
0x1a: {  	[sflag:s0] =	ssyncset.done $0x0  }
0x1b: {  	s10 =	stileid.u32;
	[sflag:s0] =	ssyncadd.s32 $0xFFFFD800  }
0x1c: {  	s10 =	sshll.u32 s10, $0x6;
	[bflag:$0x0] =	sbarrier.arrive $0xFFFF  }
0x1d: {  	s12 =	sshrl.u32 s8, $0x3;
	s10 =	sor.u32 $0x1C08, s10;
	s18 =	rddreg [dreg:$0x6]  }
0x1e: {  	[hbm:s18], [sflag:s10] =	dma.local [spmem:s12], $0x2800  }
0x1f: {  	_ =	swait.ge [sflag:s20], $0x2800  }
0x20: {  	s9 =	sadd.s32 $0x1, s9;
	s18 =	rddreg [dreg:$0x7]  }
0x21: {  	p0 =	sne.s32 s9, s18  }
.Ltmp1:
0x22: {  	_ = 	snop;
	(pc) =	sbr.rel @!p0 .LBB2_43-.Ltmp1, $3  }
0x23: {  	_ =	sdelay $0x1  }
0x24: {  	[sflag:s20] =	ssyncset.done $0x0  }
0x25: {  	[sflag:s20] =	ssyncadd.s32 $0xFFFFD800  }
.LBB2_1:
0x26: {  	s10 =	simm.s32 $0x70;
	s18 =	simm.s32 $0x3C0  }
.LBB2_2:
0x27: {  	p0 =	sne.s32 s18, $0x9FC0;
	[tilespmem:s10+$0x300] =	vst v0  }
0x28: {  	[tilespmem:s10+$0x290] =	vst v0  }
0x29: {  	[tilespmem:s10+$0x2A0] =	vst v0  }
.Ltmp2:
0x2a: {  	[tilespmem:s10+$0x2B0] =	vst v0;
	(pc) =	sbr.rel @p0 .LBB2_2-.Ltmp2, $4  }
0x2b: {  	[tilespmem:s10+$0x2C0] =	vst v0  }
0x2c: {  	[tilespmem:s10+$0x2D0] =	vst v0  }
0x2d: {  	[tilespmem:s10+$0x2E0] =	vst v0  }
0x2e: {  	[tilespmem:s10+$0x2F0] =	vst v0;
	s10 =	sshra.s32 s18, $0x2;
	s18 =	sadd.s32 $0x200, s18  }
0x2f: {  	[tilespmem:s10+$0x300] =	vst v0  }
0x30: {  	[tilespmem:s10+$0x290] =	vst v0  }
0x31: {  	[tilespmem:s10+$0x2A0] =	vst v0  }
0x32: {  	[tilespmem:s10+$0x2B0] =	vst v0  }
0x33: {  	[tilespmem:s10+$0x2C0] =	vst v0  }
0x34: {  	[tilespmem:s10+$0x2D0] =	vst v0  }
0x35: {  	[tilespmem:s10+$0x2E0] =	vst v0  }
0x36: {  	[tilespmem:s10+$0x2F0] =	vst v0  }
0x37: {  	[spmem:s8] =	stream.linear.scatter [tilespmem:s19], [sflag:$0x8], $0x2800, $0x38;
	[tilespmem:$0x19300] =	vst v63  }
0x38: {  	_ =	swait.ge [sflag:s20], $0x2800  }
0x39: {  	[sflag:s20] =	ssyncset.done $0x0  }
0x3a: {  	s18 =	rddreg [dreg:$0x8];
	[sflag:s20] =	ssyncadd.s32 $0xFFFFD800  }
0x3b: {  	[spmem:s18] =	stream.linear.scatter [tilespmem:s19], [sflag:$0x8], $0x2800, $0x38;
	[tilespmem:$0x19300] =	vst v63  }
0x3c: {  	_ =	swait.ge [sflag:s20], $0x2800  }
0x3d: {  	[sflag:s20] =	ssyncset.done $0x0  }
0x3e: {  	s12 =	rddreg [dreg:$0x9];
	[sflag:s20] =	ssyncadd.s32 $0xFFFFD800  }
0x3f: {  	[spmem:s12] =	stream.linear.scatter [tilespmem:s19], [sflag:$0x8], $0x2800, $0x38;
	[tilespmem:$0x19300] =	vst v63  }
0x40: {  	_ =	swait.ge [sflag:s20], $0x2800  }
0x41: {  	[sflag:s20] =	ssyncset.done $0x0  }
0x42: {  	[sflag:s20] =	ssyncadd.s32 $0xFFFFD800  }
0x43: {  	[spmem:s13] =	stream.linear.scatter [tilespmem:s19], [sflag:$0x8], $0x2800, $0x38;
	[tilespmem:$0x19300] =	vst v63  }
0x44: {  	_ =	swait.ge [sflag:s20], $0x2800  }
0x45: {  	[sflag:s20] =	ssyncset.done $0x0  }
0x46: {  	[sflag:s20] =	ssyncadd.s32 $0xFFFFD800  }
0x47: {  	[spmem:s14] =	stream.linear.scatter [tilespmem:s19], [sflag:$0x8], $0x2800, $0x38;
	[tilespmem:$0x19300] =	vst v63  }
0x48: {  	_ =	swait.ge [sflag:s20], $0x2800  }
0x49: {  	[sflag:s20] =	ssyncset.done $0x0  }
0x4a: {  	[sflag:s20] =	ssyncadd.s32 $0xFFFFD800  }
0x4b: {  	[spmem:s15] =	stream.linear.scatter [tilespmem:s19], [sflag:$0x8], $0x2800, $0x38;
	[tilespmem:$0x19300] =	vst v63  }
0x4c: {  	_ =	swait.ge [sflag:s20], $0x2800  }
0x4d: {  	[sflag:s20] =	ssyncset.done $0x0  }
0x4e: {  	[sflag:s20] =	ssyncadd.s32 $0xFFFFD800  }
0x4f: {  	[spmem:s16] =	stream.linear.scatter [tilespmem:s19], [sflag:$0x8], $0x2800, $0x38;
	[tilespmem:$0x19300] =	vst v63  }
0x50: {  	_ =	swait.ge [sflag:s20], $0x2800  }
0x51: {  	[sflag:s20] =	ssyncset.done $0x0  }
0x52: {  	[sflag:s20] =	ssyncadd.s32 $0xFFFFD800  }
0x53: {  	[spmem:s17] =	stream.linear.scatter [tilespmem:s19], [sflag:$0x8], $0x2800, $0x38;
	[tilespmem:$0x19300] =	vst v63  }
0x54: {  	_ =	swait.ge [sflag:s20], $0x2800  }
0x55: {  	[sflag:s20] =	ssyncset.done $0x0  }
0x56: {  	[sflag:s20] =	ssyncadd.s32 $0xFFFFD800  }
0x57: {  	s10 =	simm.s32 $0x0;
	[bflag:$0x0] =	sbarrier.arrive $0xFFFF  }
0x58: {  	[tilespmem:s10], [sflag:$0x5] =	stream.linear.gather [hbm4b:s5+s10], $0x100, $0x38;
	[tilespmem:$0x19300] =	vst v63  }
0x59: {  	s12 =	rddreg [dreg:$0x4]  }
0x5a: {  	[tilespmem:s21], [sflag:$0x6] =	stream.linear.gather [hbm4b:s12+s10], $0x100, $0x38;
	[tilespmem:$0x19300] =	vst v63  }
0x5b: {  	s18 =	rddreg [dreg:$0x5]  }
0x5c: {  	[tilespmem:s22], [sflag:$0x7] =	stream.linear.gather [hbm4b:s18+s10], $0x100, $0x38;
	[tilespmem:$0x19300] =	vst v63  }
.Ltmp3:
0x5d: {  	_ = 	snop;
	(pc) =	sbr.rel .LBB2_4-.Ltmp3, $4  }
0x5e: {  	_ =	swait.ge [sflag:s23], $0x100  }
0x5f: {  	[sflag:s23] =	ssyncset.done $0x0  }
0x60: {  	s18 =	smov.u32 s11;
	[sflag:s23] =	ssyncadd.s32 $0xFFFFFF00  }
0x61: {  	[tilespmem:s19], [sflag:$0x1] =	stream.indirect.gather [hbm4b:s1+s24], $0x80, s10, s24, $0xb8;
	[tilespmem:$0x19300] =	vst v63  }
.LBB2_28:
0x62: {  	[tilespmem:s22], [sflag:$0x7] =	stream.linear.gather [hbm4b:s18+s4], $0x100, $0x38;
	[tilespmem:$0x19300] =	vst v63  }
0x63: {  	_ =	swait.ge [sflag:s26], $0x100  }
0x64: {  	[sflag:s26] =	ssyncset.done $0x0  }
0x65: {  	[sflag:s26] =	ssyncadd.s32 $0xFFFFFF00  }
0x66: {  	[tilespmem:s19], [sflag:$0x1] =	stream.indirect.gather [hbm4b:s1+s24], $0x80, s21, s24, $0xb8;
	[tilespmem:$0x19300] =	vst v63  }
0x67: {  	_ = 	snop  }
0x68: {  	[spmem:s3] =	stream.indirect.scatter.add.f32 [tilespmem:s28], [sflag:$0x4], $0x80, s29, s24, $0xb8;
	[tilespmem:$0x19300] =	vst v63  }
.LBB2_41:
0x69: {  	s10 =	sadd.s32 $0x1, s10  }
0x6a: {  	p0 =	sne.s32 s10, $0x7D  }
.Ltmp4:
0x6b: {  	_ = 	snop;
	(pc) =	sbr.rel @!p0 .LBB2_42-.Ltmp4, $2  }
0x6c: {  	_ =	sdelay $0x2  }
0x6d: {  	s18 =	sadd.s32 $0x20, s18  }
.LBB2_4:
0x6e: {  	s12 =	smul.u32 $0xAB, s10;
	_ =	sdelay $0x1  }
0x6f: {  	s12 =	sshrl.u32 s12, $0xA  }
0x70: {  	s12 =	sand.u32 $0x3F, s12  }
0x71: {  	s12 =	smul.u32 $0x6, s12;
	_ =	sdelay $0x1  }
0x72: {  	s12 =	ssub.s32 s10, s12  }
0x73: {  	s12 =	sand.u32 $0xFF, s12  }
0x74: {  	p0 =	sgt.s32 s12, $0x2  }
.Ltmp5:
0x75: {  	_ = 	snop;
	(pc) =	sbr.rel @p0 .LBB2_9-.Ltmp5, $1  }
0x76: {  	_ =	sdelay $0x3  }
0x77: {  	p0 =	seq.s32 s12, $0x0  }
.Ltmp6:
0x78: {  	_ = 	snop;
	(pc) =	sbr.rel @p0 .LBB2_13-.Ltmp6, $1  }
0x79: {  	_ =	sdelay $0x3  }
0x7a: {  	p0 =	seq.s32 s12, $0x1  }
.Ltmp7:
0x7b: {  	_ = 	snop;
	(pc) =	sbr.rel @!p0 .LBB2_22-.Ltmp7, $1  }
0x7c: {  	_ =	sdelay $0x3  }
0x7d: {  	_ =	swait.ge [sflag:s31], $0x2800;
	p0 =	sgt.u32 s10, $0x7A  }
.Ltmp8:
0x7e: {  	[sflag:s31] =	ssyncset.done $0x0;
	(pc) =	sbr.rel @p0 .LBB2_19-.Ltmp8, $4  }
0x7f: {  	[sflag:s31] =	ssyncadd.s32 $0xFFFFD800  }
0x80: {  	_ =	swait.ge [sflag:s0], $0x2800  }
0x81: {  	[sflag:s0] =	ssyncset.done $0x0  }
0x82: {  	[sflag:s0] =	ssyncadd.s32 $0xFFFFD800  }
0x83: {  	[tilespmem:s4], [sflag:$0x5] =	stream.linear.gather [hbm4b:s18+s4], $0x100, $0x38;
	[tilespmem:$0x19300] =	vst v63  }
0x84: {  	_ =	swait.ge [sflag:s2], $0x100  }
.Ltmp9:
0x85: {  	[sflag:s2] =	ssyncset.done $0x0;
	(pc) =	sbr.rel .LBB2_41-.Ltmp9, $4  }
0x86: {  	[sflag:s2] =	ssyncadd.s32 $0xFFFFFF00  }
0x87: {  	[tilespmem:s19], [sflag:$0x1] =	stream.indirect.gather [hbm4b:s1+s24], $0x80, s22, s24, $0xb8;
	[tilespmem:$0x19300] =	vst v63  }
0x88: {  	_ = 	snop  }
0x89: {  	[spmem:s3] =	stream.indirect.scatter.add.f32 [tilespmem:s28], [sflag:$0x4], $0x80, s6, s24, $0xb8;
	[tilespmem:$0x19300] =	vst v63  }
.LBB2_9:
0x8a: {  	p0 =	seq.s32 s12, $0x3  }
.Ltmp10:
0x8b: {  	_ = 	snop;
	(pc) =	sbr.rel @p0 .LBB2_27-.Ltmp10, $1  }
0x8c: {  	_ =	sdelay $0x3  }
0x8d: {  	p0 =	seq.s32 s12, $0x4  }
.Ltmp11:
0x8e: {  	_ = 	snop;
	(pc) =	sbr.rel @!p0 .LBB2_11-.Ltmp11, $1  }
0x8f: {  	_ =	sdelay $0x3  }
.LBB2_32:
0x90: {  	p0 =	seq.s32 s10, $0x0  }
.Ltmp12:
0x91: {  	_ = 	snop;
	(pc) =	sbr.rel @p0 .LBB2_36-.Ltmp12, $4  }
0x92: {  	_ = 	snop  }
0x93: {  	_ =	swait.ge [sflag:s25], $0x2800  }
0x94: {  	[sflag:s25] =	ssyncset.done $0x0  }
0x95: {  	[sflag:s25] =	ssyncadd.s32 $0xFFFFD800  }
0x96: {  	p0 =	sgt.u32 s10, $0x7A  }
.Ltmp13:
0x97: {  	_ = 	snop;
	(pc) =	sbr.rel @p0 .LBB2_35-.Ltmp13, $4  }
0x98: {  	_ = 	snop  }
0x99: {  	_ =	swait.ge [sflag:s30], $0x2800  }
0x9a: {  	[sflag:s30] =	ssyncset.done $0x0  }
0x9b: {  	[sflag:s30] =	ssyncadd.s32 $0xFFFFD800  }
.Ltmp14:
0x9c: {  	(pc) =	sbr.rel .LBB2_36-.Ltmp14, $2  }
0x9d: {  	_ =	sdelay $0x2  }
0x9e: {  	[tilespmem:s4], [sflag:$0x5] =	stream.linear.gather [hbm4b:s18+s4], $0x100, $0x38;
	[tilespmem:$0x19300] =	vst v63  }
.LBB2_13:
0x9f: {  	p0 =	seq.s32 s10, $0x0  }
.Ltmp15:
0xa0: {  	_ = 	snop;
	(pc) =	sbr.rel @p0 .LBB2_17-.Ltmp15, $4  }
0xa1: {  	_ = 	snop  }
0xa2: {  	_ =	swait.ge [sflag:s25], $0x2800  }
0xa3: {  	[sflag:s25] =	ssyncset.done $0x0  }
0xa4: {  	[sflag:s25] =	ssyncadd.s32 $0xFFFFD800  }
0xa5: {  	p0 =	sgt.u32 s10, $0x7A  }
.Ltmp16:
0xa6: {  	_ = 	snop;
	(pc) =	sbr.rel @p0 .LBB2_16-.Ltmp16, $4  }
0xa7: {  	_ = 	snop  }
0xa8: {  	_ =	swait.ge [sflag:s30], $0x2800  }
0xa9: {  	[sflag:s30] =	ssyncset.done $0x0  }
0xaa: {  	[sflag:s30] =	ssyncadd.s32 $0xFFFFD800  }
.Ltmp17:
0xab: {  	(pc) =	sbr.rel .LBB2_17-.Ltmp17, $2  }
0xac: {  	_ =	sdelay $0x2  }
0xad: {  	[tilespmem:s22], [sflag:$0x7] =	stream.linear.gather [hbm4b:s18+s4], $0x100, $0x38;
	[tilespmem:$0x19300] =	vst v63  }
.LBB2_27:
0xae: {  	_ =	swait.ge [sflag:s31], $0x2800;
	p0 =	sgt.u32 s10, $0x7A  }
.Ltmp18:
0xaf: {  	[sflag:s31] =	ssyncset.done $0x0;
	(pc) =	sbr.rel @!p0 .LBB2_28-.Ltmp18, $4  }
0xb0: {  	[sflag:s31] =	ssyncadd.s32 $0xFFFFD800  }
0xb1: {  	_ =	swait.ge [sflag:s0], $0x2800  }
0xb2: {  	[sflag:s0] =	ssyncset.done $0x0  }
0xb3: {  	[sflag:s0] =	ssyncadd.s32 $0xFFFFD800  }
0xb4: {  	p0 =	seq.s32 s10, $0x7C  }
.Ltmp19:
0xb5: {  	_ = 	snop;
	(pc) =	sbr.rel @!p0 .LBB2_30-.Ltmp19, $1  }
0xb6: {  	_ =	sdelay $0x3  }
.Ltmp20:
0xb7: {  	(pc) =	sbr.rel .LBB2_32-.Ltmp20, $2  }
0xb8: {  	_ =	sdelay $0x2  }
0xb9: {  	[spmem:s3] =	stream.indirect.scatter.add.f32 [tilespmem:s28], [sflag:$0x4], $0x80, s29, s24, $0xb8;
	[tilespmem:$0x19300] =	vst v63  }
.LBB2_22:
0xba: {  	_ =	swait.ge [sflag:s25], $0x2800;
	p0 =	sgt.u32 s10, $0x7A  }
.Ltmp21:
0xbb: {  	[sflag:s25] =	ssyncset.done $0x0;
	(pc) =	sbr.rel @p0 .LBB2_24-.Ltmp21, $4  }
0xbc: {  	[sflag:s25] =	ssyncadd.s32 $0xFFFFD800  }
0xbd: {  	_ =	swait.ge [sflag:s30], $0x2800  }
0xbe: {  	[sflag:s30] =	ssyncset.done $0x0  }
0xbf: {  	[sflag:s30] =	ssyncadd.s32 $0xFFFFD800  }
0xc0: {  	[tilespmem:s21], [sflag:$0x6] =	stream.linear.gather [hbm4b:s18+s4], $0x100, $0x38;
	[tilespmem:$0x19300] =	vst v63  }
0xc1: {  	_ =	swait.ge [sflag:s23], $0x100  }
.Ltmp22:
0xc2: {  	[sflag:s23] =	ssyncset.done $0x0;
	(pc) =	sbr.rel .LBB2_41-.Ltmp22, $4  }
0xc3: {  	[sflag:s23] =	ssyncadd.s32 $0xFFFFFF00  }
0xc4: {  	[tilespmem:s28], [sflag:$0x2] =	stream.indirect.gather [hbm4b:s1+s24], $0x80, s4, s24, $0xb8;
	[tilespmem:$0x19300] =	vst v63  }
0xc5: {  	_ = 	snop  }
0xc6: {  	[spmem:s3] =	stream.indirect.scatter.add.f32 [tilespmem:s19], [sflag:$0x3], $0x80, s7, s24, $0xb8;
	[tilespmem:$0x19300] =	vst v63  }
.LBB2_11:
0xc7: {  	_ =	swait.ge [sflag:s31], $0x2800;
	p0 =	sgt.u32 s10, $0x7A  }
.Ltmp23:
0xc8: {  	[sflag:s31] =	ssyncset.done $0x0;
	(pc) =	sbr.rel @p0 .LBB2_38-.Ltmp23, $4  }
0xc9: {  	[sflag:s31] =	ssyncadd.s32 $0xFFFFD800  }
0xca: {  	_ =	swait.ge [sflag:s0], $0x2800  }
0xcb: {  	[sflag:s0] =	ssyncset.done $0x0  }
0xcc: {  	[sflag:s0] =	ssyncadd.s32 $0xFFFFD800  }
.Ltmp24:
0xcd: {  	(pc) =	sbr.rel .LBB2_39-.Ltmp24, $2  }
0xce: {  	_ =	sdelay $0x2  }
0xcf: {  	[tilespmem:s21], [sflag:$0x6] =	stream.linear.gather [hbm4b:s18+s4], $0x100, $0x38;
	[tilespmem:$0x19300] =	vst v63  }
.LBB2_35:
0xd0: {  	p0 =	seq.s32 s10, $0x7C  }
.Ltmp25:
0xd1: {  	_ = 	snop;
	(pc) =	sbr.rel @p0 .LBB2_37-.Ltmp25, $1  }
0xd2: {  	_ =	sdelay $0x3  }
.LBB2_36:
0xd3: {  	_ =	swait.ge [sflag:s2], $0x100  }
0xd4: {  	[sflag:s2] =	ssyncset.done $0x0  }
0xd5: {  	[sflag:s2] =	ssyncadd.s32 $0xFFFFFF00  }
0xd6: {  	[tilespmem:s28], [sflag:$0x2] =	stream.indirect.gather [hbm4b:s1+s24], $0x80, s22, s24, $0xb8;
	[tilespmem:$0x19300] =	vst v63  }
.LBB2_37:
.Ltmp26:
0xd7: {  	(pc) =	sbr.rel .LBB2_41-.Ltmp26, $2  }
0xd8: {  	_ =	sdelay $0x2  }
0xd9: {  	[spmem:s3] =	stream.indirect.scatter.add.f32 [tilespmem:s19], [sflag:$0x3], $0x80, s6, s24, $0xb8;
	[tilespmem:$0x19300] =	vst v63  }
.LBB2_19:
0xda: {  	p0 =	seq.s32 s10, $0x7C  }
.Ltmp27:
0xdb: {  	_ = 	snop;
	(pc) =	sbr.rel @!p0 .LBB2_20-.Ltmp27, $1  }
0xdc: {  	_ =	sdelay $0x3  }
.Ltmp28:
0xdd: {  	(pc) =	sbr.rel .LBB2_32-.Ltmp28, $2  }
0xde: {  	_ =	sdelay $0x2  }
0xdf: {  	[spmem:s3] =	stream.indirect.scatter.add.f32 [tilespmem:s28], [sflag:$0x4], $0x80, s6, s24, $0xb8;
	[tilespmem:$0x19300] =	vst v63  }
.LBB2_24:
0xe0: {  	p0 =	seq.s32 s10, $0x7C  }
.Ltmp29:
0xe1: {  	_ = 	snop;
	(pc) =	sbr.rel @!p0 .LBB2_25-.Ltmp29, $1  }
0xe2: {  	_ =	sdelay $0x3  }
.Ltmp30:
0xe3: {  	(pc) =	sbr.rel .LBB2_32-.Ltmp30, $2  }
0xe4: {  	_ =	sdelay $0x2  }
0xe5: {  	[spmem:s3] =	stream.indirect.scatter.add.f32 [tilespmem:s19], [sflag:$0x3], $0x80, s7, s24, $0xb8;
	[tilespmem:$0x19300] =	vst v63  }
.LBB2_38:
0xe6: {  	p0 =	seq.s32 s10, $0x7C  }
.Ltmp31:
0xe7: {  	_ = 	snop;
	(pc) =	sbr.rel @p0 .LBB2_40-.Ltmp31, $1  }
0xe8: {  	_ =	sdelay $0x3  }
.LBB2_39:
0xe9: {  	_ =	swait.ge [sflag:s23], $0x100  }
0xea: {  	[sflag:s23] =	ssyncset.done $0x0  }
0xeb: {  	[sflag:s23] =	ssyncadd.s32 $0xFFFFFF00  }
0xec: {  	[tilespmem:s19], [sflag:$0x1] =	stream.indirect.gather [hbm4b:s1+s24], $0x80, s4, s24, $0xb8;
	[tilespmem:$0x19300] =	vst v63  }
.LBB2_40:
.Ltmp32:
0xed: {  	(pc) =	sbr.rel .LBB2_41-.Ltmp32, $2  }
0xee: {  	_ =	sdelay $0x2  }
0xef: {  	[spmem:s3] =	stream.indirect.scatter.add.f32 [tilespmem:s28], [sflag:$0x4], $0x80, s7, s24, $0xb8;
	[tilespmem:$0x19300] =	vst v63  }
.LBB2_16:
0xf0: {  	p0 =	seq.s32 s10, $0x7C  }
.Ltmp33:
0xf1: {  	_ = 	snop;
	(pc) =	sbr.rel @p0 .LBB2_18-.Ltmp33, $1  }
0xf2: {  	_ =	sdelay $0x3  }
.LBB2_17:
0xf3: {  	_ =	swait.ge [sflag:s26], $0x100  }
0xf4: {  	[sflag:s26] =	ssyncset.done $0x0  }
0xf5: {  	[sflag:s26] =	ssyncadd.s32 $0xFFFFFF00  }
0xf6: {  	[tilespmem:s28], [sflag:$0x2] =	stream.indirect.gather [hbm4b:s1+s24], $0x80, s21, s24, $0xb8;
	[tilespmem:$0x19300] =	vst v63  }
.LBB2_18:
.Ltmp34:
0xf7: {  	(pc) =	sbr.rel .LBB2_41-.Ltmp34, $2  }
0xf8: {  	_ =	sdelay $0x2  }
0xf9: {  	[spmem:s3] =	stream.indirect.scatter.add.f32 [tilespmem:s19], [sflag:$0x3], $0x80, s29, s24, $0xb8;
	[tilespmem:$0x19300] =	vst v63  }
.LBB2_30:
0xfa: {  	_ =	swait.ge [sflag:s26], $0x100  }
.Ltmp35:
0xfb: {  	[sflag:s26] =	ssyncset.done $0x0;
	(pc) =	sbr.rel .LBB2_41-.Ltmp35, $4  }
0xfc: {  	[sflag:s26] =	ssyncadd.s32 $0xFFFFFF00  }
0xfd: {  	[tilespmem:s19], [sflag:$0x1] =	stream.indirect.gather [hbm4b:s1+s24], $0x80, s21, s24, $0xb8;
	[tilespmem:$0x19300] =	vst v63  }
0xfe: {  	_ = 	snop  }
0xff: {  	[spmem:s3] =	stream.indirect.scatter.add.f32 [tilespmem:s28], [sflag:$0x4], $0x80, s29, s24, $0xb8;
	[tilespmem:$0x19300] =	vst v63  }
.LBB2_20:
0x100: {  	_ =	swait.ge [sflag:s2], $0x100  }
.Ltmp36:
0x101: {  	[sflag:s2] =	ssyncset.done $0x0;
	(pc) =	sbr.rel .LBB2_41-.Ltmp36, $4  }
0x102: {  	[sflag:s2] =	ssyncadd.s32 $0xFFFFFF00  }
0x103: {  	[tilespmem:s19], [sflag:$0x1] =	stream.indirect.gather [hbm4b:s1+s24], $0x80, s22, s24, $0xb8;
	[tilespmem:$0x19300] =	vst v63  }
0x104: {  	_ = 	snop  }
0x105: {  	[spmem:s3] =	stream.indirect.scatter.add.f32 [tilespmem:s28], [sflag:$0x4], $0x80, s6, s24, $0xb8;
	[tilespmem:$0x19300] =	vst v63  }
.LBB2_25:
0x106: {  	_ =	swait.ge [sflag:s23], $0x100  }
.Ltmp37:
0x107: {  	[sflag:s23] =	ssyncset.done $0x0;
	(pc) =	sbr.rel .LBB2_41-.Ltmp37, $4  }
0x108: {  	[sflag:s23] =	ssyncadd.s32 $0xFFFFFF00  }
0x109: {  	[tilespmem:s28], [sflag:$0x2] =	stream.indirect.gather [hbm4b:s1+s24], $0x80, s4, s24, $0xb8;
	[tilespmem:$0x19300] =	vst v63  }
0x10a: {  	_ = 	snop  }
0x10b: {  	[spmem:s3] =	stream.indirect.scatter.add.f32 [tilespmem:s19], [sflag:$0x3], $0x80, s7, s24, $0xb8;
	[tilespmem:$0x19300] =	vst v63  }
.LBB2_43:
0x10c: {  	_ =	sfence.sel $0x180000  }
0x10d: {  	[bflag:$0x0] =	sbarrier.arrive $0xFFFF  }
0x10e: {  	_ =	strace $0x90000053  }
0x10f: {  	s0 =	stileid.u32;
	[bflag:$0x2] =	sbarrier.arrive $0xFFFF  }
0x110: {  	p0 =	sne.s32 s0, $0x0;
	s0 =	rddreg [dreg:$0x3]  }
0x111: {  	s0 =	sadd.s32 @!p0 $0x100000, s0  }
0x112: {  	[sflag:s0] =	ssyncadd.tile.s32 @!p0 $0x1;
	_ =	shalt  }
.Lfunc_end2:
_tile_overlayer_lowered:
.L_overlay_start_2:
0x113: {  	(tag) =	ssettag $0x2  }
0x114: {  	s0 =	rddreg [dreg:$0x0];
	s2 =	stileid.u32  }
0x115: {  	s1 =	rddreg [dreg:$0x1];
	p0 =	sne.s32 s2, $0x0  }
0x116: {  	s3 =	rddreg [dreg:$0x2];
	[bflag:$0x3] =	sbarrier.arrive $0xFFFF;
	s2 =	simm.s32 @!p0 $0x1C08  }
0x117: {  	[timem:s3], [sflag:s2] =	dma.local @!p0 [hbm:s0], s1  }
0x118: {  	s0 =	simm.s32 @!p0 $0x8  }
0x119: {  	_ =	swait.ge @!p0 [sflag:s0], s1  }
0x11a: {  	s1 =	ssub.s32 @!p0 $0x0, s1;
	[sflag:s0] =	ssyncset.done @!p0 $0x0  }
0x11b: {  	[sflag:s0] =	ssyncadd.s32 @!p0 s1  }
0x11c: {  	[bflag:$0x3] =	sbarrier.arrive $0xFFFF  }
0x11d: {  	_ =	shalt  }

</sc_bundles>
